<compile_context>
chip_gen: v7x
topology: tpu7x:2x2x1
jax: 0.10.2.dev20260603
libtpu: 0.0.44.dev20260713+nightly
codegen_flags: <defaults>
</compile_context>

<pallas_src>
import functools

import jax
import jax.numpy as jnp
from jax import lax
from jax.experimental import pallas as pl
from jax.experimental.pallas import tpu as pltpu
from jax.experimental.pallas import tpu_sc as plsc

_NC, _NS = 2, 16
_NW = _NC * _NS
_CH = 128
_G = 64


def _mesh():
    return plsc.VectorSubcoreMesh(
        core_axis_name="c", subcore_axis_name="s",
        num_cores=_NC, num_subcores=_NS)


def _conv_sc(n_pad, feat, n_rows):
    cfr = n_rows // _NW
    lr = n_rows - cfr * _NW
    nu = cfr // 2
    rpt = n_pad // _NS
    nsteady = nu - 2 - (nu - 2) % 4

    @functools.partial(
        pl.kernel,
        out_type=jax.ShapeDtypeStruct((_NC * n_pad, feat), jnp.float32),
        mesh=_mesh(),
        scratch_types=(
            [pltpu.VMEM((2, 2, _CH), jnp.int32)] * 4
            + [pltpu.VMEM((_CH, feat), jnp.float32)] * 8
            + [pltpu.SemaphoreType.DMA] * 12
            + [pltpu.VMEM_SHARED((n_pad, feat), jnp.float32)] * 2
        ),
        compiler_params=pltpu.CompilerParams(use_tc_tiling_on_sc=False),
    )
    def conv(tab_hbm, ei_hbm, zero_hbm, out_hbm,
             i0, i1, i2, i3, ra0, ra1, ra2, ra3, rb0, rb1, rb2, rb3,
             si0, si1, si2, si3, sg0, sg1, sg2, sg3, ss0, ss1, ss2, ss3,
             acc, tabs):
        c = lax.axis_index("c")
        s = lax.axis_index("s")
        wid = s * _NC + c
        base = wid * cfr
        idx = (i0, i1, i2, i3)
        rows = ((ra0, rb0), (ra1, rb1), (ra2, rb2), (ra3, rb3))
        sem_i = (si0, si1, si2, si3)
        sem_g = (sg0, sg1, sg2, sg3)
        sem_s = (ss0, ss1, ss2, ss3)

        def start_idx(u, q):
            row = base + 2 * jnp.minimum(u, nu - 1)
            pltpu.async_copy(ei_hbm.at[:, pl.ds(row, 2), :], idx[q], sem_i[q])

        def wait_idx(q):
            pltpu.make_async_copy(ei_hbm.at[:, pl.ds(base, 2), :], idx[q],
                                  sem_i[q]).wait()

        def start_gather2(q):
            pltpu.async_copy(tabs.at[idx[q].at[0, 0]], rows[q][0], sem_g[q])
            pltpu.async_copy(tabs.at[idx[q].at[0, 1]], rows[q][1], sem_g[q])

        def wait_gather2(q):
            pltpu.make_async_copy(tabs.at[idx[q].at[0, 0]], rows[q][0],
                                  sem_g[q]).wait()
            pltpu.make_async_copy(tabs.at[idx[q].at[0, 1]], rows[q][1],
                                  sem_g[q]).wait()

        def start_scatter2(q):
            pltpu.async_copy(rows[q][0], acc.at[idx[q].at[1, 0]], sem_s[q],
                             add=True)
            pltpu.async_copy(rows[q][1], acc.at[idx[q].at[1, 1]], sem_s[q],
                             add=True)

        def wait_scatter2(q):
            pltpu.make_async_copy(rows[q][0], acc.at[idx[q].at[1, 0]],
                                  sem_s[q]).wait()
            pltpu.make_async_copy(rows[q][1], acc.at[idx[q].at[1, 1]],
                                  sem_s[q]).wait()

        def unit(u, q, skip_scatter_wait):
            wait_gather2(q)
            if not skip_scatter_wait:
                wait_scatter2((q - 2) % 4)
            start_idx(u + 2, (q + 2) % 4)
            wait_idx((q + 1) % 4)
            start_gather2((q + 1) % 4)
            start_scatter2(q)

        pltpu.sync_copy(tab_hbm.at[pl.ds(s * rpt, rpt)],
                        tabs.at[pl.ds(s * rpt, rpt)])

        @pl.when(c == 0)
        def _():
            pltpu.sync_copy(tab_hbm.at[pl.ds(s * rpt, rpt)],
                            acc.at[pl.ds(s * rpt, rpt)])

        @pl.when(c != 0)
        def _():
            pltpu.sync_copy(zero_hbm.at[pl.ds(s * rpt, rpt)],
                            acc.at[pl.ds(s * rpt, rpt)])

        plsc.subcore_barrier()

        start_idx(0, 0)
        start_idx(1, 1)
        wait_idx(0)
        start_gather2(0)
        unit(0, 0, True)
        unit(1, 1, True)

        def quad(p, carry):
            u = 2 + 4 * p
            for j in range(4):
                unit(u + j, (2 + j) % 4, False)
            return carry

        lax.fori_loop(0, nsteady // 4, quad, 0)
        for u in range(2 + nsteady, nu):
            unit(u, u % 4, False)

        wait_scatter2((nu - 2) % 4)
        wait_scatter2((nu - 1) % 4)
        wait_gather2(nu % 4)
        wait_idx((nu + 1) % 4)

        if lr:
            @pl.when(wid < lr)
            def _():
                row = _NW * cfr + wid
                pltpu.sync_copy(ei_hbm.at[:, pl.ds(row, 1), :],
                                idx[0].at[:, pl.ds(0, 1), :])
                pltpu.async_copy(tabs.at[idx[0].at[0, 0]], rows[0][0],
                                 sem_g[0]).wait()
                pltpu.sync_copy(rows[0][0], acc.at[idx[0].at[1, 0]], add=True)

        plsc.subcore_barrier()
        pltpu.sync_copy(acc.at[pl.ds(s * rpt, rpt)],
                        out_hbm.at[pl.ds(c * n_pad + s * rpt, rpt)])

    return conv


def _deg_sc(n_pad, n_rows):
    cfr = n_rows // _NW
    lr = n_rows - cfr * _NW
    nu = cfr // 2
    rpt = n_pad // _NS
    nsteady = nu - 2 - (nu - 2) % 4

    @functools.partial(
        pl.kernel,
        out_type=jax.ShapeDtypeStruct((_NC * n_pad, 8), jnp.float32),
        mesh=_mesh(),
        scratch_types=(
            [pltpu.VMEM((1, 2, _CH), jnp.int32)] * 4
            + [pltpu.VMEM((_CH, 8), jnp.float32)]
            + [pltpu.SemaphoreType.DMA] * 8
            + [pltpu.VMEM_SHARED((n_pad, 8), jnp.float32)]
        ),
        compiler_params=pltpu.CompilerParams(use_tc_tiling_on_sc=False),
    )
    def deg(ei_hbm, ones_hbm, zero_hbm, out_hbm,
            i0, i1, i2, i3, ones_v,
            si0, si1, si2, si3, ss0, ss1, ss2, ss3, acc):
        c = lax.axis_index("c")
        s = lax.axis_index("s")
        wid = s * _NC + c
        base = wid * cfr
        idx = (i0, i1, i2, i3)
        sem_i = (si0, si1, si2, si3)
        sem_s = (ss0, ss1, ss2, ss3)

        def start_idx(u, q):
            row = base + 2 * jnp.minimum(u, nu - 1)
            pltpu.async_copy(ei_hbm.at[pl.ds(1, 1), pl.ds(row, 2), :],
                             idx[q], sem_i[q])

        def wait_idx(q):
            pltpu.make_async_copy(ei_hbm.at[pl.ds(1, 1), pl.ds(base, 2), :],
                                  idx[q], sem_i[q]).wait()

        def start_scatter2(q):
            pltpu.async_copy(ones_v, acc.at[idx[q].at[0, 0]], sem_s[q],
                             add=True)
            pltpu.async_copy(ones_v, acc.at[idx[q].at[0, 1]], sem_s[q],
                             add=True)

        def wait_scatter2(q):
            pltpu.make_async_copy(ones_v, acc.at[idx[q].at[0, 0]],
                                  sem_s[q]).wait()
            pltpu.make_async_copy(ones_v, acc.at[idx[q].at[0, 1]],
                                  sem_s[q]).wait()

        def unit(u, q, skip_scatter_wait):
            wait_idx(q)
            if not skip_scatter_wait:
                wait_scatter2((q - 2) % 4)
            start_idx(u + 2, (q + 2) % 4)
            start_scatter2(q)

        pltpu.sync_copy(ones_hbm, ones_v)
        pltpu.sync_copy(zero_hbm.at[pl.ds(s * rpt, rpt)],
                        acc.at[pl.ds(s * rpt, rpt)])
        plsc.subcore_barrier()

        start_idx(0, 0)
        start_idx(1, 1)
        unit(0, 0, True)
        unit(1, 1, True)

        def quad(p, carry):
            u = 2 + 4 * p
            for j in range(4):
                unit(u + j, (2 + j) % 4, False)
            return carry

        lax.fori_loop(0, nsteady // 4, quad, 0)
        for u in range(2 + nsteady, nu):
            unit(u, u % 4, False)

        wait_scatter2((nu - 2) % 4)
        wait_scatter2((nu - 1) % 4)
        wait_idx(nu % 4)
        wait_idx((nu + 1) % 4)

        if lr:
            @pl.when(wid < lr)
            def _():
                row = _NW * cfr + wid
                pltpu.sync_copy(ei_hbm.at[pl.ds(1, 1), pl.ds(row, 1), :],
                                idx[0].at[:, pl.ds(0, 1), :])
                pltpu.sync_copy(ones_v, acc.at[idx[0].at[0, 0]], add=True)

        plsc.subcore_barrier()
        pltpu.sync_copy(acc.at[pl.ds(s * rpt, rpt)],
                        out_hbm.at[pl.ds(c * n_pad + s * rpt, rpt)])

    return deg


def _leaky(x):
    return jnp.where(x >= 0, x, 0.2 * x)


def _dinv(dega_ref, n_pad):
    d = dega_ref[...]
    return lax.rsqrt(d[:n_pad, :1] + d[n_pad:, :1] + 1.0)


def _tc_first(x_ref, w1_ref, dega_ref, o_ref):
    n = x_ref.shape[0]
    n_pad, f1 = o_ref.shape
    dinv = _dinv(dega_ref, n_pad)
    xw = jnp.dot(x_ref[...], w1_ref[...], preferred_element_type=jnp.float32)
    o_ref[pl.ds(0, n), :] = xw * dinv[:n]
    o_ref[pl.ds(n, n_pad - n), :] = jnp.zeros((n_pad - n, f1), jnp.float32)


def _tc_mid(acc_ref, dega_ref, b1_ref, w2_ref, o_ref):
    n_pad = o_ref.shape[0]
    dinv = _dinv(dega_ref, n_pad)
    a = acc_ref[...]
    t = _leaky((a[:n_pad] + a[n_pad:]) * dinv + b1_ref[...])
    o_ref[...] = jnp.dot(t, w2_ref[...],
                         preferred_element_type=jnp.float32) * dinv


def _tc_tail(acc_ref, dega_ref, b2_ref, batch_ref,
             l1w_ref, l1b_ref, l2w_ref, l2b_ref, o_ref):
    n = batch_ref.shape[1]
    n_pad = acc_ref.shape[0] // 2
    dinv = _dinv(dega_ref, n_pad)
    a = acc_ref[...]
    h = _leaky((a[:n_pad] + a[n_pad:]) * dinv + b2_ref[...])[:n]
    ids = lax.broadcasted_iota(jnp.int32, (_G, n), 0)
    onehot = (batch_ref[...] == ids).astype(jnp.float32)
    g = jnp.dot(onehot, h, preferred_element_type=jnp.float32)
    g = _leaky(jnp.dot(g, l1w_ref[...],
                       preferred_element_type=jnp.float32) + l1b_ref[...])
    o_ref[...] = jnp.dot(g, l2w_ref[...],
                         preferred_element_type=jnp.float32) + l2b_ref[...]


def kernel(x, edge_index, batch, W1, b1, W2, b2, L1W, L1b, L2W, L2b):
    n, d_in = x.shape
    e = edge_index.shape[1]
    f1 = W1.shape[1]
    f2 = W2.shape[1]
    n_pad = -(-n // 128) * 128

    zeros_f1 = jnp.zeros((n_pad, f1), jnp.float32)
    ones8 = jnp.ones((_CH, 8), jnp.float32)
    batch2d = batch.reshape(1, n)

    n_rows = e // _CH
    ei3 = edge_index.reshape(2, n_rows, _CH)

    dega = _deg_sc(n_pad, n_rows)(ei3, ones8, zeros_f1[:, :8])

    hp1 = pl.pallas_call(
        _tc_first,
        out_shape=jax.ShapeDtypeStruct((n_pad, f1), jnp.float32),
    )(x, W1, dega)

    acc1 = _conv_sc(n_pad, f1, n_rows)(hp1, ei3, zeros_f1)

    hp2 = pl.pallas_call(
        _tc_mid,
        out_shape=jax.ShapeDtypeStruct((n_pad, f2), jnp.float32),
    )(acc1, dega, b1.reshape(1, f1), W2)

    acc2 = _conv_sc(n_pad, f2, n_rows)(hp2, ei3, zeros_f1[:, :f2])

    out = pl.pallas_call(
        _tc_tail,
        out_shape=jax.ShapeDtypeStruct((_G, L2W.shape[1]), jnp.float32),
    )(acc2, dega, b2.reshape(1, f2), batch2d,
      L1W, L1b.reshape(1, -1), L2W, L2b.reshape(1, -1))
    return out

# --- scband reference (transcript-rebuilt; emitter-appended) ---
"""Pipeline reference for scband-gcn-44684839747887 (READ-ONLY COPY).

The authoritative reference and input builder live on the scoring server;
editing this copy changes nothing except your own understanding.
"""

import jax, jax.numpy as jnp
import numpy as np

N_NODES = 10000
N_EDGES = 320000
D_IN = 128
N_GRAPHS = 64


def setup_inputs(seed: int = 0) -> dict:
    key = jax.random.key(seed)
    ks = jax.random.split(key, 12)
    x = jax.random.normal(ks[0], (N_NODES, D_IN), dtype=jnp.float32)
    edge_index = jax.random.randint(ks[1], (2, N_EDGES), 0, N_NODES, dtype=jnp.int64 if jax.config.jax_enable_x64 else jnp.int32).astype(jnp.int32)
    batch = jnp.sort(jax.random.randint(ks[2], (N_NODES,), 0, N_GRAPHS).astype(jnp.int32))
    def glorot(k, shape):
        fan_in, fan_out = shape[0], shape[1]
        lim = jnp.sqrt(6.0 / (fan_in + fan_out))
        return jax.random.uniform(k, shape, jnp.float32, -lim, lim)
    W1 = glorot(ks[3], (D_IN, 32)); b1 = jnp.zeros((32,), jnp.float32)
    W2 = glorot(ks[4], (32, 8));    b2 = jnp.zeros((8,), jnp.float32)
    L1W = glorot(ks[5], (8, 8));    L1b = jnp.zeros((8,), jnp.float32)
    L2W = glorot(ks[6], (8, 2));    L2b = jnp.zeros((2,), jnp.float32)
    return {"x": x, "edge_index": edge_index, "batch": batch,
            "W1": W1, "b1": b1, "W2": W2, "b2": b2,
            "L1W": L1W, "L1b": L1b, "L2W": L2W, "L2b": L2b}


def _gcn_conv(x, edge_index, W, b):
    # PyG GCNConv: add self-loops, symmetric normalization D^-1/2 (A+I) D^-1/2
    n = x.shape[0]
    sl = jnp.arange(n, dtype=edge_index.dtype)
    src = jnp.concatenate([edge_index[0], sl])
    dst = jnp.concatenate([edge_index[1], sl])
    deg = jnp.zeros((n,), jnp.float32).at[dst].add(1.0)
    dinv = jax.lax.rsqrt(jnp.maximum(deg, 1.0))
    norm = dinv[src] * dinv[dst]
    h = x @ W
    msg = jnp.take(h, src, axis=0) * norm[:, None]
    out = jax.ops.segment_sum(msg, dst, num_segments=n)
    return out + b


def reference(x, edge_index, batch, W1, b1, W2, b2, L1W, L1b, L2W, L2b):
    h = _gcn_conv(x, edge_index, W1, b1)
    h = jax.nn.leaky_relu(h, negative_slope=0.2)
    h = _gcn_conv(h, edge_index, W2, b2)
    h = jax.nn.leaky_relu(h, negative_slope=0.2)
    # prune=False path -> global_add_pool over batch assignment
    g = jax.ops.segment_sum(h, batch, num_segments=N_GRAPHS)
    g = g @ L1W + L1b
    g = jax.nn.leaky_relu(g, negative_slope=0.2)
    # dropout p=0.5 in eval mode is identity
    g = g @ L2W + L2b
    return g

if __name__ == "__main__":
    import jax
    _d = setup_inputs()
    print(jax.jit(kernel)(*tuple(_d.values())))

</pallas_src>

<mosaic_0001>
#map = affine_map<(d0, d1) -> (0, 0, 0)>
#map1 = affine_map<(d0, d1) -> (0, 0)>
module attributes {stable_mosaic.version = 14 : i64} {
  func.func @deg(%arg0: i32, %arg1: i32, %arg2: memref<2x2500x128xi32, #tpu.memory_space<hbm>>, %arg3: memref<128x8xf32, #tpu.memory_space<hbm>>, %arg4: memref<10112x8xf32, #tpu.memory_space<hbm>>, %arg5: memref<20224x8xf32, #tpu.memory_space<hbm>>, %arg6: memref<1x2x128xi32, #tpu.memory_space<vmem>>, %arg7: memref<1x2x128xi32, #tpu.memory_space<vmem>>, %arg8: memref<1x2x128xi32, #tpu.memory_space<vmem>>, %arg9: memref<1x2x128xi32, #tpu.memory_space<vmem>>, %arg10: memref<128x8xf32, #tpu.memory_space<vmem>>, %arg11: memref<!tpu.dma_semaphore, #tpu.memory_space<semaphore_mem>>, %arg12: memref<!tpu.dma_semaphore, #tpu.memory_space<semaphore_mem>>, %arg13: memref<!tpu.dma_semaphore, #tpu.memory_space<semaphore_mem>>, %arg14: memref<!tpu.dma_semaphore, #tpu.memory_space<semaphore_mem>>, %arg15: memref<!tpu.dma_semaphore, #tpu.memory_space<semaphore_mem>>, %arg16: memref<!tpu.dma_semaphore, #tpu.memory_space<semaphore_mem>>, %arg17: memref<!tpu.dma_semaphore, #tpu.memory_space<semaphore_mem>>, %arg18: memref<!tpu.dma_semaphore, #tpu.memory_space<semaphore_mem>>, %arg19: memref<10112x8xf32, #tpu.memory_space<vmem_shared>>) attributes {dimension_semantics = [#tpu.dimension_semantics<core_parallel>, #tpu.dimension_semantics<subcore_parallel>], iteration_bounds = array<i64: 2, 16>, scalar_prefetch = 0 : i64, scratch_operands = 14 : i64, tpu.core_type = #tpu.core_type<sc_vector_subcore>, window_params = [{transform_indices = #map}, {transform_indices = #map1}, {transform_indices = #map1}, {transform_indices = #map1}]} {
    %mul3A = arith.constant 2 : i32
    %mul3A_0 = arith.muli %arg1, %mul3A : i32
    %add3A = arith.addi %mul3A_0, %arg0 : i32
    %mul3A_1 = arith.constant 78 : i32
    %mul3A_2 = arith.muli %add3A, %mul3A_1 : i32
    "tpu.region"() ({
      %run_scoped3A = tpu.sem_alloc : memref<!tpu.dma_semaphore, #tpu.memory_space<semaphore_mem>>
      tpu.enqueue_dma source(%arg3 : memref<128x8xf32, #tpu.memory_space<hbm>>) target(%arg10 : memref<128x8xf32, #tpu.memory_space<vmem>>) target_semaphore(%run_scoped3A : memref<!tpu.dma_semaphore, #tpu.memory_space<semaphore_mem>>)
      tpu.wait_dma2 semaphore(%run_scoped3A : memref<!tpu.dma_semaphore, #tpu.memory_space<semaphore_mem>>) src(%arg3 : memref<128x8xf32, #tpu.memory_space<hbm>>) dst(%arg10 : memref<128x8xf32, #tpu.memory_space<vmem>>)
      tpu.yield
    }) : () -> ()
    %mul3A_3 = arith.constant 632 : i32
    %mul3A_4 = arith.muli %arg1, %mul3A_3 : i32
    %mul3A_5 = arith.constant 632 : i32
    %mul3A_6 = arith.muli %arg1, %mul3A_5 : i32
    "tpu.region"() ({
      %run_scoped3A = tpu.sem_alloc : memref<!tpu.dma_semaphore, #tpu.memory_space<semaphore_mem>>
      %dma_start3A_205 = arith.constant 0 : i32
      %dma_start3A_206 = tpu.memref_slice %arg19[%mul3A_6, %dma_start3A_205] : memref<10112x8xf32, #tpu.memory_space<vmem_shared>> -> memref<632x8xf32, #tpu.memory_space<vmem_shared>>
      %dma_start3A_207 = arith.constant 0 : i32
      %dma_start3A_208 = tpu.memref_slice %arg4[%mul3A_4, %dma_start3A_207] : memref<10112x8xf32, #tpu.memory_space<hbm>> -> memref<632x8xf32, #tpu.memory_space<hbm>>
      tpu.enqueue_dma source(%dma_start3A_208 : memref<632x8xf32, #tpu.memory_space<hbm>>) target(%dma_start3A_206 : memref<632x8xf32, #tpu.memory_space<vmem_shared>>) target_semaphore(%run_scoped3A : memref<!tpu.dma_semaphore, #tpu.memory_space<semaphore_mem>>)
      %dma_wait3A_209 = arith.constant 0 : i32
      %dma_wait3A_210 = tpu.memref_slice %arg19[%mul3A_6, %dma_wait3A_209] : memref<10112x8xf32, #tpu.memory_space<vmem_shared>> -> memref<632x8xf32, #tpu.memory_space<vmem_shared>>
      %dma_wait3A_211 = arith.constant 0 : i32
      %dma_wait3A_212 = tpu.memref_slice %arg4[%mul3A_4, %dma_wait3A_211] : memref<10112x8xf32, #tpu.memory_space<hbm>> -> memref<632x8xf32, #tpu.memory_space<hbm>>
      tpu.wait_dma2 semaphore(%run_scoped3A : memref<!tpu.dma_semaphore, #tpu.memory_space<semaphore_mem>>) src(%dma_wait3A_212 : memref<632x8xf32, #tpu.memory_space<hbm>>) dst(%dma_wait3A_210 : memref<632x8xf32, #tpu.memory_space<vmem_shared>>)
      tpu.yield
    }) : () -> ()
    %barrier3A = arith.constant 0 : index
    tpu.barrier barrier_id(%barrier3A)
    %min3A = arith.constant 0 : i32
    %min3A_7 = arith.constant 38 : i32
    %min3A_8 = arith.minsi %min3A, %min3A_7 : i32
    %mul3A_9 = arith.constant 2 : i32
    %mul3A_10 = arith.muli %mul3A_9, %min3A_8 : i32
    %add3A_11 = arith.addi %mul3A_2, %mul3A_10 : i32
    %dma_start3A = arith.constant 1 : i32
    %dma_start3A_12 = arith.constant 0 : i32
    %dma_start3A_13 = tpu.memref_slice %arg2[%dma_start3A, %add3A_11, %dma_start3A_12] : memref<2x2500x128xi32, #tpu.memory_space<hbm>> -> memref<1x2x128xi32, #tpu.memory_space<hbm>>
    %dma_start3A_14 = arith.constant 1 : i32
    %dma_start3A_15 = arith.constant 0 : i32
    %dma_start3A_16 = tpu.memref_slice %arg2[%dma_start3A_14, %add3A_11, %dma_start3A_15] : memref<2x2500x128xi32, #tpu.memory_space<hbm>> -> memref<1x2x128xi32, #tpu.memory_space<hbm>>
    tpu.enqueue_dma source(%dma_start3A_16 : memref<1x2x128xi32, #tpu.memory_space<hbm>>) target(%arg6 : memref<1x2x128xi32, #tpu.memory_space<vmem>>) target_semaphore(%arg11 : memref<!tpu.dma_semaphore, #tpu.memory_space<semaphore_mem>>)
    %min3A_17 = arith.constant 1 : i32
    %min3A_18 = arith.constant 38 : i32
    %min3A_19 = arith.minsi %min3A_17, %min3A_18 : i32
    %mul3A_20 = arith.constant 2 : i32
    %mul3A_21 = arith.muli %mul3A_20, %min3A_19 : i32
    %add3A_22 = arith.addi %mul3A_2, %mul3A_21 : i32
    %dma_start3A_23 = arith.constant 1 : i32
    %dma_start3A_24 = arith.constant 0 : i32
    %dma_start3A_25 = tpu.memref_slice %arg2[%dma_start3A_23, %add3A_22, %dma_start3A_24] : memref<2x2500x128xi32, #tpu.memory_space<hbm>> -> memref<1x2x128xi32, #tpu.memory_space<hbm>>
    %dma_start3A_26 = arith.constant 1 : i32
    %dma_start3A_27 = arith.constant 0 : i32
    %dma_start3A_28 = tpu.memref_slice %arg2[%dma_start3A_26, %add3A_22, %dma_start3A_27] : memref<2x2500x128xi32, #tpu.memory_space<hbm>> -> memref<1x2x128xi32, #tpu.memory_space<hbm>>
    tpu.enqueue_dma source(%dma_start3A_28 : memref<1x2x128xi32, #tpu.memory_space<hbm>>) target(%arg7 : memref<1x2x128xi32, #tpu.memory_space<vmem>>) target_semaphore(%arg12 : memref<!tpu.dma_semaphore, #tpu.memory_space<semaphore_mem>>)
    %dma_wait3A = arith.constant 1 : i32
    %dma_wait3A_29 = arith.constant 0 : i32
    %dma_wait3A_30 = tpu.memref_slice %arg2[%dma_wait3A, %mul3A_2, %dma_wait3A_29] : memref<2x2500x128xi32, #tpu.memory_space<hbm>> -> memref<1x2x128xi32, #tpu.memory_space<hbm>>
    %dma_wait3A_31 = arith.constant 1 : i32
    %dma_wait3A_32 = arith.constant 0 : i32
    %dma_wait3A_33 = tpu.memref_slice %arg2[%dma_wait3A_31, %mul3A_2, %dma_wait3A_32] : memref<2x2500x128xi32, #tpu.memory_space<hbm>> -> memref<1x2x128xi32, #tpu.memory_space<hbm>>
    tpu.wait_dma2 semaphore(%arg11 : memref<!tpu.dma_semaphore, #tpu.memory_space<semaphore_mem>>) src(%dma_wait3A_33 : memref<1x2x128xi32, #tpu.memory_space<hbm>>) dst(%arg6 : memref<1x2x128xi32, #tpu.memory_space<vmem>>)
    %min3A_34 = arith.constant 2 : i32
    %min3A_35 = arith.constant 38 : i32
    %min3A_36 = arith.minsi %min3A_34, %min3A_35 : i32
    %mul3A_37 = arith.constant 2 : i32
    %mul3A_38 = arith.muli %mul3A_37, %min3A_36 : i32
    %add3A_39 = arith.addi %mul3A_2, %mul3A_38 : i32
    %dma_start3A_40 = arith.constant 1 : i32
    %dma_start3A_41 = arith.constant 0 : i32
    %dma_start3A_42 = tpu.memref_slice %arg2[%dma_start3A_40, %add3A_39, %dma_start3A_41] : memref<2x2500x128xi32, #tpu.memory_space<hbm>> -> memref<1x2x128xi32, #tpu.memory_space<hbm>>
    %dma_start3A_43 = arith.constant 1 : i32
    %dma_start3A_44 = arith.constant 0 : i32
    %dma_start3A_45 = tpu.memref_slice %arg2[%dma_start3A_43, %add3A_39, %dma_start3A_44] : memref<2x2500x128xi32, #tpu.memory_space<hbm>> -> memref<1x2x128xi32, #tpu.memory_space<hbm>>
    tpu.enqueue_dma source(%dma_start3A_45 : memref<1x2x128xi32, #tpu.memory_space<hbm>>) target(%arg8 : memref<1x2x128xi32, #tpu.memory_space<vmem>>) target_semaphore(%arg13 : memref<!tpu.dma_semaphore, #tpu.memory_space<semaphore_mem>>)
    %dma_start3A_46 = arith.constant 0 : i32
    %dma_start3A_47 = arith.constant 0 : i32
    %dma_start3A_48 = arith.constant 0 : i32
    %dma_start3A_49 = tpu.memref_slice %arg6[%dma_start3A_46, %dma_start3A_47, %dma_start3A_48] : memref<1x2x128xi32, #tpu.memory_space<vmem>> -> memref<1x1x128xi32, #tpu.memory_space<vmem>>
    %dma_start3A_50 = tpu.memref_squeeze %dma_start3A_49 : memref<1x1x128xi32, #tpu.memory_space<vmem>> -> memref<128xi32, #tpu.memory_space<vmem>>
    %dma_start3A_51 = arith.constant 0 : i32
    %dma_start3A_52 = arith.constant 0 : i32
    %dma_start3A_53 = tpu.memref_slice %arg19[%dma_start3A_51, %dma_start3A_52] : memref<10112x8xf32, #tpu.memory_space<vmem_shared>> -> memref<10112x8xf32, #tpu.memory_space<vmem_shared>>
    tpu.enqueue_indirect_dma source(%arg10 : memref<128x8xf32, #tpu.memory_space<vmem>>) target(%dma_start3A_53 : memref<10112x8xf32, #tpu.memory_space<vmem_shared>>) offsets(%dma_start3A_50 : memref<128xi32, #tpu.memory_space<vmem>>) semaphore(%arg15 : memref<!tpu.dma_semaphore, #tpu.memory_space<semaphore_mem>>) {add = true}
    %dma_start3A_54 = arith.constant 0 : i32
    %dma_start3A_55 = arith.constant 1 : i32
    %dma_start3A_56 = arith.constant 0 : i32
    %dma_start3A_57 = tpu.memref_slice %arg6[%dma_start3A_54, %dma_start3A_55, %dma_start3A_56] : memref<1x2x128xi32, #tpu.memory_space<vmem>> -> memref<1x1x128xi32, #tpu.memory_space<vmem>>
    %dma_start3A_58 = tpu.memref_squeeze %dma_start3A_57 : memref<1x1x128xi32, #tpu.memory_space<vmem>> -> memref<128xi32, #tpu.memory_space<vmem>>
    %dma_start3A_59 = arith.constant 0 : i32
    %dma_start3A_60 = arith.constant 0 : i32
    %dma_start3A_61 = tpu.memref_slice %arg19[%dma_start3A_59, %dma_start3A_60] : memref<10112x8xf32, #tpu.memory_space<vmem_shared>> -> memref<10112x8xf32, #tpu.memory_space<vmem_shared>>
    tpu.enqueue_indirect_dma source(%arg10 : memref<128x8xf32, #tpu.memory_space<vmem>>) target(%dma_start3A_61 : memref<10112x8xf32, #tpu.memory_space<vmem_shared>>) offsets(%dma_start3A_58 : memref<128xi32, #tpu.memory_space<vmem>>) semaphore(%arg15 : memref<!tpu.dma_semaphore, #tpu.memory_space<semaphore_mem>>) {add = true}
    %dma_wait3A_62 = arith.constant 1 : i32
    %dma_wait3A_63 = arith.constant 0 : i32
    %dma_wait3A_64 = tpu.memref_slice %arg2[%dma_wait3A_62, %mul3A_2, %dma_wait3A_63] : memref<2x2500x128xi32, #tpu.memory_space<hbm>> -> memref<1x2x128xi32, #tpu.memory_space<hbm>>
    %dma_wait3A_65 = arith.constant 1 : i32
    %dma_wait3A_66 = arith.constant 0 : i32
    %dma_wait3A_67 = tpu.memref_slice %arg2[%dma_wait3A_65, %mul3A_2, %dma_wait3A_66] : memref<2x2500x128xi32, #tpu.memory_space<hbm>> -> memref<1x2x128xi32, #tpu.memory_space<hbm>>
    tpu.wait_dma2 semaphore(%arg12 : memref<!tpu.dma_semaphore, #tpu.memory_space<semaphore_mem>>) src(%dma_wait3A_67 : memref<1x2x128xi32, #tpu.memory_space<hbm>>) dst(%arg7 : memref<1x2x128xi32, #tpu.memory_space<vmem>>)
    %min3A_68 = arith.constant 3 : i32
    %min3A_69 = arith.constant 38 : i32
    %min3A_70 = arith.minsi %min3A_68, %min3A_69 : i32
    %mul3A_71 = arith.constant 2 : i32
    %mul3A_72 = arith.muli %mul3A_71, %min3A_70 : i32
    %add3A_73 = arith.addi %mul3A_2, %mul3A_72 : i32
    %dma_start3A_74 = arith.constant 1 : i32
    %dma_start3A_75 = arith.constant 0 : i32
    %dma_start3A_76 = tpu.memref_slice %arg2[%dma_start3A_74, %add3A_73, %dma_start3A_75] : memref<2x2500x128xi32, #tpu.memory_space<hbm>> -> memref<1x2x128xi32, #tpu.memory_space<hbm>>
    %dma_start3A_77 = arith.constant 1 : i32
    %dma_start3A_78 = arith.constant 0 : i32
    %dma_start3A_79 = tpu.memref_slice %arg2[%dma_start3A_77, %add3A_73, %dma_start3A_78] : memref<2x2500x128xi32, #tpu.memory_space<hbm>> -> memref<1x2x128xi32, #tpu.memory_space<hbm>>
    tpu.enqueue_dma source(%dma_start3A_79 : memref<1x2x128xi32, #tpu.memory_space<hbm>>) target(%arg9 : memref<1x2x128xi32, #tpu.memory_space<vmem>>) target_semaphore(%arg14 : memref<!tpu.dma_semaphore, #tpu.memory_space<semaphore_mem>>)
    %dma_start3A_80 = arith.constant 0 : i32
    %dma_start3A_81 = arith.constant 0 : i32
    %dma_start3A_82 = arith.constant 0 : i32
    %dma_start3A_83 = tpu.memref_slice %arg7[%dma_start3A_80, %dma_start3A_81, %dma_start3A_82] : memref<1x2x128xi32, #tpu.memory_space<vmem>> -> memref<1x1x128xi32, #tpu.memory_space<vmem>>
    %dma_start3A_84 = tpu.memref_squeeze %dma_start3A_83 : memref<1x1x128xi32, #tpu.memory_space<vmem>> -> memref<128xi32, #tpu.memory_space<vmem>>
    %dma_start3A_85 = arith.constant 0 : i32
    %dma_start3A_86 = arith.constant 0 : i32
    %dma_start3A_87 = tpu.memref_slice %arg19[%dma_start3A_85, %dma_start3A_86] : memref<10112x8xf32, #tpu.memory_space<vmem_shared>> -> memref<10112x8xf32, #tpu.memory_space<vmem_shared>>
    tpu.enqueue_indirect_dma source(%arg10 : memref<128x8xf32, #tpu.memory_space<vmem>>) target(%dma_start3A_87 : memref<10112x8xf32, #tpu.memory_space<vmem_shared>>) offsets(%dma_start3A_84 : memref<128xi32, #tpu.memory_space<vmem>>) semaphore(%arg16 : memref<!tpu.dma_semaphore, #tpu.memory_space<semaphore_mem>>) {add = true}
    %dma_start3A_88 = arith.constant 0 : i32
    %dma_start3A_89 = arith.constant 1 : i32
    %dma_start3A_90 = arith.constant 0 : i32
    %dma_start3A_91 = tpu.memref_slice %arg7[%dma_start3A_88, %dma_start3A_89, %dma_start3A_90] : memref<1x2x128xi32, #tpu.memory_space<vmem>> -> memref<1x1x128xi32, #tpu.memory_space<vmem>>
    %dma_start3A_92 = tpu.memref_squeeze %dma_start3A_91 : memref<1x1x128xi32, #tpu.memory_space<vmem>> -> memref<128xi32, #tpu.memory_space<vmem>>
    %dma_start3A_93 = arith.constant 0 : i32
    %dma_start3A_94 = arith.constant 0 : i32
    %dma_start3A_95 = tpu.memref_slice %arg19[%dma_start3A_93, %dma_start3A_94] : memref<10112x8xf32, #tpu.memory_space<vmem_shared>> -> memref<10112x8xf32, #tpu.memory_space<vmem_shared>>
    tpu.enqueue_indirect_dma source(%arg10 : memref<128x8xf32, #tpu.memory_space<vmem>>) target(%dma_start3A_95 : memref<10112x8xf32, #tpu.memory_space<vmem_shared>>) offsets(%dma_start3A_92 : memref<128xi32, #tpu.memory_space<vmem>>) semaphore(%arg16 : memref<!tpu.dma_semaphore, #tpu.memory_space<semaphore_mem>>) {add = true}
    %scan3A = arith.constant 0 : i32
    %scan3A_96 = arith.constant 0 : i32
    %scan3A_97 = arith.constant 9 : i32
    %scan3A_98 = arith.addi %scan3A_96, %scan3A_97 : i32
    %scan3A_99 = arith.constant 1 : i32
    scf.for %scan3A_205 = %scan3A_96 to %scan3A_98 step %scan3A_99  : i32 {
      %mul3A_206 = arith.constant 4 : i32
      %mul3A_207 = arith.muli %mul3A_206, %scan3A_205 : i32
      %add3A_208 = arith.constant 2 : i32
      %add3A_209 = arith.addi %add3A_208, %mul3A_207 : i32
      %add3A_210 = arith.constant 0 : i32
      %add3A_211 = arith.addi %add3A_209, %add3A_210 : i32
      %dma_wait3A_212 = arith.constant 1 : i32
      %dma_wait3A_213 = arith.constant 0 : i32
      %dma_wait3A_214 = tpu.memref_slice %arg2[%dma_wait3A_212, %mul3A_2, %dma_wait3A_213] : memref<2x2500x128xi32, #tpu.memory_space<hbm>> -> memref<1x2x128xi32, #tpu.memory_space<hbm>>
      %dma_wait3A_215 = arith.constant 1 : i32
      %dma_wait3A_216 = arith.constant 0 : i32
      %dma_wait3A_217 = tpu.memref_slice %arg2[%dma_wait3A_215, %mul3A_2, %dma_wait3A_216] : memref<2x2500x128xi32, #tpu.memory_space<hbm>> -> memref<1x2x128xi32, #tpu.memory_space<hbm>>
      tpu.wait_dma2 semaphore(%arg13 : memref<!tpu.dma_semaphore, #tpu.memory_space<semaphore_mem>>) src(%dma_wait3A_217 : memref<1x2x128xi32, #tpu.memory_space<hbm>>) dst(%arg8 : memref<1x2x128xi32, #tpu.memory_space<vmem>>)
      %dma_wait3A_218 = arith.constant 0 : i32
      %dma_wait3A_219 = arith.constant 0 : i32
      %dma_wait3A_220 = arith.constant 0 : i32
      %dma_wait3A_221 = tpu.memref_slice %arg6[%dma_wait3A_218, %dma_wait3A_219, %dma_wait3A_220] : memref<1x2x128xi32, #tpu.memory_space<vmem>> -> memref<1x1x128xi32, #tpu.memory_space<vmem>>
      %dma_wait3A_222 = tpu.memref_squeeze %dma_wait3A_221 : memref<1x1x128xi32, #tpu.memory_space<vmem>> -> memref<128xi32, #tpu.memory_space<vmem>>
      %dma_wait3A_223 = arith.constant 0 : i32
      %dma_wait3A_224 = arith.constant 0 : i32
      %dma_wait3A_225 = tpu.memref_slice %arg19[%dma_wait3A_223, %dma_wait3A_224] : memref<10112x8xf32, #tpu.memory_space<vmem_shared>> -> memref<10112x8xf32, #tpu.memory_space<vmem_shared>>
      tpu.wait_indirect_dma semaphore(%arg15 : memref<!tpu.dma_semaphore, #tpu.memory_space<semaphore_mem>>) src(%arg10 : memref<128x8xf32, #tpu.memory_space<vmem>>) dst(%dma_wait3A_225 : memref<10112x8xf32, #tpu.memory_space<vmem_shared>>)
      %dma_wait3A_226 = arith.constant 0 : i32
      %dma_wait3A_227 = arith.constant 1 : i32
      %dma_wait3A_228 = arith.constant 0 : i32
      %dma_wait3A_229 = tpu.memref_slice %arg6[%dma_wait3A_226, %dma_wait3A_227, %dma_wait3A_228] : memref<1x2x128xi32, #tpu.memory_space<vmem>> -> memref<1x1x128xi32, #tpu.memory_space<vmem>>
      %dma_wait3A_230 = tpu.memref_squeeze %dma_wait3A_229 : memref<1x1x128xi32, #tpu.memory_space<vmem>> -> memref<128xi32, #tpu.memory_space<vmem>>
      %dma_wait3A_231 = arith.constant 0 : i32
      %dma_wait3A_232 = arith.constant 0 : i32
      %dma_wait3A_233 = tpu.memref_slice %arg19[%dma_wait3A_231, %dma_wait3A_232] : memref<10112x8xf32, #tpu.memory_space<vmem_shared>> -> memref<10112x8xf32, #tpu.memory_space<vmem_shared>>
      tpu.wait_indirect_dma semaphore(%arg15 : memref<!tpu.dma_semaphore, #tpu.memory_space<semaphore_mem>>) src(%arg10 : memref<128x8xf32, #tpu.memory_space<vmem>>) dst(%dma_wait3A_233 : memref<10112x8xf32, #tpu.memory_space<vmem_shared>>)
      %add3A_234 = arith.constant 2 : i32
      %add3A_235 = arith.addi %add3A_211, %add3A_234 : i32
      %min3A_236 = arith.constant 38 : i32
      %min3A_237 = arith.minsi %add3A_235, %min3A_236 : i32
      %mul3A_238 = arith.constant 2 : i32
      %mul3A_239 = arith.muli %mul3A_238, %min3A_237 : i32
      %add3A_240 = arith.addi %mul3A_2, %mul3A_239 : i32
      %dma_start3A_241 = arith.constant 1 : i32
      %dma_start3A_242 = arith.constant 0 : i32
      %dma_start3A_243 = tpu.memref_slice %arg2[%dma_start3A_241, %add3A_240, %dma_start3A_242] : memref<2x2500x128xi32, #tpu.memory_space<hbm>> -> memref<1x2x128xi32, #tpu.memory_space<hbm>>
      %dma_start3A_244 = arith.constant 1 : i32
      %dma_start3A_245 = arith.constant 0 : i32
      %dma_start3A_246 = tpu.memref_slice %arg2[%dma_start3A_244, %add3A_240, %dma_start3A_245] : memref<2x2500x128xi32, #tpu.memory_space<hbm>> -> memref<1x2x128xi32, #tpu.memory_space<hbm>>
      tpu.enqueue_dma source(%dma_start3A_246 : memref<1x2x128xi32, #tpu.memory_space<hbm>>) target(%arg6 : memref<1x2x128xi32, #tpu.memory_space<vmem>>) target_semaphore(%arg11 : memref<!tpu.dma_semaphore, #tpu.memory_space<semaphore_mem>>)
      %dma_start3A_247 = arith.constant 0 : i32
      %dma_start3A_248 = arith.constant 0 : i32
      %dma_start3A_249 = arith.constant 0 : i32
      %dma_start3A_250 = tpu.memref_slice %arg8[%dma_start3A_247, %dma_start3A_248, %dma_start3A_249] : memref<1x2x128xi32, #tpu.memory_space<vmem>> -> memref<1x1x128xi32, #tpu.memory_space<vmem>>
      %dma_start3A_251 = tpu.memref_squeeze %dma_start3A_250 : memref<1x1x128xi32, #tpu.memory_space<vmem>> -> memref<128xi32, #tpu.memory_space<vmem>>
      %dma_start3A_252 = arith.constant 0 : i32
      %dma_start3A_253 = arith.constant 0 : i32
      %dma_start3A_254 = tpu.memref_slice %arg19[%dma_start3A_252, %dma_start3A_253] : memref<10112x8xf32, #tpu.memory_space<vmem_shared>> -> memref<10112x8xf32, #tpu.memory_space<vmem_shared>>
      tpu.enqueue_indirect_dma source(%arg10 : memref<128x8xf32, #tpu.memory_space<vmem>>) target(%dma_start3A_254 : memref<10112x8xf32, #tpu.memory_space<vmem_shared>>) offsets(%dma_start3A_251 : memref<128xi32, #tpu.memory_space<vmem>>) semaphore(%arg17 : memref<!tpu.dma_semaphore, #tpu.memory_space<semaphore_mem>>) {add = true}
      %dma_start3A_255 = arith.constant 0 : i32
      %dma_start3A_256 = arith.constant 1 : i32
      %dma_start3A_257 = arith.constant 0 : i32
      %dma_start3A_258 = tpu.memref_slice %arg8[%dma_start3A_255, %dma_start3A_256, %dma_start3A_257] : memref<1x2x128xi32, #tpu.memory_space<vmem>> -> memref<1x1x128xi32, #tpu.memory_space<vmem>>
      %dma_start3A_259 = tpu.memref_squeeze %dma_start3A_258 : memref<1x1x128xi32, #tpu.memory_space<vmem>> -> memref<128xi32, #tpu.memory_space<vmem>>
      %dma_start3A_260 = arith.constant 0 : i32
      %dma_start3A_261 = arith.constant 0 : i32
      %dma_start3A_262 = tpu.memref_slice %arg19[%dma_start3A_260, %dma_start3A_261] : memref<10112x8xf32, #tpu.memory_space<vmem_shared>> -> memref<10112x8xf32, #tpu.memory_space<vmem_shared>>
      tpu.enqueue_indirect_dma source(%arg10 : memref<128x8xf32, #tpu.memory_space<vmem>>) target(%dma_start3A_262 : memref<10112x8xf32, #tpu.memory_space<vmem_shared>>) offsets(%dma_start3A_259 : memref<128xi32, #tpu.memory_space<vmem>>) semaphore(%arg17 : memref<!tpu.dma_semaphore, #tpu.memory_space<semaphore_mem>>) {add = true}
      %add3A_263 = arith.constant 1 : i32
      %add3A_264 = arith.addi %add3A_209, %add3A_263 : i32
      %dma_wait3A_265 = arith.constant 1 : i32
      %dma_wait3A_266 = arith.constant 0 : i32
      %dma_wait3A_267 = tpu.memref_slice %arg2[%dma_wait3A_265, %mul3A_2, %dma_wait3A_266] : memref<2x2500x128xi32, #tpu.memory_space<hbm>> -> memref<1x2x128xi32, #tpu.memory_space<hbm>>
      %dma_wait3A_268 = arith.constant 1 : i32
      %dma_wait3A_269 = arith.constant 0 : i32
      %dma_wait3A_270 = tpu.memref_slice %arg2[%dma_wait3A_268, %mul3A_2, %dma_wait3A_269] : memref<2x2500x128xi32, #tpu.memory_space<hbm>> -> memref<1x2x128xi32, #tpu.memory_space<hbm>>
      tpu.wait_dma2 semaphore(%arg14 : memref<!tpu.dma_semaphore, #tpu.memory_space<semaphore_mem>>) src(%dma_wait3A_270 : memref<1x2x128xi32, #tpu.memory_space<hbm>>) dst(%arg9 : memref<1x2x128xi32, #tpu.memory_space<vmem>>)
      %dma_wait3A_271 = arith.constant 0 : i32
      %dma_wait3A_272 = arith.constant 0 : i32
      %dma_wait3A_273 = arith.constant 0 : i32
      %dma_wait3A_274 = tpu.memref_slice %arg7[%dma_wait3A_271, %dma_wait3A_272, %dma_wait3A_273] : memref<1x2x128xi32, #tpu.memory_space<vmem>> -> memref<1x1x128xi32, #tpu.memory_space<vmem>>
      %dma_wait3A_275 = tpu.memref_squeeze %dma_wait3A_274 : memref<1x1x128xi32, #tpu.memory_space<vmem>> -> memref<128xi32, #tpu.memory_space<vmem>>
      %dma_wait3A_276 = arith.constant 0 : i32
      %dma_wait3A_277 = arith.constant 0 : i32
      %dma_wait3A_278 = tpu.memref_slice %arg19[%dma_wait3A_276, %dma_wait3A_277] : memref<10112x8xf32, #tpu.memory_space<vmem_shared>> -> memref<10112x8xf32, #tpu.memory_space<vmem_shared>>
      tpu.wait_indirect_dma semaphore(%arg16 : memref<!tpu.dma_semaphore, #tpu.memory_space<semaphore_mem>>) src(%arg10 : memref<128x8xf32, #tpu.memory_space<vmem>>) dst(%dma_wait3A_278 : memref<10112x8xf32, #tpu.memory_space<vmem_shared>>)
      %dma_wait3A_279 = arith.constant 0 : i32
      %dma_wait3A_280 = arith.constant 1 : i32
      %dma_wait3A_281 = arith.constant 0 : i32
      %dma_wait3A_282 = tpu.memref_slice %arg7[%dma_wait3A_279, %dma_wait3A_280, %dma_wait3A_281] : memref<1x2x128xi32, #tpu.memory_space<vmem>> -> memref<1x1x128xi32, #tpu.memory_space<vmem>>
      %dma_wait3A_283 = tpu.memref_squeeze %dma_wait3A_282 : memref<1x1x128xi32, #tpu.memory_space<vmem>> -> memref<128xi32, #tpu.memory_space<vmem>>
      %dma_wait3A_284 = arith.constant 0 : i32
      %dma_wait3A_285 = arith.constant 0 : i32
      %dma_wait3A_286 = tpu.memref_slice %arg19[%dma_wait3A_284, %dma_wait3A_285] : memref<10112x8xf32, #tpu.memory_space<vmem_shared>> -> memref<10112x8xf32, #tpu.memory_space<vmem_shared>>
      tpu.wait_indirect_dma semaphore(%arg16 : memref<!tpu.dma_semaphore, #tpu.memory_space<semaphore_mem>>) src(%arg10 : memref<128x8xf32, #tpu.memory_space<vmem>>) dst(%dma_wait3A_286 : memref<10112x8xf32, #tpu.memory_space<vmem_shared>>)
      %add3A_287 = arith.constant 2 : i32
      %add3A_288 = arith.addi %add3A_264, %add3A_287 : i32
      %min3A_289 = arith.constant 38 : i32
      %min3A_290 = arith.minsi %add3A_288, %min3A_289 : i32
      %mul3A_291 = arith.constant 2 : i32
      %mul3A_292 = arith.muli %mul3A_291, %min3A_290 : i32
      %add3A_293 = arith.addi %mul3A_2, %mul3A_292 : i32
      %dma_start3A_294 = arith.constant 1 : i32
      %dma_start3A_295 = arith.constant 0 : i32
      %dma_start3A_296 = tpu.memref_slice %arg2[%dma_start3A_294, %add3A_293, %dma_start3A_295] : memref<2x2500x128xi32, #tpu.memory_space<hbm>> -> memref<1x2x128xi32, #tpu.memory_space<hbm>>
      %dma_start3A_297 = arith.constant 1 : i32
      %dma_start3A_298 = arith.constant 0 : i32
      %dma_start3A_299 = tpu.memref_slice %arg2[%dma_start3A_297, %add3A_293, %dma_start3A_298] : memref<2x2500x128xi32, #tpu.memory_space<hbm>> -> memref<1x2x128xi32, #tpu.memory_space<hbm>>
      tpu.enqueue_dma source(%dma_start3A_299 : memref<1x2x128xi32, #tpu.memory_space<hbm>>) target(%arg7 : memref<1x2x128xi32, #tpu.memory_space<vmem>>) target_semaphore(%arg12 : memref<!tpu.dma_semaphore, #tpu.memory_space<semaphore_mem>>)
      %dma_start3A_300 = arith.constant 0 : i32
      %dma_start3A_301 = arith.constant 0 : i32
      %dma_start3A_302 = arith.constant 0 : i32
      %dma_start3A_303 = tpu.memref_slice %arg9[%dma_start3A_300, %dma_start3A_301, %dma_start3A_302] : memref<1x2x128xi32, #tpu.memory_space<vmem>> -> memref<1x1x128xi32, #tpu.memory_space<vmem>>
      %dma_start3A_304 = tpu.memref_squeeze %dma_start3A_303 : memref<1x1x128xi32, #tpu.memory_space<vmem>> -> memref<128xi32, #tpu.memory_space<vmem>>
      %dma_start3A_305 = arith.constant 0 : i32
      %dma_start3A_306 = arith.constant 0 : i32
      %dma_start3A_307 = tpu.memref_slice %arg19[%dma_start3A_305, %dma_start3A_306] : memref<10112x8xf32, #tpu.memory_space<vmem_shared>> -> memref<10112x8xf32, #tpu.memory_space<vmem_shared>>
      tpu.enqueue_indirect_dma source(%arg10 : memref<128x8xf32, #tpu.memory_space<vmem>>) target(%dma_start3A_307 : memref<10112x8xf32, #tpu.memory_space<vmem_shared>>) offsets(%dma_start3A_304 : memref<128xi32, #tpu.memory_space<vmem>>) semaphore(%arg18 : memref<!tpu.dma_semaphore, #tpu.memory_space<semaphore_mem>>) {add = true}
      %dma_start3A_308 = arith.constant 0 : i32
      %dma_start3A_309 = arith.constant 1 : i32
      %dma_start3A_310 = arith.constant 0 : i32
      %dma_start3A_311 = tpu.memref_slice %arg9[%dma_start3A_308, %dma_start3A_309, %dma_start3A_310] : memref<1x2x128xi32, #tpu.memory_space<vmem>> -> memref<1x1x128xi32, #tpu.memory_space<vmem>>
      %dma_start3A_312 = tpu.memref_squeeze %dma_start3A_311 : memref<1x1x128xi32, #tpu.memory_space<vmem>> -> memref<128xi32, #tpu.memory_space<vmem>>
      %dma_start3A_313 = arith.constant 0 : i32
      %dma_start3A_314 = arith.constant 0 : i32
      %dma_start3A_315 = tpu.memref_slice %arg19[%dma_start3A_313, %dma_start3A_314] : memref<10112x8xf32, #tpu.memory_space<vmem_shared>> -> memref<10112x8xf32, #tpu.memory_space<vmem_shared>>
      tpu.enqueue_indirect_dma source(%arg10 : memref<128x8xf32, #tpu.memory_space<vmem>>) target(%dma_start3A_315 : memref<10112x8xf32, #tpu.memory_space<vmem_shared>>) offsets(%dma_start3A_312 : memref<128xi32, #tpu.memory_space<vmem>>) semaphore(%arg18 : memref<!tpu.dma_semaphore, #tpu.memory_space<semaphore_mem>>) {add = true}
      %add3A_316 = arith.constant 2 : i32
      %add3A_317 = arith.addi %add3A_209, %add3A_316 : i32
      %dma_wait3A_318 = arith.constant 1 : i32
      %dma_wait3A_319 = arith.constant 0 : i32
      %dma_wait3A_320 = tpu.memref_slice %arg2[%dma_wait3A_318, %mul3A_2, %dma_wait3A_319] : memref<2x2500x128xi32, #tpu.memory_space<hbm>> -> memref<1x2x128xi32, #tpu.memory_space<hbm>>
      %dma_wait3A_321 = arith.constant 1 : i32
      %dma_wait3A_322 = arith.constant 0 : i32
      %dma_wait3A_323 = tpu.memref_slice %arg2[%dma_wait3A_321, %mul3A_2, %dma_wait3A_322] : memref<2x2500x128xi32, #tpu.memory_space<hbm>> -> memref<1x2x128xi32, #tpu.memory_space<hbm>>
      tpu.wait_dma2 semaphore(%arg11 : memref<!tpu.dma_semaphore, #tpu.memory_space<semaphore_mem>>) src(%dma_wait3A_323 : memref<1x2x128xi32, #tpu.memory_space<hbm>>) dst(%arg6 : memref<1x2x128xi32, #tpu.memory_space<vmem>>)
      %dma_wait3A_324 = arith.constant 0 : i32
      %dma_wait3A_325 = arith.constant 0 : i32
      %dma_wait3A_326 = arith.constant 0 : i32
      %dma_wait3A_327 = tpu.memref_slice %arg8[%dma_wait3A_324, %dma_wait3A_325, %dma_wait3A_326] : memref<1x2x128xi32, #tpu.memory_space<vmem>> -> memref<1x1x128xi32, #tpu.memory_space<vmem>>
      %dma_wait3A_328 = tpu.memref_squeeze %dma_wait3A_327 : memref<1x1x128xi32, #tpu.memory_space<vmem>> -> memref<128xi32, #tpu.memory_space<vmem>>
      %dma_wait3A_329 = arith.constant 0 : i32
      %dma_wait3A_330 = arith.constant 0 : i32
      %dma_wait3A_331 = tpu.memref_slice %arg19[%dma_wait3A_329, %dma_wait3A_330] : memref<10112x8xf32, #tpu.memory_space<vmem_shared>> -> memref<10112x8xf32, #tpu.memory_space<vmem_shared>>
      tpu.wait_indirect_dma semaphore(%arg17 : memref<!tpu.dma_semaphore, #tpu.memory_space<semaphore_mem>>) src(%arg10 : memref<128x8xf32, #tpu.memory_space<vmem>>) dst(%dma_wait3A_331 : memref<10112x8xf32, #tpu.memory_space<vmem_shared>>)
      %dma_wait3A_332 = arith.constant 0 : i32
      %dma_wait3A_333 = arith.constant 1 : i32
      %dma_wait3A_334 = arith.constant 0 : i32
      %dma_wait3A_335 = tpu.memref_slice %arg8[%dma_wait3A_332, %dma_wait3A_333, %dma_wait3A_334] : memref<1x2x128xi32, #tpu.memory_space<vmem>> -> memref<1x1x128xi32, #tpu.memory_space<vmem>>
      %dma_wait3A_336 = tpu.memref_squeeze %dma_wait3A_335 : memref<1x1x128xi32, #tpu.memory_space<vmem>> -> memref<128xi32, #tpu.memory_space<vmem>>
      %dma_wait3A_337 = arith.constant 0 : i32
      %dma_wait3A_338 = arith.constant 0 : i32
      %dma_wait3A_339 = tpu.memref_slice %arg19[%dma_wait3A_337, %dma_wait3A_338] : memref<10112x8xf32, #tpu.memory_space<vmem_shared>> -> memref<10112x8xf32, #tpu.memory_space<vmem_shared>>
      tpu.wait_indirect_dma semaphore(%arg17 : memref<!tpu.dma_semaphore, #tpu.memory_space<semaphore_mem>>) src(%arg10 : memref<128x8xf32, #tpu.memory_space<vmem>>) dst(%dma_wait3A_339 : memref<10112x8xf32, #tpu.memory_space<vmem_shared>>)
      %add3A_340 = arith.constant 2 : i32
      %add3A_341 = arith.addi %add3A_317, %add3A_340 : i32
      %min3A_342 = arith.constant 38 : i32
      %min3A_343 = arith.minsi %add3A_341, %min3A_342 : i32
      %mul3A_344 = arith.constant 2 : i32
      %mul3A_345 = arith.muli %mul3A_344, %min3A_343 : i32
      %add3A_346 = arith.addi %mul3A_2, %mul3A_345 : i32
      %dma_start3A_347 = arith.constant 1 : i32
      %dma_start3A_348 = arith.constant 0 : i32
      %dma_start3A_349 = tpu.memref_slice %arg2[%dma_start3A_347, %add3A_346, %dma_start3A_348] : memref<2x2500x128xi32, #tpu.memory_space<hbm>> -> memref<1x2x128xi32, #tpu.memory_space<hbm>>
      %dma_start3A_350 = arith.constant 1 : i32
      %dma_start3A_351 = arith.constant 0 : i32
      %dma_start3A_352 = tpu.memref_slice %arg2[%dma_start3A_350, %add3A_346, %dma_start3A_351] : memref<2x2500x128xi32, #tpu.memory_space<hbm>> -> memref<1x2x128xi32, #tpu.memory_space<hbm>>
      tpu.enqueue_dma source(%dma_start3A_352 : memref<1x2x128xi32, #tpu.memory_space<hbm>>) target(%arg8 : memref<1x2x128xi32, #tpu.memory_space<vmem>>) target_semaphore(%arg13 : memref<!tpu.dma_semaphore, #tpu.memory_space<semaphore_mem>>)
      %dma_start3A_353 = arith.constant 0 : i32
      %dma_start3A_354 = arith.constant 0 : i32
      %dma_start3A_355 = arith.constant 0 : i32
      %dma_start3A_356 = tpu.memref_slice %arg6[%dma_start3A_353, %dma_start3A_354, %dma_start3A_355] : memref<1x2x128xi32, #tpu.memory_space<vmem>> -> memref<1x1x128xi32, #tpu.memory_space<vmem>>
      %dma_start3A_357 = tpu.memref_squeeze %dma_start3A_356 : memref<1x1x128xi32, #tpu.memory_space<vmem>> -> memref<128xi32, #tpu.memory_space<vmem>>
      %dma_start3A_358 = arith.constant 0 : i32
      %dma_start3A_359 = arith.constant 0 : i32
      %dma_start3A_360 = tpu.memref_slice %arg19[%dma_start3A_358, %dma_start3A_359] : memref<10112x8xf32, #tpu.memory_space<vmem_shared>> -> memref<10112x8xf32, #tpu.memory_space<vmem_shared>>
      tpu.enqueue_indirect_dma source(%arg10 : memref<128x8xf32, #tpu.memory_space<vmem>>) target(%dma_start3A_360 : memref<10112x8xf32, #tpu.memory_space<vmem_shared>>) offsets(%dma_start3A_357 : memref<128xi32, #tpu.memory_space<vmem>>) semaphore(%arg15 : memref<!tpu.dma_semaphore, #tpu.memory_space<semaphore_mem>>) {add = true}
      %dma_start3A_361 = arith.constant 0 : i32
      %dma_start3A_362 = arith.constant 1 : i32
      %dma_start3A_363 = arith.constant 0 : i32
      %dma_start3A_364 = tpu.memref_slice %arg6[%dma_start3A_361, %dma_start3A_362, %dma_start3A_363] : memref<1x2x128xi32, #tpu.memory_space<vmem>> -> memref<1x1x128xi32, #tpu.memory_space<vmem>>
      %dma_start3A_365 = tpu.memref_squeeze %dma_start3A_364 : memref<1x1x128xi32, #tpu.memory_space<vmem>> -> memref<128xi32, #tpu.memory_space<vmem>>
      %dma_start3A_366 = arith.constant 0 : i32
      %dma_start3A_367 = arith.constant 0 : i32
      %dma_start3A_368 = tpu.memref_slice %arg19[%dma_start3A_366, %dma_start3A_367] : memref<10112x8xf32, #tpu.memory_space<vmem_shared>> -> memref<10112x8xf32, #tpu.memory_space<vmem_shared>>
      tpu.enqueue_indirect_dma source(%arg10 : memref<128x8xf32, #tpu.memory_space<vmem>>) target(%dma_start3A_368 : memref<10112x8xf32, #tpu.memory_space<vmem_shared>>) offsets(%dma_start3A_365 : memref<128xi32, #tpu.memory_space<vmem>>) semaphore(%arg15 : memref<!tpu.dma_semaphore, #tpu.memory_space<semaphore_mem>>) {add = true}
      %add3A_369 = arith.constant 3 : i32
      %add3A_370 = arith.addi %add3A_209, %add3A_369 : i32
      %dma_wait3A_371 = arith.constant 1 : i32
      %dma_wait3A_372 = arith.constant 0 : i32
      %dma_wait3A_373 = tpu.memref_slice %arg2[%dma_wait3A_371, %mul3A_2, %dma_wait3A_372] : memref<2x2500x128xi32, #tpu.memory_space<hbm>> -> memref<1x2x128xi32, #tpu.memory_space<hbm>>
      %dma_wait3A_374 = arith.constant 1 : i32
      %dma_wait3A_375 = arith.constant 0 : i32
      %dma_wait3A_376 = tpu.memref_slice %arg2[%dma_wait3A_374, %mul3A_2, %dma_wait3A_375] : memref<2x2500x128xi32, #tpu.memory_space<hbm>> -> memref<1x2x128xi32, #tpu.memory_space<hbm>>
      tpu.wait_dma2 semaphore(%arg12 : memref<!tpu.dma_semaphore, #tpu.memory_space<semaphore_mem>>) src(%dma_wait3A_376 : memref<1x2x128xi32, #tpu.memory_space<hbm>>) dst(%arg7 : memref<1x2x128xi32, #tpu.memory_space<vmem>>)
      %dma_wait3A_377 = arith.constant 0 : i32
      %dma_wait3A_378 = arith.constant 0 : i32
      %dma_wait3A_379 = arith.constant 0 : i32
      %dma_wait3A_380 = tpu.memref_slice %arg9[%dma_wait3A_377, %dma_wait3A_378, %dma_wait3A_379] : memref<1x2x128xi32, #tpu.memory_space<vmem>> -> memref<1x1x128xi32, #tpu.memory_space<vmem>>
      %dma_wait3A_381 = tpu.memref_squeeze %dma_wait3A_380 : memref<1x1x128xi32, #tpu.memory_space<vmem>> -> memref<128xi32, #tpu.memory_space<vmem>>
      %dma_wait3A_382 = arith.constant 0 : i32
      %dma_wait3A_383 = arith.constant 0 : i32
      %dma_wait3A_384 = tpu.memref_slice %arg19[%dma_wait3A_382, %dma_wait3A_383] : memref<10112x8xf32, #tpu.memory_space<vmem_shared>> -> memref<10112x8xf32, #tpu.memory_space<vmem_shared>>
      tpu.wait_indirect_dma semaphore(%arg18 : memref<!tpu.dma_semaphore, #tpu.memory_space<semaphore_mem>>) src(%arg10 : memref<128x8xf32, #tpu.memory_space<vmem>>) dst(%dma_wait3A_384 : memref<10112x8xf32, #tpu.memory_space<vmem_shared>>)
      %dma_wait3A_385 = arith.constant 0 : i32
      %dma_wait3A_386 = arith.constant 1 : i32
      %dma_wait3A_387 = arith.constant 0 : i32
      %dma_wait3A_388 = tpu.memref_slice %arg9[%dma_wait3A_385, %dma_wait3A_386, %dma_wait3A_387] : memref<1x2x128xi32, #tpu.memory_space<vmem>> -> memref<1x1x128xi32, #tpu.memory_space<vmem>>
      %dma_wait3A_389 = tpu.memref_squeeze %dma_wait3A_388 : memref<1x1x128xi32, #tpu.memory_space<vmem>> -> memref<128xi32, #tpu.memory_space<vmem>>
      %dma_wait3A_390 = arith.constant 0 : i32
      %dma_wait3A_391 = arith.constant 0 : i32
      %dma_wait3A_392 = tpu.memref_slice %arg19[%dma_wait3A_390, %dma_wait3A_391] : memref<10112x8xf32, #tpu.memory_space<vmem_shared>> -> memref<10112x8xf32, #tpu.memory_space<vmem_shared>>
      tpu.wait_indirect_dma semaphore(%arg18 : memref<!tpu.dma_semaphore, #tpu.memory_space<semaphore_mem>>) src(%arg10 : memref<128x8xf32, #tpu.memory_space<vmem>>) dst(%dma_wait3A_392 : memref<10112x8xf32, #tpu.memory_space<vmem_shared>>)
      %add3A_393 = arith.constant 2 : i32
      %add3A_394 = arith.addi %add3A_370, %add3A_393 : i32
      %min3A_395 = arith.constant 38 : i32
      %min3A_396 = arith.minsi %add3A_394, %min3A_395 : i32
      %mul3A_397 = arith.constant 2 : i32
      %mul3A_398 = arith.muli %mul3A_397, %min3A_396 : i32
      %add3A_399 = arith.addi %mul3A_2, %mul3A_398 : i32
      %dma_start3A_400 = arith.constant 1 : i32
      %dma_start3A_401 = arith.constant 0 : i32
      %dma_start3A_402 = tpu.memref_slice %arg2[%dma_start3A_400, %add3A_399, %dma_start3A_401] : memref<2x2500x128xi32, #tpu.memory_space<hbm>> -> memref<1x2x128xi32, #tpu.memory_space<hbm>>
      %dma_start3A_403 = arith.constant 1 : i32
      %dma_start3A_404 = arith.constant 0 : i32
      %dma_start3A_405 = tpu.memref_slice %arg2[%dma_start3A_403, %add3A_399, %dma_start3A_404] : memref<2x2500x128xi32, #tpu.memory_space<hbm>> -> memref<1x2x128xi32, #tpu.memory_space<hbm>>
      tpu.enqueue_dma source(%dma_start3A_405 : memref<1x2x128xi32, #tpu.memory_space<hbm>>) target(%arg9 : memref<1x2x128xi32, #tpu.memory_space<vmem>>) target_semaphore(%arg14 : memref<!tpu.dma_semaphore, #tpu.memory_space<semaphore_mem>>)
      %dma_start3A_406 = arith.constant 0 : i32
      %dma_start3A_407 = arith.constant 0 : i32
      %dma_start3A_408 = arith.constant 0 : i32
      %dma_start3A_409 = tpu.memref_slice %arg7[%dma_start3A_406, %dma_start3A_407, %dma_start3A_408] : memref<1x2x128xi32, #tpu.memory_space<vmem>> -> memref<1x1x128xi32, #tpu.memory_space<vmem>>
      %dma_start3A_410 = tpu.memref_squeeze %dma_start3A_409 : memref<1x1x128xi32, #tpu.memory_space<vmem>> -> memref<128xi32, #tpu.memory_space<vmem>>
      %dma_start3A_411 = arith.constant 0 : i32
      %dma_start3A_412 = arith.constant 0 : i32
      %dma_start3A_413 = tpu.memref_slice %arg19[%dma_start3A_411, %dma_start3A_412] : memref<10112x8xf32, #tpu.memory_space<vmem_shared>> -> memref<10112x8xf32, #tpu.memory_space<vmem_shared>>
      tpu.enqueue_indirect_dma source(%arg10 : memref<128x8xf32, #tpu.memory_space<vmem>>) target(%dma_start3A_413 : memref<10112x8xf32, #tpu.memory_space<vmem_shared>>) offsets(%dma_start3A_410 : memref<128xi32, #tpu.memory_space<vmem>>) semaphore(%arg16 : memref<!tpu.dma_semaphore, #tpu.memory_space<semaphore_mem>>) {add = true}
      %dma_start3A_414 = arith.constant 0 : i32
      %dma_start3A_415 = arith.constant 1 : i32
      %dma_start3A_416 = arith.constant 0 : i32
      %dma_start3A_417 = tpu.memref_slice %arg7[%dma_start3A_414, %dma_start3A_415, %dma_start3A_416] : memref<1x2x128xi32, #tpu.memory_space<vmem>> -> memref<1x1x128xi32, #tpu.memory_space<vmem>>
      %dma_start3A_418 = tpu.memref_squeeze %dma_start3A_417 : memref<1x1x128xi32, #tpu.memory_space<vmem>> -> memref<128xi32, #tpu.memory_space<vmem>>
      %dma_start3A_419 = arith.constant 0 : i32
      %dma_start3A_420 = arith.constant 0 : i32
      %dma_start3A_421 = tpu.memref_slice %arg19[%dma_start3A_419, %dma_start3A_420] : memref<10112x8xf32, #tpu.memory_space<vmem_shared>> -> memref<10112x8xf32, #tpu.memory_space<vmem_shared>>
      tpu.enqueue_indirect_dma source(%arg10 : memref<128x8xf32, #tpu.memory_space<vmem>>) target(%dma_start3A_421 : memref<10112x8xf32, #tpu.memory_space<vmem_shared>>) offsets(%dma_start3A_418 : memref<128xi32, #tpu.memory_space<vmem>>) semaphore(%arg16 : memref<!tpu.dma_semaphore, #tpu.memory_space<semaphore_mem>>) {add = true}
    }
    %scan3A_100 = arith.constant 9 : i32
    %dma_wait3A_101 = arith.constant 1 : i32
    %dma_wait3A_102 = arith.constant 0 : i32
    %dma_wait3A_103 = tpu.memref_slice %arg2[%dma_wait3A_101, %mul3A_2, %dma_wait3A_102] : memref<2x2500x128xi32, #tpu.memory_space<hbm>> -> memref<1x2x128xi32, #tpu.memory_space<hbm>>
    %dma_wait3A_104 = arith.constant 1 : i32
    %dma_wait3A_105 = arith.constant 0 : i32
    %dma_wait3A_106 = tpu.memref_slice %arg2[%dma_wait3A_104, %mul3A_2, %dma_wait3A_105] : memref<2x2500x128xi32, #tpu.memory_space<hbm>> -> memref<1x2x128xi32, #tpu.memory_space<hbm>>
    tpu.wait_dma2 semaphore(%arg13 : memref<!tpu.dma_semaphore, #tpu.memory_space<semaphore_mem>>) src(%dma_wait3A_106 : memref<1x2x128xi32, #tpu.memory_space<hbm>>) dst(%arg8 : memref<1x2x128xi32, #tpu.memory_space<vmem>>)
    %dma_wait3A_107 = arith.constant 0 : i32
    %dma_wait3A_108 = arith.constant 0 : i32
    %dma_wait3A_109 = arith.constant 0 : i32
    %dma_wait3A_110 = tpu.memref_slice %arg6[%dma_wait3A_107, %dma_wait3A_108, %dma_wait3A_109] : memref<1x2x128xi32, #tpu.memory_space<vmem>> -> memref<1x1x128xi32, #tpu.memory_space<vmem>>
    %dma_wait3A_111 = tpu.memref_squeeze %dma_wait3A_110 : memref<1x1x128xi32, #tpu.memory_space<vmem>> -> memref<128xi32, #tpu.memory_space<vmem>>
    %dma_wait3A_112 = arith.constant 0 : i32
    %dma_wait3A_113 = arith.constant 0 : i32
    %dma_wait3A_114 = tpu.memref_slice %arg19[%dma_wait3A_112, %dma_wait3A_113] : memref<10112x8xf32, #tpu.memory_space<vmem_shared>> -> memref<10112x8xf32, #tpu.memory_space<vmem_shared>>
    tpu.wait_indirect_dma semaphore(%arg15 : memref<!tpu.dma_semaphore, #tpu.memory_space<semaphore_mem>>) src(%arg10 : memref<128x8xf32, #tpu.memory_space<vmem>>) dst(%dma_wait3A_114 : memref<10112x8xf32, #tpu.memory_space<vmem_shared>>)
    %dma_wait3A_115 = arith.constant 0 : i32
    %dma_wait3A_116 = arith.constant 1 : i32
    %dma_wait3A_117 = arith.constant 0 : i32
    %dma_wait3A_118 = tpu.memref_slice %arg6[%dma_wait3A_115, %dma_wait3A_116, %dma_wait3A_117] : memref<1x2x128xi32, #tpu.memory_space<vmem>> -> memref<1x1x128xi32, #tpu.memory_space<vmem>>
    %dma_wait3A_119 = tpu.memref_squeeze %dma_wait3A_118 : memref<1x1x128xi32, #tpu.memory_space<vmem>> -> memref<128xi32, #tpu.memory_space<vmem>>
    %dma_wait3A_120 = arith.constant 0 : i32
    %dma_wait3A_121 = arith.constant 0 : i32
    %dma_wait3A_122 = tpu.memref_slice %arg19[%dma_wait3A_120, %dma_wait3A_121] : memref<10112x8xf32, #tpu.memory_space<vmem_shared>> -> memref<10112x8xf32, #tpu.memory_space<vmem_shared>>
    tpu.wait_indirect_dma semaphore(%arg15 : memref<!tpu.dma_semaphore, #tpu.memory_space<semaphore_mem>>) src(%arg10 : memref<128x8xf32, #tpu.memory_space<vmem>>) dst(%dma_wait3A_122 : memref<10112x8xf32, #tpu.memory_space<vmem_shared>>)
    %min3A_123 = arith.constant 40 : i32
    %min3A_124 = arith.constant 38 : i32
    %min3A_125 = arith.minsi %min3A_123, %min3A_124 : i32
    %mul3A_126 = arith.constant 2 : i32
    %mul3A_127 = arith.muli %mul3A_126, %min3A_125 : i32
    %add3A_128 = arith.addi %mul3A_2, %mul3A_127 : i32
    %dma_start3A_129 = arith.constant 1 : i32
    %dma_start3A_130 = arith.constant 0 : i32
    %dma_start3A_131 = tpu.memref_slice %arg2[%dma_start3A_129, %add3A_128, %dma_start3A_130] : memref<2x2500x128xi32, #tpu.memory_space<hbm>> -> memref<1x2x128xi32, #tpu.memory_space<hbm>>
    %dma_start3A_132 = arith.constant 1 : i32
    %dma_start3A_133 = arith.constant 0 : i32
    %dma_start3A_134 = tpu.memref_slice %arg2[%dma_start3A_132, %add3A_128, %dma_start3A_133] : memref<2x2500x128xi32, #tpu.memory_space<hbm>> -> memref<1x2x128xi32, #tpu.memory_space<hbm>>
    tpu.enqueue_dma source(%dma_start3A_134 : memref<1x2x128xi32, #tpu.memory_space<hbm>>) target(%arg6 : memref<1x2x128xi32, #tpu.memory_space<vmem>>) target_semaphore(%arg11 : memref<!tpu.dma_semaphore, #tpu.memory_space<semaphore_mem>>)
    %dma_start3A_135 = arith.constant 0 : i32
    %dma_start3A_136 = arith.constant 0 : i32
    %dma_start3A_137 = arith.constant 0 : i32
    %dma_start3A_138 = tpu.memref_slice %arg8[%dma_start3A_135, %dma_start3A_136, %dma_start3A_137] : memref<1x2x128xi32, #tpu.memory_space<vmem>> -> memref<1x1x128xi32, #tpu.memory_space<vmem>>
    %dma_start3A_139 = tpu.memref_squeeze %dma_start3A_138 : memref<1x1x128xi32, #tpu.memory_space<vmem>> -> memref<128xi32, #tpu.memory_space<vmem>>
    %dma_start3A_140 = arith.constant 0 : i32
    %dma_start3A_141 = arith.constant 0 : i32
    %dma_start3A_142 = tpu.memref_slice %arg19[%dma_start3A_140, %dma_start3A_141] : memref<10112x8xf32, #tpu.memory_space<vmem_shared>> -> memref<10112x8xf32, #tpu.memory_space<vmem_shared>>
    tpu.enqueue_indirect_dma source(%arg10 : memref<128x8xf32, #tpu.memory_space<vmem>>) target(%dma_start3A_142 : memref<10112x8xf32, #tpu.memory_space<vmem_shared>>) offsets(%dma_start3A_139 : memref<128xi32, #tpu.memory_space<vmem>>) semaphore(%arg17 : memref<!tpu.dma_semaphore, #tpu.memory_space<semaphore_mem>>) {add = true}
    %dma_start3A_143 = arith.constant 0 : i32
    %dma_start3A_144 = arith.constant 1 : i32
    %dma_start3A_145 = arith.constant 0 : i32
    %dma_start3A_146 = tpu.memref_slice %arg8[%dma_start3A_143, %dma_start3A_144, %dma_start3A_145] : memref<1x2x128xi32, #tpu.memory_space<vmem>> -> memref<1x1x128xi32, #tpu.memory_space<vmem>>
    %dma_start3A_147 = tpu.memref_squeeze %dma_start3A_146 : memref<1x1x128xi32, #tpu.memory_space<vmem>> -> memref<128xi32, #tpu.memory_space<vmem>>
    %dma_start3A_148 = arith.constant 0 : i32
    %dma_start3A_149 = arith.constant 0 : i32
    %dma_start3A_150 = tpu.memref_slice %arg19[%dma_start3A_148, %dma_start3A_149] : memref<10112x8xf32, #tpu.memory_space<vmem_shared>> -> memref<10112x8xf32, #tpu.memory_space<vmem_shared>>
    tpu.enqueue_indirect_dma source(%arg10 : memref<128x8xf32, #tpu.memory_space<vmem>>) target(%dma_start3A_150 : memref<10112x8xf32, #tpu.memory_space<vmem_shared>>) offsets(%dma_start3A_147 : memref<128xi32, #tpu.memory_space<vmem>>) semaphore(%arg17 : memref<!tpu.dma_semaphore, #tpu.memory_space<semaphore_mem>>) {add = true}
    %dma_wait3A_151 = arith.constant 0 : i32
    %dma_wait3A_152 = arith.constant 0 : i32
    %dma_wait3A_153 = arith.constant 0 : i32
    %dma_wait3A_154 = tpu.memref_slice %arg7[%dma_wait3A_151, %dma_wait3A_152, %dma_wait3A_153] : memref<1x2x128xi32, #tpu.memory_space<vmem>> -> memref<1x1x128xi32, #tpu.memory_space<vmem>>
    %dma_wait3A_155 = tpu.memref_squeeze %dma_wait3A_154 : memref<1x1x128xi32, #tpu.memory_space<vmem>> -> memref<128xi32, #tpu.memory_space<vmem>>
    %dma_wait3A_156 = arith.constant 0 : i32
    %dma_wait3A_157 = arith.constant 0 : i32
    %dma_wait3A_158 = tpu.memref_slice %arg19[%dma_wait3A_156, %dma_wait3A_157] : memref<10112x8xf32, #tpu.memory_space<vmem_shared>> -> memref<10112x8xf32, #tpu.memory_space<vmem_shared>>
    tpu.wait_indirect_dma semaphore(%arg16 : memref<!tpu.dma_semaphore, #tpu.memory_space<semaphore_mem>>) src(%arg10 : memref<128x8xf32, #tpu.memory_space<vmem>>) dst(%dma_wait3A_158 : memref<10112x8xf32, #tpu.memory_space<vmem_shared>>)
    %dma_wait3A_159 = arith.constant 0 : i32
    %dma_wait3A_160 = arith.constant 1 : i32
    %dma_wait3A_161 = arith.constant 0 : i32
    %dma_wait3A_162 = tpu.memref_slice %arg7[%dma_wait3A_159, %dma_wait3A_160, %dma_wait3A_161] : memref<1x2x128xi32, #tpu.memory_space<vmem>> -> memref<1x1x128xi32, #tpu.memory_space<vmem>>
    %dma_wait3A_163 = tpu.memref_squeeze %dma_wait3A_162 : memref<1x1x128xi32, #tpu.memory_space<vmem>> -> memref<128xi32, #tpu.memory_space<vmem>>
    %dma_wait3A_164 = arith.constant 0 : i32
    %dma_wait3A_165 = arith.constant 0 : i32
    %dma_wait3A_166 = tpu.memref_slice %arg19[%dma_wait3A_164, %dma_wait3A_165] : memref<10112x8xf32, #tpu.memory_space<vmem_shared>> -> memref<10112x8xf32, #tpu.memory_space<vmem_shared>>
    tpu.wait_indirect_dma semaphore(%arg16 : memref<!tpu.dma_semaphore, #tpu.memory_space<semaphore_mem>>) src(%arg10 : memref<128x8xf32, #tpu.memory_space<vmem>>) dst(%dma_wait3A_166 : memref<10112x8xf32, #tpu.memory_space<vmem_shared>>)
    %dma_wait3A_167 = arith.constant 0 : i32
    %dma_wait3A_168 = arith.constant 0 : i32
    %dma_wait3A_169 = arith.constant 0 : i32
    %dma_wait3A_170 = tpu.memref_slice %arg8[%dma_wait3A_167, %dma_wait3A_168, %dma_wait3A_169] : memref<1x2x128xi32, #tpu.memory_space<vmem>> -> memref<1x1x128xi32, #tpu.memory_space<vmem>>
    %dma_wait3A_171 = tpu.memref_squeeze %dma_wait3A_170 : memref<1x1x128xi32, #tpu.memory_space<vmem>> -> memref<128xi32, #tpu.memory_space<vmem>>
    %dma_wait3A_172 = arith.constant 0 : i32
    %dma_wait3A_173 = arith.constant 0 : i32
    %dma_wait3A_174 = tpu.memref_slice %arg19[%dma_wait3A_172, %dma_wait3A_173] : memref<10112x8xf32, #tpu.memory_space<vmem_shared>> -> memref<10112x8xf32, #tpu.memory_space<vmem_shared>>
    tpu.wait_indirect_dma semaphore(%arg17 : memref<!tpu.dma_semaphore, #tpu.memory_space<semaphore_mem>>) src(%arg10 : memref<128x8xf32, #tpu.memory_space<vmem>>) dst(%dma_wait3A_174 : memref<10112x8xf32, #tpu.memory_space<vmem_shared>>)
    %dma_wait3A_175 = arith.constant 0 : i32
    %dma_wait3A_176 = arith.constant 1 : i32
    %dma_wait3A_177 = arith.constant 0 : i32
    %dma_wait3A_178 = tpu.memref_slice %arg8[%dma_wait3A_175, %dma_wait3A_176, %dma_wait3A_177] : memref<1x2x128xi32, #tpu.memory_space<vmem>> -> memref<1x1x128xi32, #tpu.memory_space<vmem>>
    %dma_wait3A_179 = tpu.memref_squeeze %dma_wait3A_178 : memref<1x1x128xi32, #tpu.memory_space<vmem>> -> memref<128xi32, #tpu.memory_space<vmem>>
    %dma_wait3A_180 = arith.constant 0 : i32
    %dma_wait3A_181 = arith.constant 0 : i32
    %dma_wait3A_182 = tpu.memref_slice %arg19[%dma_wait3A_180, %dma_wait3A_181] : memref<10112x8xf32, #tpu.memory_space<vmem_shared>> -> memref<10112x8xf32, #tpu.memory_space<vmem_shared>>
    tpu.wait_indirect_dma semaphore(%arg17 : memref<!tpu.dma_semaphore, #tpu.memory_space<semaphore_mem>>) src(%arg10 : memref<128x8xf32, #tpu.memory_space<vmem>>) dst(%dma_wait3A_182 : memref<10112x8xf32, #tpu.memory_space<vmem_shared>>)
    %dma_wait3A_183 = arith.constant 1 : i32
    %dma_wait3A_184 = arith.constant 0 : i32
    %dma_wait3A_185 = tpu.memref_slice %arg2[%dma_wait3A_183, %mul3A_2, %dma_wait3A_184] : memref<2x2500x128xi32, #tpu.memory_space<hbm>> -> memref<1x2x128xi32, #tpu.memory_space<hbm>>
    %dma_wait3A_186 = arith.constant 1 : i32
    %dma_wait3A_187 = arith.constant 0 : i32
    %dma_wait3A_188 = tpu.memref_slice %arg2[%dma_wait3A_186, %mul3A_2, %dma_wait3A_187] : memref<2x2500x128xi32, #tpu.memory_space<hbm>> -> memref<1x2x128xi32, #tpu.memory_space<hbm>>
    tpu.wait_dma2 semaphore(%arg14 : memref<!tpu.dma_semaphore, #tpu.memory_space<semaphore_mem>>) src(%dma_wait3A_188 : memref<1x2x128xi32, #tpu.memory_space<hbm>>) dst(%arg9 : memref<1x2x128xi32, #tpu.memory_space<vmem>>)
    %dma_wait3A_189 = arith.constant 1 : i32
    %dma_wait3A_190 = arith.constant 0 : i32
    %dma_wait3A_191 = tpu.memref_slice %arg2[%dma_wait3A_189, %mul3A_2, %dma_wait3A_190] : memref<2x2500x128xi32, #tpu.memory_space<hbm>> -> memref<1x2x128xi32, #tpu.memory_space<hbm>>
    %dma_wait3A_192 = arith.constant 1 : i32
    %dma_wait3A_193 = arith.constant 0 : i32
    %dma_wait3A_194 = tpu.memref_slice %arg2[%dma_wait3A_192, %mul3A_2, %dma_wait3A_193] : memref<2x2500x128xi32, #tpu.memory_space<hbm>> -> memref<1x2x128xi32, #tpu.memory_space<hbm>>
    tpu.wait_dma2 semaphore(%arg11 : memref<!tpu.dma_semaphore, #tpu.memory_space<semaphore_mem>>) src(%dma_wait3A_194 : memref<1x2x128xi32, #tpu.memory_space<hbm>>) dst(%arg6 : memref<1x2x128xi32, #tpu.memory_space<vmem>>)
    %lt3A = arith.constant 4 : i32
    %lt3A_195 = arith.cmpi slt, %add3A, %lt3A : i32
    %convert_element_type3A = arith.extui %lt3A_195 : i1 to i32
    %cond3A = arith.constant 0 : i32
    %cond3A_196 = arith.cmpi ne, %convert_element_type3A, %cond3A : i32
    scf.if %cond3A_196 {
      %add3A_205 = arith.constant 2496 : i32
      %add3A_206 = arith.addi %add3A_205, %add3A : i32
      "tpu.region"() ({
        %run_scoped3A_208 = tpu.sem_alloc : memref<!tpu.dma_semaphore, #tpu.memory_space<semaphore_mem>>
        %dma_start3A_209 = arith.constant 0 : i32
        %dma_start3A_210 = arith.constant 0 : i32
        %dma_start3A_211 = arith.constant 0 : i32
        %dma_start3A_212 = tpu.memref_slice %arg6[%dma_start3A_209, %dma_start3A_210, %dma_start3A_211] : memref<1x2x128xi32, #tpu.memory_space<vmem>> -> memref<1x1x128xi32, #tpu.memory_space<vmem>>
        %dma_start3A_213 = arith.constant 1 : i32
        %dma_start3A_214 = arith.constant 0 : i32
        %dma_start3A_215 = tpu.memref_slice %arg2[%dma_start3A_213, %add3A_206, %dma_start3A_214] : memref<2x2500x128xi32, #tpu.memory_space<hbm>> -> memref<1x1x128xi32, #tpu.memory_space<hbm>>
        %dma_start3A_216 = arith.constant 0 : i32
        %dma_start3A_217 = arith.constant 0 : i32
        %dma_start3A_218 = arith.constant 0 : i32
        %dma_start3A_219 = tpu.memref_slice %arg6[%dma_start3A_216, %dma_start3A_217, %dma_start3A_218] : memref<1x2x128xi32, #tpu.memory_space<vmem>> -> memref<1x1x128xi32, #tpu.memory_space<vmem>>
        %dma_start3A_220 = arith.constant 1 : i32
        %dma_start3A_221 = arith.constant 0 : i32
        %dma_start3A_222 = tpu.memref_slice %arg2[%dma_start3A_220, %add3A_206, %dma_start3A_221] : memref<2x2500x128xi32, #tpu.memory_space<hbm>> -> memref<1x1x128xi32, #tpu.memory_space<hbm>>
        tpu.enqueue_dma source(%dma_start3A_222 : memref<1x1x128xi32, #tpu.memory_space<hbm>>) target(%dma_start3A_219 : memref<1x1x128xi32, #tpu.memory_space<vmem>>) target_semaphore(%run_scoped3A_208 : memref<!tpu.dma_semaphore, #tpu.memory_space<semaphore_mem>>)
        %dma_wait3A_223 = arith.constant 0 : i32
        %dma_wait3A_224 = arith.constant 0 : i32
        %dma_wait3A_225 = arith.constant 0 : i32
        %dma_wait3A_226 = tpu.memref_slice %arg6[%dma_wait3A_223, %dma_wait3A_224, %dma_wait3A_225] : memref<1x2x128xi32, #tpu.memory_space<vmem>> -> memref<1x1x128xi32, #tpu.memory_space<vmem>>
        %dma_wait3A_227 = arith.constant 1 : i32
        %dma_wait3A_228 = arith.constant 0 : i32
        %dma_wait3A_229 = tpu.memref_slice %arg2[%dma_wait3A_227, %add3A_206, %dma_wait3A_228] : memref<2x2500x128xi32, #tpu.memory_space<hbm>> -> memref<1x1x128xi32, #tpu.memory_space<hbm>>
        %dma_wait3A_230 = arith.constant 0 : i32
        %dma_wait3A_231 = arith.constant 0 : i32
        %dma_wait3A_232 = arith.constant 0 : i32
        %dma_wait3A_233 = tpu.memref_slice %arg6[%dma_wait3A_230, %dma_wait3A_231, %dma_wait3A_232] : memref<1x2x128xi32, #tpu.memory_space<vmem>> -> memref<1x1x128xi32, #tpu.memory_space<vmem>>
        %dma_wait3A_234 = arith.constant 1 : i32
        %dma_wait3A_235 = arith.constant 0 : i32
        %dma_wait3A_236 = tpu.memref_slice %arg2[%dma_wait3A_234, %add3A_206, %dma_wait3A_235] : memref<2x2500x128xi32, #tpu.memory_space<hbm>> -> memref<1x1x128xi32, #tpu.memory_space<hbm>>
        tpu.wait_dma2 semaphore(%run_scoped3A_208 : memref<!tpu.dma_semaphore, #tpu.memory_space<semaphore_mem>>) src(%dma_wait3A_236 : memref<1x1x128xi32, #tpu.memory_space<hbm>>) dst(%dma_wait3A_233 : memref<1x1x128xi32, #tpu.memory_space<vmem>>)
        tpu.yield
      }) : () -> ()
      %run_scoped3A = arith.constant 0 : i32
      %run_scoped3A_207 = arith.constant 0 : i32
      "tpu.region"() ({
        %run_scoped3A_208 = tpu.sem_alloc : memref<!tpu.dma_semaphore, #tpu.memory_space<semaphore_mem>>
        %dma_start3A_209 = arith.constant 0 : i32
        %dma_start3A_210 = tpu.memref_slice %arg6[%run_scoped3A, %run_scoped3A_207, %dma_start3A_209] : memref<1x2x128xi32, #tpu.memory_space<vmem>> -> memref<1x1x128xi32, #tpu.memory_space<vmem>>
        %dma_start3A_211 = tpu.memref_squeeze %dma_start3A_210 : memref<1x1x128xi32, #tpu.memory_space<vmem>> -> memref<128xi32, #tpu.memory_space<vmem>>
        %dma_start3A_212 = arith.constant 0 : i32
        %dma_start3A_213 = arith.constant 0 : i32
        %dma_start3A_214 = tpu.memref_slice %arg19[%dma_start3A_212, %dma_start3A_213] : memref<10112x8xf32, #tpu.memory_space<vmem_shared>> -> memref<10112x8xf32, #tpu.memory_space<vmem_shared>>
        tpu.enqueue_indirect_dma source(%arg10 : memref<128x8xf32, #tpu.memory_space<vmem>>) target(%dma_start3A_214 : memref<10112x8xf32, #tpu.memory_space<vmem_shared>>) offsets(%dma_start3A_211 : memref<128xi32, #tpu.memory_space<vmem>>) semaphore(%run_scoped3A_208 : memref<!tpu.dma_semaphore, #tpu.memory_space<semaphore_mem>>) {add = true}
        %dma_wait3A_215 = arith.constant 0 : i32
        %dma_wait3A_216 = tpu.memref_slice %arg6[%run_scoped3A, %run_scoped3A_207, %dma_wait3A_215] : memref<1x2x128xi32, #tpu.memory_space<vmem>> -> memref<1x1x128xi32, #tpu.memory_space<vmem>>
        %dma_wait3A_217 = tpu.memref_squeeze %dma_wait3A_216 : memref<1x1x128xi32, #tpu.memory_space<vmem>> -> memref<128xi32, #tpu.memory_space<vmem>>
        %dma_wait3A_218 = arith.constant 0 : i32
        %dma_wait3A_219 = arith.constant 0 : i32
        %dma_wait3A_220 = tpu.memref_slice %arg19[%dma_wait3A_218, %dma_wait3A_219] : memref<10112x8xf32, #tpu.memory_space<vmem_shared>> -> memref<10112x8xf32, #tpu.memory_space<vmem_shared>>
        tpu.wait_indirect_dma semaphore(%run_scoped3A_208 : memref<!tpu.dma_semaphore, #tpu.memory_space<semaphore_mem>>) src(%arg10 : memref<128x8xf32, #tpu.memory_space<vmem>>) dst(%dma_wait3A_220 : memref<10112x8xf32, #tpu.memory_space<vmem_shared>>)
        tpu.yield
      }) : () -> ()
    } else {
    }
    %barrier3A_197 = arith.constant 0 : index
    tpu.barrier barrier_id(%barrier3A_197)
    %mul3A_198 = arith.constant 632 : i32
    %mul3A_199 = arith.muli %arg1, %mul3A_198 : i32
    %mul3A_200 = arith.constant 10112 : i32
    %mul3A_201 = arith.muli %arg0, %mul3A_200 : i32
    %mul3A_202 = arith.constant 632 : i32
    %mul3A_203 = arith.muli %arg1, %mul3A_202 : i32
    %add3A_204 = arith.addi %mul3A_201, %mul3A_203 : i32
    "tpu.region"() ({
      %run_scoped3A = tpu.sem_alloc : memref<!tpu.dma_semaphore, #tpu.memory_space<semaphore_mem>>
      %dma_start3A_205 = arith.constant 0 : i32
      %dma_start3A_206 = tpu.memref_slice %arg5[%add3A_204, %dma_start3A_205] : memref<20224x8xf32, #tpu.memory_space<hbm>> -> memref<632x8xf32, #tpu.memory_space<hbm>>
      %dma_start3A_207 = arith.constant 0 : i32
      %dma_start3A_208 = tpu.memref_slice %arg19[%mul3A_199, %dma_start3A_207] : memref<10112x8xf32, #tpu.memory_space<vmem_shared>> -> memref<632x8xf32, #tpu.memory_space<vmem_shared>>
      tpu.enqueue_dma source(%dma_start3A_208 : memref<632x8xf32, #tpu.memory_space<vmem_shared>>) target(%dma_start3A_206 : memref<632x8xf32, #tpu.memory_space<hbm>>) target_semaphore(%run_scoped3A : memref<!tpu.dma_semaphore, #tpu.memory_space<semaphore_mem>>)
      %dma_wait3A_209 = arith.constant 0 : i32
      %dma_wait3A_210 = tpu.memref_slice %arg5[%add3A_204, %dma_wait3A_209] : memref<20224x8xf32, #tpu.memory_space<hbm>> -> memref<632x8xf32, #tpu.memory_space<hbm>>
      %dma_wait3A_211 = arith.constant 0 : i32
      %dma_wait3A_212 = tpu.memref_slice %arg19[%mul3A_199, %dma_wait3A_211] : memref<10112x8xf32, #tpu.memory_space<vmem_shared>> -> memref<632x8xf32, #tpu.memory_space<vmem_shared>>
      tpu.wait_dma2 semaphore(%run_scoped3A : memref<!tpu.dma_semaphore, #tpu.memory_space<semaphore_mem>>) src(%dma_wait3A_212 : memref<632x8xf32, #tpu.memory_space<vmem_shared>>) dst(%dma_wait3A_210 : memref<632x8xf32, #tpu.memory_space<hbm>>)
      tpu.yield
    }) : () -> ()
    return
  }
}

#map = affine_map<(d0, d1) -> (0, 0)>
#map1 = affine_map<(d0, d1) -> (0, 0, 0)>
module attributes {stable_mosaic.version = 14 : i64} {
  func.func @conv(%arg0: i32, %arg1: i32, %arg2: memref<10112x32xf32, #tpu.memory_space<hbm>>, %arg3: memref<2x2500x128xi32, #tpu.memory_space<hbm>>, %arg4: memref<10112x32xf32, #tpu.memory_space<hbm>>, %arg5: memref<20224x32xf32, #tpu.memory_space<hbm>>, %arg6: memref<2x2x128xi32, #tpu.memory_space<vmem>>, %arg7: memref<2x2x128xi32, #tpu.memory_space<vmem>>, %arg8: memref<2x2x128xi32, #tpu.memory_space<vmem>>, %arg9: memref<2x2x128xi32, #tpu.memory_space<vmem>>, %arg10: memref<128x32xf32, #tpu.memory_space<vmem>>, %arg11: memref<128x32xf32, #tpu.memory_space<vmem>>, %arg12: memref<128x32xf32, #tpu.memory_space<vmem>>, %arg13: memref<128x32xf32, #tpu.memory_space<vmem>>, %arg14: memref<128x32xf32, #tpu.memory_space<vmem>>, %arg15: memref<128x32xf32, #tpu.memory_space<vmem>>, %arg16: memref<128x32xf32, #tpu.memory_space<vmem>>, %arg17: memref<128x32xf32, #tpu.memory_space<vmem>>, %arg18: memref<!tpu.dma_semaphore, #tpu.memory_space<semaphore_mem>>, %arg19: memref<!tpu.dma_semaphore, #tpu.memory_space<semaphore_mem>>, %arg20: memref<!tpu.dma_semaphore, #tpu.memory_space<semaphore_mem>>, %arg21: memref<!tpu.dma_semaphore, #tpu.memory_space<semaphore_mem>>, %arg22: memref<!tpu.dma_semaphore, #tpu.memory_space<semaphore_mem>>, %arg23: memref<!tpu.dma_semaphore, #tpu.memory_space<semaphore_mem>>, %arg24: memref<!tpu.dma_semaphore, #tpu.memory_space<semaphore_mem>>, %arg25: memref<!tpu.dma_semaphore, #tpu.memory_space<semaphore_mem>>, %arg26: memref<!tpu.dma_semaphore, #tpu.memory_space<semaphore_mem>>, %arg27: memref<!tpu.dma_semaphore, #tpu.memory_space<semaphore_mem>>, %arg28: memref<!tpu.dma_semaphore, #tpu.memory_space<semaphore_mem>>, %arg29: memref<!tpu.dma_semaphore, #tpu.memory_space<semaphore_mem>>, %arg30: memref<10112x32xf32, #tpu.memory_space<vmem_shared>>, %arg31: memref<10112x32xf32, #tpu.memory_space<vmem_shared>>) attributes {dimension_semantics = [#tpu.dimension_semantics<core_parallel>, #tpu.dimension_semantics<subcore_parallel>], iteration_bounds = array<i64: 2, 16>, scalar_prefetch = 0 : i64, scratch_operands = 26 : i64, tpu.core_type = #tpu.core_type<sc_vector_subcore>, window_params = [{transform_indices = #map}, {transform_indices = #map1}, {transform_indices = #map}, {transform_indices = #map}]} {
    %mul3A = arith.constant 2 : i32
    %mul3A_0 = arith.muli %arg1, %mul3A : i32
    %add3A = arith.addi %mul3A_0, %arg0 : i32
    %mul3A_1 = arith.constant 78 : i32
    %mul3A_2 = arith.muli %add3A, %mul3A_1 : i32
    %mul3A_3 = arith.constant 632 : i32
    %mul3A_4 = arith.muli %arg1, %mul3A_3 : i32
    %mul3A_5 = arith.constant 632 : i32
    %mul3A_6 = arith.muli %arg1, %mul3A_5 : i32
    "tpu.region"() ({
      %run_scoped3A = tpu.sem_alloc : memref<!tpu.dma_semaphore, #tpu.memory_space<semaphore_mem>>
      %dma_start3A_341 = arith.constant 0 : i32
      %dma_start3A_342 = tpu.memref_slice %arg31[%mul3A_6, %dma_start3A_341] : memref<10112x32xf32, #tpu.memory_space<vmem_shared>> -> memref<632x32xf32, #tpu.memory_space<vmem_shared>>
      %dma_start3A_343 = arith.constant 0 : i32
      %dma_start3A_344 = tpu.memref_slice %arg2[%mul3A_4, %dma_start3A_343] : memref<10112x32xf32, #tpu.memory_space<hbm>> -> memref<632x32xf32, #tpu.memory_space<hbm>>
      tpu.enqueue_dma source(%dma_start3A_344 : memref<632x32xf32, #tpu.memory_space<hbm>>) target(%dma_start3A_342 : memref<632x32xf32, #tpu.memory_space<vmem_shared>>) target_semaphore(%run_scoped3A : memref<!tpu.dma_semaphore, #tpu.memory_space<semaphore_mem>>)
      %dma_wait3A_345 = arith.constant 0 : i32
      %dma_wait3A_346 = tpu.memref_slice %arg31[%mul3A_6, %dma_wait3A_345] : memref<10112x32xf32, #tpu.memory_space<vmem_shared>> -> memref<632x32xf32, #tpu.memory_space<vmem_shared>>
      %dma_wait3A_347 = arith.constant 0 : i32
      %dma_wait3A_348 = tpu.memref_slice %arg2[%mul3A_4, %dma_wait3A_347] : memref<10112x32xf32, #tpu.memory_space<hbm>> -> memref<632x32xf32, #tpu.memory_space<hbm>>
      tpu.wait_dma2 semaphore(%run_scoped3A : memref<!tpu.dma_semaphore, #tpu.memory_space<semaphore_mem>>) src(%dma_wait3A_348 : memref<632x32xf32, #tpu.memory_space<hbm>>) dst(%dma_wait3A_346 : memref<632x32xf32, #tpu.memory_space<vmem_shared>>)
      tpu.yield
    }) : () -> ()
    %eq3A = arith.constant 0 : i32
    %eq3A_7 = arith.cmpi eq, %arg0, %eq3A : i32
    %convert_element_type3A = arith.extui %eq3A_7 : i1 to i32
    %cond3A = arith.constant 0 : i32
    %cond3A_8 = arith.cmpi ne, %convert_element_type3A, %cond3A : i32
    scf.if %cond3A_8 {
      %mul3A_341 = arith.constant 632 : i32
      %mul3A_342 = arith.muli %arg1, %mul3A_341 : i32
      %mul3A_343 = arith.constant 632 : i32
      %mul3A_344 = arith.muli %arg1, %mul3A_343 : i32
      "tpu.region"() ({
        %run_scoped3A = tpu.sem_alloc : memref<!tpu.dma_semaphore, #tpu.memory_space<semaphore_mem>>
        %dma_start3A_345 = arith.constant 0 : i32
        %dma_start3A_346 = tpu.memref_slice %arg30[%mul3A_344, %dma_start3A_345] : memref<10112x32xf32, #tpu.memory_space<vmem_shared>> -> memref<632x32xf32, #tpu.memory_space<vmem_shared>>
        %dma_start3A_347 = arith.constant 0 : i32
        %dma_start3A_348 = tpu.memref_slice %arg2[%mul3A_342, %dma_start3A_347] : memref<10112x32xf32, #tpu.memory_space<hbm>> -> memref<632x32xf32, #tpu.memory_space<hbm>>
        tpu.enqueue_dma source(%dma_start3A_348 : memref<632x32xf32, #tpu.memory_space<hbm>>) target(%dma_start3A_346 : memref<632x32xf32, #tpu.memory_space<vmem_shared>>) target_semaphore(%run_scoped3A : memref<!tpu.dma_semaphore, #tpu.memory_space<semaphore_mem>>)
        %dma_wait3A_349 = arith.constant 0 : i32
        %dma_wait3A_350 = tpu.memref_slice %arg30[%mul3A_344, %dma_wait3A_349] : memref<10112x32xf32, #tpu.memory_space<vmem_shared>> -> memref<632x32xf32, #tpu.memory_space<vmem_shared>>
        %dma_wait3A_351 = arith.constant 0 : i32
        %dma_wait3A_352 = tpu.memref_slice %arg2[%mul3A_342, %dma_wait3A_351] : memref<10112x32xf32, #tpu.memory_space<hbm>> -> memref<632x32xf32, #tpu.memory_space<hbm>>
        tpu.wait_dma2 semaphore(%run_scoped3A : memref<!tpu.dma_semaphore, #tpu.memory_space<semaphore_mem>>) src(%dma_wait3A_352 : memref<632x32xf32, #tpu.memory_space<hbm>>) dst(%dma_wait3A_350 : memref<632x32xf32, #tpu.memory_space<vmem_shared>>)
        tpu.yield
      }) : () -> ()
    } else {
    }
    %ne3A = arith.constant 0 : i32
    %ne3A_9 = arith.cmpi ne, %arg0, %ne3A : i32
    %convert_element_type3A_10 = arith.extui %ne3A_9 : i1 to i32
    %cond3A_11 = arith.constant 0 : i32
    %cond3A_12 = arith.cmpi ne, %convert_element_type3A_10, %cond3A_11 : i32
    scf.if %cond3A_12 {
      %mul3A_341 = arith.constant 632 : i32
      %mul3A_342 = arith.muli %arg1, %mul3A_341 : i32
      %mul3A_343 = arith.constant 632 : i32
      %mul3A_344 = arith.muli %arg1, %mul3A_343 : i32
      "tpu.region"() ({
        %run_scoped3A = tpu.sem_alloc : memref<!tpu.dma_semaphore, #tpu.memory_space<semaphore_mem>>
        %dma_start3A_345 = arith.constant 0 : i32
        %dma_start3A_346 = tpu.memref_slice %arg30[%mul3A_344, %dma_start3A_345] : memref<10112x32xf32, #tpu.memory_space<vmem_shared>> -> memref<632x32xf32, #tpu.memory_space<vmem_shared>>
        %dma_start3A_347 = arith.constant 0 : i32
        %dma_start3A_348 = tpu.memref_slice %arg4[%mul3A_342, %dma_start3A_347] : memref<10112x32xf32, #tpu.memory_space<hbm>> -> memref<632x32xf32, #tpu.memory_space<hbm>>
        tpu.enqueue_dma source(%dma_start3A_348 : memref<632x32xf32, #tpu.memory_space<hbm>>) target(%dma_start3A_346 : memref<632x32xf32, #tpu.memory_space<vmem_shared>>) target_semaphore(%run_scoped3A : memref<!tpu.dma_semaphore, #tpu.memory_space<semaphore_mem>>)
        %dma_wait3A_349 = arith.constant 0 : i32
        %dma_wait3A_350 = tpu.memref_slice %arg30[%mul3A_344, %dma_wait3A_349] : memref<10112x32xf32, #tpu.memory_space<vmem_shared>> -> memref<632x32xf32, #tpu.memory_space<vmem_shared>>
        %dma_wait3A_351 = arith.constant 0 : i32
        %dma_wait3A_352 = tpu.memref_slice %arg4[%mul3A_342, %dma_wait3A_351] : memref<10112x32xf32, #tpu.memory_space<hbm>> -> memref<632x32xf32, #tpu.memory_space<hbm>>
        tpu.wait_dma2 semaphore(%run_scoped3A : memref<!tpu.dma_semaphore, #tpu.memory_space<semaphore_mem>>) src(%dma_wait3A_352 : memref<632x32xf32, #tpu.memory_space<hbm>>) dst(%dma_wait3A_350 : memref<632x32xf32, #tpu.memory_space<vmem_shared>>)
        tpu.yield
      }) : () -> ()
    } else {
    }
    %barrier3A = arith.constant 0 : index
    tpu.barrier barrier_id(%barrier3A)
    %min3A = arith.constant 0 : i32
    %min3A_13 = arith.constant 38 : i32
    %min3A_14 = arith.minsi %min3A, %min3A_13 : i32
    %mul3A_15 = arith.constant 2 : i32
    %mul3A_16 = arith.muli %mul3A_15, %min3A_14 : i32
    %add3A_17 = arith.addi %mul3A_2, %mul3A_16 : i32
    %dma_start3A = arith.constant 0 : i32
    %dma_start3A_18 = arith.constant 0 : i32
    %dma_start3A_19 = tpu.memref_slice %arg3[%dma_start3A, %add3A_17, %dma_start3A_18] : memref<2x2500x128xi32, #tpu.memory_space<hbm>> -> memref<2x2x128xi32, #tpu.memory_space<hbm>>
    %dma_start3A_20 = arith.constant 0 : i32
    %dma_start3A_21 = arith.constant 0 : i32
    %dma_start3A_22 = tpu.memref_slice %arg3[%dma_start3A_20, %add3A_17, %dma_start3A_21] : memref<2x2500x128xi32, #tpu.memory_space<hbm>> -> memref<2x2x128xi32, #tpu.memory_space<hbm>>
    tpu.enqueue_dma source(%dma_start3A_22 : memref<2x2x128xi32, #tpu.memory_space<hbm>>) target(%arg6 : memref<2x2x128xi32, #tpu.memory_space<vmem>>) target_semaphore(%arg18 : memref<!tpu.dma_semaphore, #tpu.memory_space<semaphore_mem>>)
    %min3A_23 = arith.constant 1 : i32
    %min3A_24 = arith.constant 38 : i32
    %min3A_25 = arith.minsi %min3A_23, %min3A_24 : i32
    %mul3A_26 = arith.constant 2 : i32
    %mul3A_27 = arith.muli %mul3A_26, %min3A_25 : i32
    %add3A_28 = arith.addi %mul3A_2, %mul3A_27 : i32
    %dma_start3A_29 = arith.constant 0 : i32
    %dma_start3A_30 = arith.constant 0 : i32
    %dma_start3A_31 = tpu.memref_slice %arg3[%dma_start3A_29, %add3A_28, %dma_start3A_30] : memref<2x2500x128xi32, #tpu.memory_space<hbm>> -> memref<2x2x128xi32, #tpu.memory_space<hbm>>
    %dma_start3A_32 = arith.constant 0 : i32
    %dma_start3A_33 = arith.constant 0 : i32
    %dma_start3A_34 = tpu.memref_slice %arg3[%dma_start3A_32, %add3A_28, %dma_start3A_33] : memref<2x2500x128xi32, #tpu.memory_space<hbm>> -> memref<2x2x128xi32, #tpu.memory_space<hbm>>
    tpu.enqueue_dma source(%dma_start3A_34 : memref<2x2x128xi32, #tpu.memory_space<hbm>>) target(%arg7 : memref<2x2x128xi32, #tpu.memory_space<vmem>>) target_semaphore(%arg19 : memref<!tpu.dma_semaphore, #tpu.memory_space<semaphore_mem>>)
    %dma_wait3A = arith.constant 0 : i32
    %dma_wait3A_35 = arith.constant 0 : i32
    %dma_wait3A_36 = tpu.memref_slice %arg3[%dma_wait3A, %mul3A_2, %dma_wait3A_35] : memref<2x2500x128xi32, #tpu.memory_space<hbm>> -> memref<2x2x128xi32, #tpu.memory_space<hbm>>
    %dma_wait3A_37 = arith.constant 0 : i32
    %dma_wait3A_38 = arith.constant 0 : i32
    %dma_wait3A_39 = tpu.memref_slice %arg3[%dma_wait3A_37, %mul3A_2, %dma_wait3A_38] : memref<2x2500x128xi32, #tpu.memory_space<hbm>> -> memref<2x2x128xi32, #tpu.memory_space<hbm>>
    tpu.wait_dma2 semaphore(%arg18 : memref<!tpu.dma_semaphore, #tpu.memory_space<semaphore_mem>>) src(%dma_wait3A_39 : memref<2x2x128xi32, #tpu.memory_space<hbm>>) dst(%arg6 : memref<2x2x128xi32, #tpu.memory_space<vmem>>)
    %dma_start3A_40 = arith.constant 0 : i32
    %dma_start3A_41 = arith.constant 0 : i32
    %dma_start3A_42 = arith.constant 0 : i32
    %dma_start3A_43 = tpu.memref_slice %arg6[%dma_start3A_40, %dma_start3A_41, %dma_start3A_42] : memref<2x2x128xi32, #tpu.memory_space<vmem>> -> memref<1x1x128xi32, #tpu.memory_space<vmem>>
    %dma_start3A_44 = tpu.memref_squeeze %dma_start3A_43 : memref<1x1x128xi32, #tpu.memory_space<vmem>> -> memref<128xi32, #tpu.memory_space<vmem>>
    %dma_start3A_45 = arith.constant 0 : i32
    %dma_start3A_46 = arith.constant 0 : i32
    %dma_start3A_47 = tpu.memref_slice %arg31[%dma_start3A_45, %dma_start3A_46] : memref<10112x32xf32, #tpu.memory_space<vmem_shared>> -> memref<10112x32xf32, #tpu.memory_space<vmem_shared>>
    tpu.enqueue_indirect_dma source(%dma_start3A_47 : memref<10112x32xf32, #tpu.memory_space<vmem_shared>>) target(%arg10 : memref<128x32xf32, #tpu.memory_space<vmem>>) offsets(%dma_start3A_44 : memref<128xi32, #tpu.memory_space<vmem>>) semaphore(%arg22 : memref<!tpu.dma_semaphore, #tpu.memory_space<semaphore_mem>>)
    %dma_start3A_48 = arith.constant 0 : i32
    %dma_start3A_49 = arith.constant 1 : i32
    %dma_start3A_50 = arith.constant 0 : i32
    %dma_start3A_51 = tpu.memref_slice %arg6[%dma_start3A_48, %dma_start3A_49, %dma_start3A_50] : memref<2x2x128xi32, #tpu.memory_space<vmem>> -> memref<1x1x128xi32, #tpu.memory_space<vmem>>
    %dma_start3A_52 = tpu.memref_squeeze %dma_start3A_51 : memref<1x1x128xi32, #tpu.memory_space<vmem>> -> memref<128xi32, #tpu.memory_space<vmem>>
    %dma_start3A_53 = arith.constant 0 : i32
    %dma_start3A_54 = arith.constant 0 : i32
    %dma_start3A_55 = tpu.memref_slice %arg31[%dma_start3A_53, %dma_start3A_54] : memref<10112x32xf32, #tpu.memory_space<vmem_shared>> -> memref<10112x32xf32, #tpu.memory_space<vmem_shared>>
    tpu.enqueue_indirect_dma source(%dma_start3A_55 : memref<10112x32xf32, #tpu.memory_space<vmem_shared>>) target(%arg14 : memref<128x32xf32, #tpu.memory_space<vmem>>) offsets(%dma_start3A_52 : memref<128xi32, #tpu.memory_space<vmem>>) semaphore(%arg22 : memref<!tpu.dma_semaphore, #tpu.memory_space<semaphore_mem>>)
    %dma_wait3A_56 = arith.constant 0 : i32
    %dma_wait3A_57 = arith.constant 0 : i32
    %dma_wait3A_58 = arith.constant 0 : i32
    %dma_wait3A_59 = tpu.memref_slice %arg6[%dma_wait3A_56, %dma_wait3A_57, %dma_wait3A_58] : memref<2x2x128xi32, #tpu.memory_space<vmem>> -> memref<1x1x128xi32, #tpu.memory_space<vmem>>
    %dma_wait3A_60 = tpu.memref_squeeze %dma_wait3A_59 : memref<1x1x128xi32, #tpu.memory_space<vmem>> -> memref<128xi32, #tpu.memory_space<vmem>>
    %dma_wait3A_61 = arith.constant 0 : i32
    %dma_wait3A_62 = arith.constant 0 : i32
    %dma_wait3A_63 = tpu.memref_slice %arg31[%dma_wait3A_61, %dma_wait3A_62] : memref<10112x32xf32, #tpu.memory_space<vmem_shared>> -> memref<10112x32xf32, #tpu.memory_space<vmem_shared>>
    tpu.wait_indirect_dma semaphore(%arg22 : memref<!tpu.dma_semaphore, #tpu.memory_space<semaphore_mem>>) src(%dma_wait3A_63 : memref<10112x32xf32, #tpu.memory_space<vmem_shared>>) dst(%arg10 : memref<128x32xf32, #tpu.memory_space<vmem>>)
    %dma_wait3A_64 = arith.constant 0 : i32
    %dma_wait3A_65 = arith.constant 1 : i32
    %dma_wait3A_66 = arith.constant 0 : i32
    %dma_wait3A_67 = tpu.memref_slice %arg6[%dma_wait3A_64, %dma_wait3A_65, %dma_wait3A_66] : memref<2x2x128xi32, #tpu.memory_space<vmem>> -> memref<1x1x128xi32, #tpu.memory_space<vmem>>
    %dma_wait3A_68 = tpu.memref_squeeze %dma_wait3A_67 : memref<1x1x128xi32, #tpu.memory_space<vmem>> -> memref<128xi32, #tpu.memory_space<vmem>>
    %dma_wait3A_69 = arith.constant 0 : i32
    %dma_wait3A_70 = arith.constant 0 : i32
    %dma_wait3A_71 = tpu.memref_slice %arg31[%dma_wait3A_69, %dma_wait3A_70] : memref<10112x32xf32, #tpu.memory_space<vmem_shared>> -> memref<10112x32xf32, #tpu.memory_space<vmem_shared>>
    tpu.wait_indirect_dma semaphore(%arg22 : memref<!tpu.dma_semaphore, #tpu.memory_space<semaphore_mem>>) src(%dma_wait3A_71 : memref<10112x32xf32, #tpu.memory_space<vmem_shared>>) dst(%arg14 : memref<128x32xf32, #tpu.memory_space<vmem>>)
    %min3A_72 = arith.constant 2 : i32
    %min3A_73 = arith.constant 38 : i32
    %min3A_74 = arith.minsi %min3A_72, %min3A_73 : i32
    %mul3A_75 = arith.constant 2 : i32
    %mul3A_76 = arith.muli %mul3A_75, %min3A_74 : i32
    %add3A_77 = arith.addi %mul3A_2, %mul3A_76 : i32
    %dma_start3A_78 = arith.constant 0 : i32
    %dma_start3A_79 = arith.constant 0 : i32
    %dma_start3A_80 = tpu.memref_slice %arg3[%dma_start3A_78, %add3A_77, %dma_start3A_79] : memref<2x2500x128xi32, #tpu.memory_space<hbm>> -> memref<2x2x128xi32, #tpu.memory_space<hbm>>
    %dma_start3A_81 = arith.constant 0 : i32
    %dma_start3A_82 = arith.constant 0 : i32
    %dma_start3A_83 = tpu.memref_slice %arg3[%dma_start3A_81, %add3A_77, %dma_start3A_82] : memref<2x2500x128xi32, #tpu.memory_space<hbm>> -> memref<2x2x128xi32, #tpu.memory_space<hbm>>
    tpu.enqueue_dma source(%dma_start3A_83 : memref<2x2x128xi32, #tpu.memory_space<hbm>>) target(%arg8 : memref<2x2x128xi32, #tpu.memory_space<vmem>>) target_semaphore(%arg20 : memref<!tpu.dma_semaphore, #tpu.memory_space<semaphore_mem>>)
    %dma_wait3A_84 = arith.constant 0 : i32
    %dma_wait3A_85 = arith.constant 0 : i32
    %dma_wait3A_86 = tpu.memref_slice %arg3[%dma_wait3A_84, %mul3A_2, %dma_wait3A_85] : memref<2x2500x128xi32, #tpu.memory_space<hbm>> -> memref<2x2x128xi32, #tpu.memory_space<hbm>>
    %dma_wait3A_87 = arith.constant 0 : i32
    %dma_wait3A_88 = arith.constant 0 : i32
    %dma_wait3A_89 = tpu.memref_slice %arg3[%dma_wait3A_87, %mul3A_2, %dma_wait3A_88] : memref<2x2500x128xi32, #tpu.memory_space<hbm>> -> memref<2x2x128xi32, #tpu.memory_space<hbm>>
    tpu.wait_dma2 semaphore(%arg19 : memref<!tpu.dma_semaphore, #tpu.memory_space<semaphore_mem>>) src(%dma_wait3A_89 : memref<2x2x128xi32, #tpu.memory_space<hbm>>) dst(%arg7 : memref<2x2x128xi32, #tpu.memory_space<vmem>>)
    %dma_start3A_90 = arith.constant 0 : i32
    %dma_start3A_91 = arith.constant 0 : i32
    %dma_start3A_92 = arith.constant 0 : i32
    %dma_start3A_93 = tpu.memref_slice %arg7[%dma_start3A_90, %dma_start3A_91, %dma_start3A_92] : memref<2x2x128xi32, #tpu.memory_space<vmem>> -> memref<1x1x128xi32, #tpu.memory_space<vmem>>
    %dma_start3A_94 = tpu.memref_squeeze %dma_start3A_93 : memref<1x1x128xi32, #tpu.memory_space<vmem>> -> memref<128xi32, #tpu.memory_space<vmem>>
    %dma_start3A_95 = arith.constant 0 : i32
    %dma_start3A_96 = arith.constant 0 : i32
    %dma_start3A_97 = tpu.memref_slice %arg31[%dma_start3A_95, %dma_start3A_96] : memref<10112x32xf32, #tpu.memory_space<vmem_shared>> -> memref<10112x32xf32, #tpu.memory_space<vmem_shared>>
    tpu.enqueue_indirect_dma source(%dma_start3A_97 : memref<10112x32xf32, #tpu.memory_space<vmem_shared>>) target(%arg11 : memref<128x32xf32, #tpu.memory_space<vmem>>) offsets(%dma_start3A_94 : memref<128xi32, #tpu.memory_space<vmem>>) semaphore(%arg23 : memref<!tpu.dma_semaphore, #tpu.memory_space<semaphore_mem>>)
    %dma_start3A_98 = arith.constant 0 : i32
    %dma_start3A_99 = arith.constant 1 : i32
    %dma_start3A_100 = arith.constant 0 : i32
    %dma_start3A_101 = tpu.memref_slice %arg7[%dma_start3A_98, %dma_start3A_99, %dma_start3A_100] : memref<2x2x128xi32, #tpu.memory_space<vmem>> -> memref<1x1x128xi32, #tpu.memory_space<vmem>>
    %dma_start3A_102 = tpu.memref_squeeze %dma_start3A_101 : memref<1x1x128xi32, #tpu.memory_space<vmem>> -> memref<128xi32, #tpu.memory_space<vmem>>
    %dma_start3A_103 = arith.constant 0 : i32
    %dma_start3A_104 = arith.constant 0 : i32
    %dma_start3A_105 = tpu.memref_slice %arg31[%dma_start3A_103, %dma_start3A_104] : memref<10112x32xf32, #tpu.memory_space<vmem_shared>> -> memref<10112x32xf32, #tpu.memory_space<vmem_shared>>
    tpu.enqueue_indirect_dma source(%dma_start3A_105 : memref<10112x32xf32, #tpu.memory_space<vmem_shared>>) target(%arg15 : memref<128x32xf32, #tpu.memory_space<vmem>>) offsets(%dma_start3A_102 : memref<128xi32, #tpu.memory_space<vmem>>) semaphore(%arg23 : memref<!tpu.dma_semaphore, #tpu.memory_space<semaphore_mem>>)
    %dma_start3A_106 = arith.constant 1 : i32
    %dma_start3A_107 = arith.constant 0 : i32
    %dma_start3A_108 = arith.constant 0 : i32
    %dma_start3A_109 = tpu.memref_slice %arg6[%dma_start3A_106, %dma_start3A_107, %dma_start3A_108] : memref<2x2x128xi32, #tpu.memory_space<vmem>> -> memref<1x1x128xi32, #tpu.memory_space<vmem>>
    %dma_start3A_110 = tpu.memref_squeeze %dma_start3A_109 : memref<1x1x128xi32, #tpu.memory_space<vmem>> -> memref<128xi32, #tpu.memory_space<vmem>>
    %dma_start3A_111 = arith.constant 0 : i32
    %dma_start3A_112 = arith.constant 0 : i32
    %dma_start3A_113 = tpu.memref_slice %arg30[%dma_start3A_111, %dma_start3A_112] : memref<10112x32xf32, #tpu.memory_space<vmem_shared>> -> memref<10112x32xf32, #tpu.memory_space<vmem_shared>>
    tpu.enqueue_indirect_dma source(%arg10 : memref<128x32xf32, #tpu.memory_space<vmem>>) target(%dma_start3A_113 : memref<10112x32xf32, #tpu.memory_space<vmem_shared>>) offsets(%dma_start3A_110 : memref<128xi32, #tpu.memory_space<vmem>>) semaphore(%arg26 : memref<!tpu.dma_semaphore, #tpu.memory_space<semaphore_mem>>) {add = true}
    %dma_start3A_114 = arith.constant 1 : i32
    %dma_start3A_115 = arith.constant 1 : i32
    %dma_start3A_116 = arith.constant 0 : i32
    %dma_start3A_117 = tpu.memref_slice %arg6[%dma_start3A_114, %dma_start3A_115, %dma_start3A_116] : memref<2x2x128xi32, #tpu.memory_space<vmem>> -> memref<1x1x128xi32, #tpu.memory_space<vmem>>
    %dma_start3A_118 = tpu.memref_squeeze %dma_start3A_117 : memref<1x1x128xi32, #tpu.memory_space<vmem>> -> memref<128xi32, #tpu.memory_space<vmem>>
    %dma_start3A_119 = arith.constant 0 : i32
    %dma_start3A_120 = arith.constant 0 : i32
    %dma_start3A_121 = tpu.memref_slice %arg30[%dma_start3A_119, %dma_start3A_120] : memref<10112x32xf32, #tpu.memory_space<vmem_shared>> -> memref<10112x32xf32, #tpu.memory_space<vmem_shared>>
    tpu.enqueue_indirect_dma source(%arg14 : memref<128x32xf32, #tpu.memory_space<vmem>>) target(%dma_start3A_121 : memref<10112x32xf32, #tpu.memory_space<vmem_shared>>) offsets(%dma_start3A_118 : memref<128xi32, #tpu.memory_space<vmem>>) semaphore(%arg26 : memref<!tpu.dma_semaphore, #tpu.memory_space<semaphore_mem>>) {add = true}
    %dma_wait3A_122 = arith.constant 0 : i32
    %dma_wait3A_123 = arith.constant 0 : i32
    %dma_wait3A_124 = arith.constant 0 : i32
    %dma_wait3A_125 = tpu.memref_slice %arg7[%dma_wait3A_122, %dma_wait3A_123, %dma_wait3A_124] : memref<2x2x128xi32, #tpu.memory_space<vmem>> -> memref<1x1x128xi32, #tpu.memory_space<vmem>>
    %dma_wait3A_126 = tpu.memref_squeeze %dma_wait3A_125 : memref<1x1x128xi32, #tpu.memory_space<vmem>> -> memref<128xi32, #tpu.memory_space<vmem>>
    %dma_wait3A_127 = arith.constant 0 : i32
    %dma_wait3A_128 = arith.constant 0 : i32
    %dma_wait3A_129 = tpu.memref_slice %arg31[%dma_wait3A_127, %dma_wait3A_128] : memref<10112x32xf32, #tpu.memory_space<vmem_shared>> -> memref<10112x32xf32, #tpu.memory_space<vmem_shared>>
    tpu.wait_indirect_dma semaphore(%arg23 : memref<!tpu.dma_semaphore, #tpu.memory_space<semaphore_mem>>) src(%dma_wait3A_129 : memref<10112x32xf32, #tpu.memory_space<vmem_shared>>) dst(%arg11 : memref<128x32xf32, #tpu.memory_space<vmem>>)
    %dma_wait3A_130 = arith.constant 0 : i32
    %dma_wait3A_131 = arith.constant 1 : i32
    %dma_wait3A_132 = arith.constant 0 : i32
    %dma_wait3A_133 = tpu.memref_slice %arg7[%dma_wait3A_130, %dma_wait3A_131, %dma_wait3A_132] : memref<2x2x128xi32, #tpu.memory_space<vmem>> -> memref<1x1x128xi32, #tpu.memory_space<vmem>>
    %dma_wait3A_134 = tpu.memref_squeeze %dma_wait3A_133 : memref<1x1x128xi32, #tpu.memory_space<vmem>> -> memref<128xi32, #tpu.memory_space<vmem>>
    %dma_wait3A_135 = arith.constant 0 : i32
    %dma_wait3A_136 = arith.constant 0 : i32
    %dma_wait3A_137 = tpu.memref_slice %arg31[%dma_wait3A_135, %dma_wait3A_136] : memref<10112x32xf32, #tpu.memory_space<vmem_shared>> -> memref<10112x32xf32, #tpu.memory_space<vmem_shared>>
    tpu.wait_indirect_dma semaphore(%arg23 : memref<!tpu.dma_semaphore, #tpu.memory_space<semaphore_mem>>) src(%dma_wait3A_137 : memref<10112x32xf32, #tpu.memory_space<vmem_shared>>) dst(%arg15 : memref<128x32xf32, #tpu.memory_space<vmem>>)
    %min3A_138 = arith.constant 3 : i32
    %min3A_139 = arith.constant 38 : i32
    %min3A_140 = arith.minsi %min3A_138, %min3A_139 : i32
    %mul3A_141 = arith.constant 2 : i32
    %mul3A_142 = arith.muli %mul3A_141, %min3A_140 : i32
    %add3A_143 = arith.addi %mul3A_2, %mul3A_142 : i32
    %dma_start3A_144 = arith.constant 0 : i32
    %dma_start3A_145 = arith.constant 0 : i32
    %dma_start3A_146 = tpu.memref_slice %arg3[%dma_start3A_144, %add3A_143, %dma_start3A_145] : memref<2x2500x128xi32, #tpu.memory_space<hbm>> -> memref<2x2x128xi32, #tpu.memory_space<hbm>>
    %dma_start3A_147 = arith.constant 0 : i32
    %dma_start3A_148 = arith.constant 0 : i32
    %dma_start3A_149 = tpu.memref_slice %arg3[%dma_start3A_147, %add3A_143, %dma_start3A_148] : memref<2x2500x128xi32, #tpu.memory_space<hbm>> -> memref<2x2x128xi32, #tpu.memory_space<hbm>>
    tpu.enqueue_dma source(%dma_start3A_149 : memref<2x2x128xi32, #tpu.memory_space<hbm>>) target(%arg9 : memref<2x2x128xi32, #tpu.memory_space<vmem>>) target_semaphore(%arg21 : memref<!tpu.dma_semaphore, #tpu.memory_space<semaphore_mem>>)
    %dma_wait3A_150 = arith.constant 0 : i32
    %dma_wait3A_151 = arith.constant 0 : i32
    %dma_wait3A_152 = tpu.memref_slice %arg3[%dma_wait3A_150, %mul3A_2, %dma_wait3A_151] : memref<2x2500x128xi32, #tpu.memory_space<hbm>> -> memref<2x2x128xi32, #tpu.memory_space<hbm>>
    %dma_wait3A_153 = arith.constant 0 : i32
    %dma_wait3A_154 = arith.constant 0 : i32
    %dma_wait3A_155 = tpu.memref_slice %arg3[%dma_wait3A_153, %mul3A_2, %dma_wait3A_154] : memref<2x2500x128xi32, #tpu.memory_space<hbm>> -> memref<2x2x128xi32, #tpu.memory_space<hbm>>
    tpu.wait_dma2 semaphore(%arg20 : memref<!tpu.dma_semaphore, #tpu.memory_space<semaphore_mem>>) src(%dma_wait3A_155 : memref<2x2x128xi32, #tpu.memory_space<hbm>>) dst(%arg8 : memref<2x2x128xi32, #tpu.memory_space<vmem>>)
    %dma_start3A_156 = arith.constant 0 : i32
    %dma_start3A_157 = arith.constant 0 : i32
    %dma_start3A_158 = arith.constant 0 : i32
    %dma_start3A_159 = tpu.memref_slice %arg8[%dma_start3A_156, %dma_start3A_157, %dma_start3A_158] : memref<2x2x128xi32, #tpu.memory_space<vmem>> -> memref<1x1x128xi32, #tpu.memory_space<vmem>>
    %dma_start3A_160 = tpu.memref_squeeze %dma_start3A_159 : memref<1x1x128xi32, #tpu.memory_space<vmem>> -> memref<128xi32, #tpu.memory_space<vmem>>
    %dma_start3A_161 = arith.constant 0 : i32
    %dma_start3A_162 = arith.constant 0 : i32
    %dma_start3A_163 = tpu.memref_slice %arg31[%dma_start3A_161, %dma_start3A_162] : memref<10112x32xf32, #tpu.memory_space<vmem_shared>> -> memref<10112x32xf32, #tpu.memory_space<vmem_shared>>
    tpu.enqueue_indirect_dma source(%dma_start3A_163 : memref<10112x32xf32, #tpu.memory_space<vmem_shared>>) target(%arg12 : memref<128x32xf32, #tpu.memory_space<vmem>>) offsets(%dma_start3A_160 : memref<128xi32, #tpu.memory_space<vmem>>) semaphore(%arg24 : memref<!tpu.dma_semaphore, #tpu.memory_space<semaphore_mem>>)
    %dma_start3A_164 = arith.constant 0 : i32
    %dma_start3A_165 = arith.constant 1 : i32
    %dma_start3A_166 = arith.constant 0 : i32
    %dma_start3A_167 = tpu.memref_slice %arg8[%dma_start3A_164, %dma_start3A_165, %dma_start3A_166] : memref<2x2x128xi32, #tpu.memory_space<vmem>> -> memref<1x1x128xi32, #tpu.memory_space<vmem>>
    %dma_start3A_168 = tpu.memref_squeeze %dma_start3A_167 : memref<1x1x128xi32, #tpu.memory_space<vmem>> -> memref<128xi32, #tpu.memory_space<vmem>>
    %dma_start3A_169 = arith.constant 0 : i32
    %dma_start3A_170 = arith.constant 0 : i32
    %dma_start3A_171 = tpu.memref_slice %arg31[%dma_start3A_169, %dma_start3A_170] : memref<10112x32xf32, #tpu.memory_space<vmem_shared>> -> memref<10112x32xf32, #tpu.memory_space<vmem_shared>>
    tpu.enqueue_indirect_dma source(%dma_start3A_171 : memref<10112x32xf32, #tpu.memory_space<vmem_shared>>) target(%arg16 : memref<128x32xf32, #tpu.memory_space<vmem>>) offsets(%dma_start3A_168 : memref<128xi32, #tpu.memory_space<vmem>>) semaphore(%arg24 : memref<!tpu.dma_semaphore, #tpu.memory_space<semaphore_mem>>)
    %dma_start3A_172 = arith.constant 1 : i32
    %dma_start3A_173 = arith.constant 0 : i32
    %dma_start3A_174 = arith.constant 0 : i32
    %dma_start3A_175 = tpu.memref_slice %arg7[%dma_start3A_172, %dma_start3A_173, %dma_start3A_174] : memref<2x2x128xi32, #tpu.memory_space<vmem>> -> memref<1x1x128xi32, #tpu.memory_space<vmem>>
    %dma_start3A_176 = tpu.memref_squeeze %dma_start3A_175 : memref<1x1x128xi32, #tpu.memory_space<vmem>> -> memref<128xi32, #tpu.memory_space<vmem>>
    %dma_start3A_177 = arith.constant 0 : i32
    %dma_start3A_178 = arith.constant 0 : i32
    %dma_start3A_179 = tpu.memref_slice %arg30[%dma_start3A_177, %dma_start3A_178] : memref<10112x32xf32, #tpu.memory_space<vmem_shared>> -> memref<10112x32xf32, #tpu.memory_space<vmem_shared>>
    tpu.enqueue_indirect_dma source(%arg11 : memref<128x32xf32, #tpu.memory_space<vmem>>) target(%dma_start3A_179 : memref<10112x32xf32, #tpu.memory_space<vmem_shared>>) offsets(%dma_start3A_176 : memref<128xi32, #tpu.memory_space<vmem>>) semaphore(%arg27 : memref<!tpu.dma_semaphore, #tpu.memory_space<semaphore_mem>>) {add = true}
    %dma_start3A_180 = arith.constant 1 : i32
    %dma_start3A_181 = arith.constant 1 : i32
    %dma_start3A_182 = arith.constant 0 : i32
    %dma_start3A_183 = tpu.memref_slice %arg7[%dma_start3A_180, %dma_start3A_181, %dma_start3A_182] : memref<2x2x128xi32, #tpu.memory_space<vmem>> -> memref<1x1x128xi32, #tpu.memory_space<vmem>>
    %dma_start3A_184 = tpu.memref_squeeze %dma_start3A_183 : memref<1x1x128xi32, #tpu.memory_space<vmem>> -> memref<128xi32, #tpu.memory_space<vmem>>
    %dma_start3A_185 = arith.constant 0 : i32
    %dma_start3A_186 = arith.constant 0 : i32
    %dma_start3A_187 = tpu.memref_slice %arg30[%dma_start3A_185, %dma_start3A_186] : memref<10112x32xf32, #tpu.memory_space<vmem_shared>> -> memref<10112x32xf32, #tpu.memory_space<vmem_shared>>
    tpu.enqueue_indirect_dma source(%arg15 : memref<128x32xf32, #tpu.memory_space<vmem>>) target(%dma_start3A_187 : memref<10112x32xf32, #tpu.memory_space<vmem_shared>>) offsets(%dma_start3A_184 : memref<128xi32, #tpu.memory_space<vmem>>) semaphore(%arg27 : memref<!tpu.dma_semaphore, #tpu.memory_space<semaphore_mem>>) {add = true}
    %scan3A = arith.constant 0 : i32
    %scan3A_188 = arith.constant 0 : i32
    %scan3A_189 = arith.constant 9 : i32
    %scan3A_190 = arith.addi %scan3A_188, %scan3A_189 : i32
    %scan3A_191 = arith.constant 1 : i32
    scf.for %scan3A_341 = %scan3A_188 to %scan3A_190 step %scan3A_191  : i32 {
      %mul3A_342 = arith.constant 4 : i32
      %mul3A_343 = arith.muli %mul3A_342, %scan3A_341 : i32
      %add3A_344 = arith.constant 2 : i32
      %add3A_345 = arith.addi %add3A_344, %mul3A_343 : i32
      %add3A_346 = arith.constant 0 : i32
      %add3A_347 = arith.addi %add3A_345, %add3A_346 : i32
      %dma_wait3A_348 = arith.constant 0 : i32
      %dma_wait3A_349 = arith.constant 0 : i32
      %dma_wait3A_350 = arith.constant 0 : i32
      %dma_wait3A_351 = tpu.memref_slice %arg8[%dma_wait3A_348, %dma_wait3A_349, %dma_wait3A_350] : memref<2x2x128xi32, #tpu.memory_space<vmem>> -> memref<1x1x128xi32, #tpu.memory_space<vmem>>
      %dma_wait3A_352 = tpu.memref_squeeze %dma_wait3A_351 : memref<1x1x128xi32, #tpu.memory_space<vmem>> -> memref<128xi32, #tpu.memory_space<vmem>>
      %dma_wait3A_353 = arith.constant 0 : i32
      %dma_wait3A_354 = arith.constant 0 : i32
      %dma_wait3A_355 = tpu.memref_slice %arg31[%dma_wait3A_353, %dma_wait3A_354] : memref<10112x32xf32, #tpu.memory_space<vmem_shared>> -> memref<10112x32xf32, #tpu.memory_space<vmem_shared>>
      tpu.wait_indirect_dma semaphore(%arg24 : memref<!tpu.dma_semaphore, #tpu.memory_space<semaphore_mem>>) src(%dma_wait3A_355 : memref<10112x32xf32, #tpu.memory_space<vmem_shared>>) dst(%arg12 : memref<128x32xf32, #tpu.memory_space<vmem>>)
      %dma_wait3A_356 = arith.constant 0 : i32
      %dma_wait3A_357 = arith.constant 1 : i32
      %dma_wait3A_358 = arith.constant 0 : i32
      %dma_wait3A_359 = tpu.memref_slice %arg8[%dma_wait3A_356, %dma_wait3A_357, %dma_wait3A_358] : memref<2x2x128xi32, #tpu.memory_space<vmem>> -> memref<1x1x128xi32, #tpu.memory_space<vmem>>
      %dma_wait3A_360 = tpu.memref_squeeze %dma_wait3A_359 : memref<1x1x128xi32, #tpu.memory_space<vmem>> -> memref<128xi32, #tpu.memory_space<vmem>>
      %dma_wait3A_361 = arith.constant 0 : i32
      %dma_wait3A_362 = arith.constant 0 : i32
      %dma_wait3A_363 = tpu.memref_slice %arg31[%dma_wait3A_361, %dma_wait3A_362] : memref<10112x32xf32, #tpu.memory_space<vmem_shared>> -> memref<10112x32xf32, #tpu.memory_space<vmem_shared>>
      tpu.wait_indirect_dma semaphore(%arg24 : memref<!tpu.dma_semaphore, #tpu.memory_space<semaphore_mem>>) src(%dma_wait3A_363 : memref<10112x32xf32, #tpu.memory_space<vmem_shared>>) dst(%arg16 : memref<128x32xf32, #tpu.memory_space<vmem>>)
      %dma_wait3A_364 = arith.constant 1 : i32
      %dma_wait3A_365 = arith.constant 0 : i32
      %dma_wait3A_366 = arith.constant 0 : i32
      %dma_wait3A_367 = tpu.memref_slice %arg6[%dma_wait3A_364, %dma_wait3A_365, %dma_wait3A_366] : memref<2x2x128xi32, #tpu.memory_space<vmem>> -> memref<1x1x128xi32, #tpu.memory_space<vmem>>
      %dma_wait3A_368 = tpu.memref_squeeze %dma_wait3A_367 : memref<1x1x128xi32, #tpu.memory_space<vmem>> -> memref<128xi32, #tpu.memory_space<vmem>>
      %dma_wait3A_369 = arith.constant 0 : i32
      %dma_wait3A_370 = arith.constant 0 : i32
      %dma_wait3A_371 = tpu.memref_slice %arg30[%dma_wait3A_369, %dma_wait3A_370] : memref<10112x32xf32, #tpu.memory_space<vmem_shared>> -> memref<10112x32xf32, #tpu.memory_space<vmem_shared>>
      tpu.wait_indirect_dma semaphore(%arg26 : memref<!tpu.dma_semaphore, #tpu.memory_space<semaphore_mem>>) src(%arg10 : memref<128x32xf32, #tpu.memory_space<vmem>>) dst(%dma_wait3A_371 : memref<10112x32xf32, #tpu.memory_space<vmem_shared>>)
      %dma_wait3A_372 = arith.constant 1 : i32
      %dma_wait3A_373 = arith.constant 1 : i32
      %dma_wait3A_374 = arith.constant 0 : i32
      %dma_wait3A_375 = tpu.memref_slice %arg6[%dma_wait3A_372, %dma_wait3A_373, %dma_wait3A_374] : memref<2x2x128xi32, #tpu.memory_space<vmem>> -> memref<1x1x128xi32, #tpu.memory_space<vmem>>
      %dma_wait3A_376 = tpu.memref_squeeze %dma_wait3A_375 : memref<1x1x128xi32, #tpu.memory_space<vmem>> -> memref<128xi32, #tpu.memory_space<vmem>>
      %dma_wait3A_377 = arith.constant 0 : i32
      %dma_wait3A_378 = arith.constant 0 : i32
      %dma_wait3A_379 = tpu.memref_slice %arg30[%dma_wait3A_377, %dma_wait3A_378] : memref<10112x32xf32, #tpu.memory_space<vmem_shared>> -> memref<10112x32xf32, #tpu.memory_space<vmem_shared>>
      tpu.wait_indirect_dma semaphore(%arg26 : memref<!tpu.dma_semaphore, #tpu.memory_space<semaphore_mem>>) src(%arg14 : memref<128x32xf32, #tpu.memory_space<vmem>>) dst(%dma_wait3A_379 : memref<10112x32xf32, #tpu.memory_space<vmem_shared>>)
      %add3A_380 = arith.constant 2 : i32
      %add3A_381 = arith.addi %add3A_347, %add3A_380 : i32
      %min3A_382 = arith.constant 38 : i32
      %min3A_383 = arith.minsi %add3A_381, %min3A_382 : i32
      %mul3A_384 = arith.constant 2 : i32
      %mul3A_385 = arith.muli %mul3A_384, %min3A_383 : i32
      %add3A_386 = arith.addi %mul3A_2, %mul3A_385 : i32
      %dma_start3A_387 = arith.constant 0 : i32
      %dma_start3A_388 = arith.constant 0 : i32
      %dma_start3A_389 = tpu.memref_slice %arg3[%dma_start3A_387, %add3A_386, %dma_start3A_388] : memref<2x2500x128xi32, #tpu.memory_space<hbm>> -> memref<2x2x128xi32, #tpu.memory_space<hbm>>
      %dma_start3A_390 = arith.constant 0 : i32
      %dma_start3A_391 = arith.constant 0 : i32
      %dma_start3A_392 = tpu.memref_slice %arg3[%dma_start3A_390, %add3A_386, %dma_start3A_391] : memref<2x2500x128xi32, #tpu.memory_space<hbm>> -> memref<2x2x128xi32, #tpu.memory_space<hbm>>
      tpu.enqueue_dma source(%dma_start3A_392 : memref<2x2x128xi32, #tpu.memory_space<hbm>>) target(%arg6 : memref<2x2x128xi32, #tpu.memory_space<vmem>>) target_semaphore(%arg18 : memref<!tpu.dma_semaphore, #tpu.memory_space<semaphore_mem>>)
      %dma_wait3A_393 = arith.constant 0 : i32
      %dma_wait3A_394 = arith.constant 0 : i32
      %dma_wait3A_395 = tpu.memref_slice %arg3[%dma_wait3A_393, %mul3A_2, %dma_wait3A_394] : memref<2x2500x128xi32, #tpu.memory_space<hbm>> -> memref<2x2x128xi32, #tpu.memory_space<hbm>>
      %dma_wait3A_396 = arith.constant 0 : i32
      %dma_wait3A_397 = arith.constant 0 : i32
      %dma_wait3A_398 = tpu.memref_slice %arg3[%dma_wait3A_396, %mul3A_2, %dma_wait3A_397] : memref<2x2500x128xi32, #tpu.memory_space<hbm>> -> memref<2x2x128xi32, #tpu.memory_space<hbm>>
      tpu.wait_dma2 semaphore(%arg21 : memref<!tpu.dma_semaphore, #tpu.memory_space<semaphore_mem>>) src(%dma_wait3A_398 : memref<2x2x128xi32, #tpu.memory_space<hbm>>) dst(%arg9 : memref<2x2x128xi32, #tpu.memory_space<vmem>>)
      %dma_start3A_399 = arith.constant 0 : i32
      %dma_start3A_400 = arith.constant 0 : i32
      %dma_start3A_401 = arith.constant 0 : i32
      %dma_start3A_402 = tpu.memref_slice %arg9[%dma_start3A_399, %dma_start3A_400, %dma_start3A_401] : memref<2x2x128xi32, #tpu.memory_space<vmem>> -> memref<1x1x128xi32, #tpu.memory_space<vmem>>
      %dma_start3A_403 = tpu.memref_squeeze %dma_start3A_402 : memref<1x1x128xi32, #tpu.memory_space<vmem>> -> memref<128xi32, #tpu.memory_space<vmem>>
      %dma_start3A_404 = arith.constant 0 : i32
      %dma_start3A_405 = arith.constant 0 : i32
      %dma_start3A_406 = tpu.memref_slice %arg31[%dma_start3A_404, %dma_start3A_405] : memref<10112x32xf32, #tpu.memory_space<vmem_shared>> -> memref<10112x32xf32, #tpu.memory_space<vmem_shared>>
      tpu.enqueue_indirect_dma source(%dma_start3A_406 : memref<10112x32xf32, #tpu.memory_space<vmem_shared>>) target(%arg13 : memref<128x32xf32, #tpu.memory_space<vmem>>) offsets(%dma_start3A_403 : memref<128xi32, #tpu.memory_space<vmem>>) semaphore(%arg25 : memref<!tpu.dma_semaphore, #tpu.memory_space<semaphore_mem>>)
      %dma_start3A_407 = arith.constant 0 : i32
      %dma_start3A_408 = arith.constant 1 : i32
      %dma_start3A_409 = arith.constant 0 : i32
      %dma_start3A_410 = tpu.memref_slice %arg9[%dma_start3A_407, %dma_start3A_408, %dma_start3A_409] : memref<2x2x128xi32, #tpu.memory_space<vmem>> -> memref<1x1x128xi32, #tpu.memory_space<vmem>>
      %dma_start3A_411 = tpu.memref_squeeze %dma_start3A_410 : memref<1x1x128xi32, #tpu.memory_space<vmem>> -> memref<128xi32, #tpu.memory_space<vmem>>
      %dma_start3A_412 = arith.constant 0 : i32
      %dma_start3A_413 = arith.constant 0 : i32
      %dma_start3A_414 = tpu.memref_slice %arg31[%dma_start3A_412, %dma_start3A_413] : memref<10112x32xf32, #tpu.memory_space<vmem_shared>> -> memref<10112x32xf32, #tpu.memory_space<vmem_shared>>
      tpu.enqueue_indirect_dma source(%dma_start3A_414 : memref<10112x32xf32, #tpu.memory_space<vmem_shared>>) target(%arg17 : memref<128x32xf32, #tpu.memory_space<vmem>>) offsets(%dma_start3A_411 : memref<128xi32, #tpu.memory_space<vmem>>) semaphore(%arg25 : memref<!tpu.dma_semaphore, #tpu.memory_space<semaphore_mem>>)
      %dma_start3A_415 = arith.constant 1 : i32
      %dma_start3A_416 = arith.constant 0 : i32
      %dma_start3A_417 = arith.constant 0 : i32
      %dma_start3A_418 = tpu.memref_slice %arg8[%dma_start3A_415, %dma_start3A_416, %dma_start3A_417] : memref<2x2x128xi32, #tpu.memory_space<vmem>> -> memref<1x1x128xi32, #tpu.memory_space<vmem>>
      %dma_start3A_419 = tpu.memref_squeeze %dma_start3A_418 : memref<1x1x128xi32, #tpu.memory_space<vmem>> -> memref<128xi32, #tpu.memory_space<vmem>>
      %dma_start3A_420 = arith.constant 0 : i32
      %dma_start3A_421 = arith.constant 0 : i32
      %dma_start3A_422 = tpu.memref_slice %arg30[%dma_start3A_420, %dma_start3A_421] : memref<10112x32xf32, #tpu.memory_space<vmem_shared>> -> memref<10112x32xf32, #tpu.memory_space<vmem_shared>>
      tpu.enqueue_indirect_dma source(%arg12 : memref<128x32xf32, #tpu.memory_space<vmem>>) target(%dma_start3A_422 : memref<10112x32xf32, #tpu.memory_space<vmem_shared>>) offsets(%dma_start3A_419 : memref<128xi32, #tpu.memory_space<vmem>>) semaphore(%arg28 : memref<!tpu.dma_semaphore, #tpu.memory_space<semaphore_mem>>) {add = true}
      %dma_start3A_423 = arith.constant 1 : i32
      %dma_start3A_424 = arith.constant 1 : i32
      %dma_start3A_425 = arith.constant 0 : i32
      %dma_start3A_426 = tpu.memref_slice %arg8[%dma_start3A_423, %dma_start3A_424, %dma_start3A_425] : memref<2x2x128xi32, #tpu.memory_space<vmem>> -> memref<1x1x128xi32, #tpu.memory_space<vmem>>
      %dma_start3A_427 = tpu.memref_squeeze %dma_start3A_426 : memref<1x1x128xi32, #tpu.memory_space<vmem>> -> memref<128xi32, #tpu.memory_space<vmem>>
      %dma_start3A_428 = arith.constant 0 : i32
      %dma_start3A_429 = arith.constant 0 : i32
      %dma_start3A_430 = tpu.memref_slice %arg30[%dma_start3A_428, %dma_start3A_429] : memref<10112x32xf32, #tpu.memory_space<vmem_shared>> -> memref<10112x32xf32, #tpu.memory_space<vmem_shared>>
      tpu.enqueue_indirect_dma source(%arg16 : memref<128x32xf32, #tpu.memory_space<vmem>>) target(%dma_start3A_430 : memref<10112x32xf32, #tpu.memory_space<vmem_shared>>) offsets(%dma_start3A_427 : memref<128xi32, #tpu.memory_space<vmem>>) semaphore(%arg28 : memref<!tpu.dma_semaphore, #tpu.memory_space<semaphore_mem>>) {add = true}
      %add3A_431 = arith.constant 1 : i32
      %add3A_432 = arith.addi %add3A_345, %add3A_431 : i32
      %dma_wait3A_433 = arith.constant 0 : i32
      %dma_wait3A_434 = arith.constant 0 : i32
      %dma_wait3A_435 = arith.constant 0 : i32
      %dma_wait3A_436 = tpu.memref_slice %arg9[%dma_wait3A_433, %dma_wait3A_434, %dma_wait3A_435] : memref<2x2x128xi32, #tpu.memory_space<vmem>> -> memref<1x1x128xi32, #tpu.memory_space<vmem>>
      %dma_wait3A_437 = tpu.memref_squeeze %dma_wait3A_436 : memref<1x1x128xi32, #tpu.memory_space<vmem>> -> memref<128xi32, #tpu.memory_space<vmem>>
      %dma_wait3A_438 = arith.constant 0 : i32
      %dma_wait3A_439 = arith.constant 0 : i32
      %dma_wait3A_440 = tpu.memref_slice %arg31[%dma_wait3A_438, %dma_wait3A_439] : memref<10112x32xf32, #tpu.memory_space<vmem_shared>> -> memref<10112x32xf32, #tpu.memory_space<vmem_shared>>
      tpu.wait_indirect_dma semaphore(%arg25 : memref<!tpu.dma_semaphore, #tpu.memory_space<semaphore_mem>>) src(%dma_wait3A_440 : memref<10112x32xf32, #tpu.memory_space<vmem_shared>>) dst(%arg13 : memref<128x32xf32, #tpu.memory_space<vmem>>)
      %dma_wait3A_441 = arith.constant 0 : i32
      %dma_wait3A_442 = arith.constant 1 : i32
      %dma_wait3A_443 = arith.constant 0 : i32
      %dma_wait3A_444 = tpu.memref_slice %arg9[%dma_wait3A_441, %dma_wait3A_442, %dma_wait3A_443] : memref<2x2x128xi32, #tpu.memory_space<vmem>> -> memref<1x1x128xi32, #tpu.memory_space<vmem>>
      %dma_wait3A_445 = tpu.memref_squeeze %dma_wait3A_444 : memref<1x1x128xi32, #tpu.memory_space<vmem>> -> memref<128xi32, #tpu.memory_space<vmem>>
      %dma_wait3A_446 = arith.constant 0 : i32
      %dma_wait3A_447 = arith.constant 0 : i32
      %dma_wait3A_448 = tpu.memref_slice %arg31[%dma_wait3A_446, %dma_wait3A_447] : memref<10112x32xf32, #tpu.memory_space<vmem_shared>> -> memref<10112x32xf32, #tpu.memory_space<vmem_shared>>
      tpu.wait_indirect_dma semaphore(%arg25 : memref<!tpu.dma_semaphore, #tpu.memory_space<semaphore_mem>>) src(%dma_wait3A_448 : memref<10112x32xf32, #tpu.memory_space<vmem_shared>>) dst(%arg17 : memref<128x32xf32, #tpu.memory_space<vmem>>)
      %dma_wait3A_449 = arith.constant 1 : i32
      %dma_wait3A_450 = arith.constant 0 : i32
      %dma_wait3A_451 = arith.constant 0 : i32
      %dma_wait3A_452 = tpu.memref_slice %arg7[%dma_wait3A_449, %dma_wait3A_450, %dma_wait3A_451] : memref<2x2x128xi32, #tpu.memory_space<vmem>> -> memref<1x1x128xi32, #tpu.memory_space<vmem>>
      %dma_wait3A_453 = tpu.memref_squeeze %dma_wait3A_452 : memref<1x1x128xi32, #tpu.memory_space<vmem>> -> memref<128xi32, #tpu.memory_space<vmem>>
      %dma_wait3A_454 = arith.constant 0 : i32
      %dma_wait3A_455 = arith.constant 0 : i32
      %dma_wait3A_456 = tpu.memref_slice %arg30[%dma_wait3A_454, %dma_wait3A_455] : memref<10112x32xf32, #tpu.memory_space<vmem_shared>> -> memref<10112x32xf32, #tpu.memory_space<vmem_shared>>
      tpu.wait_indirect_dma semaphore(%arg27 : memref<!tpu.dma_semaphore, #tpu.memory_space<semaphore_mem>>) src(%arg11 : memref<128x32xf32, #tpu.memory_space<vmem>>) dst(%dma_wait3A_456 : memref<10112x32xf32, #tpu.memory_space<vmem_shared>>)
      %dma_wait3A_457 = arith.constant 1 : i32
      %dma_wait3A_458 = arith.constant 1 : i32
      %dma_wait3A_459 = arith.constant 0 : i32
      %dma_wait3A_460 = tpu.memref_slice %arg7[%dma_wait3A_457, %dma_wait3A_458, %dma_wait3A_459] : memref<2x2x128xi32, #tpu.memory_space<vmem>> -> memref<1x1x128xi32, #tpu.memory_space<vmem>>
      %dma_wait3A_461 = tpu.memref_squeeze %dma_wait3A_460 : memref<1x1x128xi32, #tpu.memory_space<vmem>> -> memref<128xi32, #tpu.memory_space<vmem>>
      %dma_wait3A_462 = arith.constant 0 : i32
      %dma_wait3A_463 = arith.constant 0 : i32
      %dma_wait3A_464 = tpu.memref_slice %arg30[%dma_wait3A_462, %dma_wait3A_463] : memref<10112x32xf32, #tpu.memory_space<vmem_shared>> -> memref<10112x32xf32, #tpu.memory_space<vmem_shared>>
      tpu.wait_indirect_dma semaphore(%arg27 : memref<!tpu.dma_semaphore, #tpu.memory_space<semaphore_mem>>) src(%arg15 : memref<128x32xf32, #tpu.memory_space<vmem>>) dst(%dma_wait3A_464 : memref<10112x32xf32, #tpu.memory_space<vmem_shared>>)
      %add3A_465 = arith.constant 2 : i32
      %add3A_466 = arith.addi %add3A_432, %add3A_465 : i32
      %min3A_467 = arith.constant 38 : i32
      %min3A_468 = arith.minsi %add3A_466, %min3A_467 : i32
      %mul3A_469 = arith.constant 2 : i32
      %mul3A_470 = arith.muli %mul3A_469, %min3A_468 : i32
      %add3A_471 = arith.addi %mul3A_2, %mul3A_470 : i32
      %dma_start3A_472 = arith.constant 0 : i32
      %dma_start3A_473 = arith.constant 0 : i32
      %dma_start3A_474 = tpu.memref_slice %arg3[%dma_start3A_472, %add3A_471, %dma_start3A_473] : memref<2x2500x128xi32, #tpu.memory_space<hbm>> -> memref<2x2x128xi32, #tpu.memory_space<hbm>>
      %dma_start3A_475 = arith.constant 0 : i32
      %dma_start3A_476 = arith.constant 0 : i32
      %dma_start3A_477 = tpu.memref_slice %arg3[%dma_start3A_475, %add3A_471, %dma_start3A_476] : memref<2x2500x128xi32, #tpu.memory_space<hbm>> -> memref<2x2x128xi32, #tpu.memory_space<hbm>>
      tpu.enqueue_dma source(%dma_start3A_477 : memref<2x2x128xi32, #tpu.memory_space<hbm>>) target(%arg7 : memref<2x2x128xi32, #tpu.memory_space<vmem>>) target_semaphore(%arg19 : memref<!tpu.dma_semaphore, #tpu.memory_space<semaphore_mem>>)
      %dma_wait3A_478 = arith.constant 0 : i32
      %dma_wait3A_479 = arith.constant 0 : i32
      %dma_wait3A_480 = tpu.memref_slice %arg3[%dma_wait3A_478, %mul3A_2, %dma_wait3A_479] : memref<2x2500x128xi32, #tpu.memory_space<hbm>> -> memref<2x2x128xi32, #tpu.memory_space<hbm>>
      %dma_wait3A_481 = arith.constant 0 : i32
      %dma_wait3A_482 = arith.constant 0 : i32
      %dma_wait3A_483 = tpu.memref_slice %arg3[%dma_wait3A_481, %mul3A_2, %dma_wait3A_482] : memref<2x2500x128xi32, #tpu.memory_space<hbm>> -> memref<2x2x128xi32, #tpu.memory_space<hbm>>
      tpu.wait_dma2 semaphore(%arg18 : memref<!tpu.dma_semaphore, #tpu.memory_space<semaphore_mem>>) src(%dma_wait3A_483 : memref<2x2x128xi32, #tpu.memory_space<hbm>>) dst(%arg6 : memref<2x2x128xi32, #tpu.memory_space<vmem>>)
      %dma_start3A_484 = arith.constant 0 : i32
      %dma_start3A_485 = arith.constant 0 : i32
      %dma_start3A_486 = arith.constant 0 : i32
      %dma_start3A_487 = tpu.memref_slice %arg6[%dma_start3A_484, %dma_start3A_485, %dma_start3A_486] : memref<2x2x128xi32, #tpu.memory_space<vmem>> -> memref<1x1x128xi32, #tpu.memory_space<vmem>>
      %dma_start3A_488 = tpu.memref_squeeze %dma_start3A_487 : memref<1x1x128xi32, #tpu.memory_space<vmem>> -> memref<128xi32, #tpu.memory_space<vmem>>
      %dma_start3A_489 = arith.constant 0 : i32
      %dma_start3A_490 = arith.constant 0 : i32
      %dma_start3A_491 = tpu.memref_slice %arg31[%dma_start3A_489, %dma_start3A_490] : memref<10112x32xf32, #tpu.memory_space<vmem_shared>> -> memref<10112x32xf32, #tpu.memory_space<vmem_shared>>
      tpu.enqueue_indirect_dma source(%dma_start3A_491 : memref<10112x32xf32, #tpu.memory_space<vmem_shared>>) target(%arg10 : memref<128x32xf32, #tpu.memory_space<vmem>>) offsets(%dma_start3A_488 : memref<128xi32, #tpu.memory_space<vmem>>) semaphore(%arg22 : memref<!tpu.dma_semaphore, #tpu.memory_space<semaphore_mem>>)
      %dma_start3A_492 = arith.constant 0 : i32
      %dma_start3A_493 = arith.constant 1 : i32
      %dma_start3A_494 = arith.constant 0 : i32
      %dma_start3A_495 = tpu.memref_slice %arg6[%dma_start3A_492, %dma_start3A_493, %dma_start3A_494] : memref<2x2x128xi32, #tpu.memory_space<vmem>> -> memref<1x1x128xi32, #tpu.memory_space<vmem>>
      %dma_start3A_496 = tpu.memref_squeeze %dma_start3A_495 : memref<1x1x128xi32, #tpu.memory_space<vmem>> -> memref<128xi32, #tpu.memory_space<vmem>>
      %dma_start3A_497 = arith.constant 0 : i32
      %dma_start3A_498 = arith.constant 0 : i32
      %dma_start3A_499 = tpu.memref_slice %arg31[%dma_start3A_497, %dma_start3A_498] : memref<10112x32xf32, #tpu.memory_space<vmem_shared>> -> memref<10112x32xf32, #tpu.memory_space<vmem_shared>>
      tpu.enqueue_indirect_dma source(%dma_start3A_499 : memref<10112x32xf32, #tpu.memory_space<vmem_shared>>) target(%arg14 : memref<128x32xf32, #tpu.memory_space<vmem>>) offsets(%dma_start3A_496 : memref<128xi32, #tpu.memory_space<vmem>>) semaphore(%arg22 : memref<!tpu.dma_semaphore, #tpu.memory_space<semaphore_mem>>)
      %dma_start3A_500 = arith.constant 1 : i32
      %dma_start3A_501 = arith.constant 0 : i32
      %dma_start3A_502 = arith.constant 0 : i32
      %dma_start3A_503 = tpu.memref_slice %arg9[%dma_start3A_500, %dma_start3A_501, %dma_start3A_502] : memref<2x2x128xi32, #tpu.memory_space<vmem>> -> memref<1x1x128xi32, #tpu.memory_space<vmem>>
      %dma_start3A_504 = tpu.memref_squeeze %dma_start3A_503 : memref<1x1x128xi32, #tpu.memory_space<vmem>> -> memref<128xi32, #tpu.memory_space<vmem>>
      %dma_start3A_505 = arith.constant 0 : i32
      %dma_start3A_506 = arith.constant 0 : i32
      %dma_start3A_507 = tpu.memref_slice %arg30[%dma_start3A_505, %dma_start3A_506] : memref<10112x32xf32, #tpu.memory_space<vmem_shared>> -> memref<10112x32xf32, #tpu.memory_space<vmem_shared>>
      tpu.enqueue_indirect_dma source(%arg13 : memref<128x32xf32, #tpu.memory_space<vmem>>) target(%dma_start3A_507 : memref<10112x32xf32, #tpu.memory_space<vmem_shared>>) offsets(%dma_start3A_504 : memref<128xi32, #tpu.memory_space<vmem>>) semaphore(%arg29 : memref<!tpu.dma_semaphore, #tpu.memory_space<semaphore_mem>>) {add = true}
      %dma_start3A_508 = arith.constant 1 : i32
      %dma_start3A_509 = arith.constant 1 : i32
      %dma_start3A_510 = arith.constant 0 : i32
      %dma_start3A_511 = tpu.memref_slice %arg9[%dma_start3A_508, %dma_start3A_509, %dma_start3A_510] : memref<2x2x128xi32, #tpu.memory_space<vmem>> -> memref<1x1x128xi32, #tpu.memory_space<vmem>>
      %dma_start3A_512 = tpu.memref_squeeze %dma_start3A_511 : memref<1x1x128xi32, #tpu.memory_space<vmem>> -> memref<128xi32, #tpu.memory_space<vmem>>
      %dma_start3A_513 = arith.constant 0 : i32
      %dma_start3A_514 = arith.constant 0 : i32
      %dma_start3A_515 = tpu.memref_slice %arg30[%dma_start3A_513, %dma_start3A_514] : memref<10112x32xf32, #tpu.memory_space<vmem_shared>> -> memref<10112x32xf32, #tpu.memory_space<vmem_shared>>
      tpu.enqueue_indirect_dma source(%arg17 : memref<128x32xf32, #tpu.memory_space<vmem>>) target(%dma_start3A_515 : memref<10112x32xf32, #tpu.memory_space<vmem_shared>>) offsets(%dma_start3A_512 : memref<128xi32, #tpu.memory_space<vmem>>) semaphore(%arg29 : memref<!tpu.dma_semaphore, #tpu.memory_space<semaphore_mem>>) {add = true}
      %add3A_516 = arith.constant 2 : i32
      %add3A_517 = arith.addi %add3A_345, %add3A_516 : i32
      %dma_wait3A_518 = arith.constant 0 : i32
      %dma_wait3A_519 = arith.constant 0 : i32
      %dma_wait3A_520 = arith.constant 0 : i32
      %dma_wait3A_521 = tpu.memref_slice %arg6[%dma_wait3A_518, %dma_wait3A_519, %dma_wait3A_520] : memref<2x2x128xi32, #tpu.memory_space<vmem>> -> memref<1x1x128xi32, #tpu.memory_space<vmem>>
      %dma_wait3A_522 = tpu.memref_squeeze %dma_wait3A_521 : memref<1x1x128xi32, #tpu.memory_space<vmem>> -> memref<128xi32, #tpu.memory_space<vmem>>
      %dma_wait3A_523 = arith.constant 0 : i32
      %dma_wait3A_524 = arith.constant 0 : i32
      %dma_wait3A_525 = tpu.memref_slice %arg31[%dma_wait3A_523, %dma_wait3A_524] : memref<10112x32xf32, #tpu.memory_space<vmem_shared>> -> memref<10112x32xf32, #tpu.memory_space<vmem_shared>>
      tpu.wait_indirect_dma semaphore(%arg22 : memref<!tpu.dma_semaphore, #tpu.memory_space<semaphore_mem>>) src(%dma_wait3A_525 : memref<10112x32xf32, #tpu.memory_space<vmem_shared>>) dst(%arg10 : memref<128x32xf32, #tpu.memory_space<vmem>>)
      %dma_wait3A_526 = arith.constant 0 : i32
      %dma_wait3A_527 = arith.constant 1 : i32
      %dma_wait3A_528 = arith.constant 0 : i32
      %dma_wait3A_529 = tpu.memref_slice %arg6[%dma_wait3A_526, %dma_wait3A_527, %dma_wait3A_528] : memref<2x2x128xi32, #tpu.memory_space<vmem>> -> memref<1x1x128xi32, #tpu.memory_space<vmem>>
      %dma_wait3A_530 = tpu.memref_squeeze %dma_wait3A_529 : memref<1x1x128xi32, #tpu.memory_space<vmem>> -> memref<128xi32, #tpu.memory_space<vmem>>
      %dma_wait3A_531 = arith.constant 0 : i32
      %dma_wait3A_532 = arith.constant 0 : i32
      %dma_wait3A_533 = tpu.memref_slice %arg31[%dma_wait3A_531, %dma_wait3A_532] : memref<10112x32xf32, #tpu.memory_space<vmem_shared>> -> memref<10112x32xf32, #tpu.memory_space<vmem_shared>>
      tpu.wait_indirect_dma semaphore(%arg22 : memref<!tpu.dma_semaphore, #tpu.memory_space<semaphore_mem>>) src(%dma_wait3A_533 : memref<10112x32xf32, #tpu.memory_space<vmem_shared>>) dst(%arg14 : memref<128x32xf32, #tpu.memory_space<vmem>>)
      %dma_wait3A_534 = arith.constant 1 : i32
      %dma_wait3A_535 = arith.constant 0 : i32
      %dma_wait3A_536 = arith.constant 0 : i32
      %dma_wait3A_537 = tpu.memref_slice %arg8[%dma_wait3A_534, %dma_wait3A_535, %dma_wait3A_536] : memref<2x2x128xi32, #tpu.memory_space<vmem>> -> memref<1x1x128xi32, #tpu.memory_space<vmem>>
      %dma_wait3A_538 = tpu.memref_squeeze %dma_wait3A_537 : memref<1x1x128xi32, #tpu.memory_space<vmem>> -> memref<128xi32, #tpu.memory_space<vmem>>
      %dma_wait3A_539 = arith.constant 0 : i32
      %dma_wait3A_540 = arith.constant 0 : i32
      %dma_wait3A_541 = tpu.memref_slice %arg30[%dma_wait3A_539, %dma_wait3A_540] : memref<10112x32xf32, #tpu.memory_space<vmem_shared>> -> memref<10112x32xf32, #tpu.memory_space<vmem_shared>>
      tpu.wait_indirect_dma semaphore(%arg28 : memref<!tpu.dma_semaphore, #tpu.memory_space<semaphore_mem>>) src(%arg12 : memref<128x32xf32, #tpu.memory_space<vmem>>) dst(%dma_wait3A_541 : memref<10112x32xf32, #tpu.memory_space<vmem_shared>>)
      %dma_wait3A_542 = arith.constant 1 : i32
      %dma_wait3A_543 = arith.constant 1 : i32
      %dma_wait3A_544 = arith.constant 0 : i32
      %dma_wait3A_545 = tpu.memref_slice %arg8[%dma_wait3A_542, %dma_wait3A_543, %dma_wait3A_544] : memref<2x2x128xi32, #tpu.memory_space<vmem>> -> memref<1x1x128xi32, #tpu.memory_space<vmem>>
      %dma_wait3A_546 = tpu.memref_squeeze %dma_wait3A_545 : memref<1x1x128xi32, #tpu.memory_space<vmem>> -> memref<128xi32, #tpu.memory_space<vmem>>
      %dma_wait3A_547 = arith.constant 0 : i32
      %dma_wait3A_548 = arith.constant 0 : i32
      %dma_wait3A_549 = tpu.memref_slice %arg30[%dma_wait3A_547, %dma_wait3A_548] : memref<10112x32xf32, #tpu.memory_space<vmem_shared>> -> memref<10112x32xf32, #tpu.memory_space<vmem_shared>>
      tpu.wait_indirect_dma semaphore(%arg28 : memref<!tpu.dma_semaphore, #tpu.memory_space<semaphore_mem>>) src(%arg16 : memref<128x32xf32, #tpu.memory_space<vmem>>) dst(%dma_wait3A_549 : memref<10112x32xf32, #tpu.memory_space<vmem_shared>>)
      %add3A_550 = arith.constant 2 : i32
      %add3A_551 = arith.addi %add3A_517, %add3A_550 : i32
      %min3A_552 = arith.constant 38 : i32
      %min3A_553 = arith.minsi %add3A_551, %min3A_552 : i32
      %mul3A_554 = arith.constant 2 : i32
      %mul3A_555 = arith.muli %mul3A_554, %min3A_553 : i32
      %add3A_556 = arith.addi %mul3A_2, %mul3A_555 : i32
      %dma_start3A_557 = arith.constant 0 : i32
      %dma_start3A_558 = arith.constant 0 : i32
      %dma_start3A_559 = tpu.memref_slice %arg3[%dma_start3A_557, %add3A_556, %dma_start3A_558] : memref<2x2500x128xi32, #tpu.memory_space<hbm>> -> memref<2x2x128xi32, #tpu.memory_space<hbm>>
      %dma_start3A_560 = arith.constant 0 : i32
      %dma_start3A_561 = arith.constant 0 : i32
      %dma_start3A_562 = tpu.memref_slice %arg3[%dma_start3A_560, %add3A_556, %dma_start3A_561] : memref<2x2500x128xi32, #tpu.memory_space<hbm>> -> memref<2x2x128xi32, #tpu.memory_space<hbm>>
      tpu.enqueue_dma source(%dma_start3A_562 : memref<2x2x128xi32, #tpu.memory_space<hbm>>) target(%arg8 : memref<2x2x128xi32, #tpu.memory_space<vmem>>) target_semaphore(%arg20 : memref<!tpu.dma_semaphore, #tpu.memory_space<semaphore_mem>>)
      %dma_wait3A_563 = arith.constant 0 : i32
      %dma_wait3A_564 = arith.constant 0 : i32
      %dma_wait3A_565 = tpu.memref_slice %arg3[%dma_wait3A_563, %mul3A_2, %dma_wait3A_564] : memref<2x2500x128xi32, #tpu.memory_space<hbm>> -> memref<2x2x128xi32, #tpu.memory_space<hbm>>
      %dma_wait3A_566 = arith.constant 0 : i32
      %dma_wait3A_567 = arith.constant 0 : i32
      %dma_wait3A_568 = tpu.memref_slice %arg3[%dma_wait3A_566, %mul3A_2, %dma_wait3A_567] : memref<2x2500x128xi32, #tpu.memory_space<hbm>> -> memref<2x2x128xi32, #tpu.memory_space<hbm>>
      tpu.wait_dma2 semaphore(%arg19 : memref<!tpu.dma_semaphore, #tpu.memory_space<semaphore_mem>>) src(%dma_wait3A_568 : memref<2x2x128xi32, #tpu.memory_space<hbm>>) dst(%arg7 : memref<2x2x128xi32, #tpu.memory_space<vmem>>)
      %dma_start3A_569 = arith.constant 0 : i32
      %dma_start3A_570 = arith.constant 0 : i32
      %dma_start3A_571 = arith.constant 0 : i32
      %dma_start3A_572 = tpu.memref_slice %arg7[%dma_start3A_569, %dma_start3A_570, %dma_start3A_571] : memref<2x2x128xi32, #tpu.memory_space<vmem>> -> memref<1x1x128xi32, #tpu.memory_space<vmem>>
      %dma_start3A_573 = tpu.memref_squeeze %dma_start3A_572 : memref<1x1x128xi32, #tpu.memory_space<vmem>> -> memref<128xi32, #tpu.memory_space<vmem>>
      %dma_start3A_574 = arith.constant 0 : i32
      %dma_start3A_575 = arith.constant 0 : i32
      %dma_start3A_576 = tpu.memref_slice %arg31[%dma_start3A_574, %dma_start3A_575] : memref<10112x32xf32, #tpu.memory_space<vmem_shared>> -> memref<10112x32xf32, #tpu.memory_space<vmem_shared>>
      tpu.enqueue_indirect_dma source(%dma_start3A_576 : memref<10112x32xf32, #tpu.memory_space<vmem_shared>>) target(%arg11 : memref<128x32xf32, #tpu.memory_space<vmem>>) offsets(%dma_start3A_573 : memref<128xi32, #tpu.memory_space<vmem>>) semaphore(%arg23 : memref<!tpu.dma_semaphore, #tpu.memory_space<semaphore_mem>>)
      %dma_start3A_577 = arith.constant 0 : i32
      %dma_start3A_578 = arith.constant 1 : i32
      %dma_start3A_579 = arith.constant 0 : i32
      %dma_start3A_580 = tpu.memref_slice %arg7[%dma_start3A_577, %dma_start3A_578, %dma_start3A_579] : memref<2x2x128xi32, #tpu.memory_space<vmem>> -> memref<1x1x128xi32, #tpu.memory_space<vmem>>
      %dma_start3A_581 = tpu.memref_squeeze %dma_start3A_580 : memref<1x1x128xi32, #tpu.memory_space<vmem>> -> memref<128xi32, #tpu.memory_space<vmem>>
      %dma_start3A_582 = arith.constant 0 : i32
      %dma_start3A_583 = arith.constant 0 : i32
      %dma_start3A_584 = tpu.memref_slice %arg31[%dma_start3A_582, %dma_start3A_583] : memref<10112x32xf32, #tpu.memory_space<vmem_shared>> -> memref<10112x32xf32, #tpu.memory_space<vmem_shared>>
      tpu.enqueue_indirect_dma source(%dma_start3A_584 : memref<10112x32xf32, #tpu.memory_space<vmem_shared>>) target(%arg15 : memref<128x32xf32, #tpu.memory_space<vmem>>) offsets(%dma_start3A_581 : memref<128xi32, #tpu.memory_space<vmem>>) semaphore(%arg23 : memref<!tpu.dma_semaphore, #tpu.memory_space<semaphore_mem>>)
      %dma_start3A_585 = arith.constant 1 : i32
      %dma_start3A_586 = arith.constant 0 : i32
      %dma_start3A_587 = arith.constant 0 : i32
      %dma_start3A_588 = tpu.memref_slice %arg6[%dma_start3A_585, %dma_start3A_586, %dma_start3A_587] : memref<2x2x128xi32, #tpu.memory_space<vmem>> -> memref<1x1x128xi32, #tpu.memory_space<vmem>>
      %dma_start3A_589 = tpu.memref_squeeze %dma_start3A_588 : memref<1x1x128xi32, #tpu.memory_space<vmem>> -> memref<128xi32, #tpu.memory_space<vmem>>
      %dma_start3A_590 = arith.constant 0 : i32
      %dma_start3A_591 = arith.constant 0 : i32
      %dma_start3A_592 = tpu.memref_slice %arg30[%dma_start3A_590, %dma_start3A_591] : memref<10112x32xf32, #tpu.memory_space<vmem_shared>> -> memref<10112x32xf32, #tpu.memory_space<vmem_shared>>
      tpu.enqueue_indirect_dma source(%arg10 : memref<128x32xf32, #tpu.memory_space<vmem>>) target(%dma_start3A_592 : memref<10112x32xf32, #tpu.memory_space<vmem_shared>>) offsets(%dma_start3A_589 : memref<128xi32, #tpu.memory_space<vmem>>) semaphore(%arg26 : memref<!tpu.dma_semaphore, #tpu.memory_space<semaphore_mem>>) {add = true}
      %dma_start3A_593 = arith.constant 1 : i32
      %dma_start3A_594 = arith.constant 1 : i32
      %dma_start3A_595 = arith.constant 0 : i32
      %dma_start3A_596 = tpu.memref_slice %arg6[%dma_start3A_593, %dma_start3A_594, %dma_start3A_595] : memref<2x2x128xi32, #tpu.memory_space<vmem>> -> memref<1x1x128xi32, #tpu.memory_space<vmem>>
      %dma_start3A_597 = tpu.memref_squeeze %dma_start3A_596 : memref<1x1x128xi32, #tpu.memory_space<vmem>> -> memref<128xi32, #tpu.memory_space<vmem>>
      %dma_start3A_598 = arith.constant 0 : i32
      %dma_start3A_599 = arith.constant 0 : i32
      %dma_start3A_600 = tpu.memref_slice %arg30[%dma_start3A_598, %dma_start3A_599] : memref<10112x32xf32, #tpu.memory_space<vmem_shared>> -> memref<10112x32xf32, #tpu.memory_space<vmem_shared>>
      tpu.enqueue_indirect_dma source(%arg14 : memref<128x32xf32, #tpu.memory_space<vmem>>) target(%dma_start3A_600 : memref<10112x32xf32, #tpu.memory_space<vmem_shared>>) offsets(%dma_start3A_597 : memref<128xi32, #tpu.memory_space<vmem>>) semaphore(%arg26 : memref<!tpu.dma_semaphore, #tpu.memory_space<semaphore_mem>>) {add = true}
      %add3A_601 = arith.constant 3 : i32
      %add3A_602 = arith.addi %add3A_345, %add3A_601 : i32
      %dma_wait3A_603 = arith.constant 0 : i32
      %dma_wait3A_604 = arith.constant 0 : i32
      %dma_wait3A_605 = arith.constant 0 : i32
      %dma_wait3A_606 = tpu.memref_slice %arg7[%dma_wait3A_603, %dma_wait3A_604, %dma_wait3A_605] : memref<2x2x128xi32, #tpu.memory_space<vmem>> -> memref<1x1x128xi32, #tpu.memory_space<vmem>>
      %dma_wait3A_607 = tpu.memref_squeeze %dma_wait3A_606 : memref<1x1x128xi32, #tpu.memory_space<vmem>> -> memref<128xi32, #tpu.memory_space<vmem>>
      %dma_wait3A_608 = arith.constant 0 : i32
      %dma_wait3A_609 = arith.constant 0 : i32
      %dma_wait3A_610 = tpu.memref_slice %arg31[%dma_wait3A_608, %dma_wait3A_609] : memref<10112x32xf32, #tpu.memory_space<vmem_shared>> -> memref<10112x32xf32, #tpu.memory_space<vmem_shared>>
      tpu.wait_indirect_dma semaphore(%arg23 : memref<!tpu.dma_semaphore, #tpu.memory_space<semaphore_mem>>) src(%dma_wait3A_610 : memref<10112x32xf32, #tpu.memory_space<vmem_shared>>) dst(%arg11 : memref<128x32xf32, #tpu.memory_space<vmem>>)
      %dma_wait3A_611 = arith.constant 0 : i32
      %dma_wait3A_612 = arith.constant 1 : i32
      %dma_wait3A_613 = arith.constant 0 : i32
      %dma_wait3A_614 = tpu.memref_slice %arg7[%dma_wait3A_611, %dma_wait3A_612, %dma_wait3A_613] : memref<2x2x128xi32, #tpu.memory_space<vmem>> -> memref<1x1x128xi32, #tpu.memory_space<vmem>>
      %dma_wait3A_615 = tpu.memref_squeeze %dma_wait3A_614 : memref<1x1x128xi32, #tpu.memory_space<vmem>> -> memref<128xi32, #tpu.memory_space<vmem>>
      %dma_wait3A_616 = arith.constant 0 : i32
      %dma_wait3A_617 = arith.constant 0 : i32
      %dma_wait3A_618 = tpu.memref_slice %arg31[%dma_wait3A_616, %dma_wait3A_617] : memref<10112x32xf32, #tpu.memory_space<vmem_shared>> -> memref<10112x32xf32, #tpu.memory_space<vmem_shared>>
      tpu.wait_indirect_dma semaphore(%arg23 : memref<!tpu.dma_semaphore, #tpu.memory_space<semaphore_mem>>) src(%dma_wait3A_618 : memref<10112x32xf32, #tpu.memory_space<vmem_shared>>) dst(%arg15 : memref<128x32xf32, #tpu.memory_space<vmem>>)
      %dma_wait3A_619 = arith.constant 1 : i32
      %dma_wait3A_620 = arith.constant 0 : i32
      %dma_wait3A_621 = arith.constant 0 : i32
      %dma_wait3A_622 = tpu.memref_slice %arg9[%dma_wait3A_619, %dma_wait3A_620, %dma_wait3A_621] : memref<2x2x128xi32, #tpu.memory_space<vmem>> -> memref<1x1x128xi32, #tpu.memory_space<vmem>>
      %dma_wait3A_623 = tpu.memref_squeeze %dma_wait3A_622 : memref<1x1x128xi32, #tpu.memory_space<vmem>> -> memref<128xi32, #tpu.memory_space<vmem>>
      %dma_wait3A_624 = arith.constant 0 : i32
      %dma_wait3A_625 = arith.constant 0 : i32
      %dma_wait3A_626 = tpu.memref_slice %arg30[%dma_wait3A_624, %dma_wait3A_625] : memref<10112x32xf32, #tpu.memory_space<vmem_shared>> -> memref<10112x32xf32, #tpu.memory_space<vmem_shared>>
      tpu.wait_indirect_dma semaphore(%arg29 : memref<!tpu.dma_semaphore, #tpu.memory_space<semaphore_mem>>) src(%arg13 : memref<128x32xf32, #tpu.memory_space<vmem>>) dst(%dma_wait3A_626 : memref<10112x32xf32, #tpu.memory_space<vmem_shared>>)
      %dma_wait3A_627 = arith.constant 1 : i32
      %dma_wait3A_628 = arith.constant 1 : i32
      %dma_wait3A_629 = arith.constant 0 : i32
      %dma_wait3A_630 = tpu.memref_slice %arg9[%dma_wait3A_627, %dma_wait3A_628, %dma_wait3A_629] : memref<2x2x128xi32, #tpu.memory_space<vmem>> -> memref<1x1x128xi32, #tpu.memory_space<vmem>>
      %dma_wait3A_631 = tpu.memref_squeeze %dma_wait3A_630 : memref<1x1x128xi32, #tpu.memory_space<vmem>> -> memref<128xi32, #tpu.memory_space<vmem>>
      %dma_wait3A_632 = arith.constant 0 : i32
      %dma_wait3A_633 = arith.constant 0 : i32
      %dma_wait3A_634 = tpu.memref_slice %arg30[%dma_wait3A_632, %dma_wait3A_633] : memref<10112x32xf32, #tpu.memory_space<vmem_shared>> -> memref<10112x32xf32, #tpu.memory_space<vmem_shared>>
      tpu.wait_indirect_dma semaphore(%arg29 : memref<!tpu.dma_semaphore, #tpu.memory_space<semaphore_mem>>) src(%arg17 : memref<128x32xf32, #tpu.memory_space<vmem>>) dst(%dma_wait3A_634 : memref<10112x32xf32, #tpu.memory_space<vmem_shared>>)
      %add3A_635 = arith.constant 2 : i32
      %add3A_636 = arith.addi %add3A_602, %add3A_635 : i32
      %min3A_637 = arith.constant 38 : i32
      %min3A_638 = arith.minsi %add3A_636, %min3A_637 : i32
      %mul3A_639 = arith.constant 2 : i32
      %mul3A_640 = arith.muli %mul3A_639, %min3A_638 : i32
      %add3A_641 = arith.addi %mul3A_2, %mul3A_640 : i32
      %dma_start3A_642 = arith.constant 0 : i32
      %dma_start3A_643 = arith.constant 0 : i32
      %dma_start3A_644 = tpu.memref_slice %arg3[%dma_start3A_642, %add3A_641, %dma_start3A_643] : memref<2x2500x128xi32, #tpu.memory_space<hbm>> -> memref<2x2x128xi32, #tpu.memory_space<hbm>>
      %dma_start3A_645 = arith.constant 0 : i32
      %dma_start3A_646 = arith.constant 0 : i32
      %dma_start3A_647 = tpu.memref_slice %arg3[%dma_start3A_645, %add3A_641, %dma_start3A_646] : memref<2x2500x128xi32, #tpu.memory_space<hbm>> -> memref<2x2x128xi32, #tpu.memory_space<hbm>>
      tpu.enqueue_dma source(%dma_start3A_647 : memref<2x2x128xi32, #tpu.memory_space<hbm>>) target(%arg9 : memref<2x2x128xi32, #tpu.memory_space<vmem>>) target_semaphore(%arg21 : memref<!tpu.dma_semaphore, #tpu.memory_space<semaphore_mem>>)
      %dma_wait3A_648 = arith.constant 0 : i32
      %dma_wait3A_649 = arith.constant 0 : i32
      %dma_wait3A_650 = tpu.memref_slice %arg3[%dma_wait3A_648, %mul3A_2, %dma_wait3A_649] : memref<2x2500x128xi32, #tpu.memory_space<hbm>> -> memref<2x2x128xi32, #tpu.memory_space<hbm>>
      %dma_wait3A_651 = arith.constant 0 : i32
      %dma_wait3A_652 = arith.constant 0 : i32
      %dma_wait3A_653 = tpu.memref_slice %arg3[%dma_wait3A_651, %mul3A_2, %dma_wait3A_652] : memref<2x2500x128xi32, #tpu.memory_space<hbm>> -> memref<2x2x128xi32, #tpu.memory_space<hbm>>
      tpu.wait_dma2 semaphore(%arg20 : memref<!tpu.dma_semaphore, #tpu.memory_space<semaphore_mem>>) src(%dma_wait3A_653 : memref<2x2x128xi32, #tpu.memory_space<hbm>>) dst(%arg8 : memref<2x2x128xi32, #tpu.memory_space<vmem>>)
      %dma_start3A_654 = arith.constant 0 : i32
      %dma_start3A_655 = arith.constant 0 : i32
      %dma_start3A_656 = arith.constant 0 : i32
      %dma_start3A_657 = tpu.memref_slice %arg8[%dma_start3A_654, %dma_start3A_655, %dma_start3A_656] : memref<2x2x128xi32, #tpu.memory_space<vmem>> -> memref<1x1x128xi32, #tpu.memory_space<vmem>>
      %dma_start3A_658 = tpu.memref_squeeze %dma_start3A_657 : memref<1x1x128xi32, #tpu.memory_space<vmem>> -> memref<128xi32, #tpu.memory_space<vmem>>
      %dma_start3A_659 = arith.constant 0 : i32
      %dma_start3A_660 = arith.constant 0 : i32
      %dma_start3A_661 = tpu.memref_slice %arg31[%dma_start3A_659, %dma_start3A_660] : memref<10112x32xf32, #tpu.memory_space<vmem_shared>> -> memref<10112x32xf32, #tpu.memory_space<vmem_shared>>
      tpu.enqueue_indirect_dma source(%dma_start3A_661 : memref<10112x32xf32, #tpu.memory_space<vmem_shared>>) target(%arg12 : memref<128x32xf32, #tpu.memory_space<vmem>>) offsets(%dma_start3A_658 : memref<128xi32, #tpu.memory_space<vmem>>) semaphore(%arg24 : memref<!tpu.dma_semaphore, #tpu.memory_space<semaphore_mem>>)
      %dma_start3A_662 = arith.constant 0 : i32
      %dma_start3A_663 = arith.constant 1 : i32
      %dma_start3A_664 = arith.constant 0 : i32
      %dma_start3A_665 = tpu.memref_slice %arg8[%dma_start3A_662, %dma_start3A_663, %dma_start3A_664] : memref<2x2x128xi32, #tpu.memory_space<vmem>> -> memref<1x1x128xi32, #tpu.memory_space<vmem>>
      %dma_start3A_666 = tpu.memref_squeeze %dma_start3A_665 : memref<1x1x128xi32, #tpu.memory_space<vmem>> -> memref<128xi32, #tpu.memory_space<vmem>>
      %dma_start3A_667 = arith.constant 0 : i32
      %dma_start3A_668 = arith.constant 0 : i32
      %dma_start3A_669 = tpu.memref_slice %arg31[%dma_start3A_667, %dma_start3A_668] : memref<10112x32xf32, #tpu.memory_space<vmem_shared>> -> memref<10112x32xf32, #tpu.memory_space<vmem_shared>>
      tpu.enqueue_indirect_dma source(%dma_start3A_669 : memref<10112x32xf32, #tpu.memory_space<vmem_shared>>) target(%arg16 : memref<128x32xf32, #tpu.memory_space<vmem>>) offsets(%dma_start3A_666 : memref<128xi32, #tpu.memory_space<vmem>>) semaphore(%arg24 : memref<!tpu.dma_semaphore, #tpu.memory_space<semaphore_mem>>)
      %dma_start3A_670 = arith.constant 1 : i32
      %dma_start3A_671 = arith.constant 0 : i32
      %dma_start3A_672 = arith.constant 0 : i32
      %dma_start3A_673 = tpu.memref_slice %arg7[%dma_start3A_670, %dma_start3A_671, %dma_start3A_672] : memref<2x2x128xi32, #tpu.memory_space<vmem>> -> memref<1x1x128xi32, #tpu.memory_space<vmem>>
      %dma_start3A_674 = tpu.memref_squeeze %dma_start3A_673 : memref<1x1x128xi32, #tpu.memory_space<vmem>> -> memref<128xi32, #tpu.memory_space<vmem>>
      %dma_start3A_675 = arith.constant 0 : i32
      %dma_start3A_676 = arith.constant 0 : i32
      %dma_start3A_677 = tpu.memref_slice %arg30[%dma_start3A_675, %dma_start3A_676] : memref<10112x32xf32, #tpu.memory_space<vmem_shared>> -> memref<10112x32xf32, #tpu.memory_space<vmem_shared>>
      tpu.enqueue_indirect_dma source(%arg11 : memref<128x32xf32, #tpu.memory_space<vmem>>) target(%dma_start3A_677 : memref<10112x32xf32, #tpu.memory_space<vmem_shared>>) offsets(%dma_start3A_674 : memref<128xi32, #tpu.memory_space<vmem>>) semaphore(%arg27 : memref<!tpu.dma_semaphore, #tpu.memory_space<semaphore_mem>>) {add = true}
      %dma_start3A_678 = arith.constant 1 : i32
      %dma_start3A_679 = arith.constant 1 : i32
      %dma_start3A_680 = arith.constant 0 : i32
      %dma_start3A_681 = tpu.memref_slice %arg7[%dma_start3A_678, %dma_start3A_679, %dma_start3A_680] : memref<2x2x128xi32, #tpu.memory_space<vmem>> -> memref<1x1x128xi32, #tpu.memory_space<vmem>>
      %dma_start3A_682 = tpu.memref_squeeze %dma_start3A_681 : memref<1x1x128xi32, #tpu.memory_space<vmem>> -> memref<128xi32, #tpu.memory_space<vmem>>
      %dma_start3A_683 = arith.constant 0 : i32
      %dma_start3A_684 = arith.constant 0 : i32
      %dma_start3A_685 = tpu.memref_slice %arg30[%dma_start3A_683, %dma_start3A_684] : memref<10112x32xf32, #tpu.memory_space<vmem_shared>> -> memref<10112x32xf32, #tpu.memory_space<vmem_shared>>
      tpu.enqueue_indirect_dma source(%arg15 : memref<128x32xf32, #tpu.memory_space<vmem>>) target(%dma_start3A_685 : memref<10112x32xf32, #tpu.memory_space<vmem_shared>>) offsets(%dma_start3A_682 : memref<128xi32, #tpu.memory_space<vmem>>) semaphore(%arg27 : memref<!tpu.dma_semaphore, #tpu.memory_space<semaphore_mem>>) {add = true}
    }
    %scan3A_192 = arith.constant 9 : i32
    %dma_wait3A_193 = arith.constant 0 : i32
    %dma_wait3A_194 = arith.constant 0 : i32
    %dma_wait3A_195 = arith.constant 0 : i32
    %dma_wait3A_196 = tpu.memref_slice %arg8[%dma_wait3A_193, %dma_wait3A_194, %dma_wait3A_195] : memref<2x2x128xi32, #tpu.memory_space<vmem>> -> memref<1x1x128xi32, #tpu.memory_space<vmem>>
    %dma_wait3A_197 = tpu.memref_squeeze %dma_wait3A_196 : memref<1x1x128xi32, #tpu.memory_space<vmem>> -> memref<128xi32, #tpu.memory_space<vmem>>
    %dma_wait3A_198 = arith.constant 0 : i32
    %dma_wait3A_199 = arith.constant 0 : i32
    %dma_wait3A_200 = tpu.memref_slice %arg31[%dma_wait3A_198, %dma_wait3A_199] : memref<10112x32xf32, #tpu.memory_space<vmem_shared>> -> memref<10112x32xf32, #tpu.memory_space<vmem_shared>>
    tpu.wait_indirect_dma semaphore(%arg24 : memref<!tpu.dma_semaphore, #tpu.memory_space<semaphore_mem>>) src(%dma_wait3A_200 : memref<10112x32xf32, #tpu.memory_space<vmem_shared>>) dst(%arg12 : memref<128x32xf32, #tpu.memory_space<vmem>>)
    %dma_wait3A_201 = arith.constant 0 : i32
    %dma_wait3A_202 = arith.constant 1 : i32
    %dma_wait3A_203 = arith.constant 0 : i32
    %dma_wait3A_204 = tpu.memref_slice %arg8[%dma_wait3A_201, %dma_wait3A_202, %dma_wait3A_203] : memref<2x2x128xi32, #tpu.memory_space<vmem>> -> memref<1x1x128xi32, #tpu.memory_space<vmem>>
    %dma_wait3A_205 = tpu.memref_squeeze %dma_wait3A_204 : memref<1x1x128xi32, #tpu.memory_space<vmem>> -> memref<128xi32, #tpu.memory_space<vmem>>
    %dma_wait3A_206 = arith.constant 0 : i32
    %dma_wait3A_207 = arith.constant 0 : i32
    %dma_wait3A_208 = tpu.memref_slice %arg31[%dma_wait3A_206, %dma_wait3A_207] : memref<10112x32xf32, #tpu.memory_space<vmem_shared>> -> memref<10112x32xf32, #tpu.memory_space<vmem_shared>>
    tpu.wait_indirect_dma semaphore(%arg24 : memref<!tpu.dma_semaphore, #tpu.memory_space<semaphore_mem>>) src(%dma_wait3A_208 : memref<10112x32xf32, #tpu.memory_space<vmem_shared>>) dst(%arg16 : memref<128x32xf32, #tpu.memory_space<vmem>>)
    %dma_wait3A_209 = arith.constant 1 : i32
    %dma_wait3A_210 = arith.constant 0 : i32
    %dma_wait3A_211 = arith.constant 0 : i32
    %dma_wait3A_212 = tpu.memref_slice %arg6[%dma_wait3A_209, %dma_wait3A_210, %dma_wait3A_211] : memref<2x2x128xi32, #tpu.memory_space<vmem>> -> memref<1x1x128xi32, #tpu.memory_space<vmem>>
    %dma_wait3A_213 = tpu.memref_squeeze %dma_wait3A_212 : memref<1x1x128xi32, #tpu.memory_space<vmem>> -> memref<128xi32, #tpu.memory_space<vmem>>
    %dma_wait3A_214 = arith.constant 0 : i32
    %dma_wait3A_215 = arith.constant 0 : i32
    %dma_wait3A_216 = tpu.memref_slice %arg30[%dma_wait3A_214, %dma_wait3A_215] : memref<10112x32xf32, #tpu.memory_space<vmem_shared>> -> memref<10112x32xf32, #tpu.memory_space<vmem_shared>>
    tpu.wait_indirect_dma semaphore(%arg26 : memref<!tpu.dma_semaphore, #tpu.memory_space<semaphore_mem>>) src(%arg10 : memref<128x32xf32, #tpu.memory_space<vmem>>) dst(%dma_wait3A_216 : memref<10112x32xf32, #tpu.memory_space<vmem_shared>>)
    %dma_wait3A_217 = arith.constant 1 : i32
    %dma_wait3A_218 = arith.constant 1 : i32
    %dma_wait3A_219 = arith.constant 0 : i32
    %dma_wait3A_220 = tpu.memref_slice %arg6[%dma_wait3A_217, %dma_wait3A_218, %dma_wait3A_219] : memref<2x2x128xi32, #tpu.memory_space<vmem>> -> memref<1x1x128xi32, #tpu.memory_space<vmem>>
    %dma_wait3A_221 = tpu.memref_squeeze %dma_wait3A_220 : memref<1x1x128xi32, #tpu.memory_space<vmem>> -> memref<128xi32, #tpu.memory_space<vmem>>
    %dma_wait3A_222 = arith.constant 0 : i32
    %dma_wait3A_223 = arith.constant 0 : i32
    %dma_wait3A_224 = tpu.memref_slice %arg30[%dma_wait3A_222, %dma_wait3A_223] : memref<10112x32xf32, #tpu.memory_space<vmem_shared>> -> memref<10112x32xf32, #tpu.memory_space<vmem_shared>>
    tpu.wait_indirect_dma semaphore(%arg26 : memref<!tpu.dma_semaphore, #tpu.memory_space<semaphore_mem>>) src(%arg14 : memref<128x32xf32, #tpu.memory_space<vmem>>) dst(%dma_wait3A_224 : memref<10112x32xf32, #tpu.memory_space<vmem_shared>>)
    %min3A_225 = arith.constant 40 : i32
    %min3A_226 = arith.constant 38 : i32
    %min3A_227 = arith.minsi %min3A_225, %min3A_226 : i32
    %mul3A_228 = arith.constant 2 : i32
    %mul3A_229 = arith.muli %mul3A_228, %min3A_227 : i32
    %add3A_230 = arith.addi %mul3A_2, %mul3A_229 : i32
    %dma_start3A_231 = arith.constant 0 : i32
    %dma_start3A_232 = arith.constant 0 : i32
    %dma_start3A_233 = tpu.memref_slice %arg3[%dma_start3A_231, %add3A_230, %dma_start3A_232] : memref<2x2500x128xi32, #tpu.memory_space<hbm>> -> memref<2x2x128xi32, #tpu.memory_space<hbm>>
    %dma_start3A_234 = arith.constant 0 : i32
    %dma_start3A_235 = arith.constant 0 : i32
    %dma_start3A_236 = tpu.memref_slice %arg3[%dma_start3A_234, %add3A_230, %dma_start3A_235] : memref<2x2500x128xi32, #tpu.memory_space<hbm>> -> memref<2x2x128xi32, #tpu.memory_space<hbm>>
    tpu.enqueue_dma source(%dma_start3A_236 : memref<2x2x128xi32, #tpu.memory_space<hbm>>) target(%arg6 : memref<2x2x128xi32, #tpu.memory_space<vmem>>) target_semaphore(%arg18 : memref<!tpu.dma_semaphore, #tpu.memory_space<semaphore_mem>>)
    %dma_wait3A_237 = arith.constant 0 : i32
    %dma_wait3A_238 = arith.constant 0 : i32
    %dma_wait3A_239 = tpu.memref_slice %arg3[%dma_wait3A_237, %mul3A_2, %dma_wait3A_238] : memref<2x2500x128xi32, #tpu.memory_space<hbm>> -> memref<2x2x128xi32, #tpu.memory_space<hbm>>
    %dma_wait3A_240 = arith.constant 0 : i32
    %dma_wait3A_241 = arith.constant 0 : i32
    %dma_wait3A_242 = tpu.memref_slice %arg3[%dma_wait3A_240, %mul3A_2, %dma_wait3A_241] : memref<2x2500x128xi32, #tpu.memory_space<hbm>> -> memref<2x2x128xi32, #tpu.memory_space<hbm>>
    tpu.wait_dma2 semaphore(%arg21 : memref<!tpu.dma_semaphore, #tpu.memory_space<semaphore_mem>>) src(%dma_wait3A_242 : memref<2x2x128xi32, #tpu.memory_space<hbm>>) dst(%arg9 : memref<2x2x128xi32, #tpu.memory_space<vmem>>)
    %dma_start3A_243 = arith.constant 0 : i32
    %dma_start3A_244 = arith.constant 0 : i32
    %dma_start3A_245 = arith.constant 0 : i32
    %dma_start3A_246 = tpu.memref_slice %arg9[%dma_start3A_243, %dma_start3A_244, %dma_start3A_245] : memref<2x2x128xi32, #tpu.memory_space<vmem>> -> memref<1x1x128xi32, #tpu.memory_space<vmem>>
    %dma_start3A_247 = tpu.memref_squeeze %dma_start3A_246 : memref<1x1x128xi32, #tpu.memory_space<vmem>> -> memref<128xi32, #tpu.memory_space<vmem>>
    %dma_start3A_248 = arith.constant 0 : i32
    %dma_start3A_249 = arith.constant 0 : i32
    %dma_start3A_250 = tpu.memref_slice %arg31[%dma_start3A_248, %dma_start3A_249] : memref<10112x32xf32, #tpu.memory_space<vmem_shared>> -> memref<10112x32xf32, #tpu.memory_space<vmem_shared>>
    tpu.enqueue_indirect_dma source(%dma_start3A_250 : memref<10112x32xf32, #tpu.memory_space<vmem_shared>>) target(%arg13 : memref<128x32xf32, #tpu.memory_space<vmem>>) offsets(%dma_start3A_247 : memref<128xi32, #tpu.memory_space<vmem>>) semaphore(%arg25 : memref<!tpu.dma_semaphore, #tpu.memory_space<semaphore_mem>>)
    %dma_start3A_251 = arith.constant 0 : i32
    %dma_start3A_252 = arith.constant 1 : i32
    %dma_start3A_253 = arith.constant 0 : i32
    %dma_start3A_254 = tpu.memref_slice %arg9[%dma_start3A_251, %dma_start3A_252, %dma_start3A_253] : memref<2x2x128xi32, #tpu.memory_space<vmem>> -> memref<1x1x128xi32, #tpu.memory_space<vmem>>
    %dma_start3A_255 = tpu.memref_squeeze %dma_start3A_254 : memref<1x1x128xi32, #tpu.memory_space<vmem>> -> memref<128xi32, #tpu.memory_space<vmem>>
    %dma_start3A_256 = arith.constant 0 : i32
    %dma_start3A_257 = arith.constant 0 : i32
    %dma_start3A_258 = tpu.memref_slice %arg31[%dma_start3A_256, %dma_start3A_257] : memref<10112x32xf32, #tpu.memory_space<vmem_shared>> -> memref<10112x32xf32, #tpu.memory_space<vmem_shared>>
    tpu.enqueue_indirect_dma source(%dma_start3A_258 : memref<10112x32xf32, #tpu.memory_space<vmem_shared>>) target(%arg17 : memref<128x32xf32, #tpu.memory_space<vmem>>) offsets(%dma_start3A_255 : memref<128xi32, #tpu.memory_space<vmem>>) semaphore(%arg25 : memref<!tpu.dma_semaphore, #tpu.memory_space<semaphore_mem>>)
    %dma_start3A_259 = arith.constant 1 : i32
    %dma_start3A_260 = arith.constant 0 : i32
    %dma_start3A_261 = arith.constant 0 : i32
    %dma_start3A_262 = tpu.memref_slice %arg8[%dma_start3A_259, %dma_start3A_260, %dma_start3A_261] : memref<2x2x128xi32, #tpu.memory_space<vmem>> -> memref<1x1x128xi32, #tpu.memory_space<vmem>>
    %dma_start3A_263 = tpu.memref_squeeze %dma_start3A_262 : memref<1x1x128xi32, #tpu.memory_space<vmem>> -> memref<128xi32, #tpu.memory_space<vmem>>
    %dma_start3A_264 = arith.constant 0 : i32
    %dma_start3A_265 = arith.constant 0 : i32
    %dma_start3A_266 = tpu.memref_slice %arg30[%dma_start3A_264, %dma_start3A_265] : memref<10112x32xf32, #tpu.memory_space<vmem_shared>> -> memref<10112x32xf32, #tpu.memory_space<vmem_shared>>
    tpu.enqueue_indirect_dma source(%arg12 : memref<128x32xf32, #tpu.memory_space<vmem>>) target(%dma_start3A_266 : memref<10112x32xf32, #tpu.memory_space<vmem_shared>>) offsets(%dma_start3A_263 : memref<128xi32, #tpu.memory_space<vmem>>) semaphore(%arg28 : memref<!tpu.dma_semaphore, #tpu.memory_space<semaphore_mem>>) {add = true}
    %dma_start3A_267 = arith.constant 1 : i32
    %dma_start3A_268 = arith.constant 1 : i32
    %dma_start3A_269 = arith.constant 0 : i32
    %dma_start3A_270 = tpu.memref_slice %arg8[%dma_start3A_267, %dma_start3A_268, %dma_start3A_269] : memref<2x2x128xi32, #tpu.memory_space<vmem>> -> memref<1x1x128xi32, #tpu.memory_space<vmem>>
    %dma_start3A_271 = tpu.memref_squeeze %dma_start3A_270 : memref<1x1x128xi32, #tpu.memory_space<vmem>> -> memref<128xi32, #tpu.memory_space<vmem>>
    %dma_start3A_272 = arith.constant 0 : i32
    %dma_start3A_273 = arith.constant 0 : i32
    %dma_start3A_274 = tpu.memref_slice %arg30[%dma_start3A_272, %dma_start3A_273] : memref<10112x32xf32, #tpu.memory_space<vmem_shared>> -> memref<10112x32xf32, #tpu.memory_space<vmem_shared>>
    tpu.enqueue_indirect_dma source(%arg16 : memref<128x32xf32, #tpu.memory_space<vmem>>) target(%dma_start3A_274 : memref<10112x32xf32, #tpu.memory_space<vmem_shared>>) offsets(%dma_start3A_271 : memref<128xi32, #tpu.memory_space<vmem>>) semaphore(%arg28 : memref<!tpu.dma_semaphore, #tpu.memory_space<semaphore_mem>>) {add = true}
    %dma_wait3A_275 = arith.constant 1 : i32
    %dma_wait3A_276 = arith.constant 0 : i32
    %dma_wait3A_277 = arith.constant 0 : i32
    %dma_wait3A_278 = tpu.memref_slice %arg7[%dma_wait3A_275, %dma_wait3A_276, %dma_wait3A_277] : memref<2x2x128xi32, #tpu.memory_space<vmem>> -> memref<1x1x128xi32, #tpu.memory_space<vmem>>
    %dma_wait3A_279 = tpu.memref_squeeze %dma_wait3A_278 : memref<1x1x128xi32, #tpu.memory_space<vmem>> -> memref<128xi32, #tpu.memory_space<vmem>>
    %dma_wait3A_280 = arith.constant 0 : i32
    %dma_wait3A_281 = arith.constant 0 : i32
    %dma_wait3A_282 = tpu.memref_slice %arg30[%dma_wait3A_280, %dma_wait3A_281] : memref<10112x32xf32, #tpu.memory_space<vmem_shared>> -> memref<10112x32xf32, #tpu.memory_space<vmem_shared>>
    tpu.wait_indirect_dma semaphore(%arg27 : memref<!tpu.dma_semaphore, #tpu.memory_space<semaphore_mem>>) src(%arg11 : memref<128x32xf32, #tpu.memory_space<vmem>>) dst(%dma_wait3A_282 : memref<10112x32xf32, #tpu.memory_space<vmem_shared>>)
    %dma_wait3A_283 = arith.constant 1 : i32
    %dma_wait3A_284 = arith.constant 1 : i32
    %dma_wait3A_285 = arith.constant 0 : i32
    %dma_wait3A_286 = tpu.memref_slice %arg7[%dma_wait3A_283, %dma_wait3A_284, %dma_wait3A_285] : memref<2x2x128xi32, #tpu.memory_space<vmem>> -> memref<1x1x128xi32, #tpu.memory_space<vmem>>
    %dma_wait3A_287 = tpu.memref_squeeze %dma_wait3A_286 : memref<1x1x128xi32, #tpu.memory_space<vmem>> -> memref<128xi32, #tpu.memory_space<vmem>>
    %dma_wait3A_288 = arith.constant 0 : i32
    %dma_wait3A_289 = arith.constant 0 : i32
    %dma_wait3A_290 = tpu.memref_slice %arg30[%dma_wait3A_288, %dma_wait3A_289] : memref<10112x32xf32, #tpu.memory_space<vmem_shared>> -> memref<10112x32xf32, #tpu.memory_space<vmem_shared>>
    tpu.wait_indirect_dma semaphore(%arg27 : memref<!tpu.dma_semaphore, #tpu.memory_space<semaphore_mem>>) src(%arg15 : memref<128x32xf32, #tpu.memory_space<vmem>>) dst(%dma_wait3A_290 : memref<10112x32xf32, #tpu.memory_space<vmem_shared>>)
    %dma_wait3A_291 = arith.constant 1 : i32
    %dma_wait3A_292 = arith.constant 0 : i32
    %dma_wait3A_293 = arith.constant 0 : i32
    %dma_wait3A_294 = tpu.memref_slice %arg8[%dma_wait3A_291, %dma_wait3A_292, %dma_wait3A_293] : memref<2x2x128xi32, #tpu.memory_space<vmem>> -> memref<1x1x128xi32, #tpu.memory_space<vmem>>
    %dma_wait3A_295 = tpu.memref_squeeze %dma_wait3A_294 : memref<1x1x128xi32, #tpu.memory_space<vmem>> -> memref<128xi32, #tpu.memory_space<vmem>>
    %dma_wait3A_296 = arith.constant 0 : i32
    %dma_wait3A_297 = arith.constant 0 : i32
    %dma_wait3A_298 = tpu.memref_slice %arg30[%dma_wait3A_296, %dma_wait3A_297] : memref<10112x32xf32, #tpu.memory_space<vmem_shared>> -> memref<10112x32xf32, #tpu.memory_space<vmem_shared>>
    tpu.wait_indirect_dma semaphore(%arg28 : memref<!tpu.dma_semaphore, #tpu.memory_space<semaphore_mem>>) src(%arg12 : memref<128x32xf32, #tpu.memory_space<vmem>>) dst(%dma_wait3A_298 : memref<10112x32xf32, #tpu.memory_space<vmem_shared>>)
    %dma_wait3A_299 = arith.constant 1 : i32
    %dma_wait3A_300 = arith.constant 1 : i32
    %dma_wait3A_301 = arith.constant 0 : i32
    %dma_wait3A_302 = tpu.memref_slice %arg8[%dma_wait3A_299, %dma_wait3A_300, %dma_wait3A_301] : memref<2x2x128xi32, #tpu.memory_space<vmem>> -> memref<1x1x128xi32, #tpu.memory_space<vmem>>
    %dma_wait3A_303 = tpu.memref_squeeze %dma_wait3A_302 : memref<1x1x128xi32, #tpu.memory_space<vmem>> -> memref<128xi32, #tpu.memory_space<vmem>>
    %dma_wait3A_304 = arith.constant 0 : i32
    %dma_wait3A_305 = arith.constant 0 : i32
    %dma_wait3A_306 = tpu.memref_slice %arg30[%dma_wait3A_304, %dma_wait3A_305] : memref<10112x32xf32, #tpu.memory_space<vmem_shared>> -> memref<10112x32xf32, #tpu.memory_space<vmem_shared>>
    tpu.wait_indirect_dma semaphore(%arg28 : memref<!tpu.dma_semaphore, #tpu.memory_space<semaphore_mem>>) src(%arg16 : memref<128x32xf32, #tpu.memory_space<vmem>>) dst(%dma_wait3A_306 : memref<10112x32xf32, #tpu.memory_space<vmem_shared>>)
    %dma_wait3A_307 = arith.constant 0 : i32
    %dma_wait3A_308 = arith.constant 0 : i32
    %dma_wait3A_309 = arith.constant 0 : i32
    %dma_wait3A_310 = tpu.memref_slice %arg9[%dma_wait3A_307, %dma_wait3A_308, %dma_wait3A_309] : memref<2x2x128xi32, #tpu.memory_space<vmem>> -> memref<1x1x128xi32, #tpu.memory_space<vmem>>
    %dma_wait3A_311 = tpu.memref_squeeze %dma_wait3A_310 : memref<1x1x128xi32, #tpu.memory_space<vmem>> -> memref<128xi32, #tpu.memory_space<vmem>>
    %dma_wait3A_312 = arith.constant 0 : i32
    %dma_wait3A_313 = arith.constant 0 : i32
    %dma_wait3A_314 = tpu.memref_slice %arg31[%dma_wait3A_312, %dma_wait3A_313] : memref<10112x32xf32, #tpu.memory_space<vmem_shared>> -> memref<10112x32xf32, #tpu.memory_space<vmem_shared>>
    tpu.wait_indirect_dma semaphore(%arg25 : memref<!tpu.dma_semaphore, #tpu.memory_space<semaphore_mem>>) src(%dma_wait3A_314 : memref<10112x32xf32, #tpu.memory_space<vmem_shared>>) dst(%arg13 : memref<128x32xf32, #tpu.memory_space<vmem>>)
    %dma_wait3A_315 = arith.constant 0 : i32
    %dma_wait3A_316 = arith.constant 1 : i32
    %dma_wait3A_317 = arith.constant 0 : i32
    %dma_wait3A_318 = tpu.memref_slice %arg9[%dma_wait3A_315, %dma_wait3A_316, %dma_wait3A_317] : memref<2x2x128xi32, #tpu.memory_space<vmem>> -> memref<1x1x128xi32, #tpu.memory_space<vmem>>
    %dma_wait3A_319 = tpu.memref_squeeze %dma_wait3A_318 : memref<1x1x128xi32, #tpu.memory_space<vmem>> -> memref<128xi32, #tpu.memory_space<vmem>>
    %dma_wait3A_320 = arith.constant 0 : i32
    %dma_wait3A_321 = arith.constant 0 : i32
    %dma_wait3A_322 = tpu.memref_slice %arg31[%dma_wait3A_320, %dma_wait3A_321] : memref<10112x32xf32, #tpu.memory_space<vmem_shared>> -> memref<10112x32xf32, #tpu.memory_space<vmem_shared>>
    tpu.wait_indirect_dma semaphore(%arg25 : memref<!tpu.dma_semaphore, #tpu.memory_space<semaphore_mem>>) src(%dma_wait3A_322 : memref<10112x32xf32, #tpu.memory_space<vmem_shared>>) dst(%arg17 : memref<128x32xf32, #tpu.memory_space<vmem>>)
    %dma_wait3A_323 = arith.constant 0 : i32
    %dma_wait3A_324 = arith.constant 0 : i32
    %dma_wait3A_325 = tpu.memref_slice %arg3[%dma_wait3A_323, %mul3A_2, %dma_wait3A_324] : memref<2x2500x128xi32, #tpu.memory_space<hbm>> -> memref<2x2x128xi32, #tpu.memory_space<hbm>>
    %dma_wait3A_326 = arith.constant 0 : i32
    %dma_wait3A_327 = arith.constant 0 : i32
    %dma_wait3A_328 = tpu.memref_slice %arg3[%dma_wait3A_326, %mul3A_2, %dma_wait3A_327] : memref<2x2500x128xi32, #tpu.memory_space<hbm>> -> memref<2x2x128xi32, #tpu.memory_space<hbm>>
    tpu.wait_dma2 semaphore(%arg18 : memref<!tpu.dma_semaphore, #tpu.memory_space<semaphore_mem>>) src(%dma_wait3A_328 : memref<2x2x128xi32, #tpu.memory_space<hbm>>) dst(%arg6 : memref<2x2x128xi32, #tpu.memory_space<vmem>>)
    %lt3A = arith.constant 4 : i32
    %lt3A_329 = arith.cmpi slt, %add3A, %lt3A : i32
    %convert_element_type3A_330 = arith.extui %lt3A_329 : i1 to i32
    %cond3A_331 = arith.constant 0 : i32
    %cond3A_332 = arith.cmpi ne, %convert_element_type3A_330, %cond3A_331 : i32
    scf.if %cond3A_332 {
      %add3A_341 = arith.constant 2496 : i32
      %add3A_342 = arith.addi %add3A_341, %add3A : i32
      "tpu.region"() ({
        %run_scoped3A_360 = tpu.sem_alloc : memref<!tpu.dma_semaphore, #tpu.memory_space<semaphore_mem>>
        %dma_start3A_361 = arith.constant 0 : i32
        %dma_start3A_362 = arith.constant 0 : i32
        %dma_start3A_363 = arith.constant 0 : i32
        %dma_start3A_364 = tpu.memref_slice %arg6[%dma_start3A_361, %dma_start3A_362, %dma_start3A_363] : memref<2x2x128xi32, #tpu.memory_space<vmem>> -> memref<2x1x128xi32, #tpu.memory_space<vmem>>
        %dma_start3A_365 = arith.constant 0 : i32
        %dma_start3A_366 = arith.constant 0 : i32
        %dma_start3A_367 = tpu.memref_slice %arg3[%dma_start3A_365, %add3A_342, %dma_start3A_366] : memref<2x2500x128xi32, #tpu.memory_space<hbm>> -> memref<2x1x128xi32, #tpu.memory_space<hbm>>
        %dma_start3A_368 = arith.constant 0 : i32
        %dma_start3A_369 = arith.constant 0 : i32
        %dma_start3A_370 = arith.constant 0 : i32
        %dma_start3A_371 = tpu.memref_slice %arg6[%dma_start3A_368, %dma_start3A_369, %dma_start3A_370] : memref<2x2x128xi32, #tpu.memory_space<vmem>> -> memref<2x1x128xi32, #tpu.memory_space<vmem>>
        %dma_start3A_372 = arith.constant 0 : i32
        %dma_start3A_373 = arith.constant 0 : i32
        %dma_start3A_374 = tpu.memref_slice %arg3[%dma_start3A_372, %add3A_342, %dma_start3A_373] : memref<2x2500x128xi32, #tpu.memory_space<hbm>> -> memref<2x1x128xi32, #tpu.memory_space<hbm>>
        tpu.enqueue_dma source(%dma_start3A_374 : memref<2x1x128xi32, #tpu.memory_space<hbm>>) target(%dma_start3A_371 : memref<2x1x128xi32, #tpu.memory_space<vmem>>) target_semaphore(%run_scoped3A_360 : memref<!tpu.dma_semaphore, #tpu.memory_space<semaphore_mem>>)
        %dma_wait3A_375 = arith.constant 0 : i32
        %dma_wait3A_376 = arith.constant 0 : i32
        %dma_wait3A_377 = arith.constant 0 : i32
        %dma_wait3A_378 = tpu.memref_slice %arg6[%dma_wait3A_375, %dma_wait3A_376, %dma_wait3A_377] : memref<2x2x128xi32, #tpu.memory_space<vmem>> -> memref<2x1x128xi32, #tpu.memory_space<vmem>>
        %dma_wait3A_379 = arith.constant 0 : i32
        %dma_wait3A_380 = arith.constant 0 : i32
        %dma_wait3A_381 = tpu.memref_slice %arg3[%dma_wait3A_379, %add3A_342, %dma_wait3A_380] : memref<2x2500x128xi32, #tpu.memory_space<hbm>> -> memref<2x1x128xi32, #tpu.memory_space<hbm>>
        %dma_wait3A_382 = arith.constant 0 : i32
        %dma_wait3A_383 = arith.constant 0 : i32
        %dma_wait3A_384 = arith.constant 0 : i32
        %dma_wait3A_385 = tpu.memref_slice %arg6[%dma_wait3A_382, %dma_wait3A_383, %dma_wait3A_384] : memref<2x2x128xi32, #tpu.memory_space<vmem>> -> memref<2x1x128xi32, #tpu.memory_space<vmem>>
        %dma_wait3A_386 = arith.constant 0 : i32
        %dma_wait3A_387 = arith.constant 0 : i32
        %dma_wait3A_388 = tpu.memref_slice %arg3[%dma_wait3A_386, %add3A_342, %dma_wait3A_387] : memref<2x2500x128xi32, #tpu.memory_space<hbm>> -> memref<2x1x128xi32, #tpu.memory_space<hbm>>
        tpu.wait_dma2 semaphore(%run_scoped3A_360 : memref<!tpu.dma_semaphore, #tpu.memory_space<semaphore_mem>>) src(%dma_wait3A_388 : memref<2x1x128xi32, #tpu.memory_space<hbm>>) dst(%dma_wait3A_385 : memref<2x1x128xi32, #tpu.memory_space<vmem>>)
        tpu.yield
      }) : () -> ()
      %dma_start3A_343 = arith.constant 0 : i32
      %dma_start3A_344 = arith.constant 0 : i32
      %dma_start3A_345 = arith.constant 0 : i32
      %dma_start3A_346 = tpu.memref_slice %arg6[%dma_start3A_343, %dma_start3A_344, %dma_start3A_345] : memref<2x2x128xi32, #tpu.memory_space<vmem>> -> memref<1x1x128xi32, #tpu.memory_space<vmem>>
      %dma_start3A_347 = tpu.memref_squeeze %dma_start3A_346 : memref<1x1x128xi32, #tpu.memory_space<vmem>> -> memref<128xi32, #tpu.memory_space<vmem>>
      %dma_start3A_348 = arith.constant 0 : i32
      %dma_start3A_349 = arith.constant 0 : i32
      %dma_start3A_350 = tpu.memref_slice %arg31[%dma_start3A_348, %dma_start3A_349] : memref<10112x32xf32, #tpu.memory_space<vmem_shared>> -> memref<10112x32xf32, #tpu.memory_space<vmem_shared>>
      tpu.enqueue_indirect_dma source(%dma_start3A_350 : memref<10112x32xf32, #tpu.memory_space<vmem_shared>>) target(%arg10 : memref<128x32xf32, #tpu.memory_space<vmem>>) offsets(%dma_start3A_347 : memref<128xi32, #tpu.memory_space<vmem>>) semaphore(%arg22 : memref<!tpu.dma_semaphore, #tpu.memory_space<semaphore_mem>>)
      %dma_wait3A_351 = arith.constant 0 : i32
      %dma_wait3A_352 = arith.constant 0 : i32
      %dma_wait3A_353 = arith.constant 0 : i32
      %dma_wait3A_354 = tpu.memref_slice %arg6[%dma_wait3A_351, %dma_wait3A_352, %dma_wait3A_353] : memref<2x2x128xi32, #tpu.memory_space<vmem>> -> memref<1x1x128xi32, #tpu.memory_space<vmem>>
      %dma_wait3A_355 = tpu.memref_squeeze %dma_wait3A_354 : memref<1x1x128xi32, #tpu.memory_space<vmem>> -> memref<128xi32, #tpu.memory_space<vmem>>
      %dma_wait3A_356 = arith.constant 0 : i32
      %dma_wait3A_357 = arith.constant 0 : i32
      %dma_wait3A_358 = tpu.memref_slice %arg31[%dma_wait3A_356, %dma_wait3A_357] : memref<10112x32xf32, #tpu.memory_space<vmem_shared>> -> memref<10112x32xf32, #tpu.memory_space<vmem_shared>>
      tpu.wait_indirect_dma semaphore(%arg22 : memref<!tpu.dma_semaphore, #tpu.memory_space<semaphore_mem>>) src(%dma_wait3A_358 : memref<10112x32xf32, #tpu.memory_space<vmem_shared>>) dst(%arg10 : memref<128x32xf32, #tpu.memory_space<vmem>>)
      %run_scoped3A = arith.constant 1 : i32
      %run_scoped3A_359 = arith.constant 0 : i32
      "tpu.region"() ({
        %run_scoped3A_360 = tpu.sem_alloc : memref<!tpu.dma_semaphore, #tpu.memory_space<semaphore_mem>>
        %dma_start3A_361 = arith.constant 0 : i32
        %dma_start3A_362 = tpu.memref_slice %arg6[%run_scoped3A, %run_scoped3A_359, %dma_start3A_361] : memref<2x2x128xi32, #tpu.memory_space<vmem>> -> memref<1x1x128xi32, #tpu.memory_space<vmem>>
        %dma_start3A_363 = tpu.memref_squeeze %dma_start3A_362 : memref<1x1x128xi32, #tpu.memory_space<vmem>> -> memref<128xi32, #tpu.memory_space<vmem>>
        %dma_start3A_364 = arith.constant 0 : i32
        %dma_start3A_365 = arith.constant 0 : i32
        %dma_start3A_366 = tpu.memref_slice %arg30[%dma_start3A_364, %dma_start3A_365] : memref<10112x32xf32, #tpu.memory_space<vmem_shared>> -> memref<10112x32xf32, #tpu.memory_space<vmem_shared>>
        tpu.enqueue_indirect_dma source(%arg10 : memref<128x32xf32, #tpu.memory_space<vmem>>) target(%dma_start3A_366 : memref<10112x32xf32, #tpu.memory_space<vmem_shared>>) offsets(%dma_start3A_363 : memref<128xi32, #tpu.memory_space<vmem>>) semaphore(%run_scoped3A_360 : memref<!tpu.dma_semaphore, #tpu.memory_space<semaphore_mem>>) {add = true}
        %dma_wait3A_367 = arith.constant 0 : i32
        %dma_wait3A_368 = tpu.memref_slice %arg6[%run_scoped3A, %run_scoped3A_359, %dma_wait3A_367] : memref<2x2x128xi32, #tpu.memory_space<vmem>> -> memref<1x1x128xi32, #tpu.memory_space<vmem>>
        %dma_wait3A_369 = tpu.memref_squeeze %dma_wait3A_368 : memref<1x1x128xi32, #tpu.memory_space<vmem>> -> memref<128xi32, #tpu.memory_space<vmem>>
        %dma_wait3A_370 = arith.constant 0 : i32
        %dma_wait3A_371 = arith.constant 0 : i32
        %dma_wait3A_372 = tpu.memref_slice %arg30[%dma_wait3A_370, %dma_wait3A_371] : memref<10112x32xf32, #tpu.memory_space<vmem_shared>> -> memref<10112x32xf32, #tpu.memory_space<vmem_shared>>
        tpu.wait_indirect_dma semaphore(%run_scoped3A_360 : memref<!tpu.dma_semaphore, #tpu.memory_space<semaphore_mem>>) src(%arg10 : memref<128x32xf32, #tpu.memory_space<vmem>>) dst(%dma_wait3A_372 : memref<10112x32xf32, #tpu.memory_space<vmem_shared>>)
        tpu.yield
      }) : () -> ()
    } else {
    }
    %barrier3A_333 = arith.constant 0 : index
    tpu.barrier barrier_id(%barrier3A_333)
    %mul3A_334 = arith.constant 632 : i32
    %mul3A_335 = arith.muli %arg1, %mul3A_334 : i32
    %mul3A_336 = arith.constant 10112 : i32
    %mul3A_337 = arith.muli %arg0, %mul3A_336 : i32
    %mul3A_338 = arith.constant 632 : i32
    %mul3A_339 = arith.muli %arg1, %mul3A_338 : i32
    %add3A_340 = arith.addi %mul3A_337, %mul3A_339 : i32
    "tpu.region"() ({
      %run_scoped3A = tpu.sem_alloc : memref<!tpu.dma_semaphore, #tpu.memory_space<semaphore_mem>>
      %dma_start3A_341 = arith.constant 0 : i32
      %dma_start3A_342 = tpu.memref_slice %arg5[%add3A_340, %dma_start3A_341] : memref<20224x32xf32, #tpu.memory_space<hbm>> -> memref<632x32xf32, #tpu.memory_space<hbm>>
      %dma_start3A_343 = arith.constant 0 : i32
      %dma_start3A_344 = tpu.memref_slice %arg30[%mul3A_335, %dma_start3A_343] : memref<10112x32xf32, #tpu.memory_space<vmem_shared>> -> memref<632x32xf32, #tpu.memory_space<vmem_shared>>
      tpu.enqueue_dma source(%dma_start3A_344 : memref<632x32xf32, #tpu.memory_space<vmem_shared>>) target(%dma_start3A_342 : memref<632x32xf32, #tpu.memory_space<hbm>>) target_semaphore(%run_scoped3A : memref<!tpu.dma_semaphore, #tpu.memory_space<semaphore_mem>>)
      %dma_wait3A_345 = arith.constant 0 : i32
      %dma_wait3A_346 = tpu.memref_slice %arg5[%add3A_340, %dma_wait3A_345] : memref<20224x32xf32, #tpu.memory_space<hbm>> -> memref<632x32xf32, #tpu.memory_space<hbm>>
      %dma_wait3A_347 = arith.constant 0 : i32
      %dma_wait3A_348 = tpu.memref_slice %arg30[%mul3A_335, %dma_wait3A_347] : memref<10112x32xf32, #tpu.memory_space<vmem_shared>> -> memref<632x32xf32, #tpu.memory_space<vmem_shared>>
      tpu.wait_dma2 semaphore(%run_scoped3A : memref<!tpu.dma_semaphore, #tpu.memory_space<semaphore_mem>>) src(%dma_wait3A_348 : memref<632x32xf32, #tpu.memory_space<vmem_shared>>) dst(%dma_wait3A_346 : memref<632x32xf32, #tpu.memory_space<hbm>>)
      tpu.yield
    }) : () -> ()
    return
  }
}

#map = affine_map<(d0, d1) -> (0, 0)>
#map1 = affine_map<(d0, d1) -> (0, 0, 0)>
module attributes {stable_mosaic.version = 14 : i64} {
  func.func @conv(%arg0: i32, %arg1: i32, %arg2: memref<10112x8xf32, #tpu.memory_space<hbm>>, %arg3: memref<2x2500x128xi32, #tpu.memory_space<hbm>>, %arg4: memref<10112x8xf32, #tpu.memory_space<hbm>>, %arg5: memref<20224x8xf32, #tpu.memory_space<hbm>>, %arg6: memref<2x2x128xi32, #tpu.memory_space<vmem>>, %arg7: memref<2x2x128xi32, #tpu.memory_space<vmem>>, %arg8: memref<2x2x128xi32, #tpu.memory_space<vmem>>, %arg9: memref<2x2x128xi32, #tpu.memory_space<vmem>>, %arg10: memref<128x8xf32, #tpu.memory_space<vmem>>, %arg11: memref<128x8xf32, #tpu.memory_space<vmem>>, %arg12: memref<128x8xf32, #tpu.memory_space<vmem>>, %arg13: memref<128x8xf32, #tpu.memory_space<vmem>>, %arg14: memref<128x8xf32, #tpu.memory_space<vmem>>, %arg15: memref<128x8xf32, #tpu.memory_space<vmem>>, %arg16: memref<128x8xf32, #tpu.memory_space<vmem>>, %arg17: memref<128x8xf32, #tpu.memory_space<vmem>>, %arg18: memref<!tpu.dma_semaphore, #tpu.memory_space<semaphore_mem>>, %arg19: memref<!tpu.dma_semaphore, #tpu.memory_space<semaphore_mem>>, %arg20: memref<!tpu.dma_semaphore, #tpu.memory_space<semaphore_mem>>, %arg21: memref<!tpu.dma_semaphore, #tpu.memory_space<semaphore_mem>>, %arg22: memref<!tpu.dma_semaphore, #tpu.memory_space<semaphore_mem>>, %arg23: memref<!tpu.dma_semaphore, #tpu.memory_space<semaphore_mem>>, %arg24: memref<!tpu.dma_semaphore, #tpu.memory_space<semaphore_mem>>, %arg25: memref<!tpu.dma_semaphore, #tpu.memory_space<semaphore_mem>>, %arg26: memref<!tpu.dma_semaphore, #tpu.memory_space<semaphore_mem>>, %arg27: memref<!tpu.dma_semaphore, #tpu.memory_space<semaphore_mem>>, %arg28: memref<!tpu.dma_semaphore, #tpu.memory_space<semaphore_mem>>, %arg29: memref<!tpu.dma_semaphore, #tpu.memory_space<semaphore_mem>>, %arg30: memref<10112x8xf32, #tpu.memory_space<vmem_shared>>, %arg31: memref<10112x8xf32, #tpu.memory_space<vmem_shared>>) attributes {dimension_semantics = [#tpu.dimension_semantics<core_parallel>, #tpu.dimension_semantics<subcore_parallel>], iteration_bounds = array<i64: 2, 16>, scalar_prefetch = 0 : i64, scratch_operands = 26 : i64, tpu.core_type = #tpu.core_type<sc_vector_subcore>, window_params = [{transform_indices = #map}, {transform_indices = #map1}, {transform_indices = #map}, {transform_indices = #map}]} {
    %mul3A = arith.constant 2 : i32
    %mul3A_0 = arith.muli %arg1, %mul3A : i32
    %add3A = arith.addi %mul3A_0, %arg0 : i32
    %mul3A_1 = arith.constant 78 : i32
    %mul3A_2 = arith.muli %add3A, %mul3A_1 : i32
    %mul3A_3 = arith.constant 632 : i32
    %mul3A_4 = arith.muli %arg1, %mul3A_3 : i32
    %mul3A_5 = arith.constant 632 : i32
    %mul3A_6 = arith.muli %arg1, %mul3A_5 : i32
    "tpu.region"() ({
      %run_scoped3A = tpu.sem_alloc : memref<!tpu.dma_semaphore, #tpu.memory_space<semaphore_mem>>
      %dma_start3A_341 = arith.constant 0 : i32
      %dma_start3A_342 = tpu.memref_slice %arg31[%mul3A_6, %dma_start3A_341] : memref<10112x8xf32, #tpu.memory_space<vmem_shared>> -> memref<632x8xf32, #tpu.memory_space<vmem_shared>>
      %dma_start3A_343 = arith.constant 0 : i32
      %dma_start3A_344 = tpu.memref_slice %arg2[%mul3A_4, %dma_start3A_343] : memref<10112x8xf32, #tpu.memory_space<hbm>> -> memref<632x8xf32, #tpu.memory_space<hbm>>
      tpu.enqueue_dma source(%dma_start3A_344 : memref<632x8xf32, #tpu.memory_space<hbm>>) target(%dma_start3A_342 : memref<632x8xf32, #tpu.memory_space<vmem_shared>>) target_semaphore(%run_scoped3A : memref<!tpu.dma_semaphore, #tpu.memory_space<semaphore_mem>>)
      %dma_wait3A_345 = arith.constant 0 : i32
      %dma_wait3A_346 = tpu.memref_slice %arg31[%mul3A_6, %dma_wait3A_345] : memref<10112x8xf32, #tpu.memory_space<vmem_shared>> -> memref<632x8xf32, #tpu.memory_space<vmem_shared>>
      %dma_wait3A_347 = arith.constant 0 : i32
      %dma_wait3A_348 = tpu.memref_slice %arg2[%mul3A_4, %dma_wait3A_347] : memref<10112x8xf32, #tpu.memory_space<hbm>> -> memref<632x8xf32, #tpu.memory_space<hbm>>
      tpu.wait_dma2 semaphore(%run_scoped3A : memref<!tpu.dma_semaphore, #tpu.memory_space<semaphore_mem>>) src(%dma_wait3A_348 : memref<632x8xf32, #tpu.memory_space<hbm>>) dst(%dma_wait3A_346 : memref<632x8xf32, #tpu.memory_space<vmem_shared>>)
      tpu.yield
    }) : () -> ()
    %eq3A = arith.constant 0 : i32
    %eq3A_7 = arith.cmpi eq, %arg0, %eq3A : i32
    %convert_element_type3A = arith.extui %eq3A_7 : i1 to i32
    %cond3A = arith.constant 0 : i32
    %cond3A_8 = arith.cmpi ne, %convert_element_type3A, %cond3A : i32
    scf.if %cond3A_8 {
      %mul3A_341 = arith.constant 632 : i32
      %mul3A_342 = arith.muli %arg1, %mul3A_341 : i32
      %mul3A_343 = arith.constant 632 : i32
      %mul3A_344 = arith.muli %arg1, %mul3A_343 : i32
      "tpu.region"() ({
        %run_scoped3A = tpu.sem_alloc : memref<!tpu.dma_semaphore, #tpu.memory_space<semaphore_mem>>
        %dma_start3A_345 = arith.constant 0 : i32
        %dma_start3A_346 = tpu.memref_slice %arg30[%mul3A_344, %dma_start3A_345] : memref<10112x8xf32, #tpu.memory_space<vmem_shared>> -> memref<632x8xf32, #tpu.memory_space<vmem_shared>>
        %dma_start3A_347 = arith.constant 0 : i32
        %dma_start3A_348 = tpu.memref_slice %arg2[%mul3A_342, %dma_start3A_347] : memref<10112x8xf32, #tpu.memory_space<hbm>> -> memref<632x8xf32, #tpu.memory_space<hbm>>
        tpu.enqueue_dma source(%dma_start3A_348 : memref<632x8xf32, #tpu.memory_space<hbm>>) target(%dma_start3A_346 : memref<632x8xf32, #tpu.memory_space<vmem_shared>>) target_semaphore(%run_scoped3A : memref<!tpu.dma_semaphore, #tpu.memory_space<semaphore_mem>>)
        %dma_wait3A_349 = arith.constant 0 : i32
        %dma_wait3A_350 = tpu.memref_slice %arg30[%mul3A_344, %dma_wait3A_349] : memref<10112x8xf32, #tpu.memory_space<vmem_shared>> -> memref<632x8xf32, #tpu.memory_space<vmem_shared>>
        %dma_wait3A_351 = arith.constant 0 : i32
        %dma_wait3A_352 = tpu.memref_slice %arg2[%mul3A_342, %dma_wait3A_351] : memref<10112x8xf32, #tpu.memory_space<hbm>> -> memref<632x8xf32, #tpu.memory_space<hbm>>
        tpu.wait_dma2 semaphore(%run_scoped3A : memref<!tpu.dma_semaphore, #tpu.memory_space<semaphore_mem>>) src(%dma_wait3A_352 : memref<632x8xf32, #tpu.memory_space<hbm>>) dst(%dma_wait3A_350 : memref<632x8xf32, #tpu.memory_space<vmem_shared>>)
        tpu.yield
      }) : () -> ()
    } else {
    }
    %ne3A = arith.constant 0 : i32
    %ne3A_9 = arith.cmpi ne, %arg0, %ne3A : i32
    %convert_element_type3A_10 = arith.extui %ne3A_9 : i1 to i32
    %cond3A_11 = arith.constant 0 : i32
    %cond3A_12 = arith.cmpi ne, %convert_element_type3A_10, %cond3A_11 : i32
    scf.if %cond3A_12 {
      %mul3A_341 = arith.constant 632 : i32
      %mul3A_342 = arith.muli %arg1, %mul3A_341 : i32
      %mul3A_343 = arith.constant 632 : i32
      %mul3A_344 = arith.muli %arg1, %mul3A_343 : i32
      "tpu.region"() ({
        %run_scoped3A = tpu.sem_alloc : memref<!tpu.dma_semaphore, #tpu.memory_space<semaphore_mem>>
        %dma_start3A_345 = arith.constant 0 : i32
        %dma_start3A_346 = tpu.memref_slice %arg30[%mul3A_344, %dma_start3A_345] : memref<10112x8xf32, #tpu.memory_space<vmem_shared>> -> memref<632x8xf32, #tpu.memory_space<vmem_shared>>
        %dma_start3A_347 = arith.constant 0 : i32
        %dma_start3A_348 = tpu.memref_slice %arg4[%mul3A_342, %dma_start3A_347] : memref<10112x8xf32, #tpu.memory_space<hbm>> -> memref<632x8xf32, #tpu.memory_space<hbm>>
        tpu.enqueue_dma source(%dma_start3A_348 : memref<632x8xf32, #tpu.memory_space<hbm>>) target(%dma_start3A_346 : memref<632x8xf32, #tpu.memory_space<vmem_shared>>) target_semaphore(%run_scoped3A : memref<!tpu.dma_semaphore, #tpu.memory_space<semaphore_mem>>)
        %dma_wait3A_349 = arith.constant 0 : i32
        %dma_wait3A_350 = tpu.memref_slice %arg30[%mul3A_344, %dma_wait3A_349] : memref<10112x8xf32, #tpu.memory_space<vmem_shared>> -> memref<632x8xf32, #tpu.memory_space<vmem_shared>>
        %dma_wait3A_351 = arith.constant 0 : i32
        %dma_wait3A_352 = tpu.memref_slice %arg4[%mul3A_342, %dma_wait3A_351] : memref<10112x8xf32, #tpu.memory_space<hbm>> -> memref<632x8xf32, #tpu.memory_space<hbm>>
        tpu.wait_dma2 semaphore(%run_scoped3A : memref<!tpu.dma_semaphore, #tpu.memory_space<semaphore_mem>>) src(%dma_wait3A_352 : memref<632x8xf32, #tpu.memory_space<hbm>>) dst(%dma_wait3A_350 : memref<632x8xf32, #tpu.memory_space<vmem_shared>>)
        tpu.yield
      }) : () -> ()
    } else {
    }
    %barrier3A = arith.constant 0 : index
    tpu.barrier barrier_id(%barrier3A)
    %min3A = arith.constant 0 : i32
    %min3A_13 = arith.constant 38 : i32
    %min3A_14 = arith.minsi %min3A, %min3A_13 : i32
    %mul3A_15 = arith.constant 2 : i32
    %mul3A_16 = arith.muli %mul3A_15, %min3A_14 : i32
    %add3A_17 = arith.addi %mul3A_2, %mul3A_16 : i32
    %dma_start3A = arith.constant 0 : i32
    %dma_start3A_18 = arith.constant 0 : i32
    %dma_start3A_19 = tpu.memref_slice %arg3[%dma_start3A, %add3A_17, %dma_start3A_18] : memref<2x2500x128xi32, #tpu.memory_space<hbm>> -> memref<2x2x128xi32, #tpu.memory_space<hbm>>
    %dma_start3A_20 = arith.constant 0 : i32
    %dma_start3A_21 = arith.constant 0 : i32
    %dma_start3A_22 = tpu.memref_slice %arg3[%dma_start3A_20, %add3A_17, %dma_start3A_21] : memref<2x2500x128xi32, #tpu.memory_space<hbm>> -> memref<2x2x128xi32, #tpu.memory_space<hbm>>
    tpu.enqueue_dma source(%dma_start3A_22 : memref<2x2x128xi32, #tpu.memory_space<hbm>>) target(%arg6 : memref<2x2x128xi32, #tpu.memory_space<vmem>>) target_semaphore(%arg18 : memref<!tpu.dma_semaphore, #tpu.memory_space<semaphore_mem>>)
    %min3A_23 = arith.constant 1 : i32
    %min3A_24 = arith.constant 38 : i32
    %min3A_25 = arith.minsi %min3A_23, %min3A_24 : i32
    %mul3A_26 = arith.constant 2 : i32
    %mul3A_27 = arith.muli %mul3A_26, %min3A_25 : i32
    %add3A_28 = arith.addi %mul3A_2, %mul3A_27 : i32
    %dma_start3A_29 = arith.constant 0 : i32
    %dma_start3A_30 = arith.constant 0 : i32
    %dma_start3A_31 = tpu.memref_slice %arg3[%dma_start3A_29, %add3A_28, %dma_start3A_30] : memref<2x2500x128xi32, #tpu.memory_space<hbm>> -> memref<2x2x128xi32, #tpu.memory_space<hbm>>
    %dma_start3A_32 = arith.constant 0 : i32
    %dma_start3A_33 = arith.constant 0 : i32
    %dma_start3A_34 = tpu.memref_slice %arg3[%dma_start3A_32, %add3A_28, %dma_start3A_33] : memref<2x2500x128xi32, #tpu.memory_space<hbm>> -> memref<2x2x128xi32, #tpu.memory_space<hbm>>
    tpu.enqueue_dma source(%dma_start3A_34 : memref<2x2x128xi32, #tpu.memory_space<hbm>>) target(%arg7 : memref<2x2x128xi32, #tpu.memory_space<vmem>>) target_semaphore(%arg19 : memref<!tpu.dma_semaphore, #tpu.memory_space<semaphore_mem>>)
    %dma_wait3A = arith.constant 0 : i32
    %dma_wait3A_35 = arith.constant 0 : i32
    %dma_wait3A_36 = tpu.memref_slice %arg3[%dma_wait3A, %mul3A_2, %dma_wait3A_35] : memref<2x2500x128xi32, #tpu.memory_space<hbm>> -> memref<2x2x128xi32, #tpu.memory_space<hbm>>
    %dma_wait3A_37 = arith.constant 0 : i32
    %dma_wait3A_38 = arith.constant 0 : i32
    %dma_wait3A_39 = tpu.memref_slice %arg3[%dma_wait3A_37, %mul3A_2, %dma_wait3A_38] : memref<2x2500x128xi32, #tpu.memory_space<hbm>> -> memref<2x2x128xi32, #tpu.memory_space<hbm>>
    tpu.wait_dma2 semaphore(%arg18 : memref<!tpu.dma_semaphore, #tpu.memory_space<semaphore_mem>>) src(%dma_wait3A_39 : memref<2x2x128xi32, #tpu.memory_space<hbm>>) dst(%arg6 : memref<2x2x128xi32, #tpu.memory_space<vmem>>)
    %dma_start3A_40 = arith.constant 0 : i32
    %dma_start3A_41 = arith.constant 0 : i32
    %dma_start3A_42 = arith.constant 0 : i32
    %dma_start3A_43 = tpu.memref_slice %arg6[%dma_start3A_40, %dma_start3A_41, %dma_start3A_42] : memref<2x2x128xi32, #tpu.memory_space<vmem>> -> memref<1x1x128xi32, #tpu.memory_space<vmem>>
    %dma_start3A_44 = tpu.memref_squeeze %dma_start3A_43 : memref<1x1x128xi32, #tpu.memory_space<vmem>> -> memref<128xi32, #tpu.memory_space<vmem>>
    %dma_start3A_45 = arith.constant 0 : i32
    %dma_start3A_46 = arith.constant 0 : i32
    %dma_start3A_47 = tpu.memref_slice %arg31[%dma_start3A_45, %dma_start3A_46] : memref<10112x8xf32, #tpu.memory_space<vmem_shared>> -> memref<10112x8xf32, #tpu.memory_space<vmem_shared>>
    tpu.enqueue_indirect_dma source(%dma_start3A_47 : memref<10112x8xf32, #tpu.memory_space<vmem_shared>>) target(%arg10 : memref<128x8xf32, #tpu.memory_space<vmem>>) offsets(%dma_start3A_44 : memref<128xi32, #tpu.memory_space<vmem>>) semaphore(%arg22 : memref<!tpu.dma_semaphore, #tpu.memory_space<semaphore_mem>>)
    %dma_start3A_48 = arith.constant 0 : i32
    %dma_start3A_49 = arith.constant 1 : i32
    %dma_start3A_50 = arith.constant 0 : i32
    %dma_start3A_51 = tpu.memref_slice %arg6[%dma_start3A_48, %dma_start3A_49, %dma_start3A_50] : memref<2x2x128xi32, #tpu.memory_space<vmem>> -> memref<1x1x128xi32, #tpu.memory_space<vmem>>
    %dma_start3A_52 = tpu.memref_squeeze %dma_start3A_51 : memref<1x1x128xi32, #tpu.memory_space<vmem>> -> memref<128xi32, #tpu.memory_space<vmem>>
    %dma_start3A_53 = arith.constant 0 : i32
    %dma_start3A_54 = arith.constant 0 : i32
    %dma_start3A_55 = tpu.memref_slice %arg31[%dma_start3A_53, %dma_start3A_54] : memref<10112x8xf32, #tpu.memory_space<vmem_shared>> -> memref<10112x8xf32, #tpu.memory_space<vmem_shared>>
    tpu.enqueue_indirect_dma source(%dma_start3A_55 : memref<10112x8xf32, #tpu.memory_space<vmem_shared>>) target(%arg14 : memref<128x8xf32, #tpu.memory_space<vmem>>) offsets(%dma_start3A_52 : memref<128xi32, #tpu.memory_space<vmem>>) semaphore(%arg22 : memref<!tpu.dma_semaphore, #tpu.memory_space<semaphore_mem>>)
    %dma_wait3A_56 = arith.constant 0 : i32
    %dma_wait3A_57 = arith.constant 0 : i32
    %dma_wait3A_58 = arith.constant 0 : i32
    %dma_wait3A_59 = tpu.memref_slice %arg6[%dma_wait3A_56, %dma_wait3A_57, %dma_wait3A_58] : memref<2x2x128xi32, #tpu.memory_space<vmem>> -> memref<1x1x128xi32, #tpu.memory_space<vmem>>
    %dma_wait3A_60 = tpu.memref_squeeze %dma_wait3A_59 : memref<1x1x128xi32, #tpu.memory_space<vmem>> -> memref<128xi32, #tpu.memory_space<vmem>>
    %dma_wait3A_61 = arith.constant 0 : i32
    %dma_wait3A_62 = arith.constant 0 : i32
    %dma_wait3A_63 = tpu.memref_slice %arg31[%dma_wait3A_61, %dma_wait3A_62] : memref<10112x8xf32, #tpu.memory_space<vmem_shared>> -> memref<10112x8xf32, #tpu.memory_space<vmem_shared>>
    tpu.wait_indirect_dma semaphore(%arg22 : memref<!tpu.dma_semaphore, #tpu.memory_space<semaphore_mem>>) src(%dma_wait3A_63 : memref<10112x8xf32, #tpu.memory_space<vmem_shared>>) dst(%arg10 : memref<128x8xf32, #tpu.memory_space<vmem>>)
    %dma_wait3A_64 = arith.constant 0 : i32
    %dma_wait3A_65 = arith.constant 1 : i32
    %dma_wait3A_66 = arith.constant 0 : i32
    %dma_wait3A_67 = tpu.memref_slice %arg6[%dma_wait3A_64, %dma_wait3A_65, %dma_wait3A_66] : memref<2x2x128xi32, #tpu.memory_space<vmem>> -> memref<1x1x128xi32, #tpu.memory_space<vmem>>
    %dma_wait3A_68 = tpu.memref_squeeze %dma_wait3A_67 : memref<1x1x128xi32, #tpu.memory_space<vmem>> -> memref<128xi32, #tpu.memory_space<vmem>>
    %dma_wait3A_69 = arith.constant 0 : i32
    %dma_wait3A_70 = arith.constant 0 : i32
    %dma_wait3A_71 = tpu.memref_slice %arg31[%dma_wait3A_69, %dma_wait3A_70] : memref<10112x8xf32, #tpu.memory_space<vmem_shared>> -> memref<10112x8xf32, #tpu.memory_space<vmem_shared>>
    tpu.wait_indirect_dma semaphore(%arg22 : memref<!tpu.dma_semaphore, #tpu.memory_space<semaphore_mem>>) src(%dma_wait3A_71 : memref<10112x8xf32, #tpu.memory_space<vmem_shared>>) dst(%arg14 : memref<128x8xf32, #tpu.memory_space<vmem>>)
    %min3A_72 = arith.constant 2 : i32
    %min3A_73 = arith.constant 38 : i32
    %min3A_74 = arith.minsi %min3A_72, %min3A_73 : i32
    %mul3A_75 = arith.constant 2 : i32
    %mul3A_76 = arith.muli %mul3A_75, %min3A_74 : i32
    %add3A_77 = arith.addi %mul3A_2, %mul3A_76 : i32
    %dma_start3A_78 = arith.constant 0 : i32
    %dma_start3A_79 = arith.constant 0 : i32
    %dma_start3A_80 = tpu.memref_slice %arg3[%dma_start3A_78, %add3A_77, %dma_start3A_79] : memref<2x2500x128xi32, #tpu.memory_space<hbm>> -> memref<2x2x128xi32, #tpu.memory_space<hbm>>
    %dma_start3A_81 = arith.constant 0 : i32
    %dma_start3A_82 = arith.constant 0 : i32
    %dma_start3A_83 = tpu.memref_slice %arg3[%dma_start3A_81, %add3A_77, %dma_start3A_82] : memref<2x2500x128xi32, #tpu.memory_space<hbm>> -> memref<2x2x128xi32, #tpu.memory_space<hbm>>
    tpu.enqueue_dma source(%dma_start3A_83 : memref<2x2x128xi32, #tpu.memory_space<hbm>>) target(%arg8 : memref<2x2x128xi32, #tpu.memory_space<vmem>>) target_semaphore(%arg20 : memref<!tpu.dma_semaphore, #tpu.memory_space<semaphore_mem>>)
    %dma_wait3A_84 = arith.constant 0 : i32
    %dma_wait3A_85 = arith.constant 0 : i32
    %dma_wait3A_86 = tpu.memref_slice %arg3[%dma_wait3A_84, %mul3A_2, %dma_wait3A_85] : memref<2x2500x128xi32, #tpu.memory_space<hbm>> -> memref<2x2x128xi32, #tpu.memory_space<hbm>>
    %dma_wait3A_87 = arith.constant 0 : i32
    %dma_wait3A_88 = arith.constant 0 : i32
    %dma_wait3A_89 = tpu.memref_slice %arg3[%dma_wait3A_87, %mul3A_2, %dma_wait3A_88] : memref<2x2500x128xi32, #tpu.memory_space<hbm>> -> memref<2x2x128xi32, #tpu.memory_space<hbm>>
    tpu.wait_dma2 semaphore(%arg19 : memref<!tpu.dma_semaphore, #tpu.memory_space<semaphore_mem>>) src(%dma_wait3A_89 : memref<2x2x128xi32, #tpu.memory_space<hbm>>) dst(%arg7 : memref<2x2x128xi32, #tpu.memory_space<vmem>>)
    %dma_start3A_90 = arith.constant 0 : i32
    %dma_start3A_91 = arith.constant 0 : i32
    %dma_start3A_92 = arith.constant 0 : i32
    %dma_start3A_93 = tpu.memref_slice %arg7[%dma_start3A_90, %dma_start3A_91, %dma_start3A_92] : memref<2x2x128xi32, #tpu.memory_space<vmem>> -> memref<1x1x128xi32, #tpu.memory_space<vmem>>
    %dma_start3A_94 = tpu.memref_squeeze %dma_start3A_93 : memref<1x1x128xi32, #tpu.memory_space<vmem>> -> memref<128xi32, #tpu.memory_space<vmem>>
    %dma_start3A_95 = arith.constant 0 : i32
    %dma_start3A_96 = arith.constant 0 : i32
    %dma_start3A_97 = tpu.memref_slice %arg31[%dma_start3A_95, %dma_start3A_96] : memref<10112x8xf32, #tpu.memory_space<vmem_shared>> -> memref<10112x8xf32, #tpu.memory_space<vmem_shared>>
    tpu.enqueue_indirect_dma source(%dma_start3A_97 : memref<10112x8xf32, #tpu.memory_space<vmem_shared>>) target(%arg11 : memref<128x8xf32, #tpu.memory_space<vmem>>) offsets(%dma_start3A_94 : memref<128xi32, #tpu.memory_space<vmem>>) semaphore(%arg23 : memref<!tpu.dma_semaphore, #tpu.memory_space<semaphore_mem>>)
    %dma_start3A_98 = arith.constant 0 : i32
    %dma_start3A_99 = arith.constant 1 : i32
    %dma_start3A_100 = arith.constant 0 : i32
    %dma_start3A_101 = tpu.memref_slice %arg7[%dma_start3A_98, %dma_start3A_99, %dma_start3A_100] : memref<2x2x128xi32, #tpu.memory_space<vmem>> -> memref<1x1x128xi32, #tpu.memory_space<vmem>>
    %dma_start3A_102 = tpu.memref_squeeze %dma_start3A_101 : memref<1x1x128xi32, #tpu.memory_space<vmem>> -> memref<128xi32, #tpu.memory_space<vmem>>
    %dma_start3A_103 = arith.constant 0 : i32
    %dma_start3A_104 = arith.constant 0 : i32
    %dma_start3A_105 = tpu.memref_slice %arg31[%dma_start3A_103, %dma_start3A_104] : memref<10112x8xf32, #tpu.memory_space<vmem_shared>> -> memref<10112x8xf32, #tpu.memory_space<vmem_shared>>
    tpu.enqueue_indirect_dma source(%dma_start3A_105 : memref<10112x8xf32, #tpu.memory_space<vmem_shared>>) target(%arg15 : memref<128x8xf32, #tpu.memory_space<vmem>>) offsets(%dma_start3A_102 : memref<128xi32, #tpu.memory_space<vmem>>) semaphore(%arg23 : memref<!tpu.dma_semaphore, #tpu.memory_space<semaphore_mem>>)
    %dma_start3A_106 = arith.constant 1 : i32
    %dma_start3A_107 = arith.constant 0 : i32
    %dma_start3A_108 = arith.constant 0 : i32
    %dma_start3A_109 = tpu.memref_slice %arg6[%dma_start3A_106, %dma_start3A_107, %dma_start3A_108] : memref<2x2x128xi32, #tpu.memory_space<vmem>> -> memref<1x1x128xi32, #tpu.memory_space<vmem>>
    %dma_start3A_110 = tpu.memref_squeeze %dma_start3A_109 : memref<1x1x128xi32, #tpu.memory_space<vmem>> -> memref<128xi32, #tpu.memory_space<vmem>>
    %dma_start3A_111 = arith.constant 0 : i32
    %dma_start3A_112 = arith.constant 0 : i32
    %dma_start3A_113 = tpu.memref_slice %arg30[%dma_start3A_111, %dma_start3A_112] : memref<10112x8xf32, #tpu.memory_space<vmem_shared>> -> memref<10112x8xf32, #tpu.memory_space<vmem_shared>>
    tpu.enqueue_indirect_dma source(%arg10 : memref<128x8xf32, #tpu.memory_space<vmem>>) target(%dma_start3A_113 : memref<10112x8xf32, #tpu.memory_space<vmem_shared>>) offsets(%dma_start3A_110 : memref<128xi32, #tpu.memory_space<vmem>>) semaphore(%arg26 : memref<!tpu.dma_semaphore, #tpu.memory_space<semaphore_mem>>) {add = true}
    %dma_start3A_114 = arith.constant 1 : i32
    %dma_start3A_115 = arith.constant 1 : i32
    %dma_start3A_116 = arith.constant 0 : i32
    %dma_start3A_117 = tpu.memref_slice %arg6[%dma_start3A_114, %dma_start3A_115, %dma_start3A_116] : memref<2x2x128xi32, #tpu.memory_space<vmem>> -> memref<1x1x128xi32, #tpu.memory_space<vmem>>
    %dma_start3A_118 = tpu.memref_squeeze %dma_start3A_117 : memref<1x1x128xi32, #tpu.memory_space<vmem>> -> memref<128xi32, #tpu.memory_space<vmem>>
    %dma_start3A_119 = arith.constant 0 : i32
    %dma_start3A_120 = arith.constant 0 : i32
    %dma_start3A_121 = tpu.memref_slice %arg30[%dma_start3A_119, %dma_start3A_120] : memref<10112x8xf32, #tpu.memory_space<vmem_shared>> -> memref<10112x8xf32, #tpu.memory_space<vmem_shared>>
    tpu.enqueue_indirect_dma source(%arg14 : memref<128x8xf32, #tpu.memory_space<vmem>>) target(%dma_start3A_121 : memref<10112x8xf32, #tpu.memory_space<vmem_shared>>) offsets(%dma_start3A_118 : memref<128xi32, #tpu.memory_space<vmem>>) semaphore(%arg26 : memref<!tpu.dma_semaphore, #tpu.memory_space<semaphore_mem>>) {add = true}
    %dma_wait3A_122 = arith.constant 0 : i32
    %dma_wait3A_123 = arith.constant 0 : i32
    %dma_wait3A_124 = arith.constant 0 : i32
    %dma_wait3A_125 = tpu.memref_slice %arg7[%dma_wait3A_122, %dma_wait3A_123, %dma_wait3A_124] : memref<2x2x128xi32, #tpu.memory_space<vmem>> -> memref<1x1x128xi32, #tpu.memory_space<vmem>>
    %dma_wait3A_126 = tpu.memref_squeeze %dma_wait3A_125 : memref<1x1x128xi32, #tpu.memory_space<vmem>> -> memref<128xi32, #tpu.memory_space<vmem>>
    %dma_wait3A_127 = arith.constant 0 : i32
    %dma_wait3A_128 = arith.constant 0 : i32
    %dma_wait3A_129 = tpu.memref_slice %arg31[%dma_wait3A_127, %dma_wait3A_128] : memref<10112x8xf32, #tpu.memory_space<vmem_shared>> -> memref<10112x8xf32, #tpu.memory_space<vmem_shared>>
    tpu.wait_indirect_dma semaphore(%arg23 : memref<!tpu.dma_semaphore, #tpu.memory_space<semaphore_mem>>) src(%dma_wait3A_129 : memref<10112x8xf32, #tpu.memory_space<vmem_shared>>) dst(%arg11 : memref<128x8xf32, #tpu.memory_space<vmem>>)
    %dma_wait3A_130 = arith.constant 0 : i32
    %dma_wait3A_131 = arith.constant 1 : i32
    %dma_wait3A_132 = arith.constant 0 : i32
    %dma_wait3A_133 = tpu.memref_slice %arg7[%dma_wait3A_130, %dma_wait3A_131, %dma_wait3A_132] : memref<2x2x128xi32, #tpu.memory_space<vmem>> -> memref<1x1x128xi32, #tpu.memory_space<vmem>>
    %dma_wait3A_134 = tpu.memref_squeeze %dma_wait3A_133 : memref<1x1x128xi32, #tpu.memory_space<vmem>> -> memref<128xi32, #tpu.memory_space<vmem>>
    %dma_wait3A_135 = arith.constant 0 : i32
    %dma_wait3A_136 = arith.constant 0 : i32
    %dma_wait3A_137 = tpu.memref_slice %arg31[%dma_wait3A_135, %dma_wait3A_136] : memref<10112x8xf32, #tpu.memory_space<vmem_shared>> -> memref<10112x8xf32, #tpu.memory_space<vmem_shared>>
    tpu.wait_indirect_dma semaphore(%arg23 : memref<!tpu.dma_semaphore, #tpu.memory_space<semaphore_mem>>) src(%dma_wait3A_137 : memref<10112x8xf32, #tpu.memory_space<vmem_shared>>) dst(%arg15 : memref<128x8xf32, #tpu.memory_space<vmem>>)
    %min3A_138 = arith.constant 3 : i32
    %min3A_139 = arith.constant 38 : i32
    %min3A_140 = arith.minsi %min3A_138, %min3A_139 : i32
    %mul3A_141 = arith.constant 2 : i32
    %mul3A_142 = arith.muli %mul3A_141, %min3A_140 : i32
    %add3A_143 = arith.addi %mul3A_2, %mul3A_142 : i32
    %dma_start3A_144 = arith.constant 0 : i32
    %dma_start3A_145 = arith.constant 0 : i32
    %dma_start3A_146 = tpu.memref_slice %arg3[%dma_start3A_144, %add3A_143, %dma_start3A_145] : memref<2x2500x128xi32, #tpu.memory_space<hbm>> -> memref<2x2x128xi32, #tpu.memory_space<hbm>>
    %dma_start3A_147 = arith.constant 0 : i32
    %dma_start3A_148 = arith.constant 0 : i32
    %dma_start3A_149 = tpu.memref_slice %arg3[%dma_start3A_147, %add3A_143, %dma_start3A_148] : memref<2x2500x128xi32, #tpu.memory_space<hbm>> -> memref<2x2x128xi32, #tpu.memory_space<hbm>>
    tpu.enqueue_dma source(%dma_start3A_149 : memref<2x2x128xi32, #tpu.memory_space<hbm>>) target(%arg9 : memref<2x2x128xi32, #tpu.memory_space<vmem>>) target_semaphore(%arg21 : memref<!tpu.dma_semaphore, #tpu.memory_space<semaphore_mem>>)
    %dma_wait3A_150 = arith.constant 0 : i32
    %dma_wait3A_151 = arith.constant 0 : i32
    %dma_wait3A_152 = tpu.memref_slice %arg3[%dma_wait3A_150, %mul3A_2, %dma_wait3A_151] : memref<2x2500x128xi32, #tpu.memory_space<hbm>> -> memref<2x2x128xi32, #tpu.memory_space<hbm>>
    %dma_wait3A_153 = arith.constant 0 : i32
    %dma_wait3A_154 = arith.constant 0 : i32
    %dma_wait3A_155 = tpu.memref_slice %arg3[%dma_wait3A_153, %mul3A_2, %dma_wait3A_154] : memref<2x2500x128xi32, #tpu.memory_space<hbm>> -> memref<2x2x128xi32, #tpu.memory_space<hbm>>
    tpu.wait_dma2 semaphore(%arg20 : memref<!tpu.dma_semaphore, #tpu.memory_space<semaphore_mem>>) src(%dma_wait3A_155 : memref<2x2x128xi32, #tpu.memory_space<hbm>>) dst(%arg8 : memref<2x2x128xi32, #tpu.memory_space<vmem>>)
    %dma_start3A_156 = arith.constant 0 : i32
    %dma_start3A_157 = arith.constant 0 : i32
    %dma_start3A_158 = arith.constant 0 : i32
    %dma_start3A_159 = tpu.memref_slice %arg8[%dma_start3A_156, %dma_start3A_157, %dma_start3A_158] : memref<2x2x128xi32, #tpu.memory_space<vmem>> -> memref<1x1x128xi32, #tpu.memory_space<vmem>>
    %dma_start3A_160 = tpu.memref_squeeze %dma_start3A_159 : memref<1x1x128xi32, #tpu.memory_space<vmem>> -> memref<128xi32, #tpu.memory_space<vmem>>
    %dma_start3A_161 = arith.constant 0 : i32
    %dma_start3A_162 = arith.constant 0 : i32
    %dma_start3A_163 = tpu.memref_slice %arg31[%dma_start3A_161, %dma_start3A_162] : memref<10112x8xf32, #tpu.memory_space<vmem_shared>> -> memref<10112x8xf32, #tpu.memory_space<vmem_shared>>
    tpu.enqueue_indirect_dma source(%dma_start3A_163 : memref<10112x8xf32, #tpu.memory_space<vmem_shared>>) target(%arg12 : memref<128x8xf32, #tpu.memory_space<vmem>>) offsets(%dma_start3A_160 : memref<128xi32, #tpu.memory_space<vmem>>) semaphore(%arg24 : memref<!tpu.dma_semaphore, #tpu.memory_space<semaphore_mem>>)
    %dma_start3A_164 = arith.constant 0 : i32
    %dma_start3A_165 = arith.constant 1 : i32
    %dma_start3A_166 = arith.constant 0 : i32
    %dma_start3A_167 = tpu.memref_slice %arg8[%dma_start3A_164, %dma_start3A_165, %dma_start3A_166] : memref<2x2x128xi32, #tpu.memory_space<vmem>> -> memref<1x1x128xi32, #tpu.memory_space<vmem>>
    %dma_start3A_168 = tpu.memref_squeeze %dma_start3A_167 : memref<1x1x128xi32, #tpu.memory_space<vmem>> -> memref<128xi32, #tpu.memory_space<vmem>>
    %dma_start3A_169 = arith.constant 0 : i32
    %dma_start3A_170 = arith.constant 0 : i32
    %dma_start3A_171 = tpu.memref_slice %arg31[%dma_start3A_169, %dma_start3A_170] : memref<10112x8xf32, #tpu.memory_space<vmem_shared>> -> memref<10112x8xf32, #tpu.memory_space<vmem_shared>>
    tpu.enqueue_indirect_dma source(%dma_start3A_171 : memref<10112x8xf32, #tpu.memory_space<vmem_shared>>) target(%arg16 : memref<128x8xf32, #tpu.memory_space<vmem>>) offsets(%dma_start3A_168 : memref<128xi32, #tpu.memory_space<vmem>>) semaphore(%arg24 : memref<!tpu.dma_semaphore, #tpu.memory_space<semaphore_mem>>)
    %dma_start3A_172 = arith.constant 1 : i32
    %dma_start3A_173 = arith.constant 0 : i32
    %dma_start3A_174 = arith.constant 0 : i32
    %dma_start3A_175 = tpu.memref_slice %arg7[%dma_start3A_172, %dma_start3A_173, %dma_start3A_174] : memref<2x2x128xi32, #tpu.memory_space<vmem>> -> memref<1x1x128xi32, #tpu.memory_space<vmem>>
    %dma_start3A_176 = tpu.memref_squeeze %dma_start3A_175 : memref<1x1x128xi32, #tpu.memory_space<vmem>> -> memref<128xi32, #tpu.memory_space<vmem>>
    %dma_start3A_177 = arith.constant 0 : i32
    %dma_start3A_178 = arith.constant 0 : i32
    %dma_start3A_179 = tpu.memref_slice %arg30[%dma_start3A_177, %dma_start3A_178] : memref<10112x8xf32, #tpu.memory_space<vmem_shared>> -> memref<10112x8xf32, #tpu.memory_space<vmem_shared>>
    tpu.enqueue_indirect_dma source(%arg11 : memref<128x8xf32, #tpu.memory_space<vmem>>) target(%dma_start3A_179 : memref<10112x8xf32, #tpu.memory_space<vmem_shared>>) offsets(%dma_start3A_176 : memref<128xi32, #tpu.memory_space<vmem>>) semaphore(%arg27 : memref<!tpu.dma_semaphore, #tpu.memory_space<semaphore_mem>>) {add = true}
    %dma_start3A_180 = arith.constant 1 : i32
    %dma_start3A_181 = arith.constant 1 : i32
    %dma_start3A_182 = arith.constant 0 : i32
    %dma_start3A_183 = tpu.memref_slice %arg7[%dma_start3A_180, %dma_start3A_181, %dma_start3A_182] : memref<2x2x128xi32, #tpu.memory_space<vmem>> -> memref<1x1x128xi32, #tpu.memory_space<vmem>>
    %dma_start3A_184 = tpu.memref_squeeze %dma_start3A_183 : memref<1x1x128xi32, #tpu.memory_space<vmem>> -> memref<128xi32, #tpu.memory_space<vmem>>
    %dma_start3A_185 = arith.constant 0 : i32
    %dma_start3A_186 = arith.constant 0 : i32
    %dma_start3A_187 = tpu.memref_slice %arg30[%dma_start3A_185, %dma_start3A_186] : memref<10112x8xf32, #tpu.memory_space<vmem_shared>> -> memref<10112x8xf32, #tpu.memory_space<vmem_shared>>
    tpu.enqueue_indirect_dma source(%arg15 : memref<128x8xf32, #tpu.memory_space<vmem>>) target(%dma_start3A_187 : memref<10112x8xf32, #tpu.memory_space<vmem_shared>>) offsets(%dma_start3A_184 : memref<128xi32, #tpu.memory_space<vmem>>) semaphore(%arg27 : memref<!tpu.dma_semaphore, #tpu.memory_space<semaphore_mem>>) {add = true}
    %scan3A = arith.constant 0 : i32
    %scan3A_188 = arith.constant 0 : i32
    %scan3A_189 = arith.constant 9 : i32
    %scan3A_190 = arith.addi %scan3A_188, %scan3A_189 : i32
    %scan3A_191 = arith.constant 1 : i32
    scf.for %scan3A_341 = %scan3A_188 to %scan3A_190 step %scan3A_191  : i32 {
      %mul3A_342 = arith.constant 4 : i32
      %mul3A_343 = arith.muli %mul3A_342, %scan3A_341 : i32
      %add3A_344 = arith.constant 2 : i32
      %add3A_345 = arith.addi %add3A_344, %mul3A_343 : i32
      %add3A_346 = arith.constant 0 : i32
      %add3A_347 = arith.addi %add3A_345, %add3A_346 : i32
      %dma_wait3A_348 = arith.constant 0 : i32
      %dma_wait3A_349 = arith.constant 0 : i32
      %dma_wait3A_350 = arith.constant 0 : i32
      %dma_wait3A_351 = tpu.memref_slice %arg8[%dma_wait3A_348, %dma_wait3A_349, %dma_wait3A_350] : memref<2x2x128xi32, #tpu.memory_space<vmem>> -> memref<1x1x128xi32, #tpu.memory_space<vmem>>
      %dma_wait3A_352 = tpu.memref_squeeze %dma_wait3A_351 : memref<1x1x128xi32, #tpu.memory_space<vmem>> -> memref<128xi32, #tpu.memory_space<vmem>>
      %dma_wait3A_353 = arith.constant 0 : i32
      %dma_wait3A_354 = arith.constant 0 : i32
      %dma_wait3A_355 = tpu.memref_slice %arg31[%dma_wait3A_353, %dma_wait3A_354] : memref<10112x8xf32, #tpu.memory_space<vmem_shared>> -> memref<10112x8xf32, #tpu.memory_space<vmem_shared>>
      tpu.wait_indirect_dma semaphore(%arg24 : memref<!tpu.dma_semaphore, #tpu.memory_space<semaphore_mem>>) src(%dma_wait3A_355 : memref<10112x8xf32, #tpu.memory_space<vmem_shared>>) dst(%arg12 : memref<128x8xf32, #tpu.memory_space<vmem>>)
      %dma_wait3A_356 = arith.constant 0 : i32
      %dma_wait3A_357 = arith.constant 1 : i32
      %dma_wait3A_358 = arith.constant 0 : i32
      %dma_wait3A_359 = tpu.memref_slice %arg8[%dma_wait3A_356, %dma_wait3A_357, %dma_wait3A_358] : memref<2x2x128xi32, #tpu.memory_space<vmem>> -> memref<1x1x128xi32, #tpu.memory_space<vmem>>
      %dma_wait3A_360 = tpu.memref_squeeze %dma_wait3A_359 : memref<1x1x128xi32, #tpu.memory_space<vmem>> -> memref<128xi32, #tpu.memory_space<vmem>>
      %dma_wait3A_361 = arith.constant 0 : i32
      %dma_wait3A_362 = arith.constant 0 : i32
      %dma_wait3A_363 = tpu.memref_slice %arg31[%dma_wait3A_361, %dma_wait3A_362] : memref<10112x8xf32, #tpu.memory_space<vmem_shared>> -> memref<10112x8xf32, #tpu.memory_space<vmem_shared>>
      tpu.wait_indirect_dma semaphore(%arg24 : memref<!tpu.dma_semaphore, #tpu.memory_space<semaphore_mem>>) src(%dma_wait3A_363 : memref<10112x8xf32, #tpu.memory_space<vmem_shared>>) dst(%arg16 : memref<128x8xf32, #tpu.memory_space<vmem>>)
      %dma_wait3A_364 = arith.constant 1 : i32
      %dma_wait3A_365 = arith.constant 0 : i32
      %dma_wait3A_366 = arith.constant 0 : i32
      %dma_wait3A_367 = tpu.memref_slice %arg6[%dma_wait3A_364, %dma_wait3A_365, %dma_wait3A_366] : memref<2x2x128xi32, #tpu.memory_space<vmem>> -> memref<1x1x128xi32, #tpu.memory_space<vmem>>
      %dma_wait3A_368 = tpu.memref_squeeze %dma_wait3A_367 : memref<1x1x128xi32, #tpu.memory_space<vmem>> -> memref<128xi32, #tpu.memory_space<vmem>>
      %dma_wait3A_369 = arith.constant 0 : i32
      %dma_wait3A_370 = arith.constant 0 : i32
      %dma_wait3A_371 = tpu.memref_slice %arg30[%dma_wait3A_369, %dma_wait3A_370] : memref<10112x8xf32, #tpu.memory_space<vmem_shared>> -> memref<10112x8xf32, #tpu.memory_space<vmem_shared>>
      tpu.wait_indirect_dma semaphore(%arg26 : memref<!tpu.dma_semaphore, #tpu.memory_space<semaphore_mem>>) src(%arg10 : memref<128x8xf32, #tpu.memory_space<vmem>>) dst(%dma_wait3A_371 : memref<10112x8xf32, #tpu.memory_space<vmem_shared>>)
      %dma_wait3A_372 = arith.constant 1 : i32
      %dma_wait3A_373 = arith.constant 1 : i32
      %dma_wait3A_374 = arith.constant 0 : i32
      %dma_wait3A_375 = tpu.memref_slice %arg6[%dma_wait3A_372, %dma_wait3A_373, %dma_wait3A_374] : memref<2x2x128xi32, #tpu.memory_space<vmem>> -> memref<1x1x128xi32, #tpu.memory_space<vmem>>
      %dma_wait3A_376 = tpu.memref_squeeze %dma_wait3A_375 : memref<1x1x128xi32, #tpu.memory_space<vmem>> -> memref<128xi32, #tpu.memory_space<vmem>>
      %dma_wait3A_377 = arith.constant 0 : i32
      %dma_wait3A_378 = arith.constant 0 : i32
      %dma_wait3A_379 = tpu.memref_slice %arg30[%dma_wait3A_377, %dma_wait3A_378] : memref<10112x8xf32, #tpu.memory_space<vmem_shared>> -> memref<10112x8xf32, #tpu.memory_space<vmem_shared>>
      tpu.wait_indirect_dma semaphore(%arg26 : memref<!tpu.dma_semaphore, #tpu.memory_space<semaphore_mem>>) src(%arg14 : memref<128x8xf32, #tpu.memory_space<vmem>>) dst(%dma_wait3A_379 : memref<10112x8xf32, #tpu.memory_space<vmem_shared>>)
      %add3A_380 = arith.constant 2 : i32
      %add3A_381 = arith.addi %add3A_347, %add3A_380 : i32
      %min3A_382 = arith.constant 38 : i32
      %min3A_383 = arith.minsi %add3A_381, %min3A_382 : i32
      %mul3A_384 = arith.constant 2 : i32
      %mul3A_385 = arith.muli %mul3A_384, %min3A_383 : i32
      %add3A_386 = arith.addi %mul3A_2, %mul3A_385 : i32
      %dma_start3A_387 = arith.constant 0 : i32
      %dma_start3A_388 = arith.constant 0 : i32
      %dma_start3A_389 = tpu.memref_slice %arg3[%dma_start3A_387, %add3A_386, %dma_start3A_388] : memref<2x2500x128xi32, #tpu.memory_space<hbm>> -> memref<2x2x128xi32, #tpu.memory_space<hbm>>
      %dma_start3A_390 = arith.constant 0 : i32
      %dma_start3A_391 = arith.constant 0 : i32
      %dma_start3A_392 = tpu.memref_slice %arg3[%dma_start3A_390, %add3A_386, %dma_start3A_391] : memref<2x2500x128xi32, #tpu.memory_space<hbm>> -> memref<2x2x128xi32, #tpu.memory_space<hbm>>
      tpu.enqueue_dma source(%dma_start3A_392 : memref<2x2x128xi32, #tpu.memory_space<hbm>>) target(%arg6 : memref<2x2x128xi32, #tpu.memory_space<vmem>>) target_semaphore(%arg18 : memref<!tpu.dma_semaphore, #tpu.memory_space<semaphore_mem>>)
      %dma_wait3A_393 = arith.constant 0 : i32
      %dma_wait3A_394 = arith.constant 0 : i32
      %dma_wait3A_395 = tpu.memref_slice %arg3[%dma_wait3A_393, %mul3A_2, %dma_wait3A_394] : memref<2x2500x128xi32, #tpu.memory_space<hbm>> -> memref<2x2x128xi32, #tpu.memory_space<hbm>>
      %dma_wait3A_396 = arith.constant 0 : i32
      %dma_wait3A_397 = arith.constant 0 : i32
      %dma_wait3A_398 = tpu.memref_slice %arg3[%dma_wait3A_396, %mul3A_2, %dma_wait3A_397] : memref<2x2500x128xi32, #tpu.memory_space<hbm>> -> memref<2x2x128xi32, #tpu.memory_space<hbm>>
      tpu.wait_dma2 semaphore(%arg21 : memref<!tpu.dma_semaphore, #tpu.memory_space<semaphore_mem>>) src(%dma_wait3A_398 : memref<2x2x128xi32, #tpu.memory_space<hbm>>) dst(%arg9 : memref<2x2x128xi32, #tpu.memory_space<vmem>>)
      %dma_start3A_399 = arith.constant 0 : i32
      %dma_start3A_400 = arith.constant 0 : i32
      %dma_start3A_401 = arith.constant 0 : i32
      %dma_start3A_402 = tpu.memref_slice %arg9[%dma_start3A_399, %dma_start3A_400, %dma_start3A_401] : memref<2x2x128xi32, #tpu.memory_space<vmem>> -> memref<1x1x128xi32, #tpu.memory_space<vmem>>
      %dma_start3A_403 = tpu.memref_squeeze %dma_start3A_402 : memref<1x1x128xi32, #tpu.memory_space<vmem>> -> memref<128xi32, #tpu.memory_space<vmem>>
      %dma_start3A_404 = arith.constant 0 : i32
      %dma_start3A_405 = arith.constant 0 : i32
      %dma_start3A_406 = tpu.memref_slice %arg31[%dma_start3A_404, %dma_start3A_405] : memref<10112x8xf32, #tpu.memory_space<vmem_shared>> -> memref<10112x8xf32, #tpu.memory_space<vmem_shared>>
      tpu.enqueue_indirect_dma source(%dma_start3A_406 : memref<10112x8xf32, #tpu.memory_space<vmem_shared>>) target(%arg13 : memref<128x8xf32, #tpu.memory_space<vmem>>) offsets(%dma_start3A_403 : memref<128xi32, #tpu.memory_space<vmem>>) semaphore(%arg25 : memref<!tpu.dma_semaphore, #tpu.memory_space<semaphore_mem>>)
      %dma_start3A_407 = arith.constant 0 : i32
      %dma_start3A_408 = arith.constant 1 : i32
      %dma_start3A_409 = arith.constant 0 : i32
      %dma_start3A_410 = tpu.memref_slice %arg9[%dma_start3A_407, %dma_start3A_408, %dma_start3A_409] : memref<2x2x128xi32, #tpu.memory_space<vmem>> -> memref<1x1x128xi32, #tpu.memory_space<vmem>>
      %dma_start3A_411 = tpu.memref_squeeze %dma_start3A_410 : memref<1x1x128xi32, #tpu.memory_space<vmem>> -> memref<128xi32, #tpu.memory_space<vmem>>
      %dma_start3A_412 = arith.constant 0 : i32
      %dma_start3A_413 = arith.constant 0 : i32
      %dma_start3A_414 = tpu.memref_slice %arg31[%dma_start3A_412, %dma_start3A_413] : memref<10112x8xf32, #tpu.memory_space<vmem_shared>> -> memref<10112x8xf32, #tpu.memory_space<vmem_shared>>
      tpu.enqueue_indirect_dma source(%dma_start3A_414 : memref<10112x8xf32, #tpu.memory_space<vmem_shared>>) target(%arg17 : memref<128x8xf32, #tpu.memory_space<vmem>>) offsets(%dma_start3A_411 : memref<128xi32, #tpu.memory_space<vmem>>) semaphore(%arg25 : memref<!tpu.dma_semaphore, #tpu.memory_space<semaphore_mem>>)
      %dma_start3A_415 = arith.constant 1 : i32
      %dma_start3A_416 = arith.constant 0 : i32
      %dma_start3A_417 = arith.constant 0 : i32
      %dma_start3A_418 = tpu.memref_slice %arg8[%dma_start3A_415, %dma_start3A_416, %dma_start3A_417] : memref<2x2x128xi32, #tpu.memory_space<vmem>> -> memref<1x1x128xi32, #tpu.memory_space<vmem>>
      %dma_start3A_419 = tpu.memref_squeeze %dma_start3A_418 : memref<1x1x128xi32, #tpu.memory_space<vmem>> -> memref<128xi32, #tpu.memory_space<vmem>>
      %dma_start3A_420 = arith.constant 0 : i32
      %dma_start3A_421 = arith.constant 0 : i32
      %dma_start3A_422 = tpu.memref_slice %arg30[%dma_start3A_420, %dma_start3A_421] : memref<10112x8xf32, #tpu.memory_space<vmem_shared>> -> memref<10112x8xf32, #tpu.memory_space<vmem_shared>>
      tpu.enqueue_indirect_dma source(%arg12 : memref<128x8xf32, #tpu.memory_space<vmem>>) target(%dma_start3A_422 : memref<10112x8xf32, #tpu.memory_space<vmem_shared>>) offsets(%dma_start3A_419 : memref<128xi32, #tpu.memory_space<vmem>>) semaphore(%arg28 : memref<!tpu.dma_semaphore, #tpu.memory_space<semaphore_mem>>) {add = true}
      %dma_start3A_423 = arith.constant 1 : i32
      %dma_start3A_424 = arith.constant 1 : i32
      %dma_start3A_425 = arith.constant 0 : i32
      %dma_start3A_426 = tpu.memref_slice %arg8[%dma_start3A_423, %dma_start3A_424, %dma_start3A_425] : memref<2x2x128xi32, #tpu.memory_space<vmem>> -> memref<1x1x128xi32, #tpu.memory_space<vmem>>
      %dma_start3A_427 = tpu.memref_squeeze %dma_start3A_426 : memref<1x1x128xi32, #tpu.memory_space<vmem>> -> memref<128xi32, #tpu.memory_space<vmem>>
      %dma_start3A_428 = arith.constant 0 : i32
      %dma_start3A_429 = arith.constant 0 : i32
      %dma_start3A_430 = tpu.memref_slice %arg30[%dma_start3A_428, %dma_start3A_429] : memref<10112x8xf32, #tpu.memory_space<vmem_shared>> -> memref<10112x8xf32, #tpu.memory_space<vmem_shared>>
      tpu.enqueue_indirect_dma source(%arg16 : memref<128x8xf32, #tpu.memory_space<vmem>>) target(%dma_start3A_430 : memref<10112x8xf32, #tpu.memory_space<vmem_shared>>) offsets(%dma_start3A_427 : memref<128xi32, #tpu.memory_space<vmem>>) semaphore(%arg28 : memref<!tpu.dma_semaphore, #tpu.memory_space<semaphore_mem>>) {add = true}
      %add3A_431 = arith.constant 1 : i32
      %add3A_432 = arith.addi %add3A_345, %add3A_431 : i32
      %dma_wait3A_433 = arith.constant 0 : i32
      %dma_wait3A_434 = arith.constant 0 : i32
      %dma_wait3A_435 = arith.constant 0 : i32
      %dma_wait3A_436 = tpu.memref_slice %arg9[%dma_wait3A_433, %dma_wait3A_434, %dma_wait3A_435] : memref<2x2x128xi32, #tpu.memory_space<vmem>> -> memref<1x1x128xi32, #tpu.memory_space<vmem>>
      %dma_wait3A_437 = tpu.memref_squeeze %dma_wait3A_436 : memref<1x1x128xi32, #tpu.memory_space<vmem>> -> memref<128xi32, #tpu.memory_space<vmem>>
      %dma_wait3A_438 = arith.constant 0 : i32
      %dma_wait3A_439 = arith.constant 0 : i32
      %dma_wait3A_440 = tpu.memref_slice %arg31[%dma_wait3A_438, %dma_wait3A_439] : memref<10112x8xf32, #tpu.memory_space<vmem_shared>> -> memref<10112x8xf32, #tpu.memory_space<vmem_shared>>
      tpu.wait_indirect_dma semaphore(%arg25 : memref<!tpu.dma_semaphore, #tpu.memory_space<semaphore_mem>>) src(%dma_wait3A_440 : memref<10112x8xf32, #tpu.memory_space<vmem_shared>>) dst(%arg13 : memref<128x8xf32, #tpu.memory_space<vmem>>)
      %dma_wait3A_441 = arith.constant 0 : i32
      %dma_wait3A_442 = arith.constant 1 : i32
      %dma_wait3A_443 = arith.constant 0 : i32
      %dma_wait3A_444 = tpu.memref_slice %arg9[%dma_wait3A_441, %dma_wait3A_442, %dma_wait3A_443] : memref<2x2x128xi32, #tpu.memory_space<vmem>> -> memref<1x1x128xi32, #tpu.memory_space<vmem>>
      %dma_wait3A_445 = tpu.memref_squeeze %dma_wait3A_444 : memref<1x1x128xi32, #tpu.memory_space<vmem>> -> memref<128xi32, #tpu.memory_space<vmem>>
      %dma_wait3A_446 = arith.constant 0 : i32
      %dma_wait3A_447 = arith.constant 0 : i32
      %dma_wait3A_448 = tpu.memref_slice %arg31[%dma_wait3A_446, %dma_wait3A_447] : memref<10112x8xf32, #tpu.memory_space<vmem_shared>> -> memref<10112x8xf32, #tpu.memory_space<vmem_shared>>
      tpu.wait_indirect_dma semaphore(%arg25 : memref<!tpu.dma_semaphore, #tpu.memory_space<semaphore_mem>>) src(%dma_wait3A_448 : memref<10112x8xf32, #tpu.memory_space<vmem_shared>>) dst(%arg17 : memref<128x8xf32, #tpu.memory_space<vmem>>)
      %dma_wait3A_449 = arith.constant 1 : i32
      %dma_wait3A_450 = arith.constant 0 : i32
      %dma_wait3A_451 = arith.constant 0 : i32
      %dma_wait3A_452 = tpu.memref_slice %arg7[%dma_wait3A_449, %dma_wait3A_450, %dma_wait3A_451] : memref<2x2x128xi32, #tpu.memory_space<vmem>> -> memref<1x1x128xi32, #tpu.memory_space<vmem>>
      %dma_wait3A_453 = tpu.memref_squeeze %dma_wait3A_452 : memref<1x1x128xi32, #tpu.memory_space<vmem>> -> memref<128xi32, #tpu.memory_space<vmem>>
      %dma_wait3A_454 = arith.constant 0 : i32
      %dma_wait3A_455 = arith.constant 0 : i32
      %dma_wait3A_456 = tpu.memref_slice %arg30[%dma_wait3A_454, %dma_wait3A_455] : memref<10112x8xf32, #tpu.memory_space<vmem_shared>> -> memref<10112x8xf32, #tpu.memory_space<vmem_shared>>
      tpu.wait_indirect_dma semaphore(%arg27 : memref<!tpu.dma_semaphore, #tpu.memory_space<semaphore_mem>>) src(%arg11 : memref<128x8xf32, #tpu.memory_space<vmem>>) dst(%dma_wait3A_456 : memref<10112x8xf32, #tpu.memory_space<vmem_shared>>)
      %dma_wait3A_457 = arith.constant 1 : i32
      %dma_wait3A_458 = arith.constant 1 : i32
      %dma_wait3A_459 = arith.constant 0 : i32
      %dma_wait3A_460 = tpu.memref_slice %arg7[%dma_wait3A_457, %dma_wait3A_458, %dma_wait3A_459] : memref<2x2x128xi32, #tpu.memory_space<vmem>> -> memref<1x1x128xi32, #tpu.memory_space<vmem>>
      %dma_wait3A_461 = tpu.memref_squeeze %dma_wait3A_460 : memref<1x1x128xi32, #tpu.memory_space<vmem>> -> memref<128xi32, #tpu.memory_space<vmem>>
      %dma_wait3A_462 = arith.constant 0 : i32
      %dma_wait3A_463 = arith.constant 0 : i32
      %dma_wait3A_464 = tpu.memref_slice %arg30[%dma_wait3A_462, %dma_wait3A_463] : memref<10112x8xf32, #tpu.memory_space<vmem_shared>> -> memref<10112x8xf32, #tpu.memory_space<vmem_shared>>
      tpu.wait_indirect_dma semaphore(%arg27 : memref<!tpu.dma_semaphore, #tpu.memory_space<semaphore_mem>>) src(%arg15 : memref<128x8xf32, #tpu.memory_space<vmem>>) dst(%dma_wait3A_464 : memref<10112x8xf32, #tpu.memory_space<vmem_shared>>)
      %add3A_465 = arith.constant 2 : i32
      %add3A_466 = arith.addi %add3A_432, %add3A_465 : i32
      %min3A_467 = arith.constant 38 : i32
      %min3A_468 = arith.minsi %add3A_466, %min3A_467 : i32
      %mul3A_469 = arith.constant 2 : i32
      %mul3A_470 = arith.muli %mul3A_469, %min3A_468 : i32
      %add3A_471 = arith.addi %mul3A_2, %mul3A_470 : i32
      %dma_start3A_472 = arith.constant 0 : i32
      %dma_start3A_473 = arith.constant 0 : i32
      %dma_start3A_474 = tpu.memref_slice %arg3[%dma_start3A_472, %add3A_471, %dma_start3A_473] : memref<2x2500x128xi32, #tpu.memory_space<hbm>> -> memref<2x2x128xi32, #tpu.memory_space<hbm>>
      %dma_start3A_475 = arith.constant 0 : i32
      %dma_start3A_476 = arith.constant 0 : i32
      %dma_start3A_477 = tpu.memref_slice %arg3[%dma_start3A_475, %add3A_471, %dma_start3A_476] : memref<2x2500x128xi32, #tpu.memory_space<hbm>> -> memref<2x2x128xi32, #tpu.memory_space<hbm>>
      tpu.enqueue_dma source(%dma_start3A_477 : memref<2x2x128xi32, #tpu.memory_space<hbm>>) target(%arg7 : memref<2x2x128xi32, #tpu.memory_space<vmem>>) target_semaphore(%arg19 : memref<!tpu.dma_semaphore, #tpu.memory_space<semaphore_mem>>)
      %dma_wait3A_478 = arith.constant 0 : i32
      %dma_wait3A_479 = arith.constant 0 : i32
      %dma_wait3A_480 = tpu.memref_slice %arg3[%dma_wait3A_478, %mul3A_2, %dma_wait3A_479] : memref<2x2500x128xi32, #tpu.memory_space<hbm>> -> memref<2x2x128xi32, #tpu.memory_space<hbm>>
      %dma_wait3A_481 = arith.constant 0 : i32
      %dma_wait3A_482 = arith.constant 0 : i32
      %dma_wait3A_483 = tpu.memref_slice %arg3[%dma_wait3A_481, %mul3A_2, %dma_wait3A_482] : memref<2x2500x128xi32, #tpu.memory_space<hbm>> -> memref<2x2x128xi32, #tpu.memory_space<hbm>>
      tpu.wait_dma2 semaphore(%arg18 : memref<!tpu.dma_semaphore, #tpu.memory_space<semaphore_mem>>) src(%dma_wait3A_483 : memref<2x2x128xi32, #tpu.memory_space<hbm>>) dst(%arg6 : memref<2x2x128xi32, #tpu.memory_space<vmem>>)
      %dma_start3A_484 = arith.constant 0 : i32
      %dma_start3A_485 = arith.constant 0 : i32
      %dma_start3A_486 = arith.constant 0 : i32
      %dma_start3A_487 = tpu.memref_slice %arg6[%dma_start3A_484, %dma_start3A_485, %dma_start3A_486] : memref<2x2x128xi32, #tpu.memory_space<vmem>> -> memref<1x1x128xi32, #tpu.memory_space<vmem>>
      %dma_start3A_488 = tpu.memref_squeeze %dma_start3A_487 : memref<1x1x128xi32, #tpu.memory_space<vmem>> -> memref<128xi32, #tpu.memory_space<vmem>>
      %dma_start3A_489 = arith.constant 0 : i32
      %dma_start3A_490 = arith.constant 0 : i32
      %dma_start3A_491 = tpu.memref_slice %arg31[%dma_start3A_489, %dma_start3A_490] : memref<10112x8xf32, #tpu.memory_space<vmem_shared>> -> memref<10112x8xf32, #tpu.memory_space<vmem_shared>>
      tpu.enqueue_indirect_dma source(%dma_start3A_491 : memref<10112x8xf32, #tpu.memory_space<vmem_shared>>) target(%arg10 : memref<128x8xf32, #tpu.memory_space<vmem>>) offsets(%dma_start3A_488 : memref<128xi32, #tpu.memory_space<vmem>>) semaphore(%arg22 : memref<!tpu.dma_semaphore, #tpu.memory_space<semaphore_mem>>)
      %dma_start3A_492 = arith.constant 0 : i32
      %dma_start3A_493 = arith.constant 1 : i32
      %dma_start3A_494 = arith.constant 0 : i32
      %dma_start3A_495 = tpu.memref_slice %arg6[%dma_start3A_492, %dma_start3A_493, %dma_start3A_494] : memref<2x2x128xi32, #tpu.memory_space<vmem>> -> memref<1x1x128xi32, #tpu.memory_space<vmem>>
      %dma_start3A_496 = tpu.memref_squeeze %dma_start3A_495 : memref<1x1x128xi32, #tpu.memory_space<vmem>> -> memref<128xi32, #tpu.memory_space<vmem>>
      %dma_start3A_497 = arith.constant 0 : i32
      %dma_start3A_498 = arith.constant 0 : i32
      %dma_start3A_499 = tpu.memref_slice %arg31[%dma_start3A_497, %dma_start3A_498] : memref<10112x8xf32, #tpu.memory_space<vmem_shared>> -> memref<10112x8xf32, #tpu.memory_space<vmem_shared>>
      tpu.enqueue_indirect_dma source(%dma_start3A_499 : memref<10112x8xf32, #tpu.memory_space<vmem_shared>>) target(%arg14 : memref<128x8xf32, #tpu.memory_space<vmem>>) offsets(%dma_start3A_496 : memref<128xi32, #tpu.memory_space<vmem>>) semaphore(%arg22 : memref<!tpu.dma_semaphore, #tpu.memory_space<semaphore_mem>>)
      %dma_start3A_500 = arith.constant 1 : i32
      %dma_start3A_501 = arith.constant 0 : i32
      %dma_start3A_502 = arith.constant 0 : i32
      %dma_start3A_503 = tpu.memref_slice %arg9[%dma_start3A_500, %dma_start3A_501, %dma_start3A_502] : memref<2x2x128xi32, #tpu.memory_space<vmem>> -> memref<1x1x128xi32, #tpu.memory_space<vmem>>
      %dma_start3A_504 = tpu.memref_squeeze %dma_start3A_503 : memref<1x1x128xi32, #tpu.memory_space<vmem>> -> memref<128xi32, #tpu.memory_space<vmem>>
      %dma_start3A_505 = arith.constant 0 : i32
      %dma_start3A_506 = arith.constant 0 : i32
      %dma_start3A_507 = tpu.memref_slice %arg30[%dma_start3A_505, %dma_start3A_506] : memref<10112x8xf32, #tpu.memory_space<vmem_shared>> -> memref<10112x8xf32, #tpu.memory_space<vmem_shared>>
      tpu.enqueue_indirect_dma source(%arg13 : memref<128x8xf32, #tpu.memory_space<vmem>>) target(%dma_start3A_507 : memref<10112x8xf32, #tpu.memory_space<vmem_shared>>) offsets(%dma_start3A_504 : memref<128xi32, #tpu.memory_space<vmem>>) semaphore(%arg29 : memref<!tpu.dma_semaphore, #tpu.memory_space<semaphore_mem>>) {add = true}
      %dma_start3A_508 = arith.constant 1 : i32
      %dma_start3A_509 = arith.constant 1 : i32
      %dma_start3A_510 = arith.constant 0 : i32
      %dma_start3A_511 = tpu.memref_slice %arg9[%dma_start3A_508, %dma_start3A_509, %dma_start3A_510] : memref<2x2x128xi32, #tpu.memory_space<vmem>> -> memref<1x1x128xi32, #tpu.memory_space<vmem>>
      %dma_start3A_512 = tpu.memref_squeeze %dma_start3A_511 : memref<1x1x128xi32, #tpu.memory_space<vmem>> -> memref<128xi32, #tpu.memory_space<vmem>>
      %dma_start3A_513 = arith.constant 0 : i32
      %dma_start3A_514 = arith.constant 0 : i32
      %dma_start3A_515 = tpu.memref_slice %arg30[%dma_start3A_513, %dma_start3A_514] : memref<10112x8xf32, #tpu.memory_space<vmem_shared>> -> memref<10112x8xf32, #tpu.memory_space<vmem_shared>>
      tpu.enqueue_indirect_dma source(%arg17 : memref<128x8xf32, #tpu.memory_space<vmem>>) target(%dma_start3A_515 : memref<10112x8xf32, #tpu.memory_space<vmem_shared>>) offsets(%dma_start3A_512 : memref<128xi32, #tpu.memory_space<vmem>>) semaphore(%arg29 : memref<!tpu.dma_semaphore, #tpu.memory_space<semaphore_mem>>) {add = true}
      %add3A_516 = arith.constant 2 : i32
      %add3A_517 = arith.addi %add3A_345, %add3A_516 : i32
      %dma_wait3A_518 = arith.constant 0 : i32
      %dma_wait3A_519 = arith.constant 0 : i32
      %dma_wait3A_520 = arith.constant 0 : i32
      %dma_wait3A_521 = tpu.memref_slice %arg6[%dma_wait3A_518, %dma_wait3A_519, %dma_wait3A_520] : memref<2x2x128xi32, #tpu.memory_space<vmem>> -> memref<1x1x128xi32, #tpu.memory_space<vmem>>
      %dma_wait3A_522 = tpu.memref_squeeze %dma_wait3A_521 : memref<1x1x128xi32, #tpu.memory_space<vmem>> -> memref<128xi32, #tpu.memory_space<vmem>>
      %dma_wait3A_523 = arith.constant 0 : i32
      %dma_wait3A_524 = arith.constant 0 : i32
      %dma_wait3A_525 = tpu.memref_slice %arg31[%dma_wait3A_523, %dma_wait3A_524] : memref<10112x8xf32, #tpu.memory_space<vmem_shared>> -> memref<10112x8xf32, #tpu.memory_space<vmem_shared>>
      tpu.wait_indirect_dma semaphore(%arg22 : memref<!tpu.dma_semaphore, #tpu.memory_space<semaphore_mem>>) src(%dma_wait3A_525 : memref<10112x8xf32, #tpu.memory_space<vmem_shared>>) dst(%arg10 : memref<128x8xf32, #tpu.memory_space<vmem>>)
      %dma_wait3A_526 = arith.constant 0 : i32
      %dma_wait3A_527 = arith.constant 1 : i32
      %dma_wait3A_528 = arith.constant 0 : i32
      %dma_wait3A_529 = tpu.memref_slice %arg6[%dma_wait3A_526, %dma_wait3A_527, %dma_wait3A_528] : memref<2x2x128xi32, #tpu.memory_space<vmem>> -> memref<1x1x128xi32, #tpu.memory_space<vmem>>
      %dma_wait3A_530 = tpu.memref_squeeze %dma_wait3A_529 : memref<1x1x128xi32, #tpu.memory_space<vmem>> -> memref<128xi32, #tpu.memory_space<vmem>>
      %dma_wait3A_531 = arith.constant 0 : i32
      %dma_wait3A_532 = arith.constant 0 : i32
      %dma_wait3A_533 = tpu.memref_slice %arg31[%dma_wait3A_531, %dma_wait3A_532] : memref<10112x8xf32, #tpu.memory_space<vmem_shared>> -> memref<10112x8xf32, #tpu.memory_space<vmem_shared>>
      tpu.wait_indirect_dma semaphore(%arg22 : memref<!tpu.dma_semaphore, #tpu.memory_space<semaphore_mem>>) src(%dma_wait3A_533 : memref<10112x8xf32, #tpu.memory_space<vmem_shared>>) dst(%arg14 : memref<128x8xf32, #tpu.memory_space<vmem>>)
      %dma_wait3A_534 = arith.constant 1 : i32
      %dma_wait3A_535 = arith.constant 0 : i32
      %dma_wait3A_536 = arith.constant 0 : i32
      %dma_wait3A_537 = tpu.memref_slice %arg8[%dma_wait3A_534, %dma_wait3A_535, %dma_wait3A_536] : memref<2x2x128xi32, #tpu.memory_space<vmem>> -> memref<1x1x128xi32, #tpu.memory_space<vmem>>
      %dma_wait3A_538 = tpu.memref_squeeze %dma_wait3A_537 : memref<1x1x128xi32, #tpu.memory_space<vmem>> -> memref<128xi32, #tpu.memory_space<vmem>>
      %dma_wait3A_539 = arith.constant 0 : i32
      %dma_wait3A_540 = arith.constant 0 : i32
      %dma_wait3A_541 = tpu.memref_slice %arg30[%dma_wait3A_539, %dma_wait3A_540] : memref<10112x8xf32, #tpu.memory_space<vmem_shared>> -> memref<10112x8xf32, #tpu.memory_space<vmem_shared>>
      tpu.wait_indirect_dma semaphore(%arg28 : memref<!tpu.dma_semaphore, #tpu.memory_space<semaphore_mem>>) src(%arg12 : memref<128x8xf32, #tpu.memory_space<vmem>>) dst(%dma_wait3A_541 : memref<10112x8xf32, #tpu.memory_space<vmem_shared>>)
      %dma_wait3A_542 = arith.constant 1 : i32
      %dma_wait3A_543 = arith.constant 1 : i32
      %dma_wait3A_544 = arith.constant 0 : i32
      %dma_wait3A_545 = tpu.memref_slice %arg8[%dma_wait3A_542, %dma_wait3A_543, %dma_wait3A_544] : memref<2x2x128xi32, #tpu.memory_space<vmem>> -> memref<1x1x128xi32, #tpu.memory_space<vmem>>
      %dma_wait3A_546 = tpu.memref_squeeze %dma_wait3A_545 : memref<1x1x128xi32, #tpu.memory_space<vmem>> -> memref<128xi32, #tpu.memory_space<vmem>>
      %dma_wait3A_547 = arith.constant 0 : i32
      %dma_wait3A_548 = arith.constant 0 : i32
      %dma_wait3A_549 = tpu.memref_slice %arg30[%dma_wait3A_547, %dma_wait3A_548] : memref<10112x8xf32, #tpu.memory_space<vmem_shared>> -> memref<10112x8xf32, #tpu.memory_space<vmem_shared>>
      tpu.wait_indirect_dma semaphore(%arg28 : memref<!tpu.dma_semaphore, #tpu.memory_space<semaphore_mem>>) src(%arg16 : memref<128x8xf32, #tpu.memory_space<vmem>>) dst(%dma_wait3A_549 : memref<10112x8xf32, #tpu.memory_space<vmem_shared>>)
      %add3A_550 = arith.constant 2 : i32
      %add3A_551 = arith.addi %add3A_517, %add3A_550 : i32
      %min3A_552 = arith.constant 38 : i32
      %min3A_553 = arith.minsi %add3A_551, %min3A_552 : i32
      %mul3A_554 = arith.constant 2 : i32
      %mul3A_555 = arith.muli %mul3A_554, %min3A_553 : i32
      %add3A_556 = arith.addi %mul3A_2, %mul3A_555 : i32
      %dma_start3A_557 = arith.constant 0 : i32
      %dma_start3A_558 = arith.constant 0 : i32
      %dma_start3A_559 = tpu.memref_slice %arg3[%dma_start3A_557, %add3A_556, %dma_start3A_558] : memref<2x2500x128xi32, #tpu.memory_space<hbm>> -> memref<2x2x128xi32, #tpu.memory_space<hbm>>
      %dma_start3A_560 = arith.constant 0 : i32
      %dma_start3A_561 = arith.constant 0 : i32
      %dma_start3A_562 = tpu.memref_slice %arg3[%dma_start3A_560, %add3A_556, %dma_start3A_561] : memref<2x2500x128xi32, #tpu.memory_space<hbm>> -> memref<2x2x128xi32, #tpu.memory_space<hbm>>
      tpu.enqueue_dma source(%dma_start3A_562 : memref<2x2x128xi32, #tpu.memory_space<hbm>>) target(%arg8 : memref<2x2x128xi32, #tpu.memory_space<vmem>>) target_semaphore(%arg20 : memref<!tpu.dma_semaphore, #tpu.memory_space<semaphore_mem>>)
      %dma_wait3A_563 = arith.constant 0 : i32
      %dma_wait3A_564 = arith.constant 0 : i32
      %dma_wait3A_565 = tpu.memref_slice %arg3[%dma_wait3A_563, %mul3A_2, %dma_wait3A_564] : memref<2x2500x128xi32, #tpu.memory_space<hbm>> -> memref<2x2x128xi32, #tpu.memory_space<hbm>>
      %dma_wait3A_566 = arith.constant 0 : i32
      %dma_wait3A_567 = arith.constant 0 : i32
      %dma_wait3A_568 = tpu.memref_slice %arg3[%dma_wait3A_566, %mul3A_2, %dma_wait3A_567] : memref<2x2500x128xi32, #tpu.memory_space<hbm>> -> memref<2x2x128xi32, #tpu.memory_space<hbm>>
      tpu.wait_dma2 semaphore(%arg19 : memref<!tpu.dma_semaphore, #tpu.memory_space<semaphore_mem>>) src(%dma_wait3A_568 : memref<2x2x128xi32, #tpu.memory_space<hbm>>) dst(%arg7 : memref<2x2x128xi32, #tpu.memory_space<vmem>>)
      %dma_start3A_569 = arith.constant 0 : i32
      %dma_start3A_570 = arith.constant 0 : i32
      %dma_start3A_571 = arith.constant 0 : i32
      %dma_start3A_572 = tpu.memref_slice %arg7[%dma_start3A_569, %dma_start3A_570, %dma_start3A_571] : memref<2x2x128xi32, #tpu.memory_space<vmem>> -> memref<1x1x128xi32, #tpu.memory_space<vmem>>
      %dma_start3A_573 = tpu.memref_squeeze %dma_start3A_572 : memref<1x1x128xi32, #tpu.memory_space<vmem>> -> memref<128xi32, #tpu.memory_space<vmem>>
      %dma_start3A_574 = arith.constant 0 : i32
      %dma_start3A_575 = arith.constant 0 : i32
      %dma_start3A_576 = tpu.memref_slice %arg31[%dma_start3A_574, %dma_start3A_575] : memref<10112x8xf32, #tpu.memory_space<vmem_shared>> -> memref<10112x8xf32, #tpu.memory_space<vmem_shared>>
      tpu.enqueue_indirect_dma source(%dma_start3A_576 : memref<10112x8xf32, #tpu.memory_space<vmem_shared>>) target(%arg11 : memref<128x8xf32, #tpu.memory_space<vmem>>) offsets(%dma_start3A_573 : memref<128xi32, #tpu.memory_space<vmem>>) semaphore(%arg23 : memref<!tpu.dma_semaphore, #tpu.memory_space<semaphore_mem>>)
      %dma_start3A_577 = arith.constant 0 : i32
      %dma_start3A_578 = arith.constant 1 : i32
      %dma_start3A_579 = arith.constant 0 : i32
      %dma_start3A_580 = tpu.memref_slice %arg7[%dma_start3A_577, %dma_start3A_578, %dma_start3A_579] : memref<2x2x128xi32, #tpu.memory_space<vmem>> -> memref<1x1x128xi32, #tpu.memory_space<vmem>>
      %dma_start3A_581 = tpu.memref_squeeze %dma_start3A_580 : memref<1x1x128xi32, #tpu.memory_space<vmem>> -> memref<128xi32, #tpu.memory_space<vmem>>
      %dma_start3A_582 = arith.constant 0 : i32
      %dma_start3A_583 = arith.constant 0 : i32
      %dma_start3A_584 = tpu.memref_slice %arg31[%dma_start3A_582, %dma_start3A_583] : memref<10112x8xf32, #tpu.memory_space<vmem_shared>> -> memref<10112x8xf32, #tpu.memory_space<vmem_shared>>
      tpu.enqueue_indirect_dma source(%dma_start3A_584 : memref<10112x8xf32, #tpu.memory_space<vmem_shared>>) target(%arg15 : memref<128x8xf32, #tpu.memory_space<vmem>>) offsets(%dma_start3A_581 : memref<128xi32, #tpu.memory_space<vmem>>) semaphore(%arg23 : memref<!tpu.dma_semaphore, #tpu.memory_space<semaphore_mem>>)
      %dma_start3A_585 = arith.constant 1 : i32
      %dma_start3A_586 = arith.constant 0 : i32
      %dma_start3A_587 = arith.constant 0 : i32
      %dma_start3A_588 = tpu.memref_slice %arg6[%dma_start3A_585, %dma_start3A_586, %dma_start3A_587] : memref<2x2x128xi32, #tpu.memory_space<vmem>> -> memref<1x1x128xi32, #tpu.memory_space<vmem>>
      %dma_start3A_589 = tpu.memref_squeeze %dma_start3A_588 : memref<1x1x128xi32, #tpu.memory_space<vmem>> -> memref<128xi32, #tpu.memory_space<vmem>>
      %dma_start3A_590 = arith.constant 0 : i32
      %dma_start3A_591 = arith.constant 0 : i32
      %dma_start3A_592 = tpu.memref_slice %arg30[%dma_start3A_590, %dma_start3A_591] : memref<10112x8xf32, #tpu.memory_space<vmem_shared>> -> memref<10112x8xf32, #tpu.memory_space<vmem_shared>>
      tpu.enqueue_indirect_dma source(%arg10 : memref<128x8xf32, #tpu.memory_space<vmem>>) target(%dma_start3A_592 : memref<10112x8xf32, #tpu.memory_space<vmem_shared>>) offsets(%dma_start3A_589 : memref<128xi32, #tpu.memory_space<vmem>>) semaphore(%arg26 : memref<!tpu.dma_semaphore, #tpu.memory_space<semaphore_mem>>) {add = true}
      %dma_start3A_593 = arith.constant 1 : i32
      %dma_start3A_594 = arith.constant 1 : i32
      %dma_start3A_595 = arith.constant 0 : i32
      %dma_start3A_596 = tpu.memref_slice %arg6[%dma_start3A_593, %dma_start3A_594, %dma_start3A_595] : memref<2x2x128xi32, #tpu.memory_space<vmem>> -> memref<1x1x128xi32, #tpu.memory_space<vmem>>
      %dma_start3A_597 = tpu.memref_squeeze %dma_start3A_596 : memref<1x1x128xi32, #tpu.memory_space<vmem>> -> memref<128xi32, #tpu.memory_space<vmem>>
      %dma_start3A_598 = arith.constant 0 : i32
      %dma_start3A_599 = arith.constant 0 : i32
      %dma_start3A_600 = tpu.memref_slice %arg30[%dma_start3A_598, %dma_start3A_599] : memref<10112x8xf32, #tpu.memory_space<vmem_shared>> -> memref<10112x8xf32, #tpu.memory_space<vmem_shared>>
      tpu.enqueue_indirect_dma source(%arg14 : memref<128x8xf32, #tpu.memory_space<vmem>>) target(%dma_start3A_600 : memref<10112x8xf32, #tpu.memory_space<vmem_shared>>) offsets(%dma_start3A_597 : memref<128xi32, #tpu.memory_space<vmem>>) semaphore(%arg26 : memref<!tpu.dma_semaphore, #tpu.memory_space<semaphore_mem>>) {add = true}
      %add3A_601 = arith.constant 3 : i32
      %add3A_602 = arith.addi %add3A_345, %add3A_601 : i32
      %dma_wait3A_603 = arith.constant 0 : i32
      %dma_wait3A_604 = arith.constant 0 : i32
      %dma_wait3A_605 = arith.constant 0 : i32
      %dma_wait3A_606 = tpu.memref_slice %arg7[%dma_wait3A_603, %dma_wait3A_604, %dma_wait3A_605] : memref<2x2x128xi32, #tpu.memory_space<vmem>> -> memref<1x1x128xi32, #tpu.memory_space<vmem>>
      %dma_wait3A_607 = tpu.memref_squeeze %dma_wait3A_606 : memref<1x1x128xi32, #tpu.memory_space<vmem>> -> memref<128xi32, #tpu.memory_space<vmem>>
      %dma_wait3A_608 = arith.constant 0 : i32
      %dma_wait3A_609 = arith.constant 0 : i32
      %dma_wait3A_610 = tpu.memref_slice %arg31[%dma_wait3A_608, %dma_wait3A_609] : memref<10112x8xf32, #tpu.memory_space<vmem_shared>> -> memref<10112x8xf32, #tpu.memory_space<vmem_shared>>
      tpu.wait_indirect_dma semaphore(%arg23 : memref<!tpu.dma_semaphore, #tpu.memory_space<semaphore_mem>>) src(%dma_wait3A_610 : memref<10112x8xf32, #tpu.memory_space<vmem_shared>>) dst(%arg11 : memref<128x8xf32, #tpu.memory_space<vmem>>)
      %dma_wait3A_611 = arith.constant 0 : i32
      %dma_wait3A_612 = arith.constant 1 : i32
      %dma_wait3A_613 = arith.constant 0 : i32
      %dma_wait3A_614 = tpu.memref_slice %arg7[%dma_wait3A_611, %dma_wait3A_612, %dma_wait3A_613] : memref<2x2x128xi32, #tpu.memory_space<vmem>> -> memref<1x1x128xi32, #tpu.memory_space<vmem>>
      %dma_wait3A_615 = tpu.memref_squeeze %dma_wait3A_614 : memref<1x1x128xi32, #tpu.memory_space<vmem>> -> memref<128xi32, #tpu.memory_space<vmem>>
      %dma_wait3A_616 = arith.constant 0 : i32
      %dma_wait3A_617 = arith.constant 0 : i32
      %dma_wait3A_618 = tpu.memref_slice %arg31[%dma_wait3A_616, %dma_wait3A_617] : memref<10112x8xf32, #tpu.memory_space<vmem_shared>> -> memref<10112x8xf32, #tpu.memory_space<vmem_shared>>
      tpu.wait_indirect_dma semaphore(%arg23 : memref<!tpu.dma_semaphore, #tpu.memory_space<semaphore_mem>>) src(%dma_wait3A_618 : memref<10112x8xf32, #tpu.memory_space<vmem_shared>>) dst(%arg15 : memref<128x8xf32, #tpu.memory_space<vmem>>)
      %dma_wait3A_619 = arith.constant 1 : i32
      %dma_wait3A_620 = arith.constant 0 : i32
      %dma_wait3A_621 = arith.constant 0 : i32
      %dma_wait3A_622 = tpu.memref_slice %arg9[%dma_wait3A_619, %dma_wait3A_620, %dma_wait3A_621] : memref<2x2x128xi32, #tpu.memory_space<vmem>> -> memref<1x1x128xi32, #tpu.memory_space<vmem>>
      %dma_wait3A_623 = tpu.memref_squeeze %dma_wait3A_622 : memref<1x1x128xi32, #tpu.memory_space<vmem>> -> memref<128xi32, #tpu.memory_space<vmem>>
      %dma_wait3A_624 = arith.constant 0 : i32
      %dma_wait3A_625 = arith.constant 0 : i32
      %dma_wait3A_626 = tpu.memref_slice %arg30[%dma_wait3A_624, %dma_wait3A_625] : memref<10112x8xf32, #tpu.memory_space<vmem_shared>> -> memref<10112x8xf32, #tpu.memory_space<vmem_shared>>
      tpu.wait_indirect_dma semaphore(%arg29 : memref<!tpu.dma_semaphore, #tpu.memory_space<semaphore_mem>>) src(%arg13 : memref<128x8xf32, #tpu.memory_space<vmem>>) dst(%dma_wait3A_626 : memref<10112x8xf32, #tpu.memory_space<vmem_shared>>)
      %dma_wait3A_627 = arith.constant 1 : i32
      %dma_wait3A_628 = arith.constant 1 : i32
      %dma_wait3A_629 = arith.constant 0 : i32
      %dma_wait3A_630 = tpu.memref_slice %arg9[%dma_wait3A_627, %dma_wait3A_628, %dma_wait3A_629] : memref<2x2x128xi32, #tpu.memory_space<vmem>> -> memref<1x1x128xi32, #tpu.memory_space<vmem>>
      %dma_wait3A_631 = tpu.memref_squeeze %dma_wait3A_630 : memref<1x1x128xi32, #tpu.memory_space<vmem>> -> memref<128xi32, #tpu.memory_space<vmem>>
      %dma_wait3A_632 = arith.constant 0 : i32
      %dma_wait3A_633 = arith.constant 0 : i32
      %dma_wait3A_634 = tpu.memref_slice %arg30[%dma_wait3A_632, %dma_wait3A_633] : memref<10112x8xf32, #tpu.memory_space<vmem_shared>> -> memref<10112x8xf32, #tpu.memory_space<vmem_shared>>
      tpu.wait_indirect_dma semaphore(%arg29 : memref<!tpu.dma_semaphore, #tpu.memory_space<semaphore_mem>>) src(%arg17 : memref<128x8xf32, #tpu.memory_space<vmem>>) dst(%dma_wait3A_634 : memref<10112x8xf32, #tpu.memory_space<vmem_shared>>)
      %add3A_635 = arith.constant 2 : i32
      %add3A_636 = arith.addi %add3A_602, %add3A_635 : i32
      %min3A_637 = arith.constant 38 : i32
      %min3A_638 = arith.minsi %add3A_636, %min3A_637 : i32
      %mul3A_639 = arith.constant 2 : i32
      %mul3A_640 = arith.muli %mul3A_639, %min3A_638 : i32
      %add3A_641 = arith.addi %mul3A_2, %mul3A_640 : i32
      %dma_start3A_642 = arith.constant 0 : i32
      %dma_start3A_643 = arith.constant 0 : i32
      %dma_start3A_644 = tpu.memref_slice %arg3[%dma_start3A_642, %add3A_641, %dma_start3A_643] : memref<2x2500x128xi32, #tpu.memory_space<hbm>> -> memref<2x2x128xi32, #tpu.memory_space<hbm>>
      %dma_start3A_645 = arith.constant 0 : i32
      %dma_start3A_646 = arith.constant 0 : i32
      %dma_start3A_647 = tpu.memref_slice %arg3[%dma_start3A_645, %add3A_641, %dma_start3A_646] : memref<2x2500x128xi32, #tpu.memory_space<hbm>> -> memref<2x2x128xi32, #tpu.memory_space<hbm>>
      tpu.enqueue_dma source(%dma_start3A_647 : memref<2x2x128xi32, #tpu.memory_space<hbm>>) target(%arg9 : memref<2x2x128xi32, #tpu.memory_space<vmem>>) target_semaphore(%arg21 : memref<!tpu.dma_semaphore, #tpu.memory_space<semaphore_mem>>)
      %dma_wait3A_648 = arith.constant 0 : i32
      %dma_wait3A_649 = arith.constant 0 : i32
      %dma_wait3A_650 = tpu.memref_slice %arg3[%dma_wait3A_648, %mul3A_2, %dma_wait3A_649] : memref<2x2500x128xi32, #tpu.memory_space<hbm>> -> memref<2x2x128xi32, #tpu.memory_space<hbm>>
      %dma_wait3A_651 = arith.constant 0 : i32
      %dma_wait3A_652 = arith.constant 0 : i32
      %dma_wait3A_653 = tpu.memref_slice %arg3[%dma_wait3A_651, %mul3A_2, %dma_wait3A_652] : memref<2x2500x128xi32, #tpu.memory_space<hbm>> -> memref<2x2x128xi32, #tpu.memory_space<hbm>>
      tpu.wait_dma2 semaphore(%arg20 : memref<!tpu.dma_semaphore, #tpu.memory_space<semaphore_mem>>) src(%dma_wait3A_653 : memref<2x2x128xi32, #tpu.memory_space<hbm>>) dst(%arg8 : memref<2x2x128xi32, #tpu.memory_space<vmem>>)
      %dma_start3A_654 = arith.constant 0 : i32
      %dma_start3A_655 = arith.constant 0 : i32
      %dma_start3A_656 = arith.constant 0 : i32
      %dma_start3A_657 = tpu.memref_slice %arg8[%dma_start3A_654, %dma_start3A_655, %dma_start3A_656] : memref<2x2x128xi32, #tpu.memory_space<vmem>> -> memref<1x1x128xi32, #tpu.memory_space<vmem>>
      %dma_start3A_658 = tpu.memref_squeeze %dma_start3A_657 : memref<1x1x128xi32, #tpu.memory_space<vmem>> -> memref<128xi32, #tpu.memory_space<vmem>>
      %dma_start3A_659 = arith.constant 0 : i32
      %dma_start3A_660 = arith.constant 0 : i32
      %dma_start3A_661 = tpu.memref_slice %arg31[%dma_start3A_659, %dma_start3A_660] : memref<10112x8xf32, #tpu.memory_space<vmem_shared>> -> memref<10112x8xf32, #tpu.memory_space<vmem_shared>>
      tpu.enqueue_indirect_dma source(%dma_start3A_661 : memref<10112x8xf32, #tpu.memory_space<vmem_shared>>) target(%arg12 : memref<128x8xf32, #tpu.memory_space<vmem>>) offsets(%dma_start3A_658 : memref<128xi32, #tpu.memory_space<vmem>>) semaphore(%arg24 : memref<!tpu.dma_semaphore, #tpu.memory_space<semaphore_mem>>)
      %dma_start3A_662 = arith.constant 0 : i32
      %dma_start3A_663 = arith.constant 1 : i32
      %dma_start3A_664 = arith.constant 0 : i32
      %dma_start3A_665 = tpu.memref_slice %arg8[%dma_start3A_662, %dma_start3A_663, %dma_start3A_664] : memref<2x2x128xi32, #tpu.memory_space<vmem>> -> memref<1x1x128xi32, #tpu.memory_space<vmem>>
      %dma_start3A_666 = tpu.memref_squeeze %dma_start3A_665 : memref<1x1x128xi32, #tpu.memory_space<vmem>> -> memref<128xi32, #tpu.memory_space<vmem>>
      %dma_start3A_667 = arith.constant 0 : i32
      %dma_start3A_668 = arith.constant 0 : i32
      %dma_start3A_669 = tpu.memref_slice %arg31[%dma_start3A_667, %dma_start3A_668] : memref<10112x8xf32, #tpu.memory_space<vmem_shared>> -> memref<10112x8xf32, #tpu.memory_space<vmem_shared>>
      tpu.enqueue_indirect_dma source(%dma_start3A_669 : memref<10112x8xf32, #tpu.memory_space<vmem_shared>>) target(%arg16 : memref<128x8xf32, #tpu.memory_space<vmem>>) offsets(%dma_start3A_666 : memref<128xi32, #tpu.memory_space<vmem>>) semaphore(%arg24 : memref<!tpu.dma_semaphore, #tpu.memory_space<semaphore_mem>>)
      %dma_start3A_670 = arith.constant 1 : i32
      %dma_start3A_671 = arith.constant 0 : i32
      %dma_start3A_672 = arith.constant 0 : i32
      %dma_start3A_673 = tpu.memref_slice %arg7[%dma_start3A_670, %dma_start3A_671, %dma_start3A_672] : memref<2x2x128xi32, #tpu.memory_space<vmem>> -> memref<1x1x128xi32, #tpu.memory_space<vmem>>
      %dma_start3A_674 = tpu.memref_squeeze %dma_start3A_673 : memref<1x1x128xi32, #tpu.memory_space<vmem>> -> memref<128xi32, #tpu.memory_space<vmem>>
      %dma_start3A_675 = arith.constant 0 : i32
      %dma_start3A_676 = arith.constant 0 : i32
      %dma_start3A_677 = tpu.memref_slice %arg30[%dma_start3A_675, %dma_start3A_676] : memref<10112x8xf32, #tpu.memory_space<vmem_shared>> -> memref<10112x8xf32, #tpu.memory_space<vmem_shared>>
      tpu.enqueue_indirect_dma source(%arg11 : memref<128x8xf32, #tpu.memory_space<vmem>>) target(%dma_start3A_677 : memref<10112x8xf32, #tpu.memory_space<vmem_shared>>) offsets(%dma_start3A_674 : memref<128xi32, #tpu.memory_space<vmem>>) semaphore(%arg27 : memref<!tpu.dma_semaphore, #tpu.memory_space<semaphore_mem>>) {add = true}
      %dma_start3A_678 = arith.constant 1 : i32
      %dma_start3A_679 = arith.constant 1 : i32
      %dma_start3A_680 = arith.constant 0 : i32
      %dma_start3A_681 = tpu.memref_slice %arg7[%dma_start3A_678, %dma_start3A_679, %dma_start3A_680] : memref<2x2x128xi32, #tpu.memory_space<vmem>> -> memref<1x1x128xi32, #tpu.memory_space<vmem>>
      %dma_start3A_682 = tpu.memref_squeeze %dma_start3A_681 : memref<1x1x128xi32, #tpu.memory_space<vmem>> -> memref<128xi32, #tpu.memory_space<vmem>>
      %dma_start3A_683 = arith.constant 0 : i32
      %dma_start3A_684 = arith.constant 0 : i32
      %dma_start3A_685 = tpu.memref_slice %arg30[%dma_start3A_683, %dma_start3A_684] : memref<10112x8xf32, #tpu.memory_space<vmem_shared>> -> memref<10112x8xf32, #tpu.memory_space<vmem_shared>>
      tpu.enqueue_indirect_dma source(%arg15 : memref<128x8xf32, #tpu.memory_space<vmem>>) target(%dma_start3A_685 : memref<10112x8xf32, #tpu.memory_space<vmem_shared>>) offsets(%dma_start3A_682 : memref<128xi32, #tpu.memory_space<vmem>>) semaphore(%arg27 : memref<!tpu.dma_semaphore, #tpu.memory_space<semaphore_mem>>) {add = true}
    }
    %scan3A_192 = arith.constant 9 : i32
    %dma_wait3A_193 = arith.constant 0 : i32
    %dma_wait3A_194 = arith.constant 0 : i32
    %dma_wait3A_195 = arith.constant 0 : i32
    %dma_wait3A_196 = tpu.memref_slice %arg8[%dma_wait3A_193, %dma_wait3A_194, %dma_wait3A_195] : memref<2x2x128xi32, #tpu.memory_space<vmem>> -> memref<1x1x128xi32, #tpu.memory_space<vmem>>
    %dma_wait3A_197 = tpu.memref_squeeze %dma_wait3A_196 : memref<1x1x128xi32, #tpu.memory_space<vmem>> -> memref<128xi32, #tpu.memory_space<vmem>>
    %dma_wait3A_198 = arith.constant 0 : i32
    %dma_wait3A_199 = arith.constant 0 : i32
    %dma_wait3A_200 = tpu.memref_slice %arg31[%dma_wait3A_198, %dma_wait3A_199] : memref<10112x8xf32, #tpu.memory_space<vmem_shared>> -> memref<10112x8xf32, #tpu.memory_space<vmem_shared>>
    tpu.wait_indirect_dma semaphore(%arg24 : memref<!tpu.dma_semaphore, #tpu.memory_space<semaphore_mem>>) src(%dma_wait3A_200 : memref<10112x8xf32, #tpu.memory_space<vmem_shared>>) dst(%arg12 : memref<128x8xf32, #tpu.memory_space<vmem>>)
    %dma_wait3A_201 = arith.constant 0 : i32
    %dma_wait3A_202 = arith.constant 1 : i32
    %dma_wait3A_203 = arith.constant 0 : i32
    %dma_wait3A_204 = tpu.memref_slice %arg8[%dma_wait3A_201, %dma_wait3A_202, %dma_wait3A_203] : memref<2x2x128xi32, #tpu.memory_space<vmem>> -> memref<1x1x128xi32, #tpu.memory_space<vmem>>
    %dma_wait3A_205 = tpu.memref_squeeze %dma_wait3A_204 : memref<1x1x128xi32, #tpu.memory_space<vmem>> -> memref<128xi32, #tpu.memory_space<vmem>>
    %dma_wait3A_206 = arith.constant 0 : i32
    %dma_wait3A_207 = arith.constant 0 : i32
    %dma_wait3A_208 = tpu.memref_slice %arg31[%dma_wait3A_206, %dma_wait3A_207] : memref<10112x8xf32, #tpu.memory_space<vmem_shared>> -> memref<10112x8xf32, #tpu.memory_space<vmem_shared>>
    tpu.wait_indirect_dma semaphore(%arg24 : memref<!tpu.dma_semaphore, #tpu.memory_space<semaphore_mem>>) src(%dma_wait3A_208 : memref<10112x8xf32, #tpu.memory_space<vmem_shared>>) dst(%arg16 : memref<128x8xf32, #tpu.memory_space<vmem>>)
    %dma_wait3A_209 = arith.constant 1 : i32
    %dma_wait3A_210 = arith.constant 0 : i32
    %dma_wait3A_211 = arith.constant 0 : i32
    %dma_wait3A_212 = tpu.memref_slice %arg6[%dma_wait3A_209, %dma_wait3A_210, %dma_wait3A_211] : memref<2x2x128xi32, #tpu.memory_space<vmem>> -> memref<1x1x128xi32, #tpu.memory_space<vmem>>
    %dma_wait3A_213 = tpu.memref_squeeze %dma_wait3A_212 : memref<1x1x128xi32, #tpu.memory_space<vmem>> -> memref<128xi32, #tpu.memory_space<vmem>>
    %dma_wait3A_214 = arith.constant 0 : i32
    %dma_wait3A_215 = arith.constant 0 : i32
    %dma_wait3A_216 = tpu.memref_slice %arg30[%dma_wait3A_214, %dma_wait3A_215] : memref<10112x8xf32, #tpu.memory_space<vmem_shared>> -> memref<10112x8xf32, #tpu.memory_space<vmem_shared>>
    tpu.wait_indirect_dma semaphore(%arg26 : memref<!tpu.dma_semaphore, #tpu.memory_space<semaphore_mem>>) src(%arg10 : memref<128x8xf32, #tpu.memory_space<vmem>>) dst(%dma_wait3A_216 : memref<10112x8xf32, #tpu.memory_space<vmem_shared>>)
    %dma_wait3A_217 = arith.constant 1 : i32
    %dma_wait3A_218 = arith.constant 1 : i32
    %dma_wait3A_219 = arith.constant 0 : i32
    %dma_wait3A_220 = tpu.memref_slice %arg6[%dma_wait3A_217, %dma_wait3A_218, %dma_wait3A_219] : memref<2x2x128xi32, #tpu.memory_space<vmem>> -> memref<1x1x128xi32, #tpu.memory_space<vmem>>
    %dma_wait3A_221 = tpu.memref_squeeze %dma_wait3A_220 : memref<1x1x128xi32, #tpu.memory_space<vmem>> -> memref<128xi32, #tpu.memory_space<vmem>>
    %dma_wait3A_222 = arith.constant 0 : i32
    %dma_wait3A_223 = arith.constant 0 : i32
    %dma_wait3A_224 = tpu.memref_slice %arg30[%dma_wait3A_222, %dma_wait3A_223] : memref<10112x8xf32, #tpu.memory_space<vmem_shared>> -> memref<10112x8xf32, #tpu.memory_space<vmem_shared>>
    tpu.wait_indirect_dma semaphore(%arg26 : memref<!tpu.dma_semaphore, #tpu.memory_space<semaphore_mem>>) src(%arg14 : memref<128x8xf32, #tpu.memory_space<vmem>>) dst(%dma_wait3A_224 : memref<10112x8xf32, #tpu.memory_space<vmem_shared>>)
    %min3A_225 = arith.constant 40 : i32
    %min3A_226 = arith.constant 38 : i32
    %min3A_227 = arith.minsi %min3A_225, %min3A_226 : i32
    %mul3A_228 = arith.constant 2 : i32
    %mul3A_229 = arith.muli %mul3A_228, %min3A_227 : i32
    %add3A_230 = arith.addi %mul3A_2, %mul3A_229 : i32
    %dma_start3A_231 = arith.constant 0 : i32
    %dma_start3A_232 = arith.constant 0 : i32
    %dma_start3A_233 = tpu.memref_slice %arg3[%dma_start3A_231, %add3A_230, %dma_start3A_232] : memref<2x2500x128xi32, #tpu.memory_space<hbm>> -> memref<2x2x128xi32, #tpu.memory_space<hbm>>
    %dma_start3A_234 = arith.constant 0 : i32
    %dma_start3A_235 = arith.constant 0 : i32
    %dma_start3A_236 = tpu.memref_slice %arg3[%dma_start3A_234, %add3A_230, %dma_start3A_235] : memref<2x2500x128xi32, #tpu.memory_space<hbm>> -> memref<2x2x128xi32, #tpu.memory_space<hbm>>
    tpu.enqueue_dma source(%dma_start3A_236 : memref<2x2x128xi32, #tpu.memory_space<hbm>>) target(%arg6 : memref<2x2x128xi32, #tpu.memory_space<vmem>>) target_semaphore(%arg18 : memref<!tpu.dma_semaphore, #tpu.memory_space<semaphore_mem>>)
    %dma_wait3A_237 = arith.constant 0 : i32
    %dma_wait3A_238 = arith.constant 0 : i32
    %dma_wait3A_239 = tpu.memref_slice %arg3[%dma_wait3A_237, %mul3A_2, %dma_wait3A_238] : memref<2x2500x128xi32, #tpu.memory_space<hbm>> -> memref<2x2x128xi32, #tpu.memory_space<hbm>>
    %dma_wait3A_240 = arith.constant 0 : i32
    %dma_wait3A_241 = arith.constant 0 : i32
    %dma_wait3A_242 = tpu.memref_slice %arg3[%dma_wait3A_240, %mul3A_2, %dma_wait3A_241] : memref<2x2500x128xi32, #tpu.memory_space<hbm>> -> memref<2x2x128xi32, #tpu.memory_space<hbm>>
    tpu.wait_dma2 semaphore(%arg21 : memref<!tpu.dma_semaphore, #tpu.memory_space<semaphore_mem>>) src(%dma_wait3A_242 : memref<2x2x128xi32, #tpu.memory_space<hbm>>) dst(%arg9 : memref<2x2x128xi32, #tpu.memory_space<vmem>>)
    %dma_start3A_243 = arith.constant 0 : i32
    %dma_start3A_244 = arith.constant 0 : i32
    %dma_start3A_245 = arith.constant 0 : i32
    %dma_start3A_246 = tpu.memref_slice %arg9[%dma_start3A_243, %dma_start3A_244, %dma_start3A_245] : memref<2x2x128xi32, #tpu.memory_space<vmem>> -> memref<1x1x128xi32, #tpu.memory_space<vmem>>
    %dma_start3A_247 = tpu.memref_squeeze %dma_start3A_246 : memref<1x1x128xi32, #tpu.memory_space<vmem>> -> memref<128xi32, #tpu.memory_space<vmem>>
    %dma_start3A_248 = arith.constant 0 : i32
    %dma_start3A_249 = arith.constant 0 : i32
    %dma_start3A_250 = tpu.memref_slice %arg31[%dma_start3A_248, %dma_start3A_249] : memref<10112x8xf32, #tpu.memory_space<vmem_shared>> -> memref<10112x8xf32, #tpu.memory_space<vmem_shared>>
    tpu.enqueue_indirect_dma source(%dma_start3A_250 : memref<10112x8xf32, #tpu.memory_space<vmem_shared>>) target(%arg13 : memref<128x8xf32, #tpu.memory_space<vmem>>) offsets(%dma_start3A_247 : memref<128xi32, #tpu.memory_space<vmem>>) semaphore(%arg25 : memref<!tpu.dma_semaphore, #tpu.memory_space<semaphore_mem>>)
    %dma_start3A_251 = arith.constant 0 : i32
    %dma_start3A_252 = arith.constant 1 : i32
    %dma_start3A_253 = arith.constant 0 : i32
    %dma_start3A_254 = tpu.memref_slice %arg9[%dma_start3A_251, %dma_start3A_252, %dma_start3A_253] : memref<2x2x128xi32, #tpu.memory_space<vmem>> -> memref<1x1x128xi32, #tpu.memory_space<vmem>>
    %dma_start3A_255 = tpu.memref_squeeze %dma_start3A_254 : memref<1x1x128xi32, #tpu.memory_space<vmem>> -> memref<128xi32, #tpu.memory_space<vmem>>
    %dma_start3A_256 = arith.constant 0 : i32
    %dma_start3A_257 = arith.constant 0 : i32
    %dma_start3A_258 = tpu.memref_slice %arg31[%dma_start3A_256, %dma_start3A_257] : memref<10112x8xf32, #tpu.memory_space<vmem_shared>> -> memref<10112x8xf32, #tpu.memory_space<vmem_shared>>
    tpu.enqueue_indirect_dma source(%dma_start3A_258 : memref<10112x8xf32, #tpu.memory_space<vmem_shared>>) target(%arg17 : memref<128x8xf32, #tpu.memory_space<vmem>>) offsets(%dma_start3A_255 : memref<128xi32, #tpu.memory_space<vmem>>) semaphore(%arg25 : memref<!tpu.dma_semaphore, #tpu.memory_space<semaphore_mem>>)
    %dma_start3A_259 = arith.constant 1 : i32
    %dma_start3A_260 = arith.constant 0 : i32
    %dma_start3A_261 = arith.constant 0 : i32
    %dma_start3A_262 = tpu.memref_slice %arg8[%dma_start3A_259, %dma_start3A_260, %dma_start3A_261] : memref<2x2x128xi32, #tpu.memory_space<vmem>> -> memref<1x1x128xi32, #tpu.memory_space<vmem>>
    %dma_start3A_263 = tpu.memref_squeeze %dma_start3A_262 : memref<1x1x128xi32, #tpu.memory_space<vmem>> -> memref<128xi32, #tpu.memory_space<vmem>>
    %dma_start3A_264 = arith.constant 0 : i32
    %dma_start3A_265 = arith.constant 0 : i32
    %dma_start3A_266 = tpu.memref_slice %arg30[%dma_start3A_264, %dma_start3A_265] : memref<10112x8xf32, #tpu.memory_space<vmem_shared>> -> memref<10112x8xf32, #tpu.memory_space<vmem_shared>>
    tpu.enqueue_indirect_dma source(%arg12 : memref<128x8xf32, #tpu.memory_space<vmem>>) target(%dma_start3A_266 : memref<10112x8xf32, #tpu.memory_space<vmem_shared>>) offsets(%dma_start3A_263 : memref<128xi32, #tpu.memory_space<vmem>>) semaphore(%arg28 : memref<!tpu.dma_semaphore, #tpu.memory_space<semaphore_mem>>) {add = true}
    %dma_start3A_267 = arith.constant 1 : i32
    %dma_start3A_268 = arith.constant 1 : i32
    %dma_start3A_269 = arith.constant 0 : i32
    %dma_start3A_270 = tpu.memref_slice %arg8[%dma_start3A_267, %dma_start3A_268, %dma_start3A_269] : memref<2x2x128xi32, #tpu.memory_space<vmem>> -> memref<1x1x128xi32, #tpu.memory_space<vmem>>
    %dma_start3A_271 = tpu.memref_squeeze %dma_start3A_270 : memref<1x1x128xi32, #tpu.memory_space<vmem>> -> memref<128xi32, #tpu.memory_space<vmem>>
    %dma_start3A_272 = arith.constant 0 : i32
    %dma_start3A_273 = arith.constant 0 : i32
    %dma_start3A_274 = tpu.memref_slice %arg30[%dma_start3A_272, %dma_start3A_273] : memref<10112x8xf32, #tpu.memory_space<vmem_shared>> -> memref<10112x8xf32, #tpu.memory_space<vmem_shared>>
    tpu.enqueue_indirect_dma source(%arg16 : memref<128x8xf32, #tpu.memory_space<vmem>>) target(%dma_start3A_274 : memref<10112x8xf32, #tpu.memory_space<vmem_shared>>) offsets(%dma_start3A_271 : memref<128xi32, #tpu.memory_space<vmem>>) semaphore(%arg28 : memref<!tpu.dma_semaphore, #tpu.memory_space<semaphore_mem>>) {add = true}
    %dma_wait3A_275 = arith.constant 1 : i32
    %dma_wait3A_276 = arith.constant 0 : i32
    %dma_wait3A_277 = arith.constant 0 : i32
    %dma_wait3A_278 = tpu.memref_slice %arg7[%dma_wait3A_275, %dma_wait3A_276, %dma_wait3A_277] : memref<2x2x128xi32, #tpu.memory_space<vmem>> -> memref<1x1x128xi32, #tpu.memory_space<vmem>>
    %dma_wait3A_279 = tpu.memref_squeeze %dma_wait3A_278 : memref<1x1x128xi32, #tpu.memory_space<vmem>> -> memref<128xi32, #tpu.memory_space<vmem>>
    %dma_wait3A_280 = arith.constant 0 : i32
    %dma_wait3A_281 = arith.constant 0 : i32
    %dma_wait3A_282 = tpu.memref_slice %arg30[%dma_wait3A_280, %dma_wait3A_281] : memref<10112x8xf32, #tpu.memory_space<vmem_shared>> -> memref<10112x8xf32, #tpu.memory_space<vmem_shared>>
    tpu.wait_indirect_dma semaphore(%arg27 : memref<!tpu.dma_semaphore, #tpu.memory_space<semaphore_mem>>) src(%arg11 : memref<128x8xf32, #tpu.memory_space<vmem>>) dst(%dma_wait3A_282 : memref<10112x8xf32, #tpu.memory_space<vmem_shared>>)
    %dma_wait3A_283 = arith.constant 1 : i32
    %dma_wait3A_284 = arith.constant 1 : i32
    %dma_wait3A_285 = arith.constant 0 : i32
    %dma_wait3A_286 = tpu.memref_slice %arg7[%dma_wait3A_283, %dma_wait3A_284, %dma_wait3A_285] : memref<2x2x128xi32, #tpu.memory_space<vmem>> -> memref<1x1x128xi32, #tpu.memory_space<vmem>>
    %dma_wait3A_287 = tpu.memref_squeeze %dma_wait3A_286 : memref<1x1x128xi32, #tpu.memory_space<vmem>> -> memref<128xi32, #tpu.memory_space<vmem>>
    %dma_wait3A_288 = arith.constant 0 : i32
    %dma_wait3A_289 = arith.constant 0 : i32
    %dma_wait3A_290 = tpu.memref_slice %arg30[%dma_wait3A_288, %dma_wait3A_289] : memref<10112x8xf32, #tpu.memory_space<vmem_shared>> -> memref<10112x8xf32, #tpu.memory_space<vmem_shared>>
    tpu.wait_indirect_dma semaphore(%arg27 : memref<!tpu.dma_semaphore, #tpu.memory_space<semaphore_mem>>) src(%arg15 : memref<128x8xf32, #tpu.memory_space<vmem>>) dst(%dma_wait3A_290 : memref<10112x8xf32, #tpu.memory_space<vmem_shared>>)
    %dma_wait3A_291 = arith.constant 1 : i32
    %dma_wait3A_292 = arith.constant 0 : i32
    %dma_wait3A_293 = arith.constant 0 : i32
    %dma_wait3A_294 = tpu.memref_slice %arg8[%dma_wait3A_291, %dma_wait3A_292, %dma_wait3A_293] : memref<2x2x128xi32, #tpu.memory_space<vmem>> -> memref<1x1x128xi32, #tpu.memory_space<vmem>>
    %dma_wait3A_295 = tpu.memref_squeeze %dma_wait3A_294 : memref<1x1x128xi32, #tpu.memory_space<vmem>> -> memref<128xi32, #tpu.memory_space<vmem>>
    %dma_wait3A_296 = arith.constant 0 : i32
    %dma_wait3A_297 = arith.constant 0 : i32
    %dma_wait3A_298 = tpu.memref_slice %arg30[%dma_wait3A_296, %dma_wait3A_297] : memref<10112x8xf32, #tpu.memory_space<vmem_shared>> -> memref<10112x8xf32, #tpu.memory_space<vmem_shared>>
    tpu.wait_indirect_dma semaphore(%arg28 : memref<!tpu.dma_semaphore, #tpu.memory_space<semaphore_mem>>) src(%arg12 : memref<128x8xf32, #tpu.memory_space<vmem>>) dst(%dma_wait3A_298 : memref<10112x8xf32, #tpu.memory_space<vmem_shared>>)
    %dma_wait3A_299 = arith.constant 1 : i32
    %dma_wait3A_300 = arith.constant 1 : i32
    %dma_wait3A_301 = arith.constant 0 : i32
    %dma_wait3A_302 = tpu.memref_slice %arg8[%dma_wait3A_299, %dma_wait3A_300, %dma_wait3A_301] : memref<2x2x128xi32, #tpu.memory_space<vmem>> -> memref<1x1x128xi32, #tpu.memory_space<vmem>>
    %dma_wait3A_303 = tpu.memref_squeeze %dma_wait3A_302 : memref<1x1x128xi32, #tpu.memory_space<vmem>> -> memref<128xi32, #tpu.memory_space<vmem>>
    %dma_wait3A_304 = arith.constant 0 : i32
    %dma_wait3A_305 = arith.constant 0 : i32
    %dma_wait3A_306 = tpu.memref_slice %arg30[%dma_wait3A_304, %dma_wait3A_305] : memref<10112x8xf32, #tpu.memory_space<vmem_shared>> -> memref<10112x8xf32, #tpu.memory_space<vmem_shared>>
    tpu.wait_indirect_dma semaphore(%arg28 : memref<!tpu.dma_semaphore, #tpu.memory_space<semaphore_mem>>) src(%arg16 : memref<128x8xf32, #tpu.memory_space<vmem>>) dst(%dma_wait3A_306 : memref<10112x8xf32, #tpu.memory_space<vmem_shared>>)
    %dma_wait3A_307 = arith.constant 0 : i32
    %dma_wait3A_308 = arith.constant 0 : i32
    %dma_wait3A_309 = arith.constant 0 : i32
    %dma_wait3A_310 = tpu.memref_slice %arg9[%dma_wait3A_307, %dma_wait3A_308, %dma_wait3A_309] : memref<2x2x128xi32, #tpu.memory_space<vmem>> -> memref<1x1x128xi32, #tpu.memory_space<vmem>>
    %dma_wait3A_311 = tpu.memref_squeeze %dma_wait3A_310 : memref<1x1x128xi32, #tpu.memory_space<vmem>> -> memref<128xi32, #tpu.memory_space<vmem>>
    %dma_wait3A_312 = arith.constant 0 : i32
    %dma_wait3A_313 = arith.constant 0 : i32
    %dma_wait3A_314 = tpu.memref_slice %arg31[%dma_wait3A_312, %dma_wait3A_313] : memref<10112x8xf32, #tpu.memory_space<vmem_shared>> -> memref<10112x8xf32, #tpu.memory_space<vmem_shared>>
    tpu.wait_indirect_dma semaphore(%arg25 : memref<!tpu.dma_semaphore, #tpu.memory_space<semaphore_mem>>) src(%dma_wait3A_314 : memref<10112x8xf32, #tpu.memory_space<vmem_shared>>) dst(%arg13 : memref<128x8xf32, #tpu.memory_space<vmem>>)
    %dma_wait3A_315 = arith.constant 0 : i32
    %dma_wait3A_316 = arith.constant 1 : i32
    %dma_wait3A_317 = arith.constant 0 : i32
    %dma_wait3A_318 = tpu.memref_slice %arg9[%dma_wait3A_315, %dma_wait3A_316, %dma_wait3A_317] : memref<2x2x128xi32, #tpu.memory_space<vmem>> -> memref<1x1x128xi32, #tpu.memory_space<vmem>>
    %dma_wait3A_319 = tpu.memref_squeeze %dma_wait3A_318 : memref<1x1x128xi32, #tpu.memory_space<vmem>> -> memref<128xi32, #tpu.memory_space<vmem>>
    %dma_wait3A_320 = arith.constant 0 : i32
    %dma_wait3A_321 = arith.constant 0 : i32
    %dma_wait3A_322 = tpu.memref_slice %arg31[%dma_wait3A_320, %dma_wait3A_321] : memref<10112x8xf32, #tpu.memory_space<vmem_shared>> -> memref<10112x8xf32, #tpu.memory_space<vmem_shared>>
    tpu.wait_indirect_dma semaphore(%arg25 : memref<!tpu.dma_semaphore, #tpu.memory_space<semaphore_mem>>) src(%dma_wait3A_322 : memref<10112x8xf32, #tpu.memory_space<vmem_shared>>) dst(%arg17 : memref<128x8xf32, #tpu.memory_space<vmem>>)
    %dma_wait3A_323 = arith.constant 0 : i32
    %dma_wait3A_324 = arith.constant 0 : i32
    %dma_wait3A_325 = tpu.memref_slice %arg3[%dma_wait3A_323, %mul3A_2, %dma_wait3A_324] : memref<2x2500x128xi32, #tpu.memory_space<hbm>> -> memref<2x2x128xi32, #tpu.memory_space<hbm>>
    %dma_wait3A_326 = arith.constant 0 : i32
    %dma_wait3A_327 = arith.constant 0 : i32
    %dma_wait3A_328 = tpu.memref_slice %arg3[%dma_wait3A_326, %mul3A_2, %dma_wait3A_327] : memref<2x2500x128xi32, #tpu.memory_space<hbm>> -> memref<2x2x128xi32, #tpu.memory_space<hbm>>
    tpu.wait_dma2 semaphore(%arg18 : memref<!tpu.dma_semaphore, #tpu.memory_space<semaphore_mem>>) src(%dma_wait3A_328 : memref<2x2x128xi32, #tpu.memory_space<hbm>>) dst(%arg6 : memref<2x2x128xi32, #tpu.memory_space<vmem>>)
    %lt3A = arith.constant 4 : i32
    %lt3A_329 = arith.cmpi slt, %add3A, %lt3A : i32
    %convert_element_type3A_330 = arith.extui %lt3A_329 : i1 to i32
    %cond3A_331 = arith.constant 0 : i32
    %cond3A_332 = arith.cmpi ne, %convert_element_type3A_330, %cond3A_331 : i32
    scf.if %cond3A_332 {
      %add3A_341 = arith.constant 2496 : i32
      %add3A_342 = arith.addi %add3A_341, %add3A : i32
      "tpu.region"() ({
        %run_scoped3A_360 = tpu.sem_alloc : memref<!tpu.dma_semaphore, #tpu.memory_space<semaphore_mem>>
        %dma_start3A_361 = arith.constant 0 : i32
        %dma_start3A_362 = arith.constant 0 : i32
        %dma_start3A_363 = arith.constant 0 : i32
        %dma_start3A_364 = tpu.memref_slice %arg6[%dma_start3A_361, %dma_start3A_362, %dma_start3A_363] : memref<2x2x128xi32, #tpu.memory_space<vmem>> -> memref<2x1x128xi32, #tpu.memory_space<vmem>>
        %dma_start3A_365 = arith.constant 0 : i32
        %dma_start3A_366 = arith.constant 0 : i32
        %dma_start3A_367 = tpu.memref_slice %arg3[%dma_start3A_365, %add3A_342, %dma_start3A_366] : memref<2x2500x128xi32, #tpu.memory_space<hbm>> -> memref<2x1x128xi32, #tpu.memory_space<hbm>>
        %dma_start3A_368 = arith.constant 0 : i32
        %dma_start3A_369 = arith.constant 0 : i32
        %dma_start3A_370 = arith.constant 0 : i32
        %dma_start3A_371 = tpu.memref_slice %arg6[%dma_start3A_368, %dma_start3A_369, %dma_start3A_370] : memref<2x2x128xi32, #tpu.memory_space<vmem>> -> memref<2x1x128xi32, #tpu.memory_space<vmem>>
        %dma_start3A_372 = arith.constant 0 : i32
        %dma_start3A_373 = arith.constant 0 : i32
        %dma_start3A_374 = tpu.memref_slice %arg3[%dma_start3A_372, %add3A_342, %dma_start3A_373] : memref<2x2500x128xi32, #tpu.memory_space<hbm>> -> memref<2x1x128xi32, #tpu.memory_space<hbm>>
        tpu.enqueue_dma source(%dma_start3A_374 : memref<2x1x128xi32, #tpu.memory_space<hbm>>) target(%dma_start3A_371 : memref<2x1x128xi32, #tpu.memory_space<vmem>>) target_semaphore(%run_scoped3A_360 : memref<!tpu.dma_semaphore, #tpu.memory_space<semaphore_mem>>)
        %dma_wait3A_375 = arith.constant 0 : i32
        %dma_wait3A_376 = arith.constant 0 : i32
        %dma_wait3A_377 = arith.constant 0 : i32
        %dma_wait3A_378 = tpu.memref_slice %arg6[%dma_wait3A_375, %dma_wait3A_376, %dma_wait3A_377] : memref<2x2x128xi32, #tpu.memory_space<vmem>> -> memref<2x1x128xi32, #tpu.memory_space<vmem>>
        %dma_wait3A_379 = arith.constant 0 : i32
        %dma_wait3A_380 = arith.constant 0 : i32
        %dma_wait3A_381 = tpu.memref_slice %arg3[%dma_wait3A_379, %add3A_342, %dma_wait3A_380] : memref<2x2500x128xi32, #tpu.memory_space<hbm>> -> memref<2x1x128xi32, #tpu.memory_space<hbm>>
        %dma_wait3A_382 = arith.constant 0 : i32
        %dma_wait3A_383 = arith.constant 0 : i32
        %dma_wait3A_384 = arith.constant 0 : i32
        %dma_wait3A_385 = tpu.memref_slice %arg6[%dma_wait3A_382, %dma_wait3A_383, %dma_wait3A_384] : memref<2x2x128xi32, #tpu.memory_space<vmem>> -> memref<2x1x128xi32, #tpu.memory_space<vmem>>
        %dma_wait3A_386 = arith.constant 0 : i32
        %dma_wait3A_387 = arith.constant 0 : i32
        %dma_wait3A_388 = tpu.memref_slice %arg3[%dma_wait3A_386, %add3A_342, %dma_wait3A_387] : memref<2x2500x128xi32, #tpu.memory_space<hbm>> -> memref<2x1x128xi32, #tpu.memory_space<hbm>>
        tpu.wait_dma2 semaphore(%run_scoped3A_360 : memref<!tpu.dma_semaphore, #tpu.memory_space<semaphore_mem>>) src(%dma_wait3A_388 : memref<2x1x128xi32, #tpu.memory_space<hbm>>) dst(%dma_wait3A_385 : memref<2x1x128xi32, #tpu.memory_space<vmem>>)
        tpu.yield
      }) : () -> ()
      %dma_start3A_343 = arith.constant 0 : i32
      %dma_start3A_344 = arith.constant 0 : i32
      %dma_start3A_345 = arith.constant 0 : i32
      %dma_start3A_346 = tpu.memref_slice %arg6[%dma_start3A_343, %dma_start3A_344, %dma_start3A_345] : memref<2x2x128xi32, #tpu.memory_space<vmem>> -> memref<1x1x128xi32, #tpu.memory_space<vmem>>
      %dma_start3A_347 = tpu.memref_squeeze %dma_start3A_346 : memref<1x1x128xi32, #tpu.memory_space<vmem>> -> memref<128xi32, #tpu.memory_space<vmem>>
      %dma_start3A_348 = arith.constant 0 : i32
      %dma_start3A_349 = arith.constant 0 : i32
      %dma_start3A_350 = tpu.memref_slice %arg31[%dma_start3A_348, %dma_start3A_349] : memref<10112x8xf32, #tpu.memory_space<vmem_shared>> -> memref<10112x8xf32, #tpu.memory_space<vmem_shared>>
      tpu.enqueue_indirect_dma source(%dma_start3A_350 : memref<10112x8xf32, #tpu.memory_space<vmem_shared>>) target(%arg10 : memref<128x8xf32, #tpu.memory_space<vmem>>) offsets(%dma_start3A_347 : memref<128xi32, #tpu.memory_space<vmem>>) semaphore(%arg22 : memref<!tpu.dma_semaphore, #tpu.memory_space<semaphore_mem>>)
      %dma_wait3A_351 = arith.constant 0 : i32
      %dma_wait3A_352 = arith.constant 0 : i32
      %dma_wait3A_353 = arith.constant 0 : i32
      %dma_wait3A_354 = tpu.memref_slice %arg6[%dma_wait3A_351, %dma_wait3A_352, %dma_wait3A_353] : memref<2x2x128xi32, #tpu.memory_space<vmem>> -> memref<1x1x128xi32, #tpu.memory_space<vmem>>
      %dma_wait3A_355 = tpu.memref_squeeze %dma_wait3A_354 : memref<1x1x128xi32, #tpu.memory_space<vmem>> -> memref<128xi32, #tpu.memory_space<vmem>>
      %dma_wait3A_356 = arith.constant 0 : i32
      %dma_wait3A_357 = arith.constant 0 : i32
      %dma_wait3A_358 = tpu.memref_slice %arg31[%dma_wait3A_356, %dma_wait3A_357] : memref<10112x8xf32, #tpu.memory_space<vmem_shared>> -> memref<10112x8xf32, #tpu.memory_space<vmem_shared>>
      tpu.wait_indirect_dma semaphore(%arg22 : memref<!tpu.dma_semaphore, #tpu.memory_space<semaphore_mem>>) src(%dma_wait3A_358 : memref<10112x8xf32, #tpu.memory_space<vmem_shared>>) dst(%arg10 : memref<128x8xf32, #tpu.memory_space<vmem>>)
      %run_scoped3A = arith.constant 1 : i32
      %run_scoped3A_359 = arith.constant 0 : i32
      "tpu.region"() ({
        %run_scoped3A_360 = tpu.sem_alloc : memref<!tpu.dma_semaphore, #tpu.memory_space<semaphore_mem>>
        %dma_start3A_361 = arith.constant 0 : i32
        %dma_start3A_362 = tpu.memref_slice %arg6[%run_scoped3A, %run_scoped3A_359, %dma_start3A_361] : memref<2x2x128xi32, #tpu.memory_space<vmem>> -> memref<1x1x128xi32, #tpu.memory_space<vmem>>
        %dma_start3A_363 = tpu.memref_squeeze %dma_start3A_362 : memref<1x1x128xi32, #tpu.memory_space<vmem>> -> memref<128xi32, #tpu.memory_space<vmem>>
        %dma_start3A_364 = arith.constant 0 : i32
        %dma_start3A_365 = arith.constant 0 : i32
        %dma_start3A_366 = tpu.memref_slice %arg30[%dma_start3A_364, %dma_start3A_365] : memref<10112x8xf32, #tpu.memory_space<vmem_shared>> -> memref<10112x8xf32, #tpu.memory_space<vmem_shared>>
        tpu.enqueue_indirect_dma source(%arg10 : memref<128x8xf32, #tpu.memory_space<vmem>>) target(%dma_start3A_366 : memref<10112x8xf32, #tpu.memory_space<vmem_shared>>) offsets(%dma_start3A_363 : memref<128xi32, #tpu.memory_space<vmem>>) semaphore(%run_scoped3A_360 : memref<!tpu.dma_semaphore, #tpu.memory_space<semaphore_mem>>) {add = true}
        %dma_wait3A_367 = arith.constant 0 : i32
        %dma_wait3A_368 = tpu.memref_slice %arg6[%run_scoped3A, %run_scoped3A_359, %dma_wait3A_367] : memref<2x2x128xi32, #tpu.memory_space<vmem>> -> memref<1x1x128xi32, #tpu.memory_space<vmem>>
        %dma_wait3A_369 = tpu.memref_squeeze %dma_wait3A_368 : memref<1x1x128xi32, #tpu.memory_space<vmem>> -> memref<128xi32, #tpu.memory_space<vmem>>
        %dma_wait3A_370 = arith.constant 0 : i32
        %dma_wait3A_371 = arith.constant 0 : i32
        %dma_wait3A_372 = tpu.memref_slice %arg30[%dma_wait3A_370, %dma_wait3A_371] : memref<10112x8xf32, #tpu.memory_space<vmem_shared>> -> memref<10112x8xf32, #tpu.memory_space<vmem_shared>>
        tpu.wait_indirect_dma semaphore(%run_scoped3A_360 : memref<!tpu.dma_semaphore, #tpu.memory_space<semaphore_mem>>) src(%arg10 : memref<128x8xf32, #tpu.memory_space<vmem>>) dst(%dma_wait3A_372 : memref<10112x8xf32, #tpu.memory_space<vmem_shared>>)
        tpu.yield
      }) : () -> ()
    } else {
    }
    %barrier3A_333 = arith.constant 0 : index
    tpu.barrier barrier_id(%barrier3A_333)
    %mul3A_334 = arith.constant 632 : i32
    %mul3A_335 = arith.muli %arg1, %mul3A_334 : i32
    %mul3A_336 = arith.constant 10112 : i32
    %mul3A_337 = arith.muli %arg0, %mul3A_336 : i32
    %mul3A_338 = arith.constant 632 : i32
    %mul3A_339 = arith.muli %arg1, %mul3A_338 : i32
    %add3A_340 = arith.addi %mul3A_337, %mul3A_339 : i32
    "tpu.region"() ({
      %run_scoped3A = tpu.sem_alloc : memref<!tpu.dma_semaphore, #tpu.memory_space<semaphore_mem>>
      %dma_start3A_341 = arith.constant 0 : i32
      %dma_start3A_342 = tpu.memref_slice %arg5[%add3A_340, %dma_start3A_341] : memref<20224x8xf32, #tpu.memory_space<hbm>> -> memref<632x8xf32, #tpu.memory_space<hbm>>
      %dma_start3A_343 = arith.constant 0 : i32
      %dma_start3A_344 = tpu.memref_slice %arg30[%mul3A_335, %dma_start3A_343] : memref<10112x8xf32, #tpu.memory_space<vmem_shared>> -> memref<632x8xf32, #tpu.memory_space<vmem_shared>>
      tpu.enqueue_dma source(%dma_start3A_344 : memref<632x8xf32, #tpu.memory_space<vmem_shared>>) target(%dma_start3A_342 : memref<632x8xf32, #tpu.memory_space<hbm>>) target_semaphore(%run_scoped3A : memref<!tpu.dma_semaphore, #tpu.memory_space<semaphore_mem>>)
      %dma_wait3A_345 = arith.constant 0 : i32
      %dma_wait3A_346 = tpu.memref_slice %arg5[%add3A_340, %dma_wait3A_345] : memref<20224x8xf32, #tpu.memory_space<hbm>> -> memref<632x8xf32, #tpu.memory_space<hbm>>
      %dma_wait3A_347 = arith.constant 0 : i32
      %dma_wait3A_348 = tpu.memref_slice %arg30[%mul3A_335, %dma_wait3A_347] : memref<10112x8xf32, #tpu.memory_space<vmem_shared>> -> memref<632x8xf32, #tpu.memory_space<vmem_shared>>
      tpu.wait_dma2 semaphore(%run_scoped3A : memref<!tpu.dma_semaphore, #tpu.memory_space<semaphore_mem>>) src(%dma_wait3A_348 : memref<632x8xf32, #tpu.memory_space<vmem_shared>>) dst(%dma_wait3A_346 : memref<632x8xf32, #tpu.memory_space<hbm>>)
      tpu.yield
    }) : () -> ()
    return
  }
}

module attributes {stable_mosaic.version = 14 : i64} {
  func.func @_tc_first(%arg0: memref<10000x128xf32, #tpu.memory_space<vmem>>, %arg1: memref<128x32xf32, #tpu.memory_space<vmem>>, %arg2: memref<20224x8xf32, #tpu.memory_space<vmem>>, %arg3: memref<10112x32xf32, #tpu.memory_space<vmem>>) attributes {dimension_semantics = [], scalar_prefetch = 0 : i64, scratch_operands = 0 : i64, tpu.core_type = #tpu.core_type<tc>} {
    %get3A = arith.constant 0 : index
    %get3A_0 = arith.constant 0 : index
    %get3A_1 = vector.load %arg2[%get3A, %get3A_0] : memref<20224x8xf32, #tpu.memory_space<vmem>>, vector<20224x8xf32>
    %slice3A = vector.extract_strided_slice %get3A_1 {offsets = [0, 0], sizes = [10112, 1], strides = [1, 1]} : vector<20224x8xf32> to vector<10112x1xf32>
    %slice3A_2 = vector.extract_strided_slice %get3A_1 {offsets = [10112, 0], sizes = [10112, 1], strides = [1, 1]} : vector<20224x8xf32> to vector<10112x1xf32>
    %add3A = arith.addf %slice3A, %slice3A_2 : vector<10112x1xf32>
    %add3A_3 = arith.constant 1.000000e+00 : f32
    %add3A_4 = vector.broadcast %add3A_3 : f32 to vector<10112x1xf32>
    %add3A_5 = arith.addf %add3A, %add3A_4 : vector<10112x1xf32>
    %rsqrt3A = math.rsqrt %add3A_5 : vector<10112x1xf32>
    %get3A_6 = arith.constant 0 : index
    %get3A_7 = arith.constant 0 : index
    %get3A_8 = vector.load %arg0[%get3A_6, %get3A_7] : memref<10000x128xf32, #tpu.memory_space<vmem>>, vector<10000x128xf32>
    %get3A_9 = arith.constant 0 : index
    %get3A_10 = arith.constant 0 : index
    %get3A_11 = vector.load %arg1[%get3A_9, %get3A_10] : memref<128x32xf32, #tpu.memory_space<vmem>>, vector<128x32xf32>
    %dot_general3A = arith.constant dense<0.000000e+00> : vector<10000x32xf32>
    %dot_general3A_12 = tpu.matmul %get3A_8, %get3A_11, %dot_general3A {dimension_numbers = #tpu.dot_dimension_numbers<[1], [0], [0], [1], [0, 0, 1, 1], [], []>, transpose_lhs_hint = false} : vector<10000x128xf32>, vector<128x32xf32>, vector<10000x32xf32> -> vector<10000x32xf32>
    %slice3A_13 = vector.extract_strided_slice %rsqrt3A {offsets = [0, 0], sizes = [10000, 1], strides = [1, 1]} : vector<10112x1xf32> to vector<10000x1xf32>
    %mul3A = vector.broadcast %slice3A_13 : vector<10000x1xf32> to vector<10000x32xf32>
    %mul3A_14 = arith.mulf %dot_general3A_12, %mul3A : vector<10000x32xf32>
    %swap3A = arith.constant 0 : index
    %swap3A_15 = arith.constant 0 : index
    %swap3A_16 = vector.load %arg3[%swap3A, %swap3A_15] : memref<10112x32xf32, #tpu.memory_space<vmem>>, vector<10000x32xf32>
    tpu.vector_store %arg3[%swap3A, %swap3A_15], %mul3A_14 {strides = array<i32>} : memref<10112x32xf32, #tpu.memory_space<vmem>>, vector<10000x32xf32>,
    %broadcast_in_dim3A = arith.constant 0.000000e+00 : f32
    %broadcast_in_dim3A_17 = vector.broadcast %broadcast_in_dim3A : f32 to vector<112x32xf32>
    %swap3A_18 = arith.constant 10000 : index
    %swap3A_19 = arith.constant 0 : index
    %swap3A_20 = vector.load %arg3[%swap3A_18, %swap3A_19] : memref<10112x32xf32, #tpu.memory_space<vmem>>, vector<112x32xf32>
    tpu.vector_store %arg3[%swap3A_18, %swap3A_19], %broadcast_in_dim3A_17 {strides = array<i32>} : memref<10112x32xf32, #tpu.memory_space<vmem>>, vector<112x32xf32>,
    return
  }
}

module attributes {stable_mosaic.version = 14 : i64} {
  func.func @_tc_mid(%arg0: memref<20224x32xf32, #tpu.memory_space<vmem>>, %arg1: memref<20224x8xf32, #tpu.memory_space<vmem>>, %arg2: memref<1x32xf32, #tpu.memory_space<vmem>>, %arg3: memref<32x8xf32, #tpu.memory_space<vmem>>, %arg4: memref<10112x8xf32, #tpu.memory_space<vmem>>) attributes {dimension_semantics = [], scalar_prefetch = 0 : i64, scratch_operands = 0 : i64, tpu.core_type = #tpu.core_type<tc>} {
    %get3A = arith.constant 0 : index
    %get3A_0 = arith.constant 0 : index
    %get3A_1 = vector.load %arg1[%get3A, %get3A_0] : memref<20224x8xf32, #tpu.memory_space<vmem>>, vector<20224x8xf32>
    %slice3A = vector.extract_strided_slice %get3A_1 {offsets = [0, 0], sizes = [10112, 1], strides = [1, 1]} : vector<20224x8xf32> to vector<10112x1xf32>
    %slice3A_2 = vector.extract_strided_slice %get3A_1 {offsets = [10112, 0], sizes = [10112, 1], strides = [1, 1]} : vector<20224x8xf32> to vector<10112x1xf32>
    %add3A = arith.addf %slice3A, %slice3A_2 : vector<10112x1xf32>
    %add3A_3 = arith.constant 1.000000e+00 : f32
    %add3A_4 = vector.broadcast %add3A_3 : f32 to vector<10112x1xf32>
    %add3A_5 = arith.addf %add3A, %add3A_4 : vector<10112x1xf32>
    %rsqrt3A = math.rsqrt %add3A_5 : vector<10112x1xf32>
    %get3A_6 = arith.constant 0 : index
    %get3A_7 = arith.constant 0 : index
    %get3A_8 = vector.load %arg0[%get3A_6, %get3A_7] : memref<20224x32xf32, #tpu.memory_space<vmem>>, vector<20224x32xf32>
    %slice3A_9 = vector.extract_strided_slice %get3A_8 {offsets = [0, 0], sizes = [10112, 32], strides = [1, 1]} : vector<20224x32xf32> to vector<10112x32xf32>
    %slice3A_10 = vector.extract_strided_slice %get3A_8 {offsets = [10112, 0], sizes = [10112, 32], strides = [1, 1]} : vector<20224x32xf32> to vector<10112x32xf32>
    %add3A_11 = arith.addf %slice3A_9, %slice3A_10 : vector<10112x32xf32>
    %mul3A = vector.broadcast %rsqrt3A : vector<10112x1xf32> to vector<10112x32xf32>
    %mul3A_12 = arith.mulf %add3A_11, %mul3A : vector<10112x32xf32>
    %get3A_13 = arith.constant 0 : index
    %get3A_14 = arith.constant 0 : index
    %get3A_15 = vector.load %arg2[%get3A_13, %get3A_14] : memref<1x32xf32, #tpu.memory_space<vmem>>, vector<1x32xf32>
    %add3A_16 = vector.broadcast %get3A_15 : vector<1x32xf32> to vector<10112x32xf32>
    %add3A_17 = arith.addf %mul3A_12, %add3A_16 : vector<10112x32xf32>
    %ge3A = arith.constant 0.000000e+00 : f32
    %ge3A_18 = vector.broadcast %ge3A : f32 to vector<10112x32xf32>
    %ge3A_19 = arith.cmpf oge, %add3A_17, %ge3A_18 : vector<10112x32xf32>
    %mul3A_20 = arith.constant 2.000000e-01 : f32
    %mul3A_21 = vector.broadcast %mul3A_20 : f32 to vector<10112x32xf32>
    %mul3A_22 = arith.mulf %mul3A_21, %add3A_17 : vector<10112x32xf32>
    %select_n3A = arith.select %ge3A_19, %add3A_17, %mul3A_22 : vector<10112x32xi1>, vector<10112x32xf32>
    %get3A_23 = arith.constant 0 : index
    %get3A_24 = arith.constant 0 : index
    %get3A_25 = vector.load %arg3[%get3A_23, %get3A_24] : memref<32x8xf32, #tpu.memory_space<vmem>>, vector<32x8xf32>
    %dot_general3A = arith.constant dense<0.000000e+00> : vector<10112x8xf32>
    %dot_general3A_26 = tpu.matmul %select_n3A, %get3A_25, %dot_general3A {dimension_numbers = #tpu.dot_dimension_numbers<[1], [0], [0], [1], [0, 0, 1, 1], [], []>, transpose_lhs_hint = false} : vector<10112x32xf32>, vector<32x8xf32>, vector<10112x8xf32> -> vector<10112x8xf32>
    %mul3A_27 = vector.broadcast %rsqrt3A : vector<10112x1xf32> to vector<10112x8xf32>
    %mul3A_28 = arith.mulf %dot_general3A_26, %mul3A_27 : vector<10112x8xf32>
    %swap3A = arith.constant 0 : index
    %swap3A_29 = arith.constant 0 : index
    %swap3A_30 = vector.load %arg4[%swap3A, %swap3A_29] : memref<10112x8xf32, #tpu.memory_space<vmem>>, vector<10112x8xf32>
    tpu.vector_store %arg4[%swap3A, %swap3A_29], %mul3A_28 {strides = array<i32>} : memref<10112x8xf32, #tpu.memory_space<vmem>>, vector<10112x8xf32>,
    return
  }
}

module attributes {stable_mosaic.version = 14 : i64} {
  func.func @_tc_tail(%arg0: memref<20224x8xf32, #tpu.memory_space<vmem>>, %arg1: memref<20224x8xf32, #tpu.memory_space<vmem>>, %arg2: memref<1x8xf32, #tpu.memory_space<vmem>>, %arg3: memref<1x10000xi32, #tpu.memory_space<vmem>>, %arg4: memref<8x8xf32, #tpu.memory_space<vmem>>, %arg5: memref<1x8xf32, #tpu.memory_space<vmem>>, %arg6: memref<8x2xf32, #tpu.memory_space<vmem>>, %arg7: memref<1x2xf32, #tpu.memory_space<vmem>>, %arg8: memref<64x2xf32, #tpu.memory_space<vmem>>) attributes {dimension_semantics = [], scalar_prefetch = 0 : i64, scratch_operands = 0 : i64, tpu.core_type = #tpu.core_type<tc>} {
    %get3A = arith.constant 0 : index
    %get3A_0 = arith.constant 0 : index
    %get3A_1 = vector.load %arg1[%get3A, %get3A_0] : memref<20224x8xf32, #tpu.memory_space<vmem>>, vector<20224x8xf32>
    %slice3A = vector.extract_strided_slice %get3A_1 {offsets = [0, 0], sizes = [10112, 1], strides = [1, 1]} : vector<20224x8xf32> to vector<10112x1xf32>
    %slice3A_2 = vector.extract_strided_slice %get3A_1 {offsets = [10112, 0], sizes = [10112, 1], strides = [1, 1]} : vector<20224x8xf32> to vector<10112x1xf32>
    %add3A = arith.addf %slice3A, %slice3A_2 : vector<10112x1xf32>
    %add3A_3 = arith.constant 1.000000e+00 : f32
    %add3A_4 = vector.broadcast %add3A_3 : f32 to vector<10112x1xf32>
    %add3A_5 = arith.addf %add3A, %add3A_4 : vector<10112x1xf32>
    %rsqrt3A = math.rsqrt %add3A_5 : vector<10112x1xf32>
    %get3A_6 = arith.constant 0 : index
    %get3A_7 = arith.constant 0 : index
    %get3A_8 = vector.load %arg0[%get3A_6, %get3A_7] : memref<20224x8xf32, #tpu.memory_space<vmem>>, vector<20224x8xf32>
    %slice3A_9 = vector.extract_strided_slice %get3A_8 {offsets = [0, 0], sizes = [10112, 8], strides = [1, 1]} : vector<20224x8xf32> to vector<10112x8xf32>
    %slice3A_10 = vector.extract_strided_slice %get3A_8 {offsets = [10112, 0], sizes = [10112, 8], strides = [1, 1]} : vector<20224x8xf32> to vector<10112x8xf32>
    %add3A_11 = arith.addf %slice3A_9, %slice3A_10 : vector<10112x8xf32>
    %mul3A = vector.broadcast %rsqrt3A : vector<10112x1xf32> to vector<10112x8xf32>
    %mul3A_12 = arith.mulf %add3A_11, %mul3A : vector<10112x8xf32>
    %get3A_13 = arith.constant 0 : index
    %get3A_14 = arith.constant 0 : index
    %get3A_15 = vector.load %arg2[%get3A_13, %get3A_14] : memref<1x8xf32, #tpu.memory_space<vmem>>, vector<1x8xf32>
    %add3A_16 = vector.broadcast %get3A_15 : vector<1x8xf32> to vector<10112x8xf32>
    %add3A_17 = arith.addf %mul3A_12, %add3A_16 : vector<10112x8xf32>
    %ge3A = arith.constant 0.000000e+00 : f32
    %ge3A_18 = vector.broadcast %ge3A : f32 to vector<10112x8xf32>
    %ge3A_19 = arith.cmpf oge, %add3A_17, %ge3A_18 : vector<10112x8xf32>
    %mul3A_20 = arith.constant 2.000000e-01 : f32
    %mul3A_21 = vector.broadcast %mul3A_20 : f32 to vector<10112x8xf32>
    %mul3A_22 = arith.mulf %mul3A_21, %add3A_17 : vector<10112x8xf32>
    %select_n3A = arith.select %ge3A_19, %add3A_17, %mul3A_22 : vector<10112x8xi1>, vector<10112x8xf32>
    %slice3A_23 = vector.extract_strided_slice %select_n3A {offsets = [0, 0], sizes = [10000, 8], strides = [1, 1]} : vector<10112x8xf32> to vector<10000x8xf32>
    %iota3A = tpu.iota {dimensions = array<i32: 0>} : vector<64x10000xi32>
    %get3A_24 = arith.constant 0 : index
    %get3A_25 = arith.constant 0 : index
    %get3A_26 = vector.load %arg3[%get3A_24, %get3A_25] : memref<1x10000xi32, #tpu.memory_space<vmem>>, vector<1x10000xi32>
    %eq3A = vector.broadcast %get3A_26 : vector<1x10000xi32> to vector<64x10000xi32>
    %eq3A_27 = arith.cmpi eq, %eq3A, %iota3A : vector<64x10000xi32>
    %convert_element_type3A = arith.extui %eq3A_27 : vector<64x10000xi1> to vector<64x10000xi32>
    %convert_element_type3A_28 = arith.sitofp %convert_element_type3A : vector<64x10000xi32> to vector<64x10000xf32>
    %dot_general3A = arith.constant dense<0.000000e+00> : vector<64x8xf32>
    %dot_general3A_29 = tpu.matmul %convert_element_type3A_28, %slice3A_23, %dot_general3A {dimension_numbers = #tpu.dot_dimension_numbers<[1], [0], [0], [1], [0, 0, 1, 1], [], []>, transpose_lhs_hint = false} : vector<64x10000xf32>, vector<10000x8xf32>, vector<64x8xf32> -> vector<64x8xf32>
    %get3A_30 = arith.constant 0 : index
    %get3A_31 = arith.constant 0 : index
    %get3A_32 = vector.load %arg4[%get3A_30, %get3A_31] : memref<8x8xf32, #tpu.memory_space<vmem>>, vector<8x8xf32>
    %dot_general3A_33 = arith.constant dense<0.000000e+00> : vector<64x8xf32>
    %dot_general3A_34 = tpu.matmul %dot_general3A_29, %get3A_32, %dot_general3A_33 {dimension_numbers = #tpu.dot_dimension_numbers<[1], [0], [0], [1], [0, 0, 1, 1], [], []>, transpose_lhs_hint = false} : vector<64x8xf32>, vector<8x8xf32>, vector<64x8xf32> -> vector<64x8xf32>
    %get3A_35 = arith.constant 0 : index
    %get3A_36 = arith.constant 0 : index
    %get3A_37 = vector.load %arg5[%get3A_35, %get3A_36] : memref<1x8xf32, #tpu.memory_space<vmem>>, vector<1x8xf32>
    %add3A_38 = vector.broadcast %get3A_37 : vector<1x8xf32> to vector<64x8xf32>
    %add3A_39 = arith.addf %dot_general3A_34, %add3A_38 : vector<64x8xf32>
    %ge3A_40 = arith.constant 0.000000e+00 : f32
    %ge3A_41 = vector.broadcast %ge3A_40 : f32 to vector<64x8xf32>
    %ge3A_42 = arith.cmpf oge, %add3A_39, %ge3A_41 : vector<64x8xf32>
    %mul3A_43 = arith.constant 2.000000e-01 : f32
    %mul3A_44 = vector.broadcast %mul3A_43 : f32 to vector<64x8xf32>
    %mul3A_45 = arith.mulf %mul3A_44, %add3A_39 : vector<64x8xf32>
    %select_n3A_46 = arith.select %ge3A_42, %add3A_39, %mul3A_45 : vector<64x8xi1>, vector<64x8xf32>
    %get3A_47 = arith.constant 0 : index
    %get3A_48 = arith.constant 0 : index
    %get3A_49 = vector.load %arg6[%get3A_47, %get3A_48] : memref<8x2xf32, #tpu.memory_space<vmem>>, vector<8x2xf32>
    %dot_general3A_50 = arith.constant dense<0.000000e+00> : vector<64x2xf32>
    %dot_general3A_51 = tpu.matmul %select_n3A_46, %get3A_49, %dot_general3A_50 {dimension_numbers = #tpu.dot_dimension_numbers<[1], [0], [0], [1], [0, 0, 1, 1], [], []>, transpose_lhs_hint = false} : vector<64x8xf32>, vector<8x2xf32>, vector<64x2xf32> -> vector<64x2xf32>
    %get3A_52 = arith.constant 0 : index
    %get3A_53 = arith.constant 0 : index
    %get3A_54 = vector.load %arg7[%get3A_52, %get3A_53] : memref<1x2xf32, #tpu.memory_space<vmem>>, vector<1x2xf32>
    %add3A_55 = vector.broadcast %get3A_54 : vector<1x2xf32> to vector<64x2xf32>
    %add3A_56 = arith.addf %dot_general3A_51, %add3A_55 : vector<64x2xf32>
    %swap3A = arith.constant 0 : index
    %swap3A_57 = arith.constant 0 : index
    %swap3A_58 = vector.load %arg8[%swap3A, %swap3A_57] : memref<64x2xf32, #tpu.memory_space<vmem>>, vector<64x2xf32>
    tpu.vector_store %arg8[%swap3A, %swap3A_57], %add3A_56 {strides = array<i32>} : memref<64x2xf32, #tpu.memory_space<vmem>>, vector<64x2xf32>,
    return
  }
}

</mosaic_0001>

<sc_bundles>
// kernel: kernel.11.cloned.1.call-start
scs
__scs_entry_jumppad:
0x0: {  	(pc) =	sbr.rel $0x88, $3  }
0x1: {  	(tag) =	ssettag $0x0;
	lr =	simm.s32 $0x1  }
0x2: {  	[smem:$0x3F96] =	sst lr;
	_ =	strace $0xD0000000  }
0x3: {  	_ = 	snop  }
0x4: {  	_ = 	snop  }
0x5: {  	_ = 	snop  }
0x6: {  	_ = 	snop  }
0x7: {  	_ = 	snop  }
__scs_overlays_trampoline_lowered:
0x8: {  	[smem:$0x3FA5] =	sst s0  }
0x9: {  	[smem:$0x3FA6] =	sst s1  }
0xa: {  	[smem:$0x3FA7] =	sst s2  }
0xb: {  	[smem:$0x3FA8] =	sst s3  }
0xc: {  	[smem:$0x3FA9] =	sst s4  }
0xd: {  	[smem:$0x3FAA] =	sst s5  }
0xe: {  	[smem:$0x3FAB] =	sst s6  }
0xf: {  	[smem:$0x3FAC] =	sst s7  }
0x10: {  	[smem:$0x3FAD] =	sst s8  }
0x11: {  	[smem:$0x3FAE] =	sst s9;
	s0 =	simm.s32 @!p0 $0x0  }
0x12: {  	s1 =	sld [smem:$0x3F94];
	s0 =	simm.s32 @p0 $0x1  }
0x13: {  	[smem:$0x3FAF] =	sst s0;
	s0 =	simm.s32 @!p1 $0x0  }
0x14: {  	s2 =	sld [smem:$0x3F93];
	s0 =	simm.s32 @p1 $0x1  }
0x15: {  	[smem:$0x3FB0] =	sst s0;
	s0 =	simm.s32 @!p2 $0x0  }
0x16: {  	s3 =	sld [smem:$0x3FDB];
	s0 =	simm.s32 @p2 $0x1  }
0x17: {  	s4 =	simm.s32 $0x1BF5;
	[smem:$0x3FB2] =	sst s0  }
0x18: {  	s0 =	sld [smem:$0x3F95];
	_ =	swait.ge [sflag:s4], $0x0  }
0x19: {  	s7 =	sld [smem:$0x3F96]  }
0x1a: {  	s8 =	sadd.s32 $0xFFFFE003, lr  }
0x1b: {  	s9 =	sadd.s32 $0xFFFFFEF7, lr;
	s5 =	simm.s32 $0xFFFFFFFF;
	p2 =	slt.u32 s8, $0xFFFFF086  }
0x1c: {  	p1 =	slt.u32 s9, $0xF7A;
	s5 =	simm.s32 @!p2 $0x0  }
0x1d: {  	s5 =	simm.s32 @p1 $0x1;
	p0 =	seq.s32 s7, s2  }
0x1e: {  	s7 =	smul.u32 @!p0 $0xF7A, s2;
	p2 =	seq.s32 @!p0 s5, $0x0  }
0x1f: {  	s9 =	smul.u32 $0xF7A, s1;
	s8 =	simm.s32 @!p0 $0x1BF5;
	p2 =	por !p2, p0  }
0x20: {  	[sflag:s8] =	ssyncset.s32 @!p0 $0xFFFFF086;
	s6 =	sadd.s32 @!p0 s3, s7;
	s7 =	simm.s32 @!p0 $0x108  }
0x21: {  	s3 =	sadd.s32 s3, s9;
	s6 =	sadd.s32 @!p0 $0x88, s6;
	s7 =	simm.s32 @p2 $0x1082  }
0x22: {  	[simem:s7], [sflag:s8] =	dma.local @!p0 [hbm:s6], $0xF7A  }
0x23: {  	s9 =	sor.u32 $0xD0000000, s2;
	s6 =	simm.s32 $0x108;
	_ =	swait.ge @!p0 [sflag:s8], $0x0  }
0x24: {  	s3 =	sadd.s32 $0x88, s3;
	s6 =	simm.s32 @!p1 $0x1082;
	[sflag:s4] =	ssyncset.s32 $0xFFFFF086  }
0x25: {  	[simem:s6], [sflag:s4] =	dma.local [hbm:s3], $0xF7A  }
0x26: {  	[smem:$0x3F96] =	sst s1;
	(tag) =	ssettag s2;
	_ =	strace s9  }
0x27: {  	s1 =	sld [smem:$0x3FA6]  }
0x28: {  	s2 =	sld [smem:$0x3FA7]  }
0x29: {  	s4 =	sld [smem:$0x3FA9]  }
0x2a: {  	p0 =	seq.s32 s5, $0x0;
	s5 =	sld [smem:$0x3FAA]  }
0x2b: {  	s6 =	sld [smem:$0x3FAB]  }
0x2c: {  	s7 =	sld [smem:$0x3FAC]  }
0x2d: {  	s3 =	simm.s32 $0x108;
	s8 =	sld [smem:$0x3FAD]  }
0x2e: {  	s3 =	simm.s32 @!p0 $0x1082;
	s9 =	sld [smem:$0x3FAE]  }
0x2f: {  	lr =	sadd.s32 s0, s3;
	s0 =	sld [smem:$0x3FA5]  }
0x30: {  	s3 =	sld [smem:$0x3FA8]  }
0x31: {  	[smem:$0x3FB1] =	sst s10  }
0x32: {  	s10 =	sld [smem:$0x3FAF];
	_ =	sdelay $0x3  }
0x33: {  	p0 =	seq.s32 s10, $0x1;
	s10 =	sld [smem:$0x3FB1];
	_ =	sdelay $0x3  }
0x34: {  	[smem:$0x3FB1] =	sst s10  }
0x35: {  	s10 =	sld [smem:$0x3FB0];
	_ =	sdelay $0x3  }
0x36: {  	p1 =	seq.s32 s10, $0x1;
	s10 =	sld [smem:$0x3FB1];
	_ =	sdelay $0x3  }
0x37: {  	[smem:$0x3FB1] =	sst s10  }
0x38: {  	s10 =	sld [smem:$0x3FB2]  }
0x39: {  	_ = 	snop;
	(pc) =	sbr.ind lr, $3  }
0x3a: {  	_ = 	snop  }
0x3b: {  	_ = 	snop  }
0x3c: {  	p2 =	seq.s32 s10, $0x1;
	s10 =	sld [smem:$0x3FB1]  }
0x3d: {  	_ =	shalt  }
0x3e: {  	_ =	shalt  }
0x3f: {  	_ =	shalt  }
0x40: {  	_ =	shalt  }
0x41: {  	_ =	shalt  }
0x42: {  	_ =	shalt  }
0x43: {  	_ =	shalt  }
0x44: {  	_ =	shalt  }
0x45: {  	_ =	shalt  }
0x46: {  	_ =	shalt  }
0x47: {  	_ =	shalt  }
0x48: {  	_ =	shalt  }
0x49: {  	_ =	shalt  }
0x4a: {  	_ =	shalt  }
0x4b: {  	_ =	shalt  }
0x4c: {  	_ =	shalt  }
0x4d: {  	_ =	shalt  }
0x4e: {  	_ =	shalt  }
0x4f: {  	_ =	shalt  }
0x50: {  	_ =	shalt  }
0x51: {  	_ =	shalt  }
0x52: {  	_ =	shalt  }
0x53: {  	_ =	shalt  }
0x54: {  	_ =	shalt  }
0x55: {  	_ =	shalt  }
0x56: {  	_ =	shalt  }
0x57: {  	_ =	shalt  }
0x58: {  	_ =	shalt  }
0x59: {  	_ =	shalt  }
0x5a: {  	_ =	shalt  }
0x5b: {  	_ =	shalt  }
0x5c: {  	_ =	shalt  }
0x5d: {  	_ =	shalt  }
0x5e: {  	_ =	shalt  }
0x5f: {  	_ =	shalt  }
0x60: {  	_ =	shalt  }
0x61: {  	_ =	shalt  }
0x62: {  	_ =	shalt  }
0x63: {  	_ =	shalt  }
0x64: {  	_ =	shalt  }
0x65: {  	_ =	shalt  }
0x66: {  	_ =	shalt  }
0x67: {  	_ =	shalt  }
0x68: {  	_ =	shalt  }
0x69: {  	_ =	shalt  }
0x6a: {  	_ =	shalt  }
0x6b: {  	_ =	shalt  }
0x6c: {  	_ =	shalt  }
0x6d: {  	_ =	shalt  }
0x6e: {  	_ =	shalt  }
0x6f: {  	_ =	shalt  }
0x70: {  	_ =	shalt  }
0x71: {  	_ =	shalt  }
0x72: {  	_ =	shalt  }
0x73: {  	_ =	shalt  }
0x74: {  	_ =	shalt  }
0x75: {  	_ =	shalt  }
0x76: {  	_ =	shalt  }
0x77: {  	_ =	shalt  }
0x78: {  	_ =	shalt  }
0x79: {  	_ =	shalt  }
0x7a: {  	_ =	shalt  }
0x7b: {  	_ =	shalt  }
0x7c: {  	_ =	shalt  }
0x7d: {  	_ =	shalt  }
0x7e: {  	_ =	shalt  }
0x7f: {  	_ =	shalt  }
0x80: {  	_ =	shalt  }
0x81: {  	_ =	shalt  }
0x82: {  	_ =	shalt  }
0x83: {  	_ =	shalt  }
0x84: {  	_ =	shalt  }
0x85: {  	_ =	shalt  }
0x86: {  	_ =	shalt  }
0x87: {  	_ =	shalt  }
.Lfunc_end0:
.L_simem_size_0:
called_computation.1_lowered:
.L_overlay_start_0:
0x88: {  	s2 =	sld [smem:$0x3FD9]  }
0x89: {  	s3 =	sld [smem:$0x3FFE];
	_ =	sdelay $0x1  }
0x8a: {  	s1 =	srdreg.scid  }
0x8b: {  	s0 =	sand.u32 $0x1, s1  }
0x8c: {  	s16 =	sshll.u32 s0, $0xA;
	s2 =	sadd.s32 s3, s2  }
0x8d: {  	s2 =	sadd.s32 s2, s16  }
0x8e: {  	[smem:$0x3FBD] =	sst s2  }
0x8f: {  	_ = 	snop  }
0x90: {  	(tm) =	ssettm $0x1  }
0x91: {  	s17 =	sld [smem:$0x3FFB];
	_ =	sdelay $0x3  }
0x92: {  	_ =	strace s17  }
0x93: {  	s2 =	sld [smem:$0x3FFC];
	_ =	sdelay $0x3  }
0x94: {  	_ =	strace s2  }
0x95: {  	s2 =	sld [smem:$0x3FFD];
	_ =	sdelay $0x3  }
0x96: {  	_ =	strace s2  }
0x97: {  	_ =	strace $0x8FFFFFFF  }
0x98: {  	s18 =	sld [smem:$0x3FDB];
	_ =	sdelay $0x1  }
0x99: {  	s19 =	simm.s32 $_scs_section_size  }
0x9a: {  	s4 =	simm.s32 $_size__tile_overlayer_lowered;
	s5 =	simm.s32 $_tile_overlayer_lowered  }
0x9b: {  	s22 =	simm.s32 $0x1BFF;
	s21 =	sshll.u32 s5, $0x1;
	s2 =	sadd.s32 s19, s18  }
0x9c: {  	s6 =	simm.s32 $0x0;
	s20 =	sshll.u32 s4, $0x1;
	s4 =	sadd.s32 s21, s2  }
0x9d: {  	[timem:s6], [sflag:s22] =	dma.local [hbm:s4], s20  }
0x9e: {  	_ =	swait.ge [sflag:s22], s20  }
0x9f: {  	s3 =	ssub.s32 $0x0, s20;
	[sflag:s22] =	ssyncset.done $0x0  }
0xa0: {  	[sflag:s22] =	ssyncadd.s32 s3;
	_ =	sdelay $0x1  }
0xa1: {  	s23 =	simm.s32 $0x1B8B  }
0xa2: {  	_ =	swait.ge [sflag:s23], $0x1  }
0xa3: {  	[sflag:s23] =	ssyncset.done $0x0  }
0xa4: {  	s25 =	simm.s32 $0x1B8E;
	s24 =	sld [smem:$0x3FFE];
	[sflag:s23] =	ssyncadd.s32 $0xFFFFFFFF  }
0xa5: {  	s26 =	simm.s32 $execute0_lowered;
	[smem:$0x3FD2] =	sst s25  }
0xa6: {  	s4 =	sshll.u32 s26, $0x1;
	_ =	strace $0x80000049;
	[dreg:$0x1] =	wrdreg $0xFFFFFFFF  }
0xa7: {  	s28 =	simm.s32 $_size_execute0_lowered;
	s2 =	sadd.s32 s2, s4;
	[dreg:$0x0] =	wrdreg $0x0  }
0xa8: {  	s4 =	sshll.u32 s28, $0x1;
	[dreg:$0x2] =	wrdreg s2  }
0xa9: {  	[dreg:$0x3] =	wrdreg s4  }
0xaa: {  	[dreg:$0x4] =	wrdreg $0xC0  }
0xab: {  	_ =	task [dreg:s6], $0x5FFFF  }
0xac: {  	[dreg:$0x1] =	wrdreg $0xFFFFFFFF  }
0xad: {  	[dreg:$0x0] =	wrdreg $0x60  }
0xae: {  	[dreg:$0x2] =	wrdreg s24  }
0xaf: {  	[dreg:$0x3] =	wrdreg $0xD7000  }
0xb0: {  	[dreg:$0x4] =	wrdreg $0x88000  }
0xb1: {  	[dreg:$0x5] =	wrdreg $0x9  }
0xb2: {  	_ =	task.clear_ibuf [dreg:s6], $0x6FFFF;
	_ =	strace $0x90000049  }
0xb3: {  	s29 =	simm.s32 $0x9;
	_ =	strace $0x8000004B  }
0xb4: {  	_ =	swait.ge [sflag:s29], $0x1  }
0xb5: {  	[sflag:s29] =	ssyncadd.s32 $0xFFFFFFFF  }
0xb6: {  	_ =	strace $0x9000004B  }
0xb7: {  	_ =	sfence  }
0xb8: {  	s30 =	sld [smem:$0x0];
	_ =	sdelay $0x2  }
0xb9: {  	s31 =	sshll.u32 s1, $0xD;
	s1 =	sshrl.u32 s1, $0x2  }
0xba: {  	s3 =	sand.u32 $0x4000, s31;
	s1 =	sadd.s32 s1, s30  }
0xbb: {  	s0 =	sor.u32 s3, s0;
	s1 =	sshll.u32 s1, $0x11  }
0xbc: {  	s0 =	sor.u32 s1, s0  }
0xbd: {  	s0 =	sadd.s32 $0x8F2B, s0  }
0xbe: {  	[sflag:s0] =	ssyncadd.remote.s32 $0x1  }
0xbf: {  	_ =	sfence.sel $0xFFFF  }
0xc0: {  	[dreg:$0x0] =	wrdreg $0xFFFFFFFF;
	(pc) =	sbr.abs _section_cstart, $3  }
0xc1: {  	[dreg:$0x1] =	wrdreg $0xFFFFFFFF  }
0xc2: {  	_ =	task.clear_ibuf [dreg:s6], $0x2FFFF;
	_ =	strace $0x9FFFFFFF  }
0xc3: {  	(tm) =	ssettm $0x7FFFFFFF  }
tec
execute0_lowered:
.L_overlay_start_1:
0x0: {  	(tag) =	ssettag $0x1  }
0x1: {  	s0 =	rddreg [dreg:$0x0]  }
0x2: {  	s1 =	rddreg [dreg:$0x1]  }
0x3: {  	s3 =	rddreg [dreg:$0x2];
	s2 =	simm.s32 $0x0  }
0x4: {  	s13 =	stileid.u32;
	s4 =	srdreg.scid;
	s28 =	simm.s32 $0x80  }
0x5: {  	s30 =	simm.s32 $0x180;
	s29 =	simm.s32 $0x300;
	s18 =	smul.u32 $0x4F00, s13  }
0x6: {  	[smem:$0x7FF] =	sst s2;
	s4 =	sand.u32 $0x1, s4;
	s6 =	smul.u32 $0x9E0, s13  }
0x7: {  	s31 =	sadd.s32 $0x3400, s0;
	s10 =	sshll.u32 s13, $0x1;
	s25 =	smul.u32 $0x4E00, s13  }
0x8: {  	s11 =	sshll.u32 s13, $0x6;
	_ =	strace $0x8000004A;
	s8 =	smul.u32 $0x9E00, s4  }
0x9: {  	s9 =	ssub.s32 $0x2, s4;
	s10 =	sor.u32 s4, s10;
	s17 =	sor.u32 $0x1C0D, s11  }
0xa: {  	s5 =	smul.u32 $0x2700, s4;
	p0 =	seq.s32 s4, $0x0;
	s11 =	simm.s32 $0x3  }
0xb: {  	[dreg:$0x7] =	wrdreg s31;
	s7 =	sshrl.u32 s18, $0x3;
	s20 =	smul.u32 $0x2700, s10  }
0xc: {  	s19 =	sshrl.u32 s9, $0x1;
	s21 =	smul.u32 $0x4E0, s10;
	s2 =	sadd.s32 s18, s3  }
0xd: {  	[dreg:$0x9] =	wrdreg s17;
	s7 =	sadd.s32 s7, s0;
	s6 =	sadd.s32 s6, s8  }
0xe: {  	[dreg:$0xa] =	wrdreg s2;
	s0 =	sadd.s32 s6, s0;
	s6 =	ssub.s32 s9, s19  }
0xf: {  	s9 =	sadd.s32 s18, s1;
	s14 =	sadd.s32 $0x68600, s7;
	s12 =	sshrl.u32 s20, $0x3  }
0x10: {  	s15 =	sadd.s32 $0x72400, s7;
	s23 =	sadd.s32 s31, s21;
	s8 =	sadd.s32 $0x700, s20  }
0x11: {  	s7 =	sadd.s32 s5, s25;
	s25 =	simm.s32 $0x700;
	[dreg:$0xc] =	wrdreg s23  }
0x12: {  	s22 =	sadd.s32 s31, s12;
	[dreg:$0x4] =	wrdreg s8;
	s18 =	sadd.s32 $0x600, s7  }
0x13: {  	s19 =	sadd.s32 $0x500, s7;
	s0 =	sadd.s32 $0x7C200, s0;
	[dreg:$0x8] =	wrdreg s14  }
0x14: {  	s6 =	smax.u32 s6, $0x1;
	s23 =	sadd.s32 $0x400, s7;
	[dreg:$0x5] =	wrdreg s25  }
0x15: {  	s8 =	simm.s32 $0xD;
	s15 =	smov.u32 @p0 s14;
	[dreg:$0x12] =	wrdreg s0  }
0x16: {  	p0 =	sgt.u32 s13, $0x1;
	s13 =	simm.s32 $0x5;
	[dreg:$0x13] =	wrdreg s6  }
0x17: {  	s7 =	simm.s32 $0x400;
	s14 =	simm.s32 $0x2;
	[dreg:$0x16] =	wrdreg s23  }
0x18: {  	s25 =	simm.s32 $0x280;
	s24 =	sadd.s32 $0x20, s22;
	[dreg:$0xb] =	wrdreg s15  }
0x19: {  	s26 =	sadd.s32 $0x40, s22;
	s12 =	sadd.s32 $0x60, s22;
	[dreg:$0xd] =	wrdreg s24  }
0x1a: {  	s2 =	sadd.s32 $0x4C0, s22;
	s20 =	sshrl.u32 s18, $0x3;
	[dreg:$0xe] =	wrdreg s26  }
0x1b: {  	s21 =	sshrl.u32 s19, $0x3;
	s6 =	simm.s32 $0x200;
	[dreg:$0xf] =	wrdreg s12  }
0x1c: {  	s18 =	simm.s32 $0x6;
	[dreg:$0x10] =	wrdreg s2;
	s0 =	sadd.s32 s20, s31  }
0x1d: {  	s12 =	sshll.u32 s10, $0x4;
	s22 =	sadd.s32 s21, s31;
	[dreg:$0x14] =	wrdreg s0  }
0x1e: {  	s24 =	sshrl.u32 s9, $0x3;
	s26 =	simm.s32 $0x780;
	[dreg:$0x15] =	wrdreg s22  }
0x1f: {  	s21 =	simm.s32 $0x4800;
	s10 =	simm.s32 $0x1800;
	[dreg:$0x17] =	wrdreg s24  }
0x20: {  	s20 =	simm.s32 $0x480;
	s16 =	sadd.s32 s12, s31;
	[dreg:$0x6] =	wrdreg s26  }
0x21: {  	s22 =	simm.s32 $0xB;
	s12 =	simm.s32 $0xC;
	s2 =	sadd.s32 $0x9C00, s16  }
0x22: {  	s16 =	simm.s32 $0x800;
	[dreg:$0x11] =	wrdreg s2;
	s2 =	simm.s32 $0x0  }
.LBB2_1:
0x23: {  	[dreg:$0x18] =	wrdreg s2  }
0x24: {  	s0 =	rddreg [dreg:$0x8]  }
0x25: {  	s4 =	rddreg [dreg:$0x17]  }
0x26: {  	[spmem:s4], [sflag:s17] =	dma.local [hbm:s0], $0x9E0  }
0x27: {  	_ =	swait.ge [sflag:s8], $0x9E0  }
0x28: {  	s2 =	rddreg [dreg:$0xa]  }
0x29: {  	[sflag:s8] =	ssyncset.done $0x0;
	s5 =	rddreg [dreg:$0xb];
	s4 =	sshrl.u32 s2, $0x3  }
0x2a: {  	[sflag:s8] =	ssyncadd.s32 $0xFFFFF620;
	[dreg:$0x19] =	wrdreg s4  }
0x2b: {  	[spmem:s4], [sflag:s17] =	dma.local [hbm:s5], $0x9E0  }
0x2c: {  	_ =	swait.ge [sflag:s8], $0x9E0  }
0x2d: {  	[sflag:s8] =	ssyncset.done $0x0  }
0x2e: {  	[sflag:s8] =	ssyncadd.s32 $0xFFFFF620  }
0x2f: {  	s26 =	simm.s32 $0x0;
	[bflag:$0x0] =	sbarrier.arrive $0xFFFF  }
0x30: {  	s23 =	simm.s32 $0x100;
	s0 =	simm.s32 $0x4E200;
	s8 =	rddreg [dreg:$0xc]  }
0x31: {  	[tilespmem:s26], [sflag:$0x1] =	stream.strided.gather [hbm4b:s8+s23], $0x200, s0, s23, $0x38;
	[tilespmem:$0x12600] =	vst v63  }
0x32: {  	s2 =	simm.s32 $0x1;
	s9 =	rddreg [dreg:$0xd]  }
0x33: {  	[tilespmem:s6], [sflag:$0x2] =	stream.strided.gather [hbm4b:s9+s23], $0x200, s0, s23, $0x38;
	[tilespmem:$0x12600] =	vst v63  }
0x34: {  	_ =	swait.ge [sflag:s2], $0x200  }
0x35: {  	[sflag:s2] =	ssyncset.done $0x0  }
0x36: {  	[sflag:s2] =	ssyncadd.s32 $0xFFFFFE00  }
0x37: {  	[tilespmem:s16], [sflag:$0x5] =	stream.indirect.gather [spmem:s1], $0x20, s26, s28, $0xb8;
	[tilespmem:$0x12600] =	vst v63  }
0x38: {  	_ = 	snop  }
0x39: {  	[tilespmem:s21], [sflag:$0x5] =	stream.indirect.gather [spmem:s1], $0x20, s28, s28, $0xb8;
	[tilespmem:$0x12600] =	vst v63  }
0x3a: {  	_ =	swait.ge [sflag:s13], $0x1000  }
0x3b: {  	[sflag:s13] =	ssyncset.done $0x0  }
0x3c: {  	[sflag:s13] =	ssyncadd.s32 $0xFFFFF000  }
0x3d: {  	_ =	swait.ge [sflag:s13], $0x1000  }
0x3e: {  	[sflag:s13] =	ssyncset.done $0x0  }
0x3f: {  	s15 =	rddreg [dreg:$0xe];
	[sflag:s13] =	ssyncadd.s32 $0xFFFFF000  }
0x40: {  	[tilespmem:s7], [sflag:$0x3] =	stream.strided.gather [hbm4b:s15+s23], $0x200, s0, s23, $0x38;
	[tilespmem:$0x12600] =	vst v63  }
0x41: {  	_ =	swait.ge [sflag:s14], $0x200  }
0x42: {  	[sflag:s14] =	ssyncset.done $0x0  }
0x43: {  	[sflag:s14] =	ssyncadd.s32 $0xFFFFFE00  }
0x44: {  	[tilespmem:s10], [sflag:$0x6] =	stream.indirect.gather [spmem:s1], $0x20, s6, s28, $0xb8;
	[tilespmem:$0x12600] =	vst v63  }
0x45: {  	s24 =	simm.s32 $0x5800  }
0x46: {  	[tilespmem:s24], [sflag:$0x6] =	stream.indirect.gather [spmem:s1], $0x20, s25, s28, $0xb8;
	[tilespmem:$0x12600] =	vst v63  }
0x47: {  	_ = 	snop  }
0x48: {  	[spmem:s3] =	stream.indirect.scatter.add.f32 [tilespmem:s16], [sflag:$0x9], $0x20, s23, s28, $0xb8;
	[tilespmem:$0x12600] =	vst v63  }
0x49: {  	_ = 	snop  }
0x4a: {  	[spmem:s3] =	stream.indirect.scatter.add.f32 [tilespmem:s21], [sflag:$0x9], $0x20, s30, s28, $0xb8;
	[tilespmem:$0x12600] =	vst v63  }
0x4b: {  	_ =	swait.ge [sflag:s18], $0x1000  }
0x4c: {  	[sflag:s18] =	ssyncset.done $0x0  }
0x4d: {  	[sflag:s18] =	ssyncadd.s32 $0xFFFFF000  }
0x4e: {  	_ =	swait.ge [sflag:s18], $0x1000  }
0x4f: {  	[sflag:s18] =	ssyncset.done $0x0  }
0x50: {  	s19 =	simm.s32 $0x600;
	s17 =	rddreg [dreg:$0xf];
	[sflag:s18] =	ssyncadd.s32 $0xFFFFF000  }
0x51: {  	[tilespmem:s19], [sflag:$0x4] =	stream.strided.gather [hbm4b:s17+s23], $0x200, s0, s23, $0x38;
	[tilespmem:$0x12600] =	vst v63  }
0x52: {  	_ =	swait.ge [sflag:s11], $0x200  }
0x53: {  	[sflag:s11] =	ssyncset.done $0x0  }
0x54: {  	s9 =	simm.s32 $0x2800;
	[sflag:s11] =	ssyncadd.s32 $0xFFFFFE00  }
0x55: {  	[tilespmem:s9], [sflag:$0x7] =	stream.indirect.gather [spmem:s1], $0x20, s7, s28, $0xb8;
	[tilespmem:$0x12600] =	vst v63  }
0x56: {  	s15 =	simm.s32 $0x6800  }
0x57: {  	[tilespmem:s15], [sflag:$0x7] =	stream.indirect.gather [spmem:s1], $0x20, s20, s28, $0xb8;
	[tilespmem:$0x12600] =	vst v63  }
0x58: {  	_ = 	snop  }
0x59: {  	[spmem:s3] =	stream.indirect.scatter.add.f32 [tilespmem:s10], [sflag:$0xA], $0x20, s29, s28, $0xb8;
	[tilespmem:$0x12600] =	vst v63  }
0x5a: {  	s5 =	simm.s32 $0x380;
	s8 =	simm.s32 $0x7  }
0x5b: {  	[spmem:s3] =	stream.indirect.scatter.add.f32 [tilespmem:s24], [sflag:$0xA], $0x20, s5, s28, $0xb8;
	[tilespmem:$0x12600] =	vst v63  }
0x5c: {  	_ =	swait.ge [sflag:s8], $0x1000  }
0x5d: {  	[sflag:s8] =	ssyncset.done $0x0  }
0x5e: {  	[sflag:s8] =	ssyncadd.s32 $0xFFFFF000  }
0x5f: {  	_ =	swait.ge [sflag:s8], $0x1000  }
0x60: {  	[sflag:s8] =	ssyncset.done $0x0  }
0x61: {  	s5 =	simm.s32 $0x9;
	[sflag:s8] =	ssyncadd.s32 $0xFFFFF000  }
0x62: {  	_ =	swait.ge [sflag:s5], $0x1000  }
0x63: {  	[sflag:s5] =	ssyncset.done $0x0  }
0x64: {  	[sflag:s5] =	ssyncadd.s32 $0xFFFFF000  }
0x65: {  	_ =	swait.ge [sflag:s5], $0x1000  }
0x66: {  	s29 =	rddreg [dreg:$0x16]  }
0x67: {  	[sflag:s5] =	ssyncset.done $0x0;
	s11 =	sshrl.u32 s29, $0x3  }
0x68: {  	s17 =	simm.s32 $0x4;
	[sflag:s5] =	ssyncadd.s32 $0xFFFFF000;
	s4 =	sadd.s32 s31, s11  }
0x69: {  	[tilespmem:s26], [sflag:$0x1] =	stream.strided.gather [hbm4b:s4+s23], $0x200, s0, s23, $0x38;
	[tilespmem:$0x12600] =	vst v63  }
0x6a: {  	_ =	swait.ge [sflag:s17], $0x200  }
0x6b: {  	[sflag:s17] =	ssyncset.done $0x0  }
0x6c: {  	s8 =	simm.s32 $0x3800;
	[sflag:s17] =	ssyncadd.s32 $0xFFFFFE00  }
0x6d: {  	[tilespmem:s8], [sflag:$0x8] =	stream.indirect.gather [spmem:s1], $0x20, s19, s28, $0xb8;
	[tilespmem:$0x12600] =	vst v63  }
0x6e: {  	s20 =	simm.s32 $0x680;
	s5 =	simm.s32 $0x7800  }
0x6f: {  	[tilespmem:s5], [sflag:$0x8] =	stream.indirect.gather [spmem:s1], $0x20, s20, s28, $0xb8;
	[tilespmem:$0x12600] =	vst v63  }
0x70: {  	s11 =	simm.s32 $0x500  }
0x71: {  	[spmem:s3] =	stream.indirect.scatter.add.f32 [tilespmem:s9], [sflag:$0xB], $0x20, s11, s28, $0xb8;
	[tilespmem:$0x12600] =	vst v63  }
0x72: {  	s17 =	simm.s32 $0x580;
	s20 =	simm.s32 $0x8  }
0x73: {  	[spmem:s3] =	stream.indirect.scatter.add.f32 [tilespmem:s15], [sflag:$0xB], $0x20, s17, s28, $0xb8;
	[tilespmem:$0x12600] =	vst v63  }
0x74: {  	_ =	swait.ge [sflag:s20], $0x1000  }
0x75: {  	[sflag:s20] =	ssyncset.done $0x0  }
0x76: {  	[sflag:s20] =	ssyncadd.s32 $0xFFFFF000  }
0x77: {  	_ =	swait.ge [sflag:s20], $0x1000  }
0x78: {  	[sflag:s20] =	ssyncset.done $0x0  }
0x79: {  	s11 =	simm.s32 $0xA;
	[sflag:s20] =	ssyncadd.s32 $0xFFFFF000  }
0x7a: {  	_ =	swait.ge [sflag:s11], $0x1000  }
0x7b: {  	[sflag:s11] =	ssyncset.done $0x0  }
0x7c: {  	[sflag:s11] =	ssyncadd.s32 $0xFFFFF000  }
0x7d: {  	_ =	swait.ge [sflag:s11], $0x1000  }
0x7e: {  	[sflag:s11] =	ssyncset.done $0x0  }
0x7f: {  	[sflag:s11] =	ssyncadd.s32 $0xFFFFF000;
	s11 =	rddreg [dreg:$0x15]  }
0x80: {  	[tilespmem:s6], [sflag:$0x2] =	stream.strided.gather [hbm4b:s11+s23], $0x200, s0, s23, $0x38;
	[tilespmem:$0x12600] =	vst v63  }
0x81: {  	_ =	swait.ge [sflag:s2], $0x200  }
0x82: {  	[sflag:s2] =	ssyncset.done $0x0  }
0x83: {  	[sflag:s2] =	ssyncadd.s32 $0xFFFFFE00  }
0x84: {  	[tilespmem:s16], [sflag:$0x5] =	stream.indirect.gather [spmem:s1], $0x20, s26, s28, $0xb8;
	[tilespmem:$0x12600] =	vst v63  }
0x85: {  	_ = 	snop  }
0x86: {  	[tilespmem:s21], [sflag:$0x5] =	stream.indirect.gather [spmem:s1], $0x20, s28, s28, $0xb8;
	[tilespmem:$0x12600] =	vst v63  }
0x87: {  	s17 =	rddreg [dreg:$0x5]  }
0x88: {  	[spmem:s3] =	stream.indirect.scatter.add.f32 [tilespmem:s8], [sflag:$0xC], $0x20, s17, s28, $0xb8;
	[tilespmem:$0x12600] =	vst v63  }
0x89: {  	s2 =	rddreg [dreg:$0x6]  }
0x8a: {  	[spmem:s3] =	stream.indirect.scatter.add.f32 [tilespmem:s5], [sflag:$0xC], $0x20, s2, s28, $0xb8;
	[tilespmem:$0x12600] =	vst v63  }
0x8b: {  	_ =	swait.ge [sflag:s13], $0x1000  }
0x8c: {  	[sflag:s13] =	ssyncset.done $0x0  }
0x8d: {  	[sflag:s13] =	ssyncadd.s32 $0xFFFFF000  }
0x8e: {  	_ =	swait.ge [sflag:s13], $0x1000  }
0x8f: {  	[sflag:s13] =	ssyncset.done $0x0  }
0x90: {  	[sflag:s13] =	ssyncadd.s32 $0xFFFFF000  }
0x91: {  	_ =	swait.ge [sflag:s22], $0x1000  }
0x92: {  	[sflag:s22] =	ssyncset.done $0x0  }
0x93: {  	[sflag:s22] =	ssyncadd.s32 $0xFFFFF000  }
0x94: {  	_ =	swait.ge [sflag:s22], $0x1000  }
0x95: {  	[sflag:s22] =	ssyncset.done $0x0  }
0x96: {  	s13 =	rddreg [dreg:$0x14];
	[sflag:s22] =	ssyncadd.s32 $0xFFFFF000  }
0x97: {  	[tilespmem:s7], [sflag:$0x3] =	stream.strided.gather [hbm4b:s13+s23], $0x200, s0, s23, $0x38;
	[tilespmem:$0x12600] =	vst v63  }
0x98: {  	_ =	swait.ge [sflag:s14], $0x200  }
0x99: {  	[sflag:s14] =	ssyncset.done $0x0  }
0x9a: {  	[sflag:s14] =	ssyncadd.s32 $0xFFFFFE00  }
0x9b: {  	[tilespmem:s10], [sflag:$0x6] =	stream.indirect.gather [spmem:s1], $0x20, s6, s28, $0xb8;
	[tilespmem:$0x12600] =	vst v63  }
0x9c: {  	_ = 	snop  }
0x9d: {  	[tilespmem:s24], [sflag:$0x6] =	stream.indirect.gather [spmem:s1], $0x20, s25, s28, $0xb8;
	[tilespmem:$0x12600] =	vst v63  }
0x9e: {  	_ = 	snop  }
0x9f: {  	[spmem:s3] =	stream.indirect.scatter.add.f32 [tilespmem:s16], [sflag:$0x9], $0x20, s23, s28, $0xb8;
	[tilespmem:$0x12600] =	vst v63  }
0xa0: {  	_ = 	snop  }
0xa1: {  	[spmem:s3] =	stream.indirect.scatter.add.f32 [tilespmem:s21], [sflag:$0x9], $0x20, s30, s28, $0xb8;
	[tilespmem:$0x12600] =	vst v63  }
0xa2: {  	_ =	swait.ge [sflag:s18], $0x1000  }
0xa3: {  	[sflag:s18] =	ssyncset.done $0x0  }
0xa4: {  	[sflag:s18] =	ssyncadd.s32 $0xFFFFF000  }
0xa5: {  	_ =	swait.ge [sflag:s18], $0x1000  }
0xa6: {  	[sflag:s18] =	ssyncset.done $0x0  }
0xa7: {  	[sflag:s18] =	ssyncadd.s32 $0xFFFFF000  }
0xa8: {  	_ =	swait.ge [sflag:s12], $0x1000  }
0xa9: {  	[sflag:s12] =	ssyncset.done $0x0  }
0xaa: {  	[sflag:s12] =	ssyncadd.s32 $0xFFFFF000  }
0xab: {  	s26 =	smin.u32 s26, $0x1F;
	_ =	swait.ge [sflag:s12], $0x1000  }
0xac: {  	s17 =	sshll.u32 s26, $0x8;
	s25 =	rddreg [dreg:$0x4]  }
0xad: {  	s4 =	sadd.s32 s17, s25  }
0xae: {  	[sflag:s12] =	ssyncset.done $0x0;
	s4 =	sshrl.u32 s4, $0x3  }
0xaf: {  	s20 =	simm.s32 $0x3;
	[sflag:s12] =	ssyncadd.s32 $0xFFFFF000;
	s4 =	sadd.s32 s31, s4  }
0xb0: {  	[tilespmem:s19], [sflag:$0x4] =	stream.strided.gather [hbm4b:s4+s23], $0x200, s0, s23, $0x38;
	[tilespmem:$0x12600] =	vst v63  }
0xb1: {  	_ =	swait.ge [sflag:s20], $0x200  }
0xb2: {  	[sflag:s20] =	ssyncset.done $0x0  }
0xb3: {  	s29 =	sadd.s32 $0x400, s29;
	s30 =	simm.s32 $0x480;
	[sflag:s20] =	ssyncadd.s32 $0xFFFFFE00  }
0xb4: {  	[tilespmem:s9], [sflag:$0x7] =	stream.indirect.gather [spmem:s1], $0x20, s7, s28, $0xb8;
	[tilespmem:$0x12600] =	vst v63  }
0xb5: {  	s18 =	simm.s32 $0x6;
	s17 =	simm.s32 $0x4;
	s25 =	sadd.s32 $0x80, s11  }
0xb6: {  	[tilespmem:s15], [sflag:$0x7] =	stream.indirect.gather [spmem:s1], $0x20, s30, s28, $0xb8;
	[tilespmem:$0x12600] =	vst v63  }
0xb7: {  	s31 =	simm.s32 $0x300;
	s4 =	sadd.s32 $0x80, s13;
	s13 =	simm.s32 $0x5  }
0xb8: {  	[spmem:s3] =	stream.indirect.scatter.add.f32 [tilespmem:s10], [sflag:$0xA], $0x20, s31, s28, $0xb8;
	[tilespmem:$0x12600] =	vst v63  }
.LBB2_2:
0xb9: {  	s26 =	simm.s32 $0x5800;
	s0 =	simm.s32 $0x380;
	s9 =	simm.s32 $0x7  }
0xba: {  	[spmem:s3] =	stream.indirect.scatter.add.f32 [tilespmem:s26], [sflag:$0xA], $0x20, s0, s28, $0xb8;
	[tilespmem:$0x12600] =	vst v63  }
0xbb: {  	_ =	swait.ge [sflag:s9], $0x1000  }
0xbc: {  	[sflag:s9] =	ssyncset.done $0x0  }
0xbd: {  	[sflag:s9] =	ssyncadd.s32 $0xFFFFF000  }
0xbe: {  	_ =	swait.ge [sflag:s9], $0x1000  }
0xbf: {  	[sflag:s9] =	ssyncset.done $0x0  }
0xc0: {  	s2 =	simm.s32 $0x9;
	[sflag:s9] =	ssyncadd.s32 $0xFFFFF000  }
0xc1: {  	_ =	swait.ge [sflag:s2], $0x1000  }
0xc2: {  	[sflag:s2] =	ssyncset.done $0x0  }
0xc3: {  	s10 =	sshrl.u32 s29, $0x3;
	[sflag:s2] =	ssyncadd.s32 $0xFFFFF000  }
0xc4: {  	s8 =	simm.s32 $0x0;
	s6 =	simm.s32 $0x4E200;
	_ =	swait.ge [sflag:s2], $0x1000  }
0xc5: {  	s20 =	simm.s32 $0x100;
	[sflag:s2] =	ssyncset.done $0x0;
	s24 =	rddreg [dreg:$0x7]  }
0xc6: {  	s11 =	simm.s32 $0x4;
	[sflag:s2] =	ssyncadd.s32 $0xFFFFF000;
	s0 =	sadd.s32 s24, s10  }
0xc7: {  	[tilespmem:s8], [sflag:$0x1] =	stream.strided.gather [hbm4b:s0+s20], $0x200, s6, s20, $0x38;
	[tilespmem:$0x12600] =	vst v63  }
0xc8: {  	_ =	swait.ge [sflag:s11], $0x200  }
0xc9: {  	[sflag:s11] =	ssyncset.done $0x0  }
0xca: {  	s5 =	simm.s32 $0x600;
	s2 =	simm.s32 $0x3800;
	[sflag:s11] =	ssyncadd.s32 $0xFFFFFE00  }
0xcb: {  	[tilespmem:s2], [sflag:$0x8] =	stream.indirect.gather [spmem:s1], $0x20, s5, s28, $0xb8;
	[tilespmem:$0x12600] =	vst v63  }
0xcc: {  	s14 =	simm.s32 $0x680;
	s23 =	simm.s32 $0x7800  }
0xcd: {  	[tilespmem:s23], [sflag:$0x8] =	stream.indirect.gather [spmem:s1], $0x20, s14, s28, $0xb8;
	[tilespmem:$0x12600] =	vst v63  }
0xce: {  	s16 =	simm.s32 $0x2800;
	s15 =	simm.s32 $0x500  }
0xcf: {  	[spmem:s3] =	stream.indirect.scatter.add.f32 [tilespmem:s16], [sflag:$0xB], $0x20, s15, s28, $0xb8;
	[tilespmem:$0x12600] =	vst v63  }
0xd0: {  	s21 =	simm.s32 $0x6800;
	s19 =	simm.s32 $0x580;
	s31 =	simm.s32 $0x8  }
0xd1: {  	[spmem:s3] =	stream.indirect.scatter.add.f32 [tilespmem:s21], [sflag:$0xB], $0x20, s19, s28, $0xb8;
	[tilespmem:$0x12600] =	vst v63  }
0xd2: {  	_ =	swait.ge [sflag:s31], $0x1000  }
0xd3: {  	[sflag:s31] =	ssyncset.done $0x0  }
0xd4: {  	[sflag:s31] =	ssyncadd.s32 $0xFFFFF000  }
0xd5: {  	_ =	swait.ge [sflag:s31], $0x1000  }
0xd6: {  	[sflag:s31] =	ssyncset.done $0x0  }
0xd7: {  	s7 =	simm.s32 $0xA;
	[sflag:s31] =	ssyncadd.s32 $0xFFFFF000  }
0xd8: {  	_ =	swait.ge [sflag:s7], $0x1000  }
0xd9: {  	[sflag:s7] =	ssyncset.done $0x0  }
0xda: {  	[sflag:s7] =	ssyncadd.s32 $0xFFFFF000  }
0xdb: {  	_ =	swait.ge [sflag:s7], $0x1000  }
0xdc: {  	[sflag:s7] =	ssyncset.done $0x0  }
0xdd: {  	s9 =	simm.s32 $0x1;
	s31 =	simm.s32 $0x200;
	[sflag:s7] =	ssyncadd.s32 $0xFFFFF000  }
0xde: {  	[tilespmem:s31], [sflag:$0x2] =	stream.strided.gather [hbm4b:s25+s20], $0x200, s6, s20, $0x38;
	[tilespmem:$0x12600] =	vst v63  }
0xdf: {  	_ =	swait.ge [sflag:s9], $0x200  }
0xe0: {  	[sflag:s9] =	ssyncset.done $0x0  }
0xe1: {  	s19 =	simm.s32 $0x800;
	[sflag:s9] =	ssyncadd.s32 $0xFFFFFE00  }
0xe2: {  	[tilespmem:s19], [sflag:$0x5] =	stream.indirect.gather [spmem:s1], $0x20, s8, s28, $0xb8;
	[tilespmem:$0x12600] =	vst v63  }
0xe3: {  	s14 =	simm.s32 $0x4800  }
0xe4: {  	[tilespmem:s14], [sflag:$0x5] =	stream.indirect.gather [spmem:s1], $0x20, s28, s28, $0xb8;
	[tilespmem:$0x12600] =	vst v63  }
0xe5: {  	s10 =	rddreg [dreg:$0x5]  }
0xe6: {  	[spmem:s3] =	stream.indirect.scatter.add.f32 [tilespmem:s2], [sflag:$0xC], $0x20, s10, s28, $0xb8;
	[tilespmem:$0x12600] =	vst v63  }
0xe7: {  	s15 =	rddreg [dreg:$0x6]  }
0xe8: {  	[spmem:s3] =	stream.indirect.scatter.add.f32 [tilespmem:s23], [sflag:$0xC], $0x20, s15, s28, $0xb8;
	[tilespmem:$0x12600] =	vst v63  }
0xe9: {  	_ =	swait.ge [sflag:s13], $0x1000  }
0xea: {  	[sflag:s13] =	ssyncset.done $0x0  }
0xeb: {  	[sflag:s13] =	ssyncadd.s32 $0xFFFFF000  }
0xec: {  	_ =	swait.ge [sflag:s13], $0x1000  }
0xed: {  	[sflag:s13] =	ssyncset.done $0x0  }
0xee: {  	[sflag:s13] =	ssyncadd.s32 $0xFFFFF000  }
0xef: {  	_ =	swait.ge [sflag:s22], $0x1000  }
0xf0: {  	[sflag:s22] =	ssyncset.done $0x0  }
0xf1: {  	[sflag:s22] =	ssyncadd.s32 $0xFFFFF000  }
0xf2: {  	_ =	swait.ge [sflag:s22], $0x1000  }
0xf3: {  	[sflag:s22] =	ssyncset.done $0x0  }
0xf4: {  	s9 =	simm.s32 $0x400;
	s23 =	simm.s32 $0x2;
	[sflag:s22] =	ssyncadd.s32 $0xFFFFF000  }
0xf5: {  	[tilespmem:s9], [sflag:$0x3] =	stream.strided.gather [hbm4b:s4+s20], $0x200, s6, s20, $0x38;
	[tilespmem:$0x12600] =	vst v63  }
0xf6: {  	_ =	swait.ge [sflag:s23], $0x200  }
0xf7: {  	[sflag:s23] =	ssyncset.done $0x0  }
0xf8: {  	s15 =	simm.s32 $0x1800;
	[sflag:s23] =	ssyncadd.s32 $0xFFFFFE00  }
0xf9: {  	[tilespmem:s15], [sflag:$0x6] =	stream.indirect.gather [spmem:s1], $0x20, s31, s28, $0xb8;
	[tilespmem:$0x12600] =	vst v63  }
0xfa: {  	s31 =	simm.s32 $0x280  }
0xfb: {  	[tilespmem:s26], [sflag:$0x6] =	stream.indirect.gather [spmem:s1], $0x20, s31, s28, $0xb8;
	[tilespmem:$0x12600] =	vst v63  }
0xfc: {  	_ = 	snop  }
0xfd: {  	[spmem:s3] =	stream.indirect.scatter.add.f32 [tilespmem:s19], [sflag:$0x9], $0x20, s20, s28, $0xb8;
	[tilespmem:$0x12600] =	vst v63  }
0xfe: {  	s8 =	simm.s32 $0x180  }
0xff: {  	[spmem:s3] =	stream.indirect.scatter.add.f32 [tilespmem:s14], [sflag:$0x9], $0x20, s8, s28, $0xb8;
	[tilespmem:$0x12600] =	vst v63  }
0x100: {  	_ =	swait.ge [sflag:s18], $0x1000  }
0x101: {  	[sflag:s18] =	ssyncset.done $0x0  }
0x102: {  	[sflag:s18] =	ssyncadd.s32 $0xFFFFF000  }
0x103: {  	_ =	swait.ge [sflag:s18], $0x1000  }
0x104: {  	[sflag:s18] =	ssyncset.done $0x0  }
0x105: {  	[sflag:s18] =	ssyncadd.s32 $0xFFFFF000  }
0x106: {  	_ =	swait.ge [sflag:s12], $0x1000  }
0x107: {  	[sflag:s12] =	ssyncset.done $0x0  }
0x108: {  	s30 =	smov.u32 s17;
	[sflag:s12] =	ssyncadd.s32 $0xFFFFF000  }
0x109: {  	s23 =	smin.u32 s30, $0x1F;
	_ =	swait.ge [sflag:s12], $0x1000  }
0x10a: {  	s8 =	sshll.u32 s23, $0x8;
	s19 =	rddreg [dreg:$0x4]  }
0x10b: {  	p1 =	sne.s32 s17, $0x20;
	s0 =	sadd.s32 s8, s19  }
0x10c: {  	s17 =	sadd.s32 $0x4, s17;
	[sflag:s12] =	ssyncset.done $0x0;
	s0 =	sshrl.u32 s0, $0x3  }
0x10d: {  	[sflag:s12] =	ssyncadd.s32 $0xFFFFF000;
	s0 =	sadd.s32 s24, s0;
	s24 =	simm.s32 $0x3  }
0x10e: {  	[tilespmem:s5], [sflag:$0x4] =	stream.strided.gather [hbm4b:s0+s20], $0x200, s6, s20, $0x38;
	[tilespmem:$0x12600] =	vst v63  }
0x10f: {  	s29 =	sadd.s32 $0x400, s29;
	s11 =	simm.s32 $0x0;
	_ =	swait.ge [sflag:s24], $0x200  }
0x110: {  	s7 =	simm.s32 $0x3800;
	s25 =	sadd.s32 $0x80, s25;
	[sflag:s24] =	ssyncset.done $0x0  }
0x111: {  	s10 =	simm.s32 $0x7800;
	s2 =	simm.s32 $0x5800;
	[sflag:s24] =	ssyncadd.s32 $0xFFFFFE00  }
0x112: {  	[tilespmem:s16], [sflag:$0x7] =	stream.indirect.gather [spmem:s1], $0x20, s9, s28, $0xb8;
	[tilespmem:$0x12600] =	vst v63  }
.Ltmp0:
0x113: {  	s4 =	sadd.s32 $0x80, s4;
	s30 =	simm.s32 $0x480;
	(pc) =	sbr.rel @p1 .LBB2_2-.Ltmp0, $4  }
0x114: {  	s26 =	simm.s32 $0x4E200;
	s31 =	simm.s32 $0x300;
	s23 =	simm.s32 $0x100  }
0x115: {  	[tilespmem:s21], [sflag:$0x7] =	stream.indirect.gather [spmem:s1], $0x20, s30, s28, $0xb8;
	[tilespmem:$0x12600] =	vst v63  }
0x116: {  	s8 =	simm.s32 $0x600;
	s5 =	simm.s32 $0x2800;
	s6 =	simm.s32 $0x6800  }
0x117: {  	[spmem:s3] =	stream.indirect.scatter.add.f32 [tilespmem:s15], [sflag:$0xA], $0x20, s31, s28, $0xb8;
	[tilespmem:$0x12600] =	vst v63  }
0x118: {  	s0 =	simm.s32 $0x380;
	s9 =	simm.s32 $0x7  }
0x119: {  	[spmem:s3] =	stream.indirect.scatter.add.f32 [tilespmem:s2], [sflag:$0xA], $0x20, s0, s28, $0xb8;
	[tilespmem:$0x12600] =	vst v63  }
0x11a: {  	_ =	swait.ge [sflag:s9], $0x1000  }
0x11b: {  	[sflag:s9] =	ssyncset.done $0x0  }
0x11c: {  	[sflag:s9] =	ssyncadd.s32 $0xFFFFF000  }
0x11d: {  	_ =	swait.ge [sflag:s9], $0x1000  }
0x11e: {  	[sflag:s9] =	ssyncset.done $0x0  }
0x11f: {  	s13 =	simm.s32 $0x9;
	[sflag:s9] =	ssyncadd.s32 $0xFFFFF000  }
0x120: {  	_ =	swait.ge [sflag:s13], $0x1000  }
0x121: {  	[sflag:s13] =	ssyncset.done $0x0  }
0x122: {  	[sflag:s13] =	ssyncadd.s32 $0xFFFFF000  }
0x123: {  	_ =	swait.ge [sflag:s13], $0x1000  }
0x124: {  	[sflag:s13] =	ssyncset.done $0x0  }
0x125: {  	s15 =	simm.s32 $0x4;
	s14 =	rddreg [dreg:$0x10];
	[sflag:s13] =	ssyncadd.s32 $0xFFFFF000  }
0x126: {  	[tilespmem:s11], [sflag:$0x1] =	stream.strided.gather [hbm4b:s14+s23], $0x200, s26, s23, $0x38;
	[tilespmem:$0x12600] =	vst v63  }
0x127: {  	_ =	swait.ge [sflag:s15], $0x200  }
0x128: {  	[sflag:s15] =	ssyncset.done $0x0  }
0x129: {  	[sflag:s15] =	ssyncadd.s32 $0xFFFFFE00  }
0x12a: {  	[tilespmem:s7], [sflag:$0x8] =	stream.indirect.gather [spmem:s1], $0x20, s8, s28, $0xb8;
	[tilespmem:$0x12600] =	vst v63  }
0x12b: {  	s16 =	simm.s32 $0x680  }
0x12c: {  	[tilespmem:s10], [sflag:$0x8] =	stream.indirect.gather [spmem:s1], $0x20, s16, s28, $0xb8;
	[tilespmem:$0x12600] =	vst v63  }
0x12d: {  	s17 =	simm.s32 $0x500  }
0x12e: {  	[spmem:s3] =	stream.indirect.scatter.add.f32 [tilespmem:s5], [sflag:$0xB], $0x20, s17, s28, $0xb8;
	[tilespmem:$0x12600] =	vst v63  }
0x12f: {  	s18 =	simm.s32 $0x580;
	s19 =	simm.s32 $0xA  }
0x130: {  	[spmem:s3] =	stream.indirect.scatter.add.f32 [tilespmem:s6], [sflag:$0xB], $0x20, s18, s28, $0xb8;
	[tilespmem:$0x12600] =	vst v63  }
0x131: {  	_ =	swait.ge [sflag:s19], $0x1000  }
0x132: {  	[sflag:s19] =	ssyncset.done $0x0  }
0x133: {  	[sflag:s19] =	ssyncadd.s32 $0xFFFFF000  }
0x134: {  	_ =	swait.ge [sflag:s19], $0x1000  }
0x135: {  	[sflag:s19] =	ssyncset.done $0x0  }
0x136: {  	[sflag:s19] =	ssyncadd.s32 $0xFFFFF000  }
0x137: {  	_ =	swait.ge [sflag:s22], $0x1000  }
0x138: {  	[sflag:s22] =	ssyncset.done $0x0  }
0x139: {  	[sflag:s22] =	ssyncadd.s32 $0xFFFFF000  }
0x13a: {  	_ =	swait.ge [sflag:s22], $0x1000  }
0x13b: {  	[sflag:s22] =	ssyncset.done $0x0  }
0x13c: {  	s20 =	simm.s32 $0x8;
	[sflag:s22] =	ssyncadd.s32 $0xFFFFF000  }
0x13d: {  	_ =	swait.ge [sflag:s20], $0x1000  }
0x13e: {  	[sflag:s20] =	ssyncset.done $0x0  }
0x13f: {  	[sflag:s20] =	ssyncadd.s32 $0xFFFFF000  }
0x140: {  	_ =	swait.ge [sflag:s20], $0x1000  }
0x141: {  	[sflag:s20] =	ssyncset.done $0x0  }
0x142: {  	s21 =	simm.s32 $0x1;
	[sflag:s20] =	ssyncadd.s32 $0xFFFFF000  }
0x143: {  	_ =	swait.ge [sflag:s21], $0x200  }
0x144: {  	[sflag:s21] =	ssyncset.done $0x0  }
0x145: {  	s0 =	simm.s32 @!p0 $0x0;
	s4 =	rddreg [dreg:$0x11];
	[sflag:s21] =	ssyncadd.s32 $0xFFFFFE00  }
0x146: {  	[tilespmem:s0], [sflag:$0xD] =	stream.linear.gather @!p0 [hbm4b:s4+s0], $0x80, $0x38;
	[tilespmem:$0x12600] =	vst v63  }
0x147: {  	s8 =	simm.s32 @!p0 $0x100;
	s4 =	sadd.s32 @!p0 $0x9C40, s4  }
0x148: {  	[tilespmem:s8], [sflag:$0xD] =	stream.linear.gather @!p0 [hbm4b:s4+s0], $0x80, $0x38;
	[tilespmem:$0x12600] =	vst v63  }
0x149: {  	s4 =	simm.s32 @!p0 $0xD  }
0x14a: {  	_ =	swait.ge @!p0 [sflag:s4], $0x100  }
0x14b: {  	[sflag:s4] =	ssyncset.done @!p0 $0x0  }
0x14c: {  	s25 =	simm.s32 @!p0 $0x800;
	s17 =	simm.s32 @!p0 $0x80;
	[sflag:s4] =	ssyncadd.s32 @!p0 $0xFFFFFF00  }
0x14d: {  	[tilespmem:s25], [sflag:$0x5] =	stream.indirect.gather @!p0 [spmem:s1], $0x20, s0, s17, $0xb8;
	[tilespmem:$0x12600] =	vst v63  }
0x14e: {  	s0 =	simm.s32 @!p0 $0x5  }
0x14f: {  	_ =	swait.ge @!p0 [sflag:s0], $0x1000  }
0x150: {  	[sflag:s0] =	ssyncset.done @!p0 $0x0  }
0x151: {  	[sflag:s0] =	ssyncadd.s32 @!p0 $0xFFFFF000  }
0x152: {  	[spmem:s3] =	stream.indirect.scatter.add.f32 @!p0 [tilespmem:s25], [sflag:$0xD], $0x20, s8, s17, $0xb8;
	[tilespmem:$0x12600] =	vst v63  }
0x153: {  	_ =	swait.ge @!p0 [sflag:s4], $0x1000  }
0x154: {  	[sflag:s4] =	ssyncset.done @!p0 $0x0  }
0x155: {  	[sflag:s4] =	ssyncadd.s32 @!p0 $0xFFFFF000  }
0x156: {  	[bflag:$0x0] =	sbarrier.arrive $0xFFFF  }
0x157: {  	s17 =	rddreg [dreg:$0x9]  }
0x158: {  	s23 =	rddreg [dreg:$0x12]  }
0x159: {  	s8 =	simm.s32 $0xD;
	s24 =	rddreg [dreg:$0x19]  }
0x15a: {  	[hbm:s23], [sflag:s17] =	dma.local [spmem:s24], $0x9E0  }
0x15b: {  	_ =	swait.ge [sflag:s8], $0x9E0  }
0x15c: {  	s25 =	rddreg [dreg:$0x18]  }
0x15d: {  	s26 =	rddreg [dreg:$0x13];
	s2 =	sadd.s32 $0x1, s25  }
0x15e: {  	s30 =	simm.s32 $0x180;
	s29 =	simm.s32 $0x300;
	p1 =	sne.s32 s2, s26  }
.Ltmp1:
0x15f: {  	s13 =	simm.s32 $0x5;
	s14 =	simm.s32 $0x2;
	(pc) =	sbr.rel @p1 .LBB2_1-.Ltmp1, $4  }
0x160: {  	s11 =	simm.s32 $0x3;
	s7 =	simm.s32 $0x400;
	s16 =	simm.s32 $0x800  }
0x161: {  	s10 =	simm.s32 $0x1800;
	s6 =	simm.s32 $0x200;
	s18 =	simm.s32 $0x6  }
0x162: {  	s20 =	simm.s32 $0x480;
	s21 =	simm.s32 $0x4800;
	[sflag:s8] =	ssyncset.done $0x0  }
0x163: {  	s31 =	rddreg [dreg:$0x7];
	[sflag:s8] =	ssyncadd.s32 $0xFFFFF620;
	s25 =	simm.s32 $0x280  }
0x164: {  	_ =	sfence.sel $0x180000  }
0x165: {  	[bflag:$0x0] =	sbarrier.arrive $0xFFFF  }
0x166: {  	_ =	strace $0x9000004A  }
0x167: {  	s0 =	stileid.u32;
	[bflag:$0x2] =	sbarrier.arrive $0xFFFF  }
0x168: {  	p0 =	sne.s32 s0, $0x0;
	s0 =	rddreg [dreg:$0x3]  }
0x169: {  	s0 =	sadd.s32 @!p0 $0x100000, s0  }
0x16a: {  	[sflag:s0] =	ssyncadd.tile.s32 @!p0 $0x1;
	_ =	shalt  }
.Lfunc_end2:
_tile_overlayer_lowered:
.L_overlay_start_2:
0x16b: {  	(tag) =	ssettag $0x2  }
0x16c: {  	s0 =	rddreg [dreg:$0x0];
	s2 =	stileid.u32  }
0x16d: {  	s1 =	rddreg [dreg:$0x1];
	p0 =	sne.s32 s2, $0x0  }
0x16e: {  	s3 =	rddreg [dreg:$0x2];
	[bflag:$0x3] =	sbarrier.arrive $0xFFFF;
	s2 =	simm.s32 @!p0 $0x1C0D  }
0x16f: {  	[timem:s3], [sflag:s2] =	dma.local @!p0 [hbm:s0], s1  }
0x170: {  	s0 =	simm.s32 @!p0 $0xD  }
0x171: {  	_ =	swait.ge @!p0 [sflag:s0], s1  }
0x172: {  	s1 =	ssub.s32 @!p0 $0x0, s1;
	[sflag:s0] =	ssyncset.done @!p0 $0x0  }
0x173: {  	[sflag:s0] =	ssyncadd.s32 @!p0 s1  }
0x174: {  	[bflag:$0x3] =	sbarrier.arrive $0xFFFF  }
0x175: {  	_ =	shalt  }

// kernel: kernel.14.cloned.1.call-start
scs
__scs_entry_jumppad:
0x0: {  	(pc) =	sbr.rel $0x88, $3  }
0x1: {  	(tag) =	ssettag $0x0;
	lr =	simm.s32 $0x1  }
0x2: {  	[smem:$0x3F96] =	sst lr;
	_ =	strace $0xD0000000  }
0x3: {  	_ = 	snop  }
0x4: {  	_ = 	snop  }
0x5: {  	_ = 	snop  }
0x6: {  	_ = 	snop  }
0x7: {  	_ = 	snop  }
__scs_overlays_trampoline_lowered:
0x8: {  	[smem:$0x3FA5] =	sst s0  }
0x9: {  	[smem:$0x3FA6] =	sst s1  }
0xa: {  	[smem:$0x3FA7] =	sst s2  }
0xb: {  	[smem:$0x3FA8] =	sst s3  }
0xc: {  	[smem:$0x3FA9] =	sst s4  }
0xd: {  	[smem:$0x3FAA] =	sst s5  }
0xe: {  	[smem:$0x3FAB] =	sst s6  }
0xf: {  	[smem:$0x3FAC] =	sst s7  }
0x10: {  	[smem:$0x3FAD] =	sst s8  }
0x11: {  	[smem:$0x3FAE] =	sst s9;
	s0 =	simm.s32 @!p0 $0x0  }
0x12: {  	s1 =	sld [smem:$0x3F94];
	s0 =	simm.s32 @p0 $0x1  }
0x13: {  	[smem:$0x3FAF] =	sst s0;
	s0 =	simm.s32 @!p1 $0x0  }
0x14: {  	s2 =	sld [smem:$0x3F93];
	s0 =	simm.s32 @p1 $0x1  }
0x15: {  	[smem:$0x3FB0] =	sst s0;
	s0 =	simm.s32 @!p2 $0x0  }
0x16: {  	s3 =	sld [smem:$0x3FDB];
	s0 =	simm.s32 @p2 $0x1  }
0x17: {  	s4 =	simm.s32 $0x1BF5;
	[smem:$0x3FB2] =	sst s0  }
0x18: {  	s0 =	sld [smem:$0x3F95];
	_ =	swait.ge [sflag:s4], $0x0  }
0x19: {  	s7 =	sld [smem:$0x3F96]  }
0x1a: {  	s8 =	sadd.s32 $0xFFFFE003, lr  }
0x1b: {  	s9 =	sadd.s32 $0xFFFFFEF7, lr;
	s5 =	simm.s32 $0xFFFFFFFF;
	p2 =	slt.u32 s8, $0xFFFFF086  }
0x1c: {  	p1 =	slt.u32 s9, $0xF7A;
	s5 =	simm.s32 @!p2 $0x0  }
0x1d: {  	s5 =	simm.s32 @p1 $0x1;
	p0 =	seq.s32 s7, s2  }
0x1e: {  	s7 =	smul.u32 @!p0 $0xF7A, s2;
	p2 =	seq.s32 @!p0 s5, $0x0  }
0x1f: {  	s9 =	smul.u32 $0xF7A, s1;
	s8 =	simm.s32 @!p0 $0x1BF5;
	p2 =	por !p2, p0  }
0x20: {  	[sflag:s8] =	ssyncset.s32 @!p0 $0xFFFFF086;
	s6 =	sadd.s32 @!p0 s3, s7;
	s7 =	simm.s32 @!p0 $0x108  }
0x21: {  	s3 =	sadd.s32 s3, s9;
	s6 =	sadd.s32 @!p0 $0x88, s6;
	s7 =	simm.s32 @p2 $0x1082  }
0x22: {  	[simem:s7], [sflag:s8] =	dma.local @!p0 [hbm:s6], $0xF7A  }
0x23: {  	s9 =	sor.u32 $0xD0000000, s2;
	s6 =	simm.s32 $0x108;
	_ =	swait.ge @!p0 [sflag:s8], $0x0  }
0x24: {  	s3 =	sadd.s32 $0x88, s3;
	s6 =	simm.s32 @!p1 $0x1082;
	[sflag:s4] =	ssyncset.s32 $0xFFFFF086  }
0x25: {  	[simem:s6], [sflag:s4] =	dma.local [hbm:s3], $0xF7A  }
0x26: {  	[smem:$0x3F96] =	sst s1;
	(tag) =	ssettag s2;
	_ =	strace s9  }
0x27: {  	s1 =	sld [smem:$0x3FA6]  }
0x28: {  	s2 =	sld [smem:$0x3FA7]  }
0x29: {  	s4 =	sld [smem:$0x3FA9]  }
0x2a: {  	p0 =	seq.s32 s5, $0x0;
	s5 =	sld [smem:$0x3FAA]  }
0x2b: {  	s6 =	sld [smem:$0x3FAB]  }
0x2c: {  	s7 =	sld [smem:$0x3FAC]  }
0x2d: {  	s3 =	simm.s32 $0x108;
	s8 =	sld [smem:$0x3FAD]  }
0x2e: {  	s3 =	simm.s32 @!p0 $0x1082;
	s9 =	sld [smem:$0x3FAE]  }
0x2f: {  	lr =	sadd.s32 s0, s3;
	s0 =	sld [smem:$0x3FA5]  }
0x30: {  	s3 =	sld [smem:$0x3FA8]  }
0x31: {  	[smem:$0x3FB1] =	sst s10  }
0x32: {  	s10 =	sld [smem:$0x3FAF];
	_ =	sdelay $0x3  }
0x33: {  	p0 =	seq.s32 s10, $0x1;
	s10 =	sld [smem:$0x3FB1];
	_ =	sdelay $0x3  }
0x34: {  	[smem:$0x3FB1] =	sst s10  }
0x35: {  	s10 =	sld [smem:$0x3FB0];
	_ =	sdelay $0x3  }
0x36: {  	p1 =	seq.s32 s10, $0x1;
	s10 =	sld [smem:$0x3FB1];
	_ =	sdelay $0x3  }
0x37: {  	[smem:$0x3FB1] =	sst s10  }
0x38: {  	s10 =	sld [smem:$0x3FB2]  }
0x39: {  	_ = 	snop;
	(pc) =	sbr.ind lr, $3  }
0x3a: {  	_ = 	snop  }
0x3b: {  	_ = 	snop  }
0x3c: {  	p2 =	seq.s32 s10, $0x1;
	s10 =	sld [smem:$0x3FB1]  }
0x3d: {  	_ =	shalt  }
0x3e: {  	_ =	shalt  }
0x3f: {  	_ =	shalt  }
0x40: {  	_ =	shalt  }
0x41: {  	_ =	shalt  }
0x42: {  	_ =	shalt  }
0x43: {  	_ =	shalt  }
0x44: {  	_ =	shalt  }
0x45: {  	_ =	shalt  }
0x46: {  	_ =	shalt  }
0x47: {  	_ =	shalt  }
0x48: {  	_ =	shalt  }
0x49: {  	_ =	shalt  }
0x4a: {  	_ =	shalt  }
0x4b: {  	_ =	shalt  }
0x4c: {  	_ =	shalt  }
0x4d: {  	_ =	shalt  }
0x4e: {  	_ =	shalt  }
0x4f: {  	_ =	shalt  }
0x50: {  	_ =	shalt  }
0x51: {  	_ =	shalt  }
0x52: {  	_ =	shalt  }
0x53: {  	_ =	shalt  }
0x54: {  	_ =	shalt  }
0x55: {  	_ =	shalt  }
0x56: {  	_ =	shalt  }
0x57: {  	_ =	shalt  }
0x58: {  	_ =	shalt  }
0x59: {  	_ =	shalt  }
0x5a: {  	_ =	shalt  }
0x5b: {  	_ =	shalt  }
0x5c: {  	_ =	shalt  }
0x5d: {  	_ =	shalt  }
0x5e: {  	_ =	shalt  }
0x5f: {  	_ =	shalt  }
0x60: {  	_ =	shalt  }
0x61: {  	_ =	shalt  }
0x62: {  	_ =	shalt  }
0x63: {  	_ =	shalt  }
0x64: {  	_ =	shalt  }
0x65: {  	_ =	shalt  }
0x66: {  	_ =	shalt  }
0x67: {  	_ =	shalt  }
0x68: {  	_ =	shalt  }
0x69: {  	_ =	shalt  }
0x6a: {  	_ =	shalt  }
0x6b: {  	_ =	shalt  }
0x6c: {  	_ =	shalt  }
0x6d: {  	_ =	shalt  }
0x6e: {  	_ =	shalt  }
0x6f: {  	_ =	shalt  }
0x70: {  	_ =	shalt  }
0x71: {  	_ =	shalt  }
0x72: {  	_ =	shalt  }
0x73: {  	_ =	shalt  }
0x74: {  	_ =	shalt  }
0x75: {  	_ =	shalt  }
0x76: {  	_ =	shalt  }
0x77: {  	_ =	shalt  }
0x78: {  	_ =	shalt  }
0x79: {  	_ =	shalt  }
0x7a: {  	_ =	shalt  }
0x7b: {  	_ =	shalt  }
0x7c: {  	_ =	shalt  }
0x7d: {  	_ =	shalt  }
0x7e: {  	_ =	shalt  }
0x7f: {  	_ =	shalt  }
0x80: {  	_ =	shalt  }
0x81: {  	_ =	shalt  }
0x82: {  	_ =	shalt  }
0x83: {  	_ =	shalt  }
0x84: {  	_ =	shalt  }
0x85: {  	_ =	shalt  }
0x86: {  	_ =	shalt  }
0x87: {  	_ =	shalt  }
.Lfunc_end0:
.L_simem_size_0:
called_computation.2_lowered:
.L_overlay_start_0:
0x88: {  	s2 =	sld [smem:$0x3FD9]  }
0x89: {  	s3 =	sld [smem:$0x3FFE];
	_ =	sdelay $0x1  }
0x8a: {  	s1 =	srdreg.scid  }
0x8b: {  	s0 =	sand.u32 $0x1, s1  }
0x8c: {  	s16 =	sshll.u32 s0, $0xA;
	s2 =	sadd.s32 s3, s2  }
0x8d: {  	s2 =	sadd.s32 s2, s16  }
0x8e: {  	[smem:$0x3FBD] =	sst s2  }
0x8f: {  	_ = 	snop  }
0x90: {  	(tm) =	ssettm $0x1  }
0x91: {  	s17 =	sld [smem:$0x3FFB];
	_ =	sdelay $0x3  }
0x92: {  	_ =	strace s17  }
0x93: {  	s2 =	sld [smem:$0x3FFC];
	_ =	sdelay $0x3  }
0x94: {  	_ =	strace s2  }
0x95: {  	s2 =	sld [smem:$0x3FFD];
	_ =	sdelay $0x3  }
0x96: {  	_ =	strace s2  }
0x97: {  	_ =	strace $0x8FFFFFFF  }
0x98: {  	s18 =	sld [smem:$0x3FDB];
	_ =	sdelay $0x1  }
0x99: {  	s19 =	simm.s32 $_scs_section_size  }
0x9a: {  	s4 =	simm.s32 $_size__tile_overlayer_lowered;
	s5 =	simm.s32 $_tile_overlayer_lowered  }
0x9b: {  	s22 =	simm.s32 $0x1BFF;
	s21 =	sshll.u32 s5, $0x1;
	s2 =	sadd.s32 s19, s18  }
0x9c: {  	s6 =	simm.s32 $0x0;
	s20 =	sshll.u32 s4, $0x1;
	s4 =	sadd.s32 s21, s2  }
0x9d: {  	[timem:s6], [sflag:s22] =	dma.local [hbm:s4], s20  }
0x9e: {  	_ =	swait.ge [sflag:s22], s20  }
0x9f: {  	s3 =	ssub.s32 $0x0, s20;
	[sflag:s22] =	ssyncset.done $0x0  }
0xa0: {  	[sflag:s22] =	ssyncadd.s32 s3;
	_ =	sdelay $0x1  }
0xa1: {  	s23 =	simm.s32 $0x1B8B  }
0xa2: {  	_ =	swait.ge [sflag:s23], $0x1  }
0xa3: {  	[sflag:s23] =	ssyncset.done $0x0  }
0xa4: {  	s25 =	simm.s32 $0x1B8E;
	s24 =	sld [smem:$0x3FFE];
	[sflag:s23] =	ssyncadd.s32 $0xFFFFFFFF  }
0xa5: {  	s26 =	simm.s32 $execute0_lowered;
	[smem:$0x3FD2] =	sst s25  }
0xa6: {  	s4 =	sshll.u32 s26, $0x1;
	_ =	strace $0x8000004C;
	[dreg:$0x1] =	wrdreg $0xFFFFFFFF  }
0xa7: {  	s28 =	simm.s32 $_size_execute0_lowered;
	s2 =	sadd.s32 s2, s4;
	[dreg:$0x0] =	wrdreg $0x0  }
0xa8: {  	s4 =	sshll.u32 s28, $0x1;
	[dreg:$0x2] =	wrdreg s2  }
0xa9: {  	[dreg:$0x3] =	wrdreg s4  }
0xaa: {  	[dreg:$0x4] =	wrdreg $0xC0  }
0xab: {  	_ =	task [dreg:s6], $0x5FFFF  }
0xac: {  	[dreg:$0x1] =	wrdreg $0xFFFFFFFF  }
0xad: {  	[dreg:$0x0] =	wrdreg $0x60  }
0xae: {  	[dreg:$0x2] =	wrdreg s24  }
0xaf: {  	[dreg:$0x3] =	wrdreg $0x3BC00  }
0xb0: {  	[dreg:$0x4] =	wrdreg $0x28000  }
0xb1: {  	[dreg:$0x5] =	wrdreg $0x9  }
0xb2: {  	_ =	task.clear_ibuf [dreg:s6], $0x6FFFF;
	_ =	strace $0x9000004C  }
0xb3: {  	s29 =	simm.s32 $0x9;
	_ =	strace $0x8000004E  }
0xb4: {  	_ =	swait.ge [sflag:s29], $0x1  }
0xb5: {  	[sflag:s29] =	ssyncadd.s32 $0xFFFFFFFF  }
0xb6: {  	_ =	strace $0x9000004E  }
0xb7: {  	_ =	sfence  }
0xb8: {  	s30 =	sld [smem:$0x0];
	_ =	sdelay $0x2  }
0xb9: {  	s31 =	sshll.u32 s1, $0xD;
	s1 =	sshrl.u32 s1, $0x2  }
0xba: {  	s3 =	sand.u32 $0x4000, s31;
	s1 =	sadd.s32 s1, s30  }
0xbb: {  	s0 =	sor.u32 s3, s0;
	s1 =	sshll.u32 s1, $0x11  }
0xbc: {  	s0 =	sor.u32 s1, s0  }
0xbd: {  	s0 =	sadd.s32 $0x8F2B, s0  }
0xbe: {  	[sflag:s0] =	ssyncadd.remote.s32 $0x1  }
0xbf: {  	_ =	sfence.sel $0xFFFF  }
0xc0: {  	[dreg:$0x0] =	wrdreg $0xFFFFFFFF;
	(pc) =	sbr.abs _section_cstart, $3  }
0xc1: {  	[dreg:$0x1] =	wrdreg $0xFFFFFFFF  }
0xc2: {  	_ =	task.clear_ibuf [dreg:s6], $0x2FFFF;
	_ =	strace $0x9FFFFFFF  }
0xc3: {  	(tm) =	ssettm $0x7FFFFFFF  }
tec
execute0_lowered:
.L_overlay_start_1:
0x0: {  	(tag) =	ssettag $0x1  }
0x1: {  	s0 =	rddreg [dreg:$0x0]  }
0x2: {  	s2 =	rddreg [dreg:$0x1]  }
0x3: {  	s3 =	rddreg [dreg:$0x2];
	s1 =	simm.s32 $0x0  }
0x4: {  	s14 =	stileid.u32;
	s6 =	srdreg.scid;
	s28 =	simm.s32 $0x80  }
0x5: {  	s30 =	simm.s32 $0x180;
	s29 =	simm.s32 $0x300;
	s19 =	smul.u32 $0x13C0, s14  }
0x6: {  	[smem:$0x7FF] =	sst s1;
	s31 =	sadd.s32 $0x3400, s0;
	s7 =	smul.u32 $0x278, s14  }
0x7: {  	s6 =	sand.u32 $0x1, s6;
	s8 =	sshll.u32 s14, $0x1;
	s11 =	sshll.u32 s14, $0x6  }
0x8: {  	s26 =	smul.u32 $0x4E00, s14;
	_ =	strace $0x8000004D;
	s9 =	ssub.s32 $0x2, s6  }
0x9: {  	s8 =	sor.u32 s6, s8;
	s17 =	sor.u32 $0x1C0D, s11;
	s5 =	smul.u32 $0x2700, s6  }
0xa: {  	p0 =	seq.s32 s6, $0x0;
	s11 =	simm.s32 $0x3;
	[dreg:$0x7] =	wrdreg s31  }
0xb: {  	s4 =	sshrl.u32 s19, $0x3;
	s20 =	sshrl.u32 s9, $0x1;
	s10 =	smul.u32 $0x2700, s8  }
0xc: {  	s12 =	smul.u32 $0x4E0, s8;
	s1 =	sadd.s32 s19, s3;
	s8 =	sshll.u32 s8, $0x4  }
0xd: {  	[dreg:$0x9] =	wrdreg s17;
	s4 =	sadd.s32 s4, s0;
	s0 =	sadd.s32 s7, s0  }
0xe: {  	s7 =	ssub.s32 s9, s20;
	s9 =	sadd.s32 s19, s2;
	[dreg:$0xa] =	wrdreg s1  }
0xf: {  	s8 =	sadd.s32 s8, s31;
	s18 =	sadd.s32 s5, s26;
	s26 =	simm.s32 $0x780  }
0x10: {  	s15 =	sadd.s32 $0x68600, s4;
	s13 =	sshrl.u32 s10, $0x3;
	s22 =	sadd.s32 s31, s12  }
0x11: {  	s10 =	sadd.s32 $0x700, s10;
	s12 =	smul.u32 $0x2780, s6;
	[dreg:$0x6] =	wrdreg s26  }
0x12: {  	s16 =	sadd.s32 $0x9C00, s8;
	s19 =	sadd.s32 $0x500, s18;
	[dreg:$0xc] =	wrdreg s22  }
0x13: {  	s7 =	smax.u32 s7, $0x1;
	s8 =	simm.s32 $0xD;
	[dreg:$0x4] =	wrdreg s10  }
0x14: {  	s6 =	simm.s32 $0x200;
	s21 =	sadd.s32 s31, s13;
	[dreg:$0x11] =	wrdreg s16  }
0x15: {  	s13 =	sadd.s32 $0x16E00, s4;
	s4 =	sadd.s32 $0x600, s18;
	[dreg:$0x13] =	wrdreg s7  }
0x16: {  	[dreg:$0x8] =	wrdreg s15;
	s16 =	simm.s32 $0x800;
	s7 =	simm.s32 $0x400  }
0x17: {  	s10 =	simm.s32 $0xC00;
	s23 =	sadd.s32 $0x20, s21;
	s24 =	sadd.s32 $0x40, s21  }
0x18: {  	s25 =	sadd.s32 $0x60, s21;
	s1 =	sadd.s32 $0x4C0, s21;
	[dreg:$0xd] =	wrdreg s23  }
0x19: {  	s0 =	sadd.s32 s12, s0;
	s20 =	sshrl.u32 s4, $0x3;
	[dreg:$0xe] =	wrdreg s24  }
0x1a: {  	s21 =	sshrl.u32 s19, $0x3;
	s13 =	smov.u32 @p0 s15;
	[dreg:$0xf] =	wrdreg s25  }
0x1b: {  	p0 =	sgt.u32 s14, $0x1;
	s14 =	simm.s32 $0x2;
	[dreg:$0x10] =	wrdreg s1  }
0x1c: {  	s12 =	simm.s32 $0xC;
	s0 =	sadd.s32 $0x6AE00, s0;
	[dreg:$0xb] =	wrdreg s13  }
0x1d: {  	s22 =	sadd.s32 s21, s31;
	s23 =	sadd.s32 $0x400, s18;
	[dreg:$0x12] =	wrdreg s0  }
0x1e: {  	s24 =	sshrl.u32 s9, $0x3;
	s25 =	simm.s32 $0x700;
	[dreg:$0x15] =	wrdreg s22  }
0x1f: {  	s21 =	simm.s32 $0x1800;
	s13 =	simm.s32 $0x5;
	[dreg:$0x16] =	wrdreg s23  }
0x20: {  	s18 =	simm.s32 $0x6;
	s1 =	simm.s32 $0x0;
	[dreg:$0x17] =	wrdreg s24  }
0x21: {  	s0 =	sadd.s32 s20, s31;
	[dreg:$0x5] =	wrdreg s25;
	s25 =	simm.s32 $0x280  }
0x22: {  	s20 =	simm.s32 $0x480;
	s22 =	simm.s32 $0xB;
	[dreg:$0x14] =	wrdreg s0  }
.LBB2_1:
0x23: {  	[dreg:$0x18] =	wrdreg s1  }
0x24: {  	s0 =	rddreg [dreg:$0x8]  }
0x25: {  	s4 =	rddreg [dreg:$0x17]  }
0x26: {  	[spmem:s4], [sflag:s17] =	dma.local [hbm:s0], $0x278  }
0x27: {  	_ =	swait.ge [sflag:s8], $0x278  }
0x28: {  	s1 =	rddreg [dreg:$0xa]  }
0x29: {  	[sflag:s8] =	ssyncset.done $0x0;
	s5 =	rddreg [dreg:$0xb];
	s4 =	sshrl.u32 s1, $0x3  }
0x2a: {  	[sflag:s8] =	ssyncadd.s32 $0xFFFFFD88;
	[dreg:$0x19] =	wrdreg s4  }
0x2b: {  	[spmem:s4], [sflag:s17] =	dma.local [hbm:s5], $0x278  }
0x2c: {  	_ =	swait.ge [sflag:s8], $0x278  }
0x2d: {  	[sflag:s8] =	ssyncset.done $0x0  }
0x2e: {  	[sflag:s8] =	ssyncadd.s32 $0xFFFFFD88  }
0x2f: {  	s26 =	simm.s32 $0x0;
	[bflag:$0x0] =	sbarrier.arrive $0xFFFF  }
0x30: {  	s23 =	simm.s32 $0x100;
	s0 =	simm.s32 $0x4E200;
	s8 =	rddreg [dreg:$0xc]  }
0x31: {  	[tilespmem:s26], [sflag:$0x1] =	stream.strided.gather [hbm4b:s8+s23], $0x200, s0, s23, $0x38;
	[tilespmem:$0x4F80] =	vst v63  }
0x32: {  	s1 =	simm.s32 $0x1;
	s9 =	rddreg [dreg:$0xd]  }
0x33: {  	[tilespmem:s6], [sflag:$0x2] =	stream.strided.gather [hbm4b:s9+s23], $0x200, s0, s23, $0x38;
	[tilespmem:$0x4F80] =	vst v63  }
0x34: {  	_ =	swait.ge [sflag:s1], $0x200  }
0x35: {  	[sflag:s1] =	ssyncset.done $0x0  }
0x36: {  	[sflag:s1] =	ssyncadd.s32 $0xFFFFFE00  }
0x37: {  	[tilespmem:s16], [sflag:$0x5] =	stream.indirect.gather [spmem:s2], $0x8, s26, s28, $0xb8;
	[tilespmem:$0x4F80] =	vst v63  }
0x38: {  	_ = 	snop  }
0x39: {  	[tilespmem:s21], [sflag:$0x5] =	stream.indirect.gather [spmem:s2], $0x8, s28, s28, $0xb8;
	[tilespmem:$0x4F80] =	vst v63  }
0x3a: {  	_ =	swait.ge [sflag:s13], $0x400  }
0x3b: {  	[sflag:s13] =	ssyncset.done $0x0  }
0x3c: {  	[sflag:s13] =	ssyncadd.s32 $0xFFFFFC00  }
0x3d: {  	_ =	swait.ge [sflag:s13], $0x400  }
0x3e: {  	[sflag:s13] =	ssyncset.done $0x0  }
0x3f: {  	s15 =	rddreg [dreg:$0xe];
	[sflag:s13] =	ssyncadd.s32 $0xFFFFFC00  }
0x40: {  	[tilespmem:s7], [sflag:$0x3] =	stream.strided.gather [hbm4b:s15+s23], $0x200, s0, s23, $0x38;
	[tilespmem:$0x4F80] =	vst v63  }
0x41: {  	_ =	swait.ge [sflag:s14], $0x200  }
0x42: {  	[sflag:s14] =	ssyncset.done $0x0  }
0x43: {  	[sflag:s14] =	ssyncadd.s32 $0xFFFFFE00  }
0x44: {  	[tilespmem:s10], [sflag:$0x6] =	stream.indirect.gather [spmem:s2], $0x8, s6, s28, $0xb8;
	[tilespmem:$0x4F80] =	vst v63  }
0x45: {  	s24 =	simm.s32 $0x1C00  }
0x46: {  	[tilespmem:s24], [sflag:$0x6] =	stream.indirect.gather [spmem:s2], $0x8, s25, s28, $0xb8;
	[tilespmem:$0x4F80] =	vst v63  }
0x47: {  	_ = 	snop  }
0x48: {  	[spmem:s3] =	stream.indirect.scatter.add.f32 [tilespmem:s16], [sflag:$0x9], $0x8, s23, s28, $0xb8;
	[tilespmem:$0x4F80] =	vst v63  }
0x49: {  	_ = 	snop  }
0x4a: {  	[spmem:s3] =	stream.indirect.scatter.add.f32 [tilespmem:s21], [sflag:$0x9], $0x8, s30, s28, $0xb8;
	[tilespmem:$0x4F80] =	vst v63  }
0x4b: {  	_ =	swait.ge [sflag:s18], $0x400  }
0x4c: {  	[sflag:s18] =	ssyncset.done $0x0  }
0x4d: {  	[sflag:s18] =	ssyncadd.s32 $0xFFFFFC00  }
0x4e: {  	_ =	swait.ge [sflag:s18], $0x400  }
0x4f: {  	[sflag:s18] =	ssyncset.done $0x0  }
0x50: {  	s19 =	simm.s32 $0x600;
	s17 =	rddreg [dreg:$0xf];
	[sflag:s18] =	ssyncadd.s32 $0xFFFFFC00  }
0x51: {  	[tilespmem:s19], [sflag:$0x4] =	stream.strided.gather [hbm4b:s17+s23], $0x200, s0, s23, $0x38;
	[tilespmem:$0x4F80] =	vst v63  }
0x52: {  	_ =	swait.ge [sflag:s11], $0x200  }
0x53: {  	[sflag:s11] =	ssyncset.done $0x0  }
0x54: {  	s9 =	simm.s32 $0x1000;
	[sflag:s11] =	ssyncadd.s32 $0xFFFFFE00  }
0x55: {  	[tilespmem:s9], [sflag:$0x7] =	stream.indirect.gather [spmem:s2], $0x8, s7, s28, $0xb8;
	[tilespmem:$0x4F80] =	vst v63  }
0x56: {  	s15 =	simm.s32 $0x2000  }
0x57: {  	[tilespmem:s15], [sflag:$0x7] =	stream.indirect.gather [spmem:s2], $0x8, s20, s28, $0xb8;
	[tilespmem:$0x4F80] =	vst v63  }
0x58: {  	_ = 	snop  }
0x59: {  	[spmem:s3] =	stream.indirect.scatter.add.f32 [tilespmem:s10], [sflag:$0xA], $0x8, s29, s28, $0xb8;
	[tilespmem:$0x4F80] =	vst v63  }
0x5a: {  	s5 =	simm.s32 $0x380;
	s8 =	simm.s32 $0x7  }
0x5b: {  	[spmem:s3] =	stream.indirect.scatter.add.f32 [tilespmem:s24], [sflag:$0xA], $0x8, s5, s28, $0xb8;
	[tilespmem:$0x4F80] =	vst v63  }
0x5c: {  	_ =	swait.ge [sflag:s8], $0x400  }
0x5d: {  	[sflag:s8] =	ssyncset.done $0x0  }
0x5e: {  	[sflag:s8] =	ssyncadd.s32 $0xFFFFFC00  }
0x5f: {  	_ =	swait.ge [sflag:s8], $0x400  }
0x60: {  	[sflag:s8] =	ssyncset.done $0x0  }
0x61: {  	s5 =	simm.s32 $0x9;
	[sflag:s8] =	ssyncadd.s32 $0xFFFFFC00  }
0x62: {  	_ =	swait.ge [sflag:s5], $0x400  }
0x63: {  	[sflag:s5] =	ssyncset.done $0x0  }
0x64: {  	[sflag:s5] =	ssyncadd.s32 $0xFFFFFC00  }
0x65: {  	_ =	swait.ge [sflag:s5], $0x400  }
0x66: {  	s29 =	rddreg [dreg:$0x16]  }
0x67: {  	[sflag:s5] =	ssyncset.done $0x0;
	s11 =	sshrl.u32 s29, $0x3  }
0x68: {  	s17 =	simm.s32 $0x4;
	[sflag:s5] =	ssyncadd.s32 $0xFFFFFC00;
	s4 =	sadd.s32 s31, s11  }
0x69: {  	[tilespmem:s26], [sflag:$0x1] =	stream.strided.gather [hbm4b:s4+s23], $0x200, s0, s23, $0x38;
	[tilespmem:$0x4F80] =	vst v63  }
0x6a: {  	_ =	swait.ge [sflag:s17], $0x200  }
0x6b: {  	[sflag:s17] =	ssyncset.done $0x0  }
0x6c: {  	s8 =	simm.s32 $0x1400;
	[sflag:s17] =	ssyncadd.s32 $0xFFFFFE00  }
0x6d: {  	[tilespmem:s8], [sflag:$0x8] =	stream.indirect.gather [spmem:s2], $0x8, s19, s28, $0xb8;
	[tilespmem:$0x4F80] =	vst v63  }
0x6e: {  	s20 =	simm.s32 $0x680;
	s5 =	simm.s32 $0x2400  }
0x6f: {  	[tilespmem:s5], [sflag:$0x8] =	stream.indirect.gather [spmem:s2], $0x8, s20, s28, $0xb8;
	[tilespmem:$0x4F80] =	vst v63  }
0x70: {  	s11 =	simm.s32 $0x500  }
0x71: {  	[spmem:s3] =	stream.indirect.scatter.add.f32 [tilespmem:s9], [sflag:$0xB], $0x8, s11, s28, $0xb8;
	[tilespmem:$0x4F80] =	vst v63  }
0x72: {  	s17 =	simm.s32 $0x580;
	s20 =	simm.s32 $0x8  }
0x73: {  	[spmem:s3] =	stream.indirect.scatter.add.f32 [tilespmem:s15], [sflag:$0xB], $0x8, s17, s28, $0xb8;
	[tilespmem:$0x4F80] =	vst v63  }
0x74: {  	_ =	swait.ge [sflag:s20], $0x400  }
0x75: {  	[sflag:s20] =	ssyncset.done $0x0  }
0x76: {  	[sflag:s20] =	ssyncadd.s32 $0xFFFFFC00  }
0x77: {  	_ =	swait.ge [sflag:s20], $0x400  }
0x78: {  	[sflag:s20] =	ssyncset.done $0x0  }
0x79: {  	s11 =	simm.s32 $0xA;
	[sflag:s20] =	ssyncadd.s32 $0xFFFFFC00  }
0x7a: {  	_ =	swait.ge [sflag:s11], $0x400  }
0x7b: {  	[sflag:s11] =	ssyncset.done $0x0  }
0x7c: {  	[sflag:s11] =	ssyncadd.s32 $0xFFFFFC00  }
0x7d: {  	_ =	swait.ge [sflag:s11], $0x400  }
0x7e: {  	[sflag:s11] =	ssyncset.done $0x0  }
0x7f: {  	[sflag:s11] =	ssyncadd.s32 $0xFFFFFC00;
	s11 =	rddreg [dreg:$0x15]  }
0x80: {  	[tilespmem:s6], [sflag:$0x2] =	stream.strided.gather [hbm4b:s11+s23], $0x200, s0, s23, $0x38;
	[tilespmem:$0x4F80] =	vst v63  }
0x81: {  	_ =	swait.ge [sflag:s1], $0x200  }
0x82: {  	[sflag:s1] =	ssyncset.done $0x0  }
0x83: {  	[sflag:s1] =	ssyncadd.s32 $0xFFFFFE00  }
0x84: {  	[tilespmem:s16], [sflag:$0x5] =	stream.indirect.gather [spmem:s2], $0x8, s26, s28, $0xb8;
	[tilespmem:$0x4F80] =	vst v63  }
0x85: {  	_ = 	snop  }
0x86: {  	[tilespmem:s21], [sflag:$0x5] =	stream.indirect.gather [spmem:s2], $0x8, s28, s28, $0xb8;
	[tilespmem:$0x4F80] =	vst v63  }
0x87: {  	s17 =	rddreg [dreg:$0x5]  }
0x88: {  	[spmem:s3] =	stream.indirect.scatter.add.f32 [tilespmem:s8], [sflag:$0xC], $0x8, s17, s28, $0xb8;
	[tilespmem:$0x4F80] =	vst v63  }
0x89: {  	s1 =	rddreg [dreg:$0x6]  }
0x8a: {  	[spmem:s3] =	stream.indirect.scatter.add.f32 [tilespmem:s5], [sflag:$0xC], $0x8, s1, s28, $0xb8;
	[tilespmem:$0x4F80] =	vst v63  }
0x8b: {  	_ =	swait.ge [sflag:s13], $0x400  }
0x8c: {  	[sflag:s13] =	ssyncset.done $0x0  }
0x8d: {  	[sflag:s13] =	ssyncadd.s32 $0xFFFFFC00  }
0x8e: {  	_ =	swait.ge [sflag:s13], $0x400  }
0x8f: {  	[sflag:s13] =	ssyncset.done $0x0  }
0x90: {  	[sflag:s13] =	ssyncadd.s32 $0xFFFFFC00  }
0x91: {  	_ =	swait.ge [sflag:s22], $0x400  }
0x92: {  	[sflag:s22] =	ssyncset.done $0x0  }
0x93: {  	[sflag:s22] =	ssyncadd.s32 $0xFFFFFC00  }
0x94: {  	_ =	swait.ge [sflag:s22], $0x400  }
0x95: {  	[sflag:s22] =	ssyncset.done $0x0  }
0x96: {  	s13 =	rddreg [dreg:$0x14];
	[sflag:s22] =	ssyncadd.s32 $0xFFFFFC00  }
0x97: {  	[tilespmem:s7], [sflag:$0x3] =	stream.strided.gather [hbm4b:s13+s23], $0x200, s0, s23, $0x38;
	[tilespmem:$0x4F80] =	vst v63  }
0x98: {  	_ =	swait.ge [sflag:s14], $0x200  }
0x99: {  	[sflag:s14] =	ssyncset.done $0x0  }
0x9a: {  	[sflag:s14] =	ssyncadd.s32 $0xFFFFFE00  }
0x9b: {  	[tilespmem:s10], [sflag:$0x6] =	stream.indirect.gather [spmem:s2], $0x8, s6, s28, $0xb8;
	[tilespmem:$0x4F80] =	vst v63  }
0x9c: {  	_ = 	snop  }
0x9d: {  	[tilespmem:s24], [sflag:$0x6] =	stream.indirect.gather [spmem:s2], $0x8, s25, s28, $0xb8;
	[tilespmem:$0x4F80] =	vst v63  }
0x9e: {  	_ = 	snop  }
0x9f: {  	[spmem:s3] =	stream.indirect.scatter.add.f32 [tilespmem:s16], [sflag:$0x9], $0x8, s23, s28, $0xb8;
	[tilespmem:$0x4F80] =	vst v63  }
0xa0: {  	_ = 	snop  }
0xa1: {  	[spmem:s3] =	stream.indirect.scatter.add.f32 [tilespmem:s21], [sflag:$0x9], $0x8, s30, s28, $0xb8;
	[tilespmem:$0x4F80] =	vst v63  }
0xa2: {  	_ =	swait.ge [sflag:s18], $0x400  }
0xa3: {  	[sflag:s18] =	ssyncset.done $0x0  }
0xa4: {  	[sflag:s18] =	ssyncadd.s32 $0xFFFFFC00  }
0xa5: {  	_ =	swait.ge [sflag:s18], $0x400  }
0xa6: {  	[sflag:s18] =	ssyncset.done $0x0  }
0xa7: {  	[sflag:s18] =	ssyncadd.s32 $0xFFFFFC00  }
0xa8: {  	_ =	swait.ge [sflag:s12], $0x400  }
0xa9: {  	[sflag:s12] =	ssyncset.done $0x0  }
0xaa: {  	[sflag:s12] =	ssyncadd.s32 $0xFFFFFC00  }
0xab: {  	s26 =	smin.u32 s26, $0x1F;
	_ =	swait.ge [sflag:s12], $0x400  }
0xac: {  	s17 =	sshll.u32 s26, $0x8;
	s25 =	rddreg [dreg:$0x4]  }
0xad: {  	s4 =	sadd.s32 s17, s25  }
0xae: {  	[sflag:s12] =	ssyncset.done $0x0;
	s4 =	sshrl.u32 s4, $0x3  }
0xaf: {  	s20 =	simm.s32 $0x3;
	[sflag:s12] =	ssyncadd.s32 $0xFFFFFC00;
	s4 =	sadd.s32 s31, s4  }
0xb0: {  	[tilespmem:s19], [sflag:$0x4] =	stream.strided.gather [hbm4b:s4+s23], $0x200, s0, s23, $0x38;
	[tilespmem:$0x4F80] =	vst v63  }
0xb1: {  	_ =	swait.ge [sflag:s20], $0x200  }
0xb2: {  	[sflag:s20] =	ssyncset.done $0x0  }
0xb3: {  	s29 =	sadd.s32 $0x400, s29;
	s30 =	simm.s32 $0x480;
	[sflag:s20] =	ssyncadd.s32 $0xFFFFFE00  }
0xb4: {  	[tilespmem:s9], [sflag:$0x7] =	stream.indirect.gather [spmem:s2], $0x8, s7, s28, $0xb8;
	[tilespmem:$0x4F80] =	vst v63  }
0xb5: {  	s18 =	simm.s32 $0x6;
	s17 =	simm.s32 $0x4;
	s25 =	sadd.s32 $0x80, s11  }
0xb6: {  	[tilespmem:s15], [sflag:$0x7] =	stream.indirect.gather [spmem:s2], $0x8, s30, s28, $0xb8;
	[tilespmem:$0x4F80] =	vst v63  }
0xb7: {  	s31 =	simm.s32 $0x300;
	s4 =	sadd.s32 $0x80, s13;
	s13 =	simm.s32 $0x5  }
0xb8: {  	[spmem:s3] =	stream.indirect.scatter.add.f32 [tilespmem:s10], [sflag:$0xA], $0x8, s31, s28, $0xb8;
	[tilespmem:$0x4F80] =	vst v63  }
.LBB2_2:
0xb9: {  	s26 =	simm.s32 $0x1C00;
	s0 =	simm.s32 $0x380;
	s9 =	simm.s32 $0x7  }
0xba: {  	[spmem:s3] =	stream.indirect.scatter.add.f32 [tilespmem:s26], [sflag:$0xA], $0x8, s0, s28, $0xb8;
	[tilespmem:$0x4F80] =	vst v63  }
0xbb: {  	_ =	swait.ge [sflag:s9], $0x400  }
0xbc: {  	[sflag:s9] =	ssyncset.done $0x0  }
0xbd: {  	[sflag:s9] =	ssyncadd.s32 $0xFFFFFC00  }
0xbe: {  	_ =	swait.ge [sflag:s9], $0x400  }
0xbf: {  	[sflag:s9] =	ssyncset.done $0x0  }
0xc0: {  	s1 =	simm.s32 $0x9;
	[sflag:s9] =	ssyncadd.s32 $0xFFFFFC00  }
0xc1: {  	_ =	swait.ge [sflag:s1], $0x400  }
0xc2: {  	[sflag:s1] =	ssyncset.done $0x0  }
0xc3: {  	s10 =	sshrl.u32 s29, $0x3;
	[sflag:s1] =	ssyncadd.s32 $0xFFFFFC00  }
0xc4: {  	s8 =	simm.s32 $0x0;
	s6 =	simm.s32 $0x4E200;
	_ =	swait.ge [sflag:s1], $0x400  }
0xc5: {  	s20 =	simm.s32 $0x100;
	[sflag:s1] =	ssyncset.done $0x0;
	s24 =	rddreg [dreg:$0x7]  }
0xc6: {  	s11 =	simm.s32 $0x4;
	[sflag:s1] =	ssyncadd.s32 $0xFFFFFC00;
	s0 =	sadd.s32 s24, s10  }
0xc7: {  	[tilespmem:s8], [sflag:$0x1] =	stream.strided.gather [hbm4b:s0+s20], $0x200, s6, s20, $0x38;
	[tilespmem:$0x4F80] =	vst v63  }
0xc8: {  	_ =	swait.ge [sflag:s11], $0x200  }
0xc9: {  	[sflag:s11] =	ssyncset.done $0x0  }
0xca: {  	s5 =	simm.s32 $0x600;
	s1 =	simm.s32 $0x1400;
	[sflag:s11] =	ssyncadd.s32 $0xFFFFFE00  }
0xcb: {  	[tilespmem:s1], [sflag:$0x8] =	stream.indirect.gather [spmem:s2], $0x8, s5, s28, $0xb8;
	[tilespmem:$0x4F80] =	vst v63  }
0xcc: {  	s14 =	simm.s32 $0x680;
	s23 =	simm.s32 $0x2400  }
0xcd: {  	[tilespmem:s23], [sflag:$0x8] =	stream.indirect.gather [spmem:s2], $0x8, s14, s28, $0xb8;
	[tilespmem:$0x4F80] =	vst v63  }
0xce: {  	s16 =	simm.s32 $0x1000;
	s15 =	simm.s32 $0x500  }
0xcf: {  	[spmem:s3] =	stream.indirect.scatter.add.f32 [tilespmem:s16], [sflag:$0xB], $0x8, s15, s28, $0xb8;
	[tilespmem:$0x4F80] =	vst v63  }
0xd0: {  	s21 =	simm.s32 $0x2000;
	s19 =	simm.s32 $0x580;
	s31 =	simm.s32 $0x8  }
0xd1: {  	[spmem:s3] =	stream.indirect.scatter.add.f32 [tilespmem:s21], [sflag:$0xB], $0x8, s19, s28, $0xb8;
	[tilespmem:$0x4F80] =	vst v63  }
0xd2: {  	_ =	swait.ge [sflag:s31], $0x400  }
0xd3: {  	[sflag:s31] =	ssyncset.done $0x0  }
0xd4: {  	[sflag:s31] =	ssyncadd.s32 $0xFFFFFC00  }
0xd5: {  	_ =	swait.ge [sflag:s31], $0x400  }
0xd6: {  	[sflag:s31] =	ssyncset.done $0x0  }
0xd7: {  	s7 =	simm.s32 $0xA;
	[sflag:s31] =	ssyncadd.s32 $0xFFFFFC00  }
0xd8: {  	_ =	swait.ge [sflag:s7], $0x400  }
0xd9: {  	[sflag:s7] =	ssyncset.done $0x0  }
0xda: {  	[sflag:s7] =	ssyncadd.s32 $0xFFFFFC00  }
0xdb: {  	_ =	swait.ge [sflag:s7], $0x400  }
0xdc: {  	[sflag:s7] =	ssyncset.done $0x0  }
0xdd: {  	s9 =	simm.s32 $0x1;
	s31 =	simm.s32 $0x200;
	[sflag:s7] =	ssyncadd.s32 $0xFFFFFC00  }
0xde: {  	[tilespmem:s31], [sflag:$0x2] =	stream.strided.gather [hbm4b:s25+s20], $0x200, s6, s20, $0x38;
	[tilespmem:$0x4F80] =	vst v63  }
0xdf: {  	_ =	swait.ge [sflag:s9], $0x200  }
0xe0: {  	[sflag:s9] =	ssyncset.done $0x0  }
0xe1: {  	s19 =	simm.s32 $0x800;
	[sflag:s9] =	ssyncadd.s32 $0xFFFFFE00  }
0xe2: {  	[tilespmem:s19], [sflag:$0x5] =	stream.indirect.gather [spmem:s2], $0x8, s8, s28, $0xb8;
	[tilespmem:$0x4F80] =	vst v63  }
0xe3: {  	s14 =	simm.s32 $0x1800  }
0xe4: {  	[tilespmem:s14], [sflag:$0x5] =	stream.indirect.gather [spmem:s2], $0x8, s28, s28, $0xb8;
	[tilespmem:$0x4F80] =	vst v63  }
0xe5: {  	s10 =	rddreg [dreg:$0x5]  }
0xe6: {  	[spmem:s3] =	stream.indirect.scatter.add.f32 [tilespmem:s1], [sflag:$0xC], $0x8, s10, s28, $0xb8;
	[tilespmem:$0x4F80] =	vst v63  }
0xe7: {  	s15 =	rddreg [dreg:$0x6]  }
0xe8: {  	[spmem:s3] =	stream.indirect.scatter.add.f32 [tilespmem:s23], [sflag:$0xC], $0x8, s15, s28, $0xb8;
	[tilespmem:$0x4F80] =	vst v63  }
0xe9: {  	_ =	swait.ge [sflag:s13], $0x400  }
0xea: {  	[sflag:s13] =	ssyncset.done $0x0  }
0xeb: {  	[sflag:s13] =	ssyncadd.s32 $0xFFFFFC00  }
0xec: {  	_ =	swait.ge [sflag:s13], $0x400  }
0xed: {  	[sflag:s13] =	ssyncset.done $0x0  }
0xee: {  	[sflag:s13] =	ssyncadd.s32 $0xFFFFFC00  }
0xef: {  	_ =	swait.ge [sflag:s22], $0x400  }
0xf0: {  	[sflag:s22] =	ssyncset.done $0x0  }
0xf1: {  	[sflag:s22] =	ssyncadd.s32 $0xFFFFFC00  }
0xf2: {  	_ =	swait.ge [sflag:s22], $0x400  }
0xf3: {  	[sflag:s22] =	ssyncset.done $0x0  }
0xf4: {  	s9 =	simm.s32 $0x400;
	s23 =	simm.s32 $0x2;
	[sflag:s22] =	ssyncadd.s32 $0xFFFFFC00  }
0xf5: {  	[tilespmem:s9], [sflag:$0x3] =	stream.strided.gather [hbm4b:s4+s20], $0x200, s6, s20, $0x38;
	[tilespmem:$0x4F80] =	vst v63  }
0xf6: {  	_ =	swait.ge [sflag:s23], $0x200  }
0xf7: {  	[sflag:s23] =	ssyncset.done $0x0  }
0xf8: {  	s15 =	simm.s32 $0xC00;
	[sflag:s23] =	ssyncadd.s32 $0xFFFFFE00  }
0xf9: {  	[tilespmem:s15], [sflag:$0x6] =	stream.indirect.gather [spmem:s2], $0x8, s31, s28, $0xb8;
	[tilespmem:$0x4F80] =	vst v63  }
0xfa: {  	s31 =	simm.s32 $0x280  }
0xfb: {  	[tilespmem:s26], [sflag:$0x6] =	stream.indirect.gather [spmem:s2], $0x8, s31, s28, $0xb8;
	[tilespmem:$0x4F80] =	vst v63  }
0xfc: {  	_ = 	snop  }
0xfd: {  	[spmem:s3] =	stream.indirect.scatter.add.f32 [tilespmem:s19], [sflag:$0x9], $0x8, s20, s28, $0xb8;
	[tilespmem:$0x4F80] =	vst v63  }
0xfe: {  	s8 =	simm.s32 $0x180  }
0xff: {  	[spmem:s3] =	stream.indirect.scatter.add.f32 [tilespmem:s14], [sflag:$0x9], $0x8, s8, s28, $0xb8;
	[tilespmem:$0x4F80] =	vst v63  }
0x100: {  	_ =	swait.ge [sflag:s18], $0x400  }
0x101: {  	[sflag:s18] =	ssyncset.done $0x0  }
0x102: {  	[sflag:s18] =	ssyncadd.s32 $0xFFFFFC00  }
0x103: {  	_ =	swait.ge [sflag:s18], $0x400  }
0x104: {  	[sflag:s18] =	ssyncset.done $0x0  }
0x105: {  	[sflag:s18] =	ssyncadd.s32 $0xFFFFFC00  }
0x106: {  	_ =	swait.ge [sflag:s12], $0x400  }
0x107: {  	[sflag:s12] =	ssyncset.done $0x0  }
0x108: {  	s30 =	smov.u32 s17;
	[sflag:s12] =	ssyncadd.s32 $0xFFFFFC00  }
0x109: {  	s23 =	smin.u32 s30, $0x1F;
	_ =	swait.ge [sflag:s12], $0x400  }
0x10a: {  	s8 =	sshll.u32 s23, $0x8;
	s19 =	rddreg [dreg:$0x4]  }
0x10b: {  	p1 =	sne.s32 s17, $0x20;
	s0 =	sadd.s32 s8, s19  }
0x10c: {  	s17 =	sadd.s32 $0x4, s17;
	[sflag:s12] =	ssyncset.done $0x0;
	s0 =	sshrl.u32 s0, $0x3  }
0x10d: {  	[sflag:s12] =	ssyncadd.s32 $0xFFFFFC00;
	s0 =	sadd.s32 s24, s0;
	s24 =	simm.s32 $0x3  }
0x10e: {  	[tilespmem:s5], [sflag:$0x4] =	stream.strided.gather [hbm4b:s0+s20], $0x200, s6, s20, $0x38;
	[tilespmem:$0x4F80] =	vst v63  }
0x10f: {  	s29 =	sadd.s32 $0x400, s29;
	s11 =	simm.s32 $0x0;
	_ =	swait.ge [sflag:s24], $0x200  }
0x110: {  	s7 =	simm.s32 $0x1400;
	s25 =	sadd.s32 $0x80, s25;
	[sflag:s24] =	ssyncset.done $0x0  }
0x111: {  	s10 =	simm.s32 $0x2400;
	s1 =	simm.s32 $0x1C00;
	[sflag:s24] =	ssyncadd.s32 $0xFFFFFE00  }
0x112: {  	[tilespmem:s16], [sflag:$0x7] =	stream.indirect.gather [spmem:s2], $0x8, s9, s28, $0xb8;
	[tilespmem:$0x4F80] =	vst v63  }
.Ltmp0:
0x113: {  	s4 =	sadd.s32 $0x80, s4;
	s30 =	simm.s32 $0x480;
	(pc) =	sbr.rel @p1 .LBB2_2-.Ltmp0, $4  }
0x114: {  	s26 =	simm.s32 $0x4E200;
	s31 =	simm.s32 $0x300;
	s23 =	simm.s32 $0x100  }
0x115: {  	[tilespmem:s21], [sflag:$0x7] =	stream.indirect.gather [spmem:s2], $0x8, s30, s28, $0xb8;
	[tilespmem:$0x4F80] =	vst v63  }
0x116: {  	s8 =	simm.s32 $0x600;
	s5 =	simm.s32 $0x1000;
	s6 =	simm.s32 $0x2000  }
0x117: {  	[spmem:s3] =	stream.indirect.scatter.add.f32 [tilespmem:s15], [sflag:$0xA], $0x8, s31, s28, $0xb8;
	[tilespmem:$0x4F80] =	vst v63  }
0x118: {  	s0 =	simm.s32 $0x380;
	s9 =	simm.s32 $0x7  }
0x119: {  	[spmem:s3] =	stream.indirect.scatter.add.f32 [tilespmem:s1], [sflag:$0xA], $0x8, s0, s28, $0xb8;
	[tilespmem:$0x4F80] =	vst v63  }
0x11a: {  	_ =	swait.ge [sflag:s9], $0x400  }
0x11b: {  	[sflag:s9] =	ssyncset.done $0x0  }
0x11c: {  	[sflag:s9] =	ssyncadd.s32 $0xFFFFFC00  }
0x11d: {  	_ =	swait.ge [sflag:s9], $0x400  }
0x11e: {  	[sflag:s9] =	ssyncset.done $0x0  }
0x11f: {  	s13 =	simm.s32 $0x9;
	[sflag:s9] =	ssyncadd.s32 $0xFFFFFC00  }
0x120: {  	_ =	swait.ge [sflag:s13], $0x400  }
0x121: {  	[sflag:s13] =	ssyncset.done $0x0  }
0x122: {  	[sflag:s13] =	ssyncadd.s32 $0xFFFFFC00  }
0x123: {  	_ =	swait.ge [sflag:s13], $0x400  }
0x124: {  	[sflag:s13] =	ssyncset.done $0x0  }
0x125: {  	s15 =	simm.s32 $0x4;
	s14 =	rddreg [dreg:$0x10];
	[sflag:s13] =	ssyncadd.s32 $0xFFFFFC00  }
0x126: {  	[tilespmem:s11], [sflag:$0x1] =	stream.strided.gather [hbm4b:s14+s23], $0x200, s26, s23, $0x38;
	[tilespmem:$0x4F80] =	vst v63  }
0x127: {  	_ =	swait.ge [sflag:s15], $0x200  }
0x128: {  	[sflag:s15] =	ssyncset.done $0x0  }
0x129: {  	[sflag:s15] =	ssyncadd.s32 $0xFFFFFE00  }
0x12a: {  	[tilespmem:s7], [sflag:$0x8] =	stream.indirect.gather [spmem:s2], $0x8, s8, s28, $0xb8;
	[tilespmem:$0x4F80] =	vst v63  }
0x12b: {  	s16 =	simm.s32 $0x680  }
0x12c: {  	[tilespmem:s10], [sflag:$0x8] =	stream.indirect.gather [spmem:s2], $0x8, s16, s28, $0xb8;
	[tilespmem:$0x4F80] =	vst v63  }
0x12d: {  	s17 =	simm.s32 $0x500  }
0x12e: {  	[spmem:s3] =	stream.indirect.scatter.add.f32 [tilespmem:s5], [sflag:$0xB], $0x8, s17, s28, $0xb8;
	[tilespmem:$0x4F80] =	vst v63  }
0x12f: {  	s18 =	simm.s32 $0x580;
	s19 =	simm.s32 $0xA  }
0x130: {  	[spmem:s3] =	stream.indirect.scatter.add.f32 [tilespmem:s6], [sflag:$0xB], $0x8, s18, s28, $0xb8;
	[tilespmem:$0x4F80] =	vst v63  }
0x131: {  	_ =	swait.ge [sflag:s19], $0x400  }
0x132: {  	[sflag:s19] =	ssyncset.done $0x0  }
0x133: {  	[sflag:s19] =	ssyncadd.s32 $0xFFFFFC00  }
0x134: {  	_ =	swait.ge [sflag:s19], $0x400  }
0x135: {  	[sflag:s19] =	ssyncset.done $0x0  }
0x136: {  	[sflag:s19] =	ssyncadd.s32 $0xFFFFFC00  }
0x137: {  	_ =	swait.ge [sflag:s22], $0x400  }
0x138: {  	[sflag:s22] =	ssyncset.done $0x0  }
0x139: {  	[sflag:s22] =	ssyncadd.s32 $0xFFFFFC00  }
0x13a: {  	_ =	swait.ge [sflag:s22], $0x400  }
0x13b: {  	[sflag:s22] =	ssyncset.done $0x0  }
0x13c: {  	s20 =	simm.s32 $0x8;
	[sflag:s22] =	ssyncadd.s32 $0xFFFFFC00  }
0x13d: {  	_ =	swait.ge [sflag:s20], $0x400  }
0x13e: {  	[sflag:s20] =	ssyncset.done $0x0  }
0x13f: {  	[sflag:s20] =	ssyncadd.s32 $0xFFFFFC00  }
0x140: {  	_ =	swait.ge [sflag:s20], $0x400  }
0x141: {  	[sflag:s20] =	ssyncset.done $0x0  }
0x142: {  	s21 =	simm.s32 $0x1;
	[sflag:s20] =	ssyncadd.s32 $0xFFFFFC00  }
0x143: {  	_ =	swait.ge [sflag:s21], $0x200  }
0x144: {  	[sflag:s21] =	ssyncset.done $0x0  }
0x145: {  	s0 =	simm.s32 @!p0 $0x0;
	s4 =	rddreg [dreg:$0x11];
	[sflag:s21] =	ssyncadd.s32 $0xFFFFFE00  }
0x146: {  	[tilespmem:s0], [sflag:$0xD] =	stream.linear.gather @!p0 [hbm4b:s4+s0], $0x80, $0x38;
	[tilespmem:$0x4F80] =	vst v63  }
0x147: {  	s8 =	simm.s32 @!p0 $0x100;
	s4 =	sadd.s32 @!p0 $0x9C40, s4  }
0x148: {  	[tilespmem:s8], [sflag:$0xD] =	stream.linear.gather @!p0 [hbm4b:s4+s0], $0x80, $0x38;
	[tilespmem:$0x4F80] =	vst v63  }
0x149: {  	s4 =	simm.s32 @!p0 $0xD  }
0x14a: {  	_ =	swait.ge @!p0 [sflag:s4], $0x100  }
0x14b: {  	[sflag:s4] =	ssyncset.done @!p0 $0x0  }
0x14c: {  	s25 =	simm.s32 @!p0 $0x800;
	s17 =	simm.s32 @!p0 $0x80;
	[sflag:s4] =	ssyncadd.s32 @!p0 $0xFFFFFF00  }
0x14d: {  	[tilespmem:s25], [sflag:$0x5] =	stream.indirect.gather @!p0 [spmem:s2], $0x8, s0, s17, $0xb8;
	[tilespmem:$0x4F80] =	vst v63  }
0x14e: {  	s0 =	simm.s32 @!p0 $0x5  }
0x14f: {  	_ =	swait.ge @!p0 [sflag:s0], $0x400  }
0x150: {  	[sflag:s0] =	ssyncset.done @!p0 $0x0  }
0x151: {  	[sflag:s0] =	ssyncadd.s32 @!p0 $0xFFFFFC00  }
0x152: {  	[spmem:s3] =	stream.indirect.scatter.add.f32 @!p0 [tilespmem:s25], [sflag:$0xD], $0x8, s8, s17, $0xb8;
	[tilespmem:$0x4F80] =	vst v63  }
0x153: {  	_ =	swait.ge @!p0 [sflag:s4], $0x400  }
0x154: {  	[sflag:s4] =	ssyncset.done @!p0 $0x0  }
0x155: {  	[sflag:s4] =	ssyncadd.s32 @!p0 $0xFFFFFC00  }
0x156: {  	[bflag:$0x0] =	sbarrier.arrive $0xFFFF  }
0x157: {  	s17 =	rddreg [dreg:$0x9]  }
0x158: {  	s23 =	rddreg [dreg:$0x12]  }
0x159: {  	s8 =	simm.s32 $0xD;
	s24 =	rddreg [dreg:$0x19]  }
0x15a: {  	[hbm:s23], [sflag:s17] =	dma.local [spmem:s24], $0x278  }
0x15b: {  	_ =	swait.ge [sflag:s8], $0x278  }
0x15c: {  	s25 =	rddreg [dreg:$0x18]  }
0x15d: {  	s26 =	rddreg [dreg:$0x13];
	s1 =	sadd.s32 $0x1, s25  }
0x15e: {  	s30 =	simm.s32 $0x180;
	s29 =	simm.s32 $0x300;
	p1 =	sne.s32 s1, s26  }
.Ltmp1:
0x15f: {  	s13 =	simm.s32 $0x5;
	s14 =	simm.s32 $0x2;
	(pc) =	sbr.rel @p1 .LBB2_1-.Ltmp1, $4  }
0x160: {  	s11 =	simm.s32 $0x3;
	s7 =	simm.s32 $0x400;
	s16 =	simm.s32 $0x800  }
0x161: {  	s10 =	simm.s32 $0xC00;
	s6 =	simm.s32 $0x200;
	s18 =	simm.s32 $0x6  }
0x162: {  	s20 =	simm.s32 $0x480;
	s21 =	simm.s32 $0x1800;
	[sflag:s8] =	ssyncset.done $0x0  }
0x163: {  	s31 =	rddreg [dreg:$0x7];
	[sflag:s8] =	ssyncadd.s32 $0xFFFFFD88;
	s25 =	simm.s32 $0x280  }
0x164: {  	_ =	sfence.sel $0x180000  }
0x165: {  	[bflag:$0x0] =	sbarrier.arrive $0xFFFF  }
0x166: {  	_ =	strace $0x9000004D  }
0x167: {  	s0 =	stileid.u32;
	[bflag:$0x2] =	sbarrier.arrive $0xFFFF  }
0x168: {  	p0 =	sne.s32 s0, $0x0;
	s0 =	rddreg [dreg:$0x3]  }
0x169: {  	s0 =	sadd.s32 @!p0 $0x100000, s0  }
0x16a: {  	[sflag:s0] =	ssyncadd.tile.s32 @!p0 $0x1;
	_ =	shalt  }
.Lfunc_end2:
_tile_overlayer_lowered:
.L_overlay_start_2:
0x16b: {  	(tag) =	ssettag $0x2  }
0x16c: {  	s0 =	rddreg [dreg:$0x0];
	s2 =	stileid.u32  }
0x16d: {  	s1 =	rddreg [dreg:$0x1];
	p0 =	sne.s32 s2, $0x0  }
0x16e: {  	s3 =	rddreg [dreg:$0x2];
	[bflag:$0x3] =	sbarrier.arrive $0xFFFF;
	s2 =	simm.s32 @!p0 $0x1C0D  }
0x16f: {  	[timem:s3], [sflag:s2] =	dma.local @!p0 [hbm:s0], s1  }
0x170: {  	s0 =	simm.s32 @!p0 $0xD  }
0x171: {  	_ =	swait.ge @!p0 [sflag:s0], s1  }
0x172: {  	s1 =	ssub.s32 @!p0 $0x0, s1;
	[sflag:s0] =	ssyncset.done @!p0 $0x0  }
0x173: {  	[sflag:s0] =	ssyncadd.s32 @!p0 s1  }
0x174: {  	[bflag:$0x3] =	sbarrier.arrive $0xFFFF  }
0x175: {  	_ =	shalt  }

// kernel: kernel.8.cloned.1.call-start
scs
__scs_entry_jumppad:
0x0: {  	(pc) =	sbr.rel $0x88, $3  }
0x1: {  	(tag) =	ssettag $0x0;
	lr =	simm.s32 $0x1  }
0x2: {  	[smem:$0x3F96] =	sst lr;
	_ =	strace $0xD0000000  }
0x3: {  	_ = 	snop  }
0x4: {  	_ = 	snop  }
0x5: {  	_ = 	snop  }
0x6: {  	_ = 	snop  }
0x7: {  	_ = 	snop  }
__scs_overlays_trampoline_lowered:
0x8: {  	[smem:$0x3FA5] =	sst s0  }
0x9: {  	[smem:$0x3FA6] =	sst s1  }
0xa: {  	[smem:$0x3FA7] =	sst s2  }
0xb: {  	[smem:$0x3FA8] =	sst s3  }
0xc: {  	[smem:$0x3FA9] =	sst s4  }
0xd: {  	[smem:$0x3FAA] =	sst s5  }
0xe: {  	[smem:$0x3FAB] =	sst s6  }
0xf: {  	[smem:$0x3FAC] =	sst s7  }
0x10: {  	[smem:$0x3FAD] =	sst s8  }
0x11: {  	[smem:$0x3FAE] =	sst s9;
	s0 =	simm.s32 @!p0 $0x0  }
0x12: {  	s1 =	sld [smem:$0x3F94];
	s0 =	simm.s32 @p0 $0x1  }
0x13: {  	[smem:$0x3FAF] =	sst s0;
	s0 =	simm.s32 @!p1 $0x0  }
0x14: {  	s2 =	sld [smem:$0x3F93];
	s0 =	simm.s32 @p1 $0x1  }
0x15: {  	[smem:$0x3FB0] =	sst s0;
	s0 =	simm.s32 @!p2 $0x0  }
0x16: {  	s3 =	sld [smem:$0x3FDB];
	s0 =	simm.s32 @p2 $0x1  }
0x17: {  	s4 =	simm.s32 $0x1BF5;
	[smem:$0x3FB2] =	sst s0  }
0x18: {  	s0 =	sld [smem:$0x3F95];
	_ =	swait.ge [sflag:s4], $0x0  }
0x19: {  	s7 =	sld [smem:$0x3F96]  }
0x1a: {  	s8 =	sadd.s32 $0xFFFFE003, lr  }
0x1b: {  	s9 =	sadd.s32 $0xFFFFFEF7, lr;
	s5 =	simm.s32 $0xFFFFFFFF;
	p2 =	slt.u32 s8, $0xFFFFF086  }
0x1c: {  	p1 =	slt.u32 s9, $0xF7A;
	s5 =	simm.s32 @!p2 $0x0  }
0x1d: {  	s5 =	simm.s32 @p1 $0x1;
	p0 =	seq.s32 s7, s2  }
0x1e: {  	s7 =	smul.u32 @!p0 $0xF7A, s2;
	p2 =	seq.s32 @!p0 s5, $0x0  }
0x1f: {  	s9 =	smul.u32 $0xF7A, s1;
	s8 =	simm.s32 @!p0 $0x1BF5;
	p2 =	por !p2, p0  }
0x20: {  	[sflag:s8] =	ssyncset.s32 @!p0 $0xFFFFF086;
	s6 =	sadd.s32 @!p0 s3, s7;
	s7 =	simm.s32 @!p0 $0x108  }
0x21: {  	s3 =	sadd.s32 s3, s9;
	s6 =	sadd.s32 @!p0 $0x88, s6;
	s7 =	simm.s32 @p2 $0x1082  }
0x22: {  	[simem:s7], [sflag:s8] =	dma.local @!p0 [hbm:s6], $0xF7A  }
0x23: {  	s9 =	sor.u32 $0xD0000000, s2;
	s6 =	simm.s32 $0x108;
	_ =	swait.ge @!p0 [sflag:s8], $0x0  }
0x24: {  	s3 =	sadd.s32 $0x88, s3;
	s6 =	simm.s32 @!p1 $0x1082;
	[sflag:s4] =	ssyncset.s32 $0xFFFFF086  }
0x25: {  	[simem:s6], [sflag:s4] =	dma.local [hbm:s3], $0xF7A  }
0x26: {  	[smem:$0x3F96] =	sst s1;
	(tag) =	ssettag s2;
	_ =	strace s9  }
0x27: {  	s1 =	sld [smem:$0x3FA6]  }
0x28: {  	s2 =	sld [smem:$0x3FA7]  }
0x29: {  	s4 =	sld [smem:$0x3FA9]  }
0x2a: {  	p0 =	seq.s32 s5, $0x0;
	s5 =	sld [smem:$0x3FAA]  }
0x2b: {  	s6 =	sld [smem:$0x3FAB]  }
0x2c: {  	s7 =	sld [smem:$0x3FAC]  }
0x2d: {  	s3 =	simm.s32 $0x108;
	s8 =	sld [smem:$0x3FAD]  }
0x2e: {  	s3 =	simm.s32 @!p0 $0x1082;
	s9 =	sld [smem:$0x3FAE]  }
0x2f: {  	lr =	sadd.s32 s0, s3;
	s0 =	sld [smem:$0x3FA5]  }
0x30: {  	s3 =	sld [smem:$0x3FA8]  }
0x31: {  	[smem:$0x3FB1] =	sst s10  }
0x32: {  	s10 =	sld [smem:$0x3FAF];
	_ =	sdelay $0x3  }
0x33: {  	p0 =	seq.s32 s10, $0x1;
	s10 =	sld [smem:$0x3FB1];
	_ =	sdelay $0x3  }
0x34: {  	[smem:$0x3FB1] =	sst s10  }
0x35: {  	s10 =	sld [smem:$0x3FB0];
	_ =	sdelay $0x3  }
0x36: {  	p1 =	seq.s32 s10, $0x1;
	s10 =	sld [smem:$0x3FB1];
	_ =	sdelay $0x3  }
0x37: {  	[smem:$0x3FB1] =	sst s10  }
0x38: {  	s10 =	sld [smem:$0x3FB2]  }
0x39: {  	_ = 	snop;
	(pc) =	sbr.ind lr, $3  }
0x3a: {  	_ = 	snop  }
0x3b: {  	_ = 	snop  }
0x3c: {  	p2 =	seq.s32 s10, $0x1;
	s10 =	sld [smem:$0x3FB1]  }
0x3d: {  	_ =	shalt  }
0x3e: {  	_ =	shalt  }
0x3f: {  	_ =	shalt  }
0x40: {  	_ =	shalt  }
0x41: {  	_ =	shalt  }
0x42: {  	_ =	shalt  }
0x43: {  	_ =	shalt  }
0x44: {  	_ =	shalt  }
0x45: {  	_ =	shalt  }
0x46: {  	_ =	shalt  }
0x47: {  	_ =	shalt  }
0x48: {  	_ =	shalt  }
0x49: {  	_ =	shalt  }
0x4a: {  	_ =	shalt  }
0x4b: {  	_ =	shalt  }
0x4c: {  	_ =	shalt  }
0x4d: {  	_ =	shalt  }
0x4e: {  	_ =	shalt  }
0x4f: {  	_ =	shalt  }
0x50: {  	_ =	shalt  }
0x51: {  	_ =	shalt  }
0x52: {  	_ =	shalt  }
0x53: {  	_ =	shalt  }
0x54: {  	_ =	shalt  }
0x55: {  	_ =	shalt  }
0x56: {  	_ =	shalt  }
0x57: {  	_ =	shalt  }
0x58: {  	_ =	shalt  }
0x59: {  	_ =	shalt  }
0x5a: {  	_ =	shalt  }
0x5b: {  	_ =	shalt  }
0x5c: {  	_ =	shalt  }
0x5d: {  	_ =	shalt  }
0x5e: {  	_ =	shalt  }
0x5f: {  	_ =	shalt  }
0x60: {  	_ =	shalt  }
0x61: {  	_ =	shalt  }
0x62: {  	_ =	shalt  }
0x63: {  	_ =	shalt  }
0x64: {  	_ =	shalt  }
0x65: {  	_ =	shalt  }
0x66: {  	_ =	shalt  }
0x67: {  	_ =	shalt  }
0x68: {  	_ =	shalt  }
0x69: {  	_ =	shalt  }
0x6a: {  	_ =	shalt  }
0x6b: {  	_ =	shalt  }
0x6c: {  	_ =	shalt  }
0x6d: {  	_ =	shalt  }
0x6e: {  	_ =	shalt  }
0x6f: {  	_ =	shalt  }
0x70: {  	_ =	shalt  }
0x71: {  	_ =	shalt  }
0x72: {  	_ =	shalt  }
0x73: {  	_ =	shalt  }
0x74: {  	_ =	shalt  }
0x75: {  	_ =	shalt  }
0x76: {  	_ =	shalt  }
0x77: {  	_ =	shalt  }
0x78: {  	_ =	shalt  }
0x79: {  	_ =	shalt  }
0x7a: {  	_ =	shalt  }
0x7b: {  	_ =	shalt  }
0x7c: {  	_ =	shalt  }
0x7d: {  	_ =	shalt  }
0x7e: {  	_ =	shalt  }
0x7f: {  	_ =	shalt  }
0x80: {  	_ =	shalt  }
0x81: {  	_ =	shalt  }
0x82: {  	_ =	shalt  }
0x83: {  	_ =	shalt  }
0x84: {  	_ =	shalt  }
0x85: {  	_ =	shalt  }
0x86: {  	_ =	shalt  }
0x87: {  	_ =	shalt  }
.Lfunc_end0:
.L_simem_size_0:
called_computation_lowered:
.L_overlay_start_0:
0x88: {  	s2 =	sld [smem:$0x3FD9]  }
0x89: {  	s3 =	sld [smem:$0x3FFE];
	_ =	sdelay $0x1  }
0x8a: {  	s1 =	srdreg.scid  }
0x8b: {  	s0 =	sand.u32 $0x1, s1  }
0x8c: {  	s16 =	sshll.u32 s0, $0xA;
	s2 =	sadd.s32 s3, s2  }
0x8d: {  	s2 =	sadd.s32 s2, s16  }
0x8e: {  	[smem:$0x3FBD] =	sst s2  }
0x8f: {  	_ = 	snop  }
0x90: {  	(tm) =	ssettm $0x1  }
0x91: {  	s17 =	sld [smem:$0x3FFB];
	_ =	sdelay $0x3  }
0x92: {  	_ =	strace s17  }
0x93: {  	s2 =	sld [smem:$0x3FFC];
	_ =	sdelay $0x3  }
0x94: {  	_ =	strace s2  }
0x95: {  	s2 =	sld [smem:$0x3FFD];
	_ =	sdelay $0x3  }
0x96: {  	_ =	strace s2  }
0x97: {  	_ =	strace $0x8FFFFFFF  }
0x98: {  	s18 =	sld [smem:$0x3FDB];
	_ =	sdelay $0x1  }
0x99: {  	s19 =	simm.s32 $_scs_section_size  }
0x9a: {  	s4 =	simm.s32 $_size__tile_overlayer_lowered;
	s5 =	simm.s32 $_tile_overlayer_lowered  }
0x9b: {  	s22 =	simm.s32 $0x1BFF;
	s21 =	sshll.u32 s5, $0x1;
	s2 =	sadd.s32 s19, s18  }
0x9c: {  	s6 =	simm.s32 $0x0;
	s20 =	sshll.u32 s4, $0x1;
	s4 =	sadd.s32 s21, s2  }
0x9d: {  	[timem:s6], [sflag:s22] =	dma.local [hbm:s4], s20  }
0x9e: {  	_ =	swait.ge [sflag:s22], s20  }
0x9f: {  	s3 =	ssub.s32 $0x0, s20;
	[sflag:s22] =	ssyncset.done $0x0  }
0xa0: {  	[sflag:s22] =	ssyncadd.s32 s3;
	_ =	sdelay $0x1  }
0xa1: {  	s23 =	simm.s32 $0x1B8B  }
0xa2: {  	_ =	swait.ge [sflag:s23], $0x1  }
0xa3: {  	[sflag:s23] =	ssyncset.done $0x0  }
0xa4: {  	s25 =	simm.s32 $0x1B8E;
	s24 =	sld [smem:$0x3FFE];
	[sflag:s23] =	ssyncadd.s32 $0xFFFFFFFF  }
0xa5: {  	s26 =	simm.s32 $execute0_lowered;
	[smem:$0x3FD2] =	sst s25  }
0xa6: {  	s4 =	sshll.u32 s26, $0x1;
	_ =	strace $0x80000046;
	[dreg:$0x1] =	wrdreg $0xFFFFFFFF  }
0xa7: {  	s28 =	simm.s32 $_size_execute0_lowered;
	s2 =	sadd.s32 s2, s4;
	[dreg:$0x0] =	wrdreg $0x0  }
0xa8: {  	s4 =	sshll.u32 s28, $0x1;
	[dreg:$0x2] =	wrdreg s2  }
0xa9: {  	[dreg:$0x3] =	wrdreg s4  }
0xaa: {  	[dreg:$0x4] =	wrdreg $0xC0  }
0xab: {  	_ =	task [dreg:s6], $0x5FFFF  }
0xac: {  	[dreg:$0x1] =	wrdreg $0xFFFFFFFF  }
0xad: {  	[dreg:$0x0] =	wrdreg $0x60  }
0xae: {  	[dreg:$0x2] =	wrdreg s24  }
0xaf: {  	[dreg:$0x3] =	wrdreg $0x8000  }
0xb0: {  	[dreg:$0x4] =	wrdreg $0x9  }
0xb1: {  	_ =	task.clear_ibuf [dreg:s6], $0x5FFFF;
	_ =	strace $0x90000046  }
0xb2: {  	s29 =	simm.s32 $0x9;
	_ =	strace $0x80000048  }
0xb3: {  	_ =	swait.ge [sflag:s29], $0x1  }
0xb4: {  	[sflag:s29] =	ssyncadd.s32 $0xFFFFFFFF  }
0xb5: {  	_ =	strace $0x90000048  }
0xb6: {  	_ =	sfence  }
0xb7: {  	s30 =	sld [smem:$0x0];
	_ =	sdelay $0x2  }
0xb8: {  	s31 =	sshll.u32 s1, $0xD;
	s1 =	sshrl.u32 s1, $0x2  }
0xb9: {  	s3 =	sand.u32 $0x4000, s31;
	s1 =	sadd.s32 s1, s30  }
0xba: {  	s0 =	sor.u32 s3, s0;
	s1 =	sshll.u32 s1, $0x11  }
0xbb: {  	s0 =	sor.u32 s1, s0  }
0xbc: {  	s0 =	sadd.s32 $0x8F2B, s0  }
0xbd: {  	[sflag:s0] =	ssyncadd.remote.s32 $0x1  }
0xbe: {  	_ =	sfence.sel $0xFFFF  }
0xbf: {  	[dreg:$0x0] =	wrdreg $0xFFFFFFFF;
	(pc) =	sbr.abs _section_cstart, $3  }
0xc0: {  	[dreg:$0x1] =	wrdreg $0xFFFFFFFF  }
0xc1: {  	_ =	task.clear_ibuf [dreg:s6], $0x2FFFF;
	_ =	strace $0x9FFFFFFF  }
0xc2: {  	(tm) =	ssettm $0x7FFFFFFF  }
0xc3: {  	_ =	shalt  }
tec
execute0_lowered:
.L_overlay_start_1:
0x0: {  	(tag) =	ssettag $0x1  }
0x1: {  	s0 =	rddreg [dreg:$0x0]  }
0x2: {  	s2 =	rddreg [dreg:$0x1];
	s3 =	simm.s32 $0x0  }
0x3: {  	s12 =	stileid.u32;
	s1 =	srdreg.scid;
	s28 =	simm.s32 $0x300  }
0x4: {  	s29 =	simm.s32 $0x180;
	s30 =	simm.s32 $0x3;
	s31 =	simm.s32 $0x5  }
0x5: {  	[smem:$0x7FF] =	sst s3;
	s5 =	smul.u32 $0x13C0, s12;
	s1 =	sand.u32 $0x1, s1  }
0x6: {  	s4 =	sshll.u32 s12, $0x1;
	s6 =	smul.u32 $0x278, s12;
	s10 =	sadd.s32 $0x19600, s0  }
0x7: {  	s21 =	smul.u32 $0x4E00, s12;
	s26 =	sshll.u32 s12, $0x6;
	p0 =	sgt.u32 s12, $0x1  }
0x8: {  	_ =	strace $0x80000047;
	s7 =	sor.u32 s1, s4;
	s20 =	smul.u32 $0x2780, s1  }
0x9: {  	s4 =	sadd.s32 $0x3400, s0;
	s13 =	ssub.s32 $0x2, s1;
	s1 =	smul.u32 $0x2700, s1  }
0xa: {  	[dreg:$0x4] =	wrdreg s10;
	s8 =	sshrl.u32 s5, $0x3;
	s9 =	smul.u32 $0x2700, s7  }
0xb: {  	s14 =	sshrl.u32 s13, $0x1;
	s5 =	sadd.s32 s5, s2;
	s7 =	sshll.u32 s7, $0x4  }
0xc: {  	s8 =	sadd.s32 s8, s0;
	s0 =	sadd.s32 s6, s0;
	s6 =	ssub.s32 s13, s14  }
0xd: {  	[dreg:$0x5] =	wrdreg s5;
	s7 =	sadd.s32 s7, s4;
	s24 =	sadd.s32 s1, s21  }
0xe: {  	s21 =	sor.u32 $0x1C09, s26;
	s26 =	simm.s32 $0x2;
	s11 =	sshrl.u32 s9, $0x3  }
0xf: {  	s8 =	sadd.s32 $0x16E00, s8;
	s9 =	sadd.s32 $0x4E900, s9;
	s22 =	sadd.s32 $0x13840, s7  }
0x10: {  	s0 =	sadd.s32 s20, s0;
	s23 =	smax.u32 s6, $0x1;
	s1 =	sadd.s32 $0x4E800, s24  }
0x11: {  	s25 =	sadd.s32 $0x4E700, s24;
	s20 =	simm.s32 $0x9;
	[dreg:$0x6] =	wrdreg s8  }
0x12: {  	s6 =	simm.s32 $0x380;
	s7 =	simm.s32 $0x7;
	[dreg:$0x3] =	wrdreg s9  }
0x13: {  	s15 =	sadd.s32 s4, s11;
	[dreg:$0xc] =	wrdreg s22;
	s0 =	sadd.s32 $0x19800, s0  }
0x14: {  	[dreg:$0xe] =	wrdreg s23;
	s1 =	sshrl.u32 s1, $0x3;
	s22 =	simm.s32 $0x100  }
0x15: {  	s23 =	simm.s32 $0x1;
	s16 =	sadd.s32 $0x9C40, s15;
	[dreg:$0xd] =	wrdreg s0  }
0x16: {  	s8 =	simm.s32 $0x8;
	s17 =	sadd.s32 $0x9C60, s15;
	[dreg:$0x7] =	wrdreg s16  }
0x17: {  	s9 =	simm.s32 $0x0;
	s18 =	sadd.s32 $0x9C80, s15;
	[dreg:$0x8] =	wrdreg s17  }
0x18: {  	s19 =	sadd.s32 $0x9CA0, s15;
	s5 =	sadd.s32 $0xA100, s15;
	[dreg:$0x9] =	wrdreg s18  }
0x19: {  	s0 =	sadd.s32 $0x4E600, s24;
	s1 =	sadd.s32 s1, s4;
	[dreg:$0xa] =	wrdreg s19  }
0x1a: {  	s24 =	simm.s32 $0x200;
	[dreg:$0xb] =	wrdreg s5;
	s5 =	sshrl.u32 s25, $0x3  }
0x1b: {  	s0 =	sshrl.u32 s0, $0x3;
	[dreg:$0xf] =	wrdreg s1;
	s19 =	simm.s32 $0x400  }
0x1c: {  	s25 =	simm.s32 $0x80;
	s1 =	simm.s32 $0x4;
	s17 =	sadd.s32 s5, s4  }
0x1d: {  	s18 =	sadd.s32 s0, s4;
	s0 =	simm.s32 $0x280;
	s5 =	simm.s32 $0x6  }
.LBB2_1:
0x1e: {  	s10 =	rddreg [dreg:$0x4]  }
0x1f: {  	[tilespmem:s19], [sflag:$0x9] =	stream.linear.gather [hbm4b:s10+s3], $0x400, $0x38;
	[tilespmem:$0x1BC0] =	vst v63  }
0x20: {  	_ =	swait.ge [sflag:s20], $0x400  }
0x21: {  	[sflag:s20] =	ssyncset.done $0x0;
	s11 =	rddreg [dreg:$0x5]  }
0x22: {  	[sflag:s20] =	ssyncadd.s32 $0xFFFFFC00;
	s10 =	sshrl.u32 s11, $0x3;
	s11 =	rddreg [dreg:$0x6]  }
0x23: {  	[spmem:s10], [sflag:s21] =	dma.local [hbm:s11], $0x278  }
0x24: {  	_ =	swait.ge [sflag:s20], $0x278  }
0x25: {  	[sflag:s20] =	ssyncset.done $0x0  }
0x26: {  	[sflag:s20] =	ssyncadd.s32 $0xFFFFFD88  }
0x27: {  	[bflag:$0x0] =	sbarrier.arrive $0xFFFF  }
0x28: {  	s12 =	rddreg [dreg:$0x7]  }
0x29: {  	[tilespmem:s3], [sflag:$0x1] =	stream.linear.gather [hbm4b:s12+s3], $0x100, $0x38;
	[tilespmem:$0x1BC0] =	vst v63  }
0x2a: {  	s13 =	rddreg [dreg:$0x8]  }
0x2b: {  	[tilespmem:s22], [sflag:$0x2] =	stream.linear.gather [hbm4b:s13+s3], $0x100, $0x38;
	[tilespmem:$0x1BC0] =	vst v63  }
0x2c: {  	_ =	swait.ge [sflag:s23], $0x100  }
0x2d: {  	[sflag:s23] =	ssyncset.done $0x0  }
0x2e: {  	s14 =	rddreg [dreg:$0x9];
	[sflag:s23] =	ssyncadd.s32 $0xFFFFFF00  }
0x2f: {  	[tilespmem:s24], [sflag:$0x3] =	stream.linear.gather [hbm4b:s14+s3], $0x100, $0x38;
	[tilespmem:$0x1BC0] =	vst v63  }
0x30: {  	_ = 	snop  }
0x31: {  	[spmem:s2] =	stream.indirect.scatter.add.f32 [tilespmem:s19], [sflag:$0x5], $0x8, s3, s25, $0xb8;
	[tilespmem:$0x1BC0] =	vst v63  }
0x32: {  	_ = 	snop  }
0x33: {  	[spmem:s2] =	stream.indirect.scatter.add.f32 [tilespmem:s19], [sflag:$0x5], $0x8, s25, s25, $0xb8;
	[tilespmem:$0x1BC0] =	vst v63  }
0x34: {  	_ =	swait.ge [sflag:s26], $0x100  }
0x35: {  	[sflag:s26] =	ssyncset.done $0x0  }
0x36: {  	s15 =	rddreg [dreg:$0xa];
	[sflag:s26] =	ssyncadd.s32 $0xFFFFFF00  }
0x37: {  	[tilespmem:s28], [sflag:$0x4] =	stream.linear.gather [hbm4b:s15+s3], $0x100, $0x38;
	[tilespmem:$0x1BC0] =	vst v63  }
0x38: {  	_ = 	snop  }
0x39: {  	[spmem:s2] =	stream.indirect.scatter.add.f32 [tilespmem:s19], [sflag:$0x6], $0x8, s22, s25, $0xb8;
	[tilespmem:$0x1BC0] =	vst v63  }
0x3a: {  	_ = 	snop  }
0x3b: {  	[spmem:s2] =	stream.indirect.scatter.add.f32 [tilespmem:s19], [sflag:$0x6], $0x8, s29, s25, $0xb8;
	[tilespmem:$0x1BC0] =	vst v63  }
0x3c: {  	_ =	swait.ge [sflag:s30], $0x100  }
0x3d: {  	[sflag:s30] =	ssyncset.done $0x0  }
0x3e: {  	[sflag:s30] =	ssyncadd.s32 $0xFFFFFF00  }
0x3f: {  	_ =	swait.ge [sflag:s31], $0x400  }
0x40: {  	[sflag:s31] =	ssyncset.done $0x0  }
0x41: {  	[sflag:s31] =	ssyncadd.s32 $0xFFFFFC00  }
0x42: {  	_ =	swait.ge [sflag:s31], $0x400  }
0x43: {  	[sflag:s31] =	ssyncset.done $0x0  }
0x44: {  	[sflag:s31] =	ssyncadd.s32 $0xFFFFFC00  }
0x45: {  	[tilespmem:s3], [sflag:$0x1] =	stream.linear.gather [hbm4b:s18+s3], $0x100, $0x38;
	[tilespmem:$0x1BC0] =	vst v63  }
0x46: {  	_ = 	snop  }
0x47: {  	[spmem:s2] =	stream.indirect.scatter.add.f32 [tilespmem:s19], [sflag:$0x7], $0x8, s24, s25, $0xb8;
	[tilespmem:$0x1BC0] =	vst v63  }
0x48: {  	_ = 	snop  }
0x49: {  	[spmem:s2] =	stream.indirect.scatter.add.f32 [tilespmem:s19], [sflag:$0x7], $0x8, s0, s25, $0xb8;
	[tilespmem:$0x1BC0] =	vst v63  }
0x4a: {  	_ =	swait.ge [sflag:s1], $0x100  }
0x4b: {  	[sflag:s1] =	ssyncset.done $0x0  }
0x4c: {  	[sflag:s1] =	ssyncadd.s32 $0xFFFFFF00  }
0x4d: {  	_ =	swait.ge [sflag:s5], $0x400  }
0x4e: {  	[sflag:s5] =	ssyncset.done $0x0  }
0x4f: {  	[sflag:s5] =	ssyncadd.s32 $0xFFFFFC00  }
0x50: {  	_ =	swait.ge [sflag:s5], $0x400  }
0x51: {  	[sflag:s5] =	ssyncset.done $0x0  }
0x52: {  	[sflag:s5] =	ssyncadd.s32 $0xFFFFFC00  }
0x53: {  	[tilespmem:s22], [sflag:$0x2] =	stream.linear.gather [hbm4b:s17+s3], $0x100, $0x38;
	[tilespmem:$0x1BC0] =	vst v63  }
0x54: {  	_ = 	snop  }
0x55: {  	[spmem:s2] =	stream.indirect.scatter.add.f32 [tilespmem:s19], [sflag:$0x8], $0x8, s28, s25, $0xb8;
	[tilespmem:$0x1BC0] =	vst v63  }
0x56: {  	_ = 	snop  }
0x57: {  	[spmem:s2] =	stream.indirect.scatter.add.f32 [tilespmem:s19], [sflag:$0x8], $0x8, s6, s25, $0xb8;
	[tilespmem:$0x1BC0] =	vst v63  }
0x58: {  	_ =	swait.ge [sflag:s23], $0x100  }
0x59: {  	[sflag:s23] =	ssyncset.done $0x0  }
0x5a: {  	[sflag:s23] =	ssyncadd.s32 $0xFFFFFF00  }
0x5b: {  	_ =	swait.ge [sflag:s7], $0x400  }
0x5c: {  	[sflag:s7] =	ssyncset.done $0x0  }
0x5d: {  	[sflag:s7] =	ssyncadd.s32 $0xFFFFFC00  }
0x5e: {  	_ =	swait.ge [sflag:s7], $0x400  }
0x5f: {  	[sflag:s7] =	ssyncset.done $0x0  }
0x60: {  	s13 =	rddreg [dreg:$0xf];
	[sflag:s7] =	ssyncadd.s32 $0xFFFFFC00  }
0x61: {  	[tilespmem:s24], [sflag:$0x3] =	stream.linear.gather [hbm4b:s13+s3], $0x100, $0x38;
	[tilespmem:$0x1BC0] =	vst v63  }
0x62: {  	_ = 	snop  }
0x63: {  	[spmem:s2] =	stream.indirect.scatter.add.f32 [tilespmem:s19], [sflag:$0x5], $0x8, s3, s25, $0xb8;
	[tilespmem:$0x1BC0] =	vst v63  }
0x64: {  	_ = 	snop  }
0x65: {  	[spmem:s2] =	stream.indirect.scatter.add.f32 [tilespmem:s19], [sflag:$0x5], $0x8, s25, s25, $0xb8;
	[tilespmem:$0x1BC0] =	vst v63  }
0x66: {  	_ =	swait.ge [sflag:s26], $0x100  }
0x67: {  	[sflag:s26] =	ssyncset.done $0x0  }
0x68: {  	[sflag:s26] =	ssyncadd.s32 $0xFFFFFF00  }
0x69: {  	_ =	swait.ge [sflag:s8], $0x400  }
0x6a: {  	[sflag:s8] =	ssyncset.done $0x0  }
0x6b: {  	[sflag:s8] =	ssyncadd.s32 $0xFFFFFC00  }
0x6c: {  	s12 =	smin.u32 s3, $0x1F;
	_ =	swait.ge [sflag:s8], $0x400  }
0x6d: {  	s12 =	sshll.u32 s12, $0x8;
	s16 =	rddreg [dreg:$0x3]  }
0x6e: {  	s11 =	sadd.s32 s12, s16  }
0x6f: {  	[sflag:s8] =	ssyncset.done $0x0;
	s11 =	sshrl.u32 s11, $0x3  }
0x70: {  	s14 =	sadd.s32 $0x80, s18;
	[sflag:s8] =	ssyncadd.s32 $0xFFFFFC00;
	s11 =	sadd.s32 s4, s11  }
0x71: {  	[tilespmem:s28], [sflag:$0x4] =	stream.linear.gather [hbm4b:s11+s3], $0x100, $0x38;
	[tilespmem:$0x1BC0] =	vst v63  }
0x72: {  	s12 =	sadd.s32 $0x80, s13;
	s13 =	sadd.s32 $0x80, s17;
	s11 =	simm.s32 $0x4  }
0x73: {  	[spmem:s2] =	stream.indirect.scatter.add.f32 [tilespmem:s19], [sflag:$0x6], $0x8, s22, s25, $0xb8;
	[tilespmem:$0x1BC0] =	vst v63  }
.LBB2_2:
0x74: {  	[spmem:s2] =	stream.indirect.scatter.add.f32 [tilespmem:s19], [sflag:$0x6], $0x8, s29, s25, $0xb8;
	[tilespmem:$0x1BC0] =	vst v63  }
0x75: {  	_ =	swait.ge [sflag:s30], $0x100  }
0x76: {  	[sflag:s30] =	ssyncset.done $0x0  }
0x77: {  	[sflag:s30] =	ssyncadd.s32 $0xFFFFFF00  }
0x78: {  	_ =	swait.ge [sflag:s31], $0x400  }
0x79: {  	[sflag:s31] =	ssyncset.done $0x0  }
0x7a: {  	[sflag:s31] =	ssyncadd.s32 $0xFFFFFC00  }
0x7b: {  	_ =	swait.ge [sflag:s31], $0x400  }
0x7c: {  	[sflag:s31] =	ssyncset.done $0x0  }
0x7d: {  	[sflag:s31] =	ssyncadd.s32 $0xFFFFFC00  }
0x7e: {  	[tilespmem:s3], [sflag:$0x1] =	stream.linear.gather [hbm4b:s14+s3], $0x100, $0x38;
	[tilespmem:$0x1BC0] =	vst v63  }
0x7f: {  	_ = 	snop  }
0x80: {  	[spmem:s2] =	stream.indirect.scatter.add.f32 [tilespmem:s19], [sflag:$0x7], $0x8, s24, s25, $0xb8;
	[tilespmem:$0x1BC0] =	vst v63  }
0x81: {  	_ = 	snop  }
0x82: {  	[spmem:s2] =	stream.indirect.scatter.add.f32 [tilespmem:s19], [sflag:$0x7], $0x8, s0, s25, $0xb8;
	[tilespmem:$0x1BC0] =	vst v63  }
0x83: {  	_ =	swait.ge [sflag:s1], $0x100  }
0x84: {  	[sflag:s1] =	ssyncset.done $0x0  }
0x85: {  	[sflag:s1] =	ssyncadd.s32 $0xFFFFFF00  }
0x86: {  	_ =	swait.ge [sflag:s5], $0x400  }
0x87: {  	[sflag:s5] =	ssyncset.done $0x0  }
0x88: {  	[sflag:s5] =	ssyncadd.s32 $0xFFFFFC00  }
0x89: {  	_ =	swait.ge [sflag:s5], $0x400  }
0x8a: {  	[sflag:s5] =	ssyncset.done $0x0  }
0x8b: {  	[sflag:s5] =	ssyncadd.s32 $0xFFFFFC00  }
0x8c: {  	[tilespmem:s22], [sflag:$0x2] =	stream.linear.gather [hbm4b:s13+s3], $0x100, $0x38;
	[tilespmem:$0x1BC0] =	vst v63  }
0x8d: {  	_ = 	snop  }
0x8e: {  	[spmem:s2] =	stream.indirect.scatter.add.f32 [tilespmem:s19], [sflag:$0x8], $0x8, s28, s25, $0xb8;
	[tilespmem:$0x1BC0] =	vst v63  }
0x8f: {  	_ = 	snop  }
0x90: {  	[spmem:s2] =	stream.indirect.scatter.add.f32 [tilespmem:s19], [sflag:$0x8], $0x8, s6, s25, $0xb8;
	[tilespmem:$0x1BC0] =	vst v63  }
0x91: {  	_ =	swait.ge [sflag:s23], $0x100  }
0x92: {  	[sflag:s23] =	ssyncset.done $0x0  }
0x93: {  	[sflag:s23] =	ssyncadd.s32 $0xFFFFFF00  }
0x94: {  	_ =	swait.ge [sflag:s7], $0x400  }
0x95: {  	[sflag:s7] =	ssyncset.done $0x0  }
0x96: {  	[sflag:s7] =	ssyncadd.s32 $0xFFFFFC00  }
0x97: {  	_ =	swait.ge [sflag:s7], $0x400  }
0x98: {  	[sflag:s7] =	ssyncset.done $0x0  }
0x99: {  	[sflag:s7] =	ssyncadd.s32 $0xFFFFFC00  }
0x9a: {  	[tilespmem:s24], [sflag:$0x3] =	stream.linear.gather [hbm4b:s12+s3], $0x100, $0x38;
	[tilespmem:$0x1BC0] =	vst v63  }
0x9b: {  	_ = 	snop  }
0x9c: {  	[spmem:s2] =	stream.indirect.scatter.add.f32 [tilespmem:s19], [sflag:$0x5], $0x8, s3, s25, $0xb8;
	[tilespmem:$0x1BC0] =	vst v63  }
0x9d: {  	_ = 	snop  }
0x9e: {  	[spmem:s2] =	stream.indirect.scatter.add.f32 [tilespmem:s19], [sflag:$0x5], $0x8, s25, s25, $0xb8;
	[tilespmem:$0x1BC0] =	vst v63  }
0x9f: {  	_ =	swait.ge [sflag:s26], $0x100  }
0xa0: {  	[sflag:s26] =	ssyncset.done $0x0  }
0xa1: {  	[sflag:s26] =	ssyncadd.s32 $0xFFFFFF00  }
0xa2: {  	_ =	swait.ge [sflag:s8], $0x400  }
0xa3: {  	[sflag:s8] =	ssyncset.done $0x0  }
0xa4: {  	s15 =	smov.u32 s11;
	[sflag:s8] =	ssyncadd.s32 $0xFFFFFC00  }
0xa5: {  	s15 =	smin.u32 s15, $0x1F;
	_ =	swait.ge [sflag:s8], $0x400  }
0xa6: {  	s15 =	sshll.u32 s15, $0x8;
	s16 =	rddreg [dreg:$0x3]  }
0xa7: {  	p1 =	sne.s32 s11, $0x20;
	s15 =	sadd.s32 s15, s16  }
.Ltmp0:
0xa8: {  	[sflag:s8] =	ssyncset.done $0x0;
	s15 =	sshrl.u32 s15, $0x3;
	(pc) =	sbr.rel @p1 .LBB2_2-.Ltmp0, $4  }
0xa9: {  	s11 =	sadd.s32 $0x4, s11;
	[sflag:s8] =	ssyncadd.s32 $0xFFFFFC00;
	s15 =	sadd.s32 s4, s15  }
0xaa: {  	[tilespmem:s28], [sflag:$0x4] =	stream.linear.gather [hbm4b:s15+s3], $0x100, $0x38;
	[tilespmem:$0x1BC0] =	vst v63  }
0xab: {  	s14 =	sadd.s32 $0x80, s14;
	s13 =	sadd.s32 $0x80, s13;
	s12 =	sadd.s32 $0x80, s12  }
0xac: {  	[spmem:s2] =	stream.indirect.scatter.add.f32 [tilespmem:s19], [sflag:$0x6], $0x8, s22, s25, $0xb8;
	[tilespmem:$0x1BC0] =	vst v63  }
0xad: {  	[spmem:s2] =	stream.indirect.scatter.add.f32 [tilespmem:s19], [sflag:$0x6], $0x8, s29, s25, $0xb8;
	[tilespmem:$0x1BC0] =	vst v63  }
0xae: {  	_ =	swait.ge [sflag:s30], $0x100  }
0xaf: {  	[sflag:s30] =	ssyncset.done $0x0  }
0xb0: {  	[sflag:s30] =	ssyncadd.s32 $0xFFFFFF00  }
0xb1: {  	_ =	swait.ge [sflag:s31], $0x400  }
0xb2: {  	[sflag:s31] =	ssyncset.done $0x0  }
0xb3: {  	[sflag:s31] =	ssyncadd.s32 $0xFFFFFC00  }
0xb4: {  	_ =	swait.ge [sflag:s31], $0x400  }
0xb5: {  	[sflag:s31] =	ssyncset.done $0x0  }
0xb6: {  	s11 =	rddreg [dreg:$0xb];
	[sflag:s31] =	ssyncadd.s32 $0xFFFFFC00  }
0xb7: {  	[tilespmem:s3], [sflag:$0x1] =	stream.linear.gather [hbm4b:s11+s3], $0x100, $0x38;
	[tilespmem:$0x1BC0] =	vst v63  }
0xb8: {  	_ = 	snop  }
0xb9: {  	[spmem:s2] =	stream.indirect.scatter.add.f32 [tilespmem:s19], [sflag:$0x7], $0x8, s24, s25, $0xb8;
	[tilespmem:$0x1BC0] =	vst v63  }
0xba: {  	_ = 	snop  }
0xbb: {  	[spmem:s2] =	stream.indirect.scatter.add.f32 [tilespmem:s19], [sflag:$0x7], $0x8, s0, s25, $0xb8;
	[tilespmem:$0x1BC0] =	vst v63  }
0xbc: {  	_ =	swait.ge [sflag:s5], $0x400  }
0xbd: {  	[sflag:s5] =	ssyncset.done $0x0  }
0xbe: {  	[sflag:s5] =	ssyncadd.s32 $0xFFFFFC00  }
0xbf: {  	_ =	swait.ge [sflag:s5], $0x400  }
0xc0: {  	[sflag:s5] =	ssyncset.done $0x0  }
0xc1: {  	[sflag:s5] =	ssyncadd.s32 $0xFFFFFC00  }
0xc2: {  	_ =	swait.ge [sflag:s7], $0x400  }
0xc3: {  	[sflag:s7] =	ssyncset.done $0x0  }
0xc4: {  	[sflag:s7] =	ssyncadd.s32 $0xFFFFFC00  }
0xc5: {  	_ =	swait.ge [sflag:s7], $0x400  }
0xc6: {  	[sflag:s7] =	ssyncset.done $0x0  }
0xc7: {  	[sflag:s7] =	ssyncadd.s32 $0xFFFFFC00  }
0xc8: {  	_ =	swait.ge [sflag:s1], $0x100  }
0xc9: {  	[sflag:s1] =	ssyncset.done $0x0  }
0xca: {  	[sflag:s1] =	ssyncadd.s32 $0xFFFFFF00  }
0xcb: {  	_ =	swait.ge [sflag:s23], $0x100  }
0xcc: {  	[sflag:s23] =	ssyncset.done $0x0  }
0xcd: {  	s11 =	simm.s32 @!p0 $0x0;
	s12 =	rddreg [dreg:$0xc];
	[sflag:s23] =	ssyncadd.s32 $0xFFFFFF00  }
0xce: {  	[tilespmem:s11], [sflag:$0x9] =	stream.linear.gather @!p0 [hbm4b:s12+s11], $0x80, $0x38;
	[tilespmem:$0x1BC0] =	vst v63  }
0xcf: {  	s12 =	simm.s32 @!p0 $0x9  }
0xd0: {  	_ =	swait.ge @!p0 [sflag:s12], $0x80  }
0xd1: {  	[sflag:s12] =	ssyncset.done @!p0 $0x0  }
0xd2: {  	s13 =	simm.s32 @!p0 $0x80;
	s14 =	simm.s32 @!p0 $0x400;
	[sflag:s12] =	ssyncadd.s32 @!p0 $0xFFFFFF80  }
0xd3: {  	[spmem:s2] =	stream.indirect.scatter.add.f32 @!p0 [tilespmem:s14], [sflag:$0x9], $0x8, s11, s13, $0xb8;
	[tilespmem:$0x1BC0] =	vst v63  }
0xd4: {  	_ =	swait.ge @!p0 [sflag:s12], $0x400  }
0xd5: {  	[sflag:s12] =	ssyncset.done @!p0 $0x0  }
0xd6: {  	[sflag:s12] =	ssyncadd.s32 @!p0 $0xFFFFFC00  }
0xd7: {  	[bflag:$0x0] =	sbarrier.arrive $0xFFFF  }
0xd8: {  	s15 =	rddreg [dreg:$0xd]  }
0xd9: {  	[hbm:s15], [sflag:s21] =	dma.local [spmem:s10], $0x278  }
0xda: {  	_ =	swait.ge [sflag:s20], $0x278  }
0xdb: {  	s9 =	sadd.s32 $0x1, s9;
	s16 =	rddreg [dreg:$0xe]  }
0xdc: {  	p1 =	sne.s32 s9, s16  }
.Ltmp1:
0xdd: {  	_ = 	snop;
	(pc) =	sbr.rel @p1 .LBB2_1-.Ltmp1, $3  }
0xde: {  	_ =	sdelay $0x1  }
0xdf: {  	[sflag:s20] =	ssyncset.done $0x0  }
0xe0: {  	[sflag:s20] =	ssyncadd.s32 $0xFFFFFD88  }
0xe1: {  	_ =	sfence.sel $0x180000  }
0xe2: {  	[bflag:$0x0] =	sbarrier.arrive $0xFFFF  }
0xe3: {  	_ =	strace $0x90000047  }
0xe4: {  	s0 =	stileid.u32;
	[bflag:$0x2] =	sbarrier.arrive $0xFFFF  }
0xe5: {  	p0 =	sne.s32 s0, $0x0;
	s0 =	rddreg [dreg:$0x2]  }
0xe6: {  	s0 =	sadd.s32 @!p0 $0x100000, s0  }
0xe7: {  	[sflag:s0] =	ssyncadd.tile.s32 @!p0 $0x1;
	_ =	shalt  }
.Lfunc_end2:
_tile_overlayer_lowered:
.L_overlay_start_2:
0xe8: {  	(tag) =	ssettag $0x2  }
0xe9: {  	s0 =	rddreg [dreg:$0x0];
	s2 =	stileid.u32  }
0xea: {  	s1 =	rddreg [dreg:$0x1];
	p0 =	sne.s32 s2, $0x0  }
0xeb: {  	s3 =	rddreg [dreg:$0x2];
	[bflag:$0x3] =	sbarrier.arrive $0xFFFF;
	s2 =	simm.s32 @!p0 $0x1C09  }
0xec: {  	[timem:s3], [sflag:s2] =	dma.local @!p0 [hbm:s0], s1  }
0xed: {  	s0 =	simm.s32 @!p0 $0x9  }
0xee: {  	_ =	swait.ge @!p0 [sflag:s0], s1  }
0xef: {  	s1 =	ssub.s32 @!p0 $0x0, s1;
	[sflag:s0] =	ssyncset.done @!p0 $0x0  }
0xf0: {  	[sflag:s0] =	ssyncadd.s32 @!p0 s1  }
0xf1: {  	[bflag:$0x3] =	sbarrier.arrive $0xFFFF  }
0xf2: {  	_ =	shalt  }

</sc_bundles>
